<compile_context>
chip_gen: v7x
topology: tpu7x:2x2x1
jax: 0.10.2.dev20260603
libtpu: 0.0.44.dev20260713+nightly
codegen_flags: <defaults>
</compile_context>

<pallas_src>
import functools

import jax
import jax.numpy as jnp
from jax import lax
from jax.experimental import pallas as pl
from jax.experimental.pallas import tpu as pltpu
from jax.experimental.pallas import tpu_sc as plsc

N = 10000
E = 320000
NW = 32
EPW = E // NW
CHUNK = 625
NCHUNK = EPW // CHUNK
KGRP = 8
NP = 10240
ROWS_PER_TILE = NP // 16
CHUNK_A = 125
NCHUNK_A = EPW // CHUNK_A
KGRP_A = 4


@functools.cache
def _make_sc_agg128():
    mesh = plsc.VectorSubcoreMesh(core_axis_name="c", subcore_axis_name="s")
    return functools.partial(
        pl.kernel,
        out_type=[jax.ShapeDtypeStruct((2, NP, 64), jnp.float32),
                  jax.ShapeDtypeStruct((2, NP, 64), jnp.float32),
                  jax.ShapeDtypeStruct((2, NP, 8), jnp.float32)],
        mesh=mesh,
        scratch_types=[
            pltpu.VMEM((NCHUNK_A, CHUNK_A), jnp.int32),
            pltpu.VMEM((NCHUNK_A, CHUNK_A), jnp.int32),
            pltpu.VMEM((KGRP_A, CHUNK_A, 64), jnp.float32),
            pltpu.VMEM((CHUNK_A, 8), jnp.float32),
            pltpu.VMEM_SHARED((NP, 64), jnp.float32),
            pltpu.VMEM_SHARED((NP, 8), jnp.float32),
        ] + [pltpu.SemaphoreType.DMA] * KGRP_A,
        compiler_params=pltpu.CompilerParams(use_tc_tiling_on_sc=False),
    )(_sc_agg128_body)


def _sc_agg128_body(xa_hbm, xb_hbm, src_hbm, dst_hbm, zeros64_hbm, zeros8_hbm,
                    ones_hbm, accxa_out, accxb_out, accd_out, src_v, dst_v,
                    rows_v, ones_v, accx_sh, accd_sh, *sems):
    cid = lax.axis_index("c")
    sid = lax.axis_index("s")
    wid = cid * 16 + sid
    rpt = ROWS_PER_TILE

    pltpu.sync_copy(zeros64_hbm.at[pl.ds(sid * rpt, rpt)],
                    accx_sh.at[pl.ds(sid * rpt, rpt)])
    pltpu.sync_copy(zeros8_hbm.at[pl.ds(sid * rpt, rpt)],
                    accd_sh.at[pl.ds(sid * rpt, rpt)])
    pltpu.sync_copy(ones_hbm, ones_v)
    pltpu.sync_copy(src_hbm.at[wid], src_v)
    pltpu.sync_copy(dst_hbm.at[wid], dst_v)
    plsc.subcore_barrier()

    def make_body(x_hbm, with_deg):
        def body(g, _):
            base = g * KGRP_A
            descs = [
                pltpu.async_copy(x_hbm.at[src_v.at[base + k]], rows_v.at[k],
                                 sems[k])
                for k in range(KGRP_A)
            ]
            for k in range(KGRP_A):
                descs[k].wait()
                pltpu.sync_copy(rows_v.at[k], accx_sh.at[dst_v.at[base + k]],
                                add=True)
                if with_deg:
                    pltpu.sync_copy(ones_v, accd_sh.at[dst_v.at[base + k]],
                                    add=True)
            return ()
        return body

    lax.fori_loop(0, NCHUNK_A // KGRP_A, make_body(xa_hbm, True), (),
                  unroll=False)
    plsc.subcore_barrier()
    pltpu.sync_copy(accx_sh.at[pl.ds(sid * rpt, rpt)],
                    accxa_out.at[cid, pl.ds(sid * rpt, rpt)])
    pltpu.sync_copy(accd_sh.at[pl.ds(sid * rpt, rpt)],
                    accd_out.at[cid, pl.ds(sid * rpt, rpt)])
    pltpu.sync_copy(zeros64_hbm.at[pl.ds(sid * rpt, rpt)],
                    accx_sh.at[pl.ds(sid * rpt, rpt)])
    plsc.subcore_barrier()

    lax.fori_loop(0, NCHUNK_A // KGRP_A, make_body(xb_hbm, False), (),
                  unroll=False)
    plsc.subcore_barrier()
    pltpu.sync_copy(accx_sh.at[pl.ds(sid * rpt, rpt)],
                    accxb_out.at[cid, pl.ds(sid * rpt, rpt)])

@functools.cache
def _make_sc_segment_sum():
    mesh = plsc.VectorSubcoreMesh(core_axis_name="c", subcore_axis_name="s")
    return functools.partial(
        pl.kernel,
        out_type=jax.ShapeDtypeStruct((2, NP, 16), jnp.float32),
        mesh=mesh,
        scratch_types=[
            pltpu.VMEM((NCHUNK, CHUNK), jnp.int32),
            pltpu.VMEM((NCHUNK, CHUNK), jnp.int32),
            pltpu.VMEM((KGRP, CHUNK, 16), jnp.float32),
            pltpu.VMEM_SHARED((NP, 16), jnp.float32),
        ] + [pltpu.SemaphoreType.DMA] * KGRP,
        compiler_params=pltpu.CompilerParams(use_tc_tiling_on_sc=False),
    )(_sc_segment_sum_body)


def _sc_segment_sum_body(z_hbm, src_hbm, dst_hbm, zeros_hbm, out_hbm,
                         src_v, dst_v, rows_v, acc_sh, *sems):
    cid = lax.axis_index("c")
    sid = lax.axis_index("s")
    wid = cid * 16 + sid

    pltpu.sync_copy(zeros_hbm.at[pl.ds(sid * ROWS_PER_TILE, ROWS_PER_TILE)],
                    acc_sh.at[pl.ds(sid * ROWS_PER_TILE, ROWS_PER_TILE)])

    pltpu.sync_copy(src_hbm.at[wid], src_v)
    pltpu.sync_copy(dst_hbm.at[wid], dst_v)
    plsc.subcore_barrier()

    def body(g, _):
        base = g * KGRP
        descs = [
            pltpu.async_copy(z_hbm.at[src_v.at[base + k]], rows_v.at[k],
                             sems[k])
            for k in range(KGRP)
        ]
        for k in range(KGRP):
            descs[k].wait()
            pltpu.sync_copy(rows_v.at[k], acc_sh.at[dst_v.at[base + k]],
                            add=True)
        return ()

    lax.fori_loop(0, NCHUNK // KGRP, body, (), unroll=False)
    plsc.subcore_barrier()

    pltpu.sync_copy(acc_sh.at[pl.ds(sid * ROWS_PER_TILE, ROWS_PER_TILE)],
                    out_hbm.at[cid, pl.ds(sid * ROWS_PER_TILE, ROWS_PER_TILE)])


BLK = 1000


def _lane_iota(shape):
    return lax.broadcasted_iota(jnp.int32, shape, 1)


def _mean_from_acc(acc):
    s = acc[0] + acc[1]
    lane = _lane_iota(s.shape)
    deg = jnp.sum(jnp.where(lane == 8, s, 0.0), axis=1, keepdims=True)
    degw = jnp.where(deg > 0.0, deg, 1.0)
    return s / degw


def _tc2_body(accxa_ref, accxb_ref, dacc_ref, x_ref, w1_ref, wr1_ref,
              brel1_ref, zpad2_ref):
    aa = accxa_ref[...]
    ab = accxb_ref[...]
    aggx = jnp.concatenate([aa[0] + aa[1], ab[0] + ab[1]], axis=1)
    dacc = dacc_ref[...]
    s = dacc[0] + dacc[1]
    lane8 = lax.broadcasted_iota(jnp.int32, s.shape, 1)
    deg = jnp.sum(jnp.where(lane8 == 0, s, 0.0), axis=1, keepdims=True)
    degw = jnp.where(deg > 0.0, deg, 1.0)
    mean1 = aggx / degw
    pre = ((jnp.dot(mean1, w1_ref[...], preferred_element_type=jnp.float32)
            + brel1_ref[...])
           + jnp.dot(x_ref[...], wr1_ref[...],
                     preferred_element_type=jnp.float32))
    h1 = jax.nn.sigmoid(pre)
    lane = _lane_iota(h1.shape)
    zpad2_ref[...] = jnp.where(lane < 8, h1,
                               jnp.where(lane == 8, 1.0, 0.0))


def _tc3_body(acc_ref, h1_ref, a2_ref, r2_ref, b2_ref, r3w_ref,
              zpad3_ref, r3_ref):
    mean2 = _mean_from_acc(acc_ref[...])
    h1 = h1_ref[...]
    h2 = jax.nn.sigmoid(
        (jnp.dot(mean2, a2_ref[...], preferred_element_type=jnp.float32)
         + b2_ref[...])
        + jnp.dot(h1, r2_ref[...], preferred_element_type=jnp.float32))
    zpad3_ref[...] = h2
    r3_ref[...] = jnp.dot(h2, r3w_ref[...], preferred_element_type=jnp.float32)


def _tc4_body(acc3_ref, dacc_ref, r3_ref, a3_ref, b3_ref, f1_ref, b1_ref,
              f2_ref, bf2_ref, out_ref):
    acc3 = acc3_ref[...]
    agg3 = acc3[0] + acc3[1]
    dacc = dacc_ref[...]
    s2 = dacc[0] + dacc[1]
    lane = _lane_iota(s2.shape)
    deg = jnp.sum(jnp.where(lane == 8, s2, 0.0), axis=1, keepdims=True)
    degw = jnp.where(deg > 0.0, deg, 1.0)
    mean3 = agg3 / degw
    pre = ((jnp.dot(mean3, a3_ref[...], preferred_element_type=jnp.float32)
            + b3_ref[...])
           + r3_ref[...])
    h3 = jax.nn.sigmoid(pre)
    h4 = jax.nn.sigmoid(
        jnp.dot(h3, f1_ref[...], preferred_element_type=jnp.float32)
        + b1_ref[...])
    out_ref[...] = (jnp.dot(h4, f2_ref[...], preferred_element_type=jnp.float32)
                    + bf2_ref[...])


def _full(shape):
    return pl.BlockSpec(shape, lambda i: tuple(0 for _ in shape))


def _rows(width):
    return pl.BlockSpec((BLK, width), lambda i: (i, 0))


def _acc_spec():
    return pl.BlockSpec((2, BLK, 16), lambda i: (0, i, 0))


def kernel(x, edge_index, W_rel1, b_rel1, W_root1, W_rel2, b_rel2, W_root2,
           W_rel3, b_rel3, W_root3, fc1_W, fc1_b, fc2_W, fc2_b):
    f32 = jnp.float32
    grid = (N // BLK,)

    def pad_cols(w, rows=16):
        wt = w.T
        out = jnp.zeros((rows, 16), f32)
        return out.at[:wt.shape[0], :wt.shape[1]].set(wt)

    wz1 = pad_cols(W_rel1, rows=128)
    wr1 = pad_cols(W_root1, rows=128)
    brel1 = jnp.zeros((1, 16), f32).at[0, :8].set(b_rel1)
    a2 = jnp.zeros((16, 16), f32).at[:8, :].set(W_rel2.T)
    r2 = jnp.zeros((16, 16), f32).at[:8, :].set(W_root2.T)
    b2 = b_rel2.reshape(1, 16)
    a3 = pad_cols(W_rel3)
    r3w = pad_cols(W_root3)
    b3 = jnp.zeros((1, 16), f32).at[0, :8].set(b_rel3)
    f1 = jnp.zeros((16, 32), f32).at[:8, :].set(fc1_W.T)
    b1 = fc1_b.reshape(1, 32)
    f2 = fc2_W.T
    bf2 = fc2_b.reshape(1, 1)

    src = edge_index[0].reshape(NW, NCHUNK, CHUNK)
    dst = edge_index[1].reshape(NW, NCHUNK, CHUNK)
    srcA = edge_index[0].reshape(NW, NCHUNK_A, CHUNK_A)
    dstA = edge_index[1].reshape(NW, NCHUNK_A, CHUNK_A)
    zeros16 = jnp.zeros((NP, 16), f32)
    zeros64 = jnp.zeros((NP, 64), f32)
    zeros8 = jnp.zeros((NP, 8), f32)
    ones8 = jnp.ones((CHUNK_A, 8), f32)
    xa = x[:, :64]
    xb = x[:, 64:]

    sc_segment_sum = _make_sc_segment_sum()

    accxa, accxb, accd = _make_sc_agg128()(xa, xb, srcA, dstA, zeros64,
                                           zeros8, ones8)

    zpad2 = pl.pallas_call(
        _tc2_body,
        grid=grid,
        in_specs=[pl.BlockSpec((2, BLK, 64), lambda i: (0, i, 0)),
                  pl.BlockSpec((2, BLK, 64), lambda i: (0, i, 0)),
                  pl.BlockSpec((2, BLK, 8), lambda i: (0, i, 0)),
                  _rows(128), _full((128, 16)), _full((128, 16)),
                  _full((1, 16))],
        out_specs=_rows(16),
        out_shape=jax.ShapeDtypeStruct((N, 16), f32),
    )(accxa, accxb, accd, x, wz1, wr1, brel1)

    acc2 = sc_segment_sum(zpad2, src, dst, zeros16)

    zpad3, r3 = pl.pallas_call(
        _tc3_body,
        grid=grid,
        in_specs=[_acc_spec(), _rows(16), _full((16, 16)), _full((16, 16)),
                  _full((1, 16)), _full((16, 16))],
        out_specs=[_rows(16), _rows(16)],
        out_shape=[jax.ShapeDtypeStruct((N, 16), f32),
                   jax.ShapeDtypeStruct((N, 16), f32)],
    )(acc2, zpad2, a2, r2, b2, r3w)

    acc3 = sc_segment_sum(zpad3, src, dst, zeros16)

    out = pl.pallas_call(
        _tc4_body,
        grid=grid,
        in_specs=[_acc_spec(), _acc_spec(), _rows(16), _full((16, 16)),
                  _full((1, 16)), _full((16, 32)), _full((1, 32)),
                  _full((32, 1)), _full((1, 1))],
        out_specs=_rows(1),
        out_shape=jax.ShapeDtypeStruct((N, 1), f32),
    )(acc3, acc2, r3, a3, b3, f1, b1, f2, bf2)

    return out

# --- scband reference (transcript-rebuilt; emitter-appended) ---
"""Pipeline reference for scband-naive-gcn-24696061952298 (READ-ONLY COPY).

The authoritative reference and input builder live on the scoring server;
editing this copy changes nothing except your own understanding.
"""

import jax, jax.numpy as jnp
import numpy as np

N_NODES = 10000
N_EDGES = 320000
D_FEAT = 128


def graph_conv(x, src, dst, W_rel, b_rel, W_root, n_nodes):
    # PyG GraphConv with aggr='mean': out = lin_rel(mean_j x_j) + lin_root(x)
    msgs = jnp.take(x, src, axis=0)
    agg = jax.ops.segment_sum(msgs, dst, num_segments=n_nodes)
    deg = jax.ops.segment_sum(jnp.ones((src.shape[0],), x.dtype), dst, num_segments=n_nodes)
    agg = agg / jnp.where(deg > 0, deg, 1.0)[:, None]
    return agg @ W_rel.T + b_rel + x @ W_root.T


def setup_inputs(seed: int = 0) -> dict:
    key = jax.random.key(seed)
    ks = jax.random.split(key, 20)

    def lin_w(k, out_d, in_d):
        bound = 1.0 / np.sqrt(in_d)
        return jax.random.uniform(k, (out_d, in_d), jnp.float32, -bound, bound)

    def lin_b(k, out_d, in_d):
        bound = 1.0 / np.sqrt(in_d)
        return jax.random.uniform(k, (out_d,), jnp.float32, -bound, bound)

    x = jax.random.normal(ks[0], (N_NODES, D_FEAT), dtype=jnp.float32)
    edge_index = jax.random.randint(ks[1], (2, N_EDGES), 0, N_NODES, dtype=jnp.int32)

    return {
        'x': x,
        'edge_index': edge_index,
        'W_rel1': lin_w(ks[2], 8, 128), 'b_rel1': lin_b(ks[3], 8, 128), 'W_root1': lin_w(ks[4], 8, 128),
        'W_rel2': lin_w(ks[5], 16, 8), 'b_rel2': lin_b(ks[6], 16, 8), 'W_root2': lin_w(ks[7], 16, 8),
        'W_rel3': lin_w(ks[8], 8, 16), 'b_rel3': lin_b(ks[9], 8, 16), 'W_root3': lin_w(ks[10], 8, 16),
        'fc1_W': lin_w(ks[11], 32, 8), 'fc1_b': lin_b(ks[12], 32, 8),
        'fc2_W': lin_w(ks[13], 1, 32), 'fc2_b': lin_b(ks[14], 1, 32),
    }


def reference(x, edge_index, W_rel1, b_rel1, W_root1, W_rel2, b_rel2, W_root2, W_rel3, b_rel3, W_root3, fc1_W, fc1_b, fc2_W, fc2_b):
    src = edge_index[0]
    dst = edge_index[1]
    n = x.shape[0]
    h = jax.nn.sigmoid(graph_conv(x, src, dst, W_rel1, b_rel1, W_root1, n))
    h = jax.nn.sigmoid(graph_conv(h, src, dst, W_rel2, b_rel2, W_root2, n))
    h = jax.nn.sigmoid(graph_conv(h, src, dst, W_rel3, b_rel3, W_root3, n))
    h = jax.nn.sigmoid(h @ fc1_W.T + fc1_b)
    out = h @ fc2_W.T + fc2_b
    return out

if __name__ == "__main__":
    import jax
    _d = setup_inputs()
    print(jax.jit(kernel)(*tuple(_d.values())))

</pallas_src>

<mosaic_0001>
#map = affine_map<(d0, d1) -> (0, 0)>
#map1 = affine_map<(d0, d1) -> (0, 0, 0)>
module attributes {stable_mosaic.version = 14 : i64} {
  func.func @_sc_agg128_body(%arg0: i32, %arg1: i32, %arg2: memref<10000x64xf32, #tpu.memory_space<hbm>>, %arg3: memref<10000x64xf32, #tpu.memory_space<hbm>>, %arg4: memref<32x80x125xi32, #tpu.memory_space<hbm>>, %arg5: memref<32x80x125xi32, #tpu.memory_space<hbm>>, %arg6: memref<10240x64xf32, #tpu.memory_space<hbm>>, %arg7: memref<10240x8xf32, #tpu.memory_space<hbm>>, %arg8: memref<125x8xf32, #tpu.memory_space<hbm>>, %arg9: memref<2x10240x64xf32, #tpu.memory_space<hbm>>, %arg10: memref<2x10240x64xf32, #tpu.memory_space<hbm>>, %arg11: memref<2x10240x8xf32, #tpu.memory_space<hbm>>, %arg12: memref<80x125xi32, #tpu.memory_space<vmem>>, %arg13: memref<80x125xi32, #tpu.memory_space<vmem>>, %arg14: memref<4x125x64xf32, #tpu.memory_space<vmem>>, %arg15: memref<125x8xf32, #tpu.memory_space<vmem>>, %arg16: memref<10240x64xf32, #tpu.memory_space<vmem_shared>>, %arg17: memref<10240x8xf32, #tpu.memory_space<vmem_shared>>, %arg18: memref<!tpu.dma_semaphore, #tpu.memory_space<semaphore_mem>>, %arg19: memref<!tpu.dma_semaphore, #tpu.memory_space<semaphore_mem>>, %arg20: memref<!tpu.dma_semaphore, #tpu.memory_space<semaphore_mem>>, %arg21: memref<!tpu.dma_semaphore, #tpu.memory_space<semaphore_mem>>) attributes {dimension_semantics = [#tpu.dimension_semantics<core_parallel>, #tpu.dimension_semantics<subcore_parallel>], iteration_bounds = array<i64: 2, 16>, scalar_prefetch = 0 : i64, scratch_operands = 10 : i64, tpu.core_type = #tpu.core_type<sc_vector_subcore>, window_params = [{transform_indices = #map}, {transform_indices = #map}, {transform_indices = #map1}, {transform_indices = #map1}, {transform_indices = #map}, {transform_indices = #map}, {transform_indices = #map}, {transform_indices = #map1}, {transform_indices = #map1}, {transform_indices = #map1}]} {
    %mul3A = arith.constant 16 : i32
    %mul3A_0 = arith.muli %arg0, %mul3A : i32
    %add3A = arith.addi %mul3A_0, %arg1 : i32
    %mul3A_1 = arith.constant 640 : i32
    %mul3A_2 = arith.muli %arg1, %mul3A_1 : i32
    %mul3A_3 = arith.constant 640 : i32
    %mul3A_4 = arith.muli %arg1, %mul3A_3 : i32
    "tpu.region"() ({
      %run_scoped3A = tpu.sem_alloc : memref<!tpu.dma_semaphore, #tpu.memory_space<semaphore_mem>>
      %dma_start3A = arith.constant 0 : i32
      %dma_start3A_37 = tpu.memref_slice %arg16[%mul3A_4, %dma_start3A] : memref<10240x64xf32, #tpu.memory_space<vmem_shared>> -> memref<640x64xf32, #tpu.memory_space<vmem_shared>>
      %dma_start3A_38 = arith.constant 0 : i32
      %dma_start3A_39 = tpu.memref_slice %arg6[%mul3A_2, %dma_start3A_38] : memref<10240x64xf32, #tpu.memory_space<hbm>> -> memref<640x64xf32, #tpu.memory_space<hbm>>
      tpu.enqueue_dma source(%dma_start3A_39 : memref<640x64xf32, #tpu.memory_space<hbm>>) target(%dma_start3A_37 : memref<640x64xf32, #tpu.memory_space<vmem_shared>>) target_semaphore(%run_scoped3A : memref<!tpu.dma_semaphore, #tpu.memory_space<semaphore_mem>>)
      %dma_wait3A = arith.constant 0 : i32
      %dma_wait3A_40 = tpu.memref_slice %arg16[%mul3A_4, %dma_wait3A] : memref<10240x64xf32, #tpu.memory_space<vmem_shared>> -> memref<640x64xf32, #tpu.memory_space<vmem_shared>>
      %dma_wait3A_41 = arith.constant 0 : i32
      %dma_wait3A_42 = tpu.memref_slice %arg6[%mul3A_2, %dma_wait3A_41] : memref<10240x64xf32, #tpu.memory_space<hbm>> -> memref<640x64xf32, #tpu.memory_space<hbm>>
      tpu.wait_dma2 semaphore(%run_scoped3A : memref<!tpu.dma_semaphore, #tpu.memory_space<semaphore_mem>>) src(%dma_wait3A_42 : memref<640x64xf32, #tpu.memory_space<hbm>>) dst(%dma_wait3A_40 : memref<640x64xf32, #tpu.memory_space<vmem_shared>>)
      tpu.yield
    }) : () -> ()
    %mul3A_5 = arith.constant 640 : i32
    %mul3A_6 = arith.muli %arg1, %mul3A_5 : i32
    %mul3A_7 = arith.constant 640 : i32
    %mul3A_8 = arith.muli %arg1, %mul3A_7 : i32
    "tpu.region"() ({
      %run_scoped3A = tpu.sem_alloc : memref<!tpu.dma_semaphore, #tpu.memory_space<semaphore_mem>>
      %dma_start3A = arith.constant 0 : i32
      %dma_start3A_37 = tpu.memref_slice %arg17[%mul3A_8, %dma_start3A] : memref<10240x8xf32, #tpu.memory_space<vmem_shared>> -> memref<640x8xf32, #tpu.memory_space<vmem_shared>>
      %dma_start3A_38 = arith.constant 0 : i32
      %dma_start3A_39 = tpu.memref_slice %arg7[%mul3A_6, %dma_start3A_38] : memref<10240x8xf32, #tpu.memory_space<hbm>> -> memref<640x8xf32, #tpu.memory_space<hbm>>
      tpu.enqueue_dma source(%dma_start3A_39 : memref<640x8xf32, #tpu.memory_space<hbm>>) target(%dma_start3A_37 : memref<640x8xf32, #tpu.memory_space<vmem_shared>>) target_semaphore(%run_scoped3A : memref<!tpu.dma_semaphore, #tpu.memory_space<semaphore_mem>>)
      %dma_wait3A = arith.constant 0 : i32
      %dma_wait3A_40 = tpu.memref_slice %arg17[%mul3A_8, %dma_wait3A] : memref<10240x8xf32, #tpu.memory_space<vmem_shared>> -> memref<640x8xf32, #tpu.memory_space<vmem_shared>>
      %dma_wait3A_41 = arith.constant 0 : i32
      %dma_wait3A_42 = tpu.memref_slice %arg7[%mul3A_6, %dma_wait3A_41] : memref<10240x8xf32, #tpu.memory_space<hbm>> -> memref<640x8xf32, #tpu.memory_space<hbm>>
      tpu.wait_dma2 semaphore(%run_scoped3A : memref<!tpu.dma_semaphore, #tpu.memory_space<semaphore_mem>>) src(%dma_wait3A_42 : memref<640x8xf32, #tpu.memory_space<hbm>>) dst(%dma_wait3A_40 : memref<640x8xf32, #tpu.memory_space<vmem_shared>>)
      tpu.yield
    }) : () -> ()
    "tpu.region"() ({
      %run_scoped3A = tpu.sem_alloc : memref<!tpu.dma_semaphore, #tpu.memory_space<semaphore_mem>>
      tpu.enqueue_dma source(%arg8 : memref<125x8xf32, #tpu.memory_space<hbm>>) target(%arg15 : memref<125x8xf32, #tpu.memory_space<vmem>>) target_semaphore(%run_scoped3A : memref<!tpu.dma_semaphore, #tpu.memory_space<semaphore_mem>>)
      tpu.wait_dma2 semaphore(%run_scoped3A : memref<!tpu.dma_semaphore, #tpu.memory_space<semaphore_mem>>) src(%arg8 : memref<125x8xf32, #tpu.memory_space<hbm>>) dst(%arg15 : memref<125x8xf32, #tpu.memory_space<vmem>>)
      tpu.yield
    }) : () -> ()
    "tpu.region"() ({
      %run_scoped3A = tpu.sem_alloc : memref<!tpu.dma_semaphore, #tpu.memory_space<semaphore_mem>>
      %dma_start3A = arith.constant 0 : i32
      %dma_start3A_37 = arith.constant 0 : i32
      %dma_start3A_38 = tpu.memref_slice %arg4[%add3A, %dma_start3A, %dma_start3A_37] : memref<32x80x125xi32, #tpu.memory_space<hbm>> -> memref<1x80x125xi32, #tpu.memory_space<hbm>>
      %dma_start3A_39 = tpu.memref_squeeze %dma_start3A_38 : memref<1x80x125xi32, #tpu.memory_space<hbm>> -> memref<80x125xi32, #tpu.memory_space<hbm>>
      %dma_start3A_40 = arith.constant 0 : i32
      %dma_start3A_41 = arith.constant 0 : i32
      %dma_start3A_42 = tpu.memref_slice %arg4[%add3A, %dma_start3A_40, %dma_start3A_41] : memref<32x80x125xi32, #tpu.memory_space<hbm>> -> memref<1x80x125xi32, #tpu.memory_space<hbm>>
      %dma_start3A_43 = tpu.memref_squeeze %dma_start3A_42 : memref<1x80x125xi32, #tpu.memory_space<hbm>> -> memref<80x125xi32, #tpu.memory_space<hbm>>
      tpu.enqueue_dma source(%dma_start3A_43 : memref<80x125xi32, #tpu.memory_space<hbm>>) target(%arg12 : memref<80x125xi32, #tpu.memory_space<vmem>>) target_semaphore(%run_scoped3A : memref<!tpu.dma_semaphore, #tpu.memory_space<semaphore_mem>>)
      %dma_wait3A = arith.constant 0 : i32
      %dma_wait3A_44 = arith.constant 0 : i32
      %dma_wait3A_45 = tpu.memref_slice %arg4[%add3A, %dma_wait3A, %dma_wait3A_44] : memref<32x80x125xi32, #tpu.memory_space<hbm>> -> memref<1x80x125xi32, #tpu.memory_space<hbm>>
      %dma_wait3A_46 = tpu.memref_squeeze %dma_wait3A_45 : memref<1x80x125xi32, #tpu.memory_space<hbm>> -> memref<80x125xi32, #tpu.memory_space<hbm>>
      %dma_wait3A_47 = arith.constant 0 : i32
      %dma_wait3A_48 = arith.constant 0 : i32
      %dma_wait3A_49 = tpu.memref_slice %arg4[%add3A, %dma_wait3A_47, %dma_wait3A_48] : memref<32x80x125xi32, #tpu.memory_space<hbm>> -> memref<1x80x125xi32, #tpu.memory_space<hbm>>
      %dma_wait3A_50 = tpu.memref_squeeze %dma_wait3A_49 : memref<1x80x125xi32, #tpu.memory_space<hbm>> -> memref<80x125xi32, #tpu.memory_space<hbm>>
      tpu.wait_dma2 semaphore(%run_scoped3A : memref<!tpu.dma_semaphore, #tpu.memory_space<semaphore_mem>>) src(%dma_wait3A_50 : memref<80x125xi32, #tpu.memory_space<hbm>>) dst(%arg12 : memref<80x125xi32, #tpu.memory_space<vmem>>)
      tpu.yield
    }) : () -> ()
    "tpu.region"() ({
      %run_scoped3A = tpu.sem_alloc : memref<!tpu.dma_semaphore, #tpu.memory_space<semaphore_mem>>
      %dma_start3A = arith.constant 0 : i32
      %dma_start3A_37 = arith.constant 0 : i32
      %dma_start3A_38 = tpu.memref_slice %arg5[%add3A, %dma_start3A, %dma_start3A_37] : memref<32x80x125xi32, #tpu.memory_space<hbm>> -> memref<1x80x125xi32, #tpu.memory_space<hbm>>
      %dma_start3A_39 = tpu.memref_squeeze %dma_start3A_38 : memref<1x80x125xi32, #tpu.memory_space<hbm>> -> memref<80x125xi32, #tpu.memory_space<hbm>>
      %dma_start3A_40 = arith.constant 0 : i32
      %dma_start3A_41 = arith.constant 0 : i32
      %dma_start3A_42 = tpu.memref_slice %arg5[%add3A, %dma_start3A_40, %dma_start3A_41] : memref<32x80x125xi32, #tpu.memory_space<hbm>> -> memref<1x80x125xi32, #tpu.memory_space<hbm>>
      %dma_start3A_43 = tpu.memref_squeeze %dma_start3A_42 : memref<1x80x125xi32, #tpu.memory_space<hbm>> -> memref<80x125xi32, #tpu.memory_space<hbm>>
      tpu.enqueue_dma source(%dma_start3A_43 : memref<80x125xi32, #tpu.memory_space<hbm>>) target(%arg13 : memref<80x125xi32, #tpu.memory_space<vmem>>) target_semaphore(%run_scoped3A : memref<!tpu.dma_semaphore, #tpu.memory_space<semaphore_mem>>)
      %dma_wait3A = arith.constant 0 : i32
      %dma_wait3A_44 = arith.constant 0 : i32
      %dma_wait3A_45 = tpu.memref_slice %arg5[%add3A, %dma_wait3A, %dma_wait3A_44] : memref<32x80x125xi32, #tpu.memory_space<hbm>> -> memref<1x80x125xi32, #tpu.memory_space<hbm>>
      %dma_wait3A_46 = tpu.memref_squeeze %dma_wait3A_45 : memref<1x80x125xi32, #tpu.memory_space<hbm>> -> memref<80x125xi32, #tpu.memory_space<hbm>>
      %dma_wait3A_47 = arith.constant 0 : i32
      %dma_wait3A_48 = arith.constant 0 : i32
      %dma_wait3A_49 = tpu.memref_slice %arg5[%add3A, %dma_wait3A_47, %dma_wait3A_48] : memref<32x80x125xi32, #tpu.memory_space<hbm>> -> memref<1x80x125xi32, #tpu.memory_space<hbm>>
      %dma_wait3A_50 = tpu.memref_squeeze %dma_wait3A_49 : memref<1x80x125xi32, #tpu.memory_space<hbm>> -> memref<80x125xi32, #tpu.memory_space<hbm>>
      tpu.wait_dma2 semaphore(%run_scoped3A : memref<!tpu.dma_semaphore, #tpu.memory_space<semaphore_mem>>) src(%dma_wait3A_50 : memref<80x125xi32, #tpu.memory_space<hbm>>) dst(%arg13 : memref<80x125xi32, #tpu.memory_space<vmem>>)
      tpu.yield
    }) : () -> ()
    %barrier3A = arith.constant 0 : index
    tpu.barrier barrier_id(%barrier3A)
    %scan3A = arith.constant 0 : i32
    %scan3A_9 = arith.constant 20 : i32
    %scan3A_10 = arith.addi %scan3A, %scan3A_9 : i32
    %scan3A_11 = arith.constant 1 : i32
    scf.for %scan3A_37 = %scan3A to %scan3A_10 step %scan3A_11  : i32 {
      %mul3A_38 = arith.constant 4 : i32
      %mul3A_39 = arith.muli %scan3A_37, %mul3A_38 : i32
      %add3A_40 = arith.constant 0 : i32
      %add3A_41 = arith.addi %mul3A_39, %add3A_40 : i32
      %dma_start3A = arith.constant 0 : i32
      %dma_start3A_42 = arith.constant 0 : i32
      %dma_start3A_43 = arith.constant 0 : i32
      %dma_start3A_44 = tpu.memref_slice %arg14[%dma_start3A, %dma_start3A_42, %dma_start3A_43] : memref<4x125x64xf32, #tpu.memory_space<vmem>> -> memref<1x125x64xf32, #tpu.memory_space<vmem>>
      %dma_start3A_45 = tpu.memref_squeeze %dma_start3A_44 : memref<1x125x64xf32, #tpu.memory_space<vmem>> -> memref<125x64xf32, #tpu.memory_space<vmem>>
      %dma_start3A_46 = arith.constant 0 : i32
      %dma_start3A_47 = tpu.memref_slice %arg12[%add3A_41, %dma_start3A_46] : memref<80x125xi32, #tpu.memory_space<vmem>> -> memref<1x125xi32, #tpu.memory_space<vmem>>
      %dma_start3A_48 = tpu.memref_squeeze %dma_start3A_47 : memref<1x125xi32, #tpu.memory_space<vmem>> -> memref<125xi32, #tpu.memory_space<vmem>>
      %dma_start3A_49 = arith.constant 0 : i32
      %dma_start3A_50 = arith.constant 0 : i32
      %dma_start3A_51 = tpu.memref_slice %arg2[%dma_start3A_49, %dma_start3A_50] : memref<10000x64xf32, #tpu.memory_space<hbm>> -> memref<10000x64xf32, #tpu.memory_space<hbm>>
      tpu.enqueue_indirect_dma source(%dma_start3A_51 : memref<10000x64xf32, #tpu.memory_space<hbm>>) target(%dma_start3A_45 : memref<125x64xf32, #tpu.memory_space<vmem>>) offsets(%dma_start3A_48 : memref<125xi32, #tpu.memory_space<vmem>>) semaphore(%arg18 : memref<!tpu.dma_semaphore, #tpu.memory_space<semaphore_mem>>)
      %add3A_52 = arith.constant 1 : i32
      %add3A_53 = arith.addi %mul3A_39, %add3A_52 : i32
      %dma_start3A_54 = arith.constant 1 : i32
      %dma_start3A_55 = arith.constant 0 : i32
      %dma_start3A_56 = arith.constant 0 : i32
      %dma_start3A_57 = tpu.memref_slice %arg14[%dma_start3A_54, %dma_start3A_55, %dma_start3A_56] : memref<4x125x64xf32, #tpu.memory_space<vmem>> -> memref<1x125x64xf32, #tpu.memory_space<vmem>>
      %dma_start3A_58 = tpu.memref_squeeze %dma_start3A_57 : memref<1x125x64xf32, #tpu.memory_space<vmem>> -> memref<125x64xf32, #tpu.memory_space<vmem>>
      %dma_start3A_59 = arith.constant 0 : i32
      %dma_start3A_60 = tpu.memref_slice %arg12[%add3A_53, %dma_start3A_59] : memref<80x125xi32, #tpu.memory_space<vmem>> -> memref<1x125xi32, #tpu.memory_space<vmem>>
      %dma_start3A_61 = tpu.memref_squeeze %dma_start3A_60 : memref<1x125xi32, #tpu.memory_space<vmem>> -> memref<125xi32, #tpu.memory_space<vmem>>
      %dma_start3A_62 = arith.constant 0 : i32
      %dma_start3A_63 = arith.constant 0 : i32
      %dma_start3A_64 = tpu.memref_slice %arg2[%dma_start3A_62, %dma_start3A_63] : memref<10000x64xf32, #tpu.memory_space<hbm>> -> memref<10000x64xf32, #tpu.memory_space<hbm>>
      tpu.enqueue_indirect_dma source(%dma_start3A_64 : memref<10000x64xf32, #tpu.memory_space<hbm>>) target(%dma_start3A_58 : memref<125x64xf32, #tpu.memory_space<vmem>>) offsets(%dma_start3A_61 : memref<125xi32, #tpu.memory_space<vmem>>) semaphore(%arg19 : memref<!tpu.dma_semaphore, #tpu.memory_space<semaphore_mem>>)
      %add3A_65 = arith.constant 2 : i32
      %add3A_66 = arith.addi %mul3A_39, %add3A_65 : i32
      %dma_start3A_67 = arith.constant 2 : i32
      %dma_start3A_68 = arith.constant 0 : i32
      %dma_start3A_69 = arith.constant 0 : i32
      %dma_start3A_70 = tpu.memref_slice %arg14[%dma_start3A_67, %dma_start3A_68, %dma_start3A_69] : memref<4x125x64xf32, #tpu.memory_space<vmem>> -> memref<1x125x64xf32, #tpu.memory_space<vmem>>
      %dma_start3A_71 = tpu.memref_squeeze %dma_start3A_70 : memref<1x125x64xf32, #tpu.memory_space<vmem>> -> memref<125x64xf32, #tpu.memory_space<vmem>>
      %dma_start3A_72 = arith.constant 0 : i32
      %dma_start3A_73 = tpu.memref_slice %arg12[%add3A_66, %dma_start3A_72] : memref<80x125xi32, #tpu.memory_space<vmem>> -> memref<1x125xi32, #tpu.memory_space<vmem>>
      %dma_start3A_74 = tpu.memref_squeeze %dma_start3A_73 : memref<1x125xi32, #tpu.memory_space<vmem>> -> memref<125xi32, #tpu.memory_space<vmem>>
      %dma_start3A_75 = arith.constant 0 : i32
      %dma_start3A_76 = arith.constant 0 : i32
      %dma_start3A_77 = tpu.memref_slice %arg2[%dma_start3A_75, %dma_start3A_76] : memref<10000x64xf32, #tpu.memory_space<hbm>> -> memref<10000x64xf32, #tpu.memory_space<hbm>>
      tpu.enqueue_indirect_dma source(%dma_start3A_77 : memref<10000x64xf32, #tpu.memory_space<hbm>>) target(%dma_start3A_71 : memref<125x64xf32, #tpu.memory_space<vmem>>) offsets(%dma_start3A_74 : memref<125xi32, #tpu.memory_space<vmem>>) semaphore(%arg20 : memref<!tpu.dma_semaphore, #tpu.memory_space<semaphore_mem>>)
      %add3A_78 = arith.constant 3 : i32
      %add3A_79 = arith.addi %mul3A_39, %add3A_78 : i32
      %dma_start3A_80 = arith.constant 3 : i32
      %dma_start3A_81 = arith.constant 0 : i32
      %dma_start3A_82 = arith.constant 0 : i32
      %dma_start3A_83 = tpu.memref_slice %arg14[%dma_start3A_80, %dma_start3A_81, %dma_start3A_82] : memref<4x125x64xf32, #tpu.memory_space<vmem>> -> memref<1x125x64xf32, #tpu.memory_space<vmem>>
      %dma_start3A_84 = tpu.memref_squeeze %dma_start3A_83 : memref<1x125x64xf32, #tpu.memory_space<vmem>> -> memref<125x64xf32, #tpu.memory_space<vmem>>
      %dma_start3A_85 = arith.constant 0 : i32
      %dma_start3A_86 = tpu.memref_slice %arg12[%add3A_79, %dma_start3A_85] : memref<80x125xi32, #tpu.memory_space<vmem>> -> memref<1x125xi32, #tpu.memory_space<vmem>>
      %dma_start3A_87 = tpu.memref_squeeze %dma_start3A_86 : memref<1x125xi32, #tpu.memory_space<vmem>> -> memref<125xi32, #tpu.memory_space<vmem>>
      %dma_start3A_88 = arith.constant 0 : i32
      %dma_start3A_89 = arith.constant 0 : i32
      %dma_start3A_90 = tpu.memref_slice %arg2[%dma_start3A_88, %dma_start3A_89] : memref<10000x64xf32, #tpu.memory_space<hbm>> -> memref<10000x64xf32, #tpu.memory_space<hbm>>
      tpu.enqueue_indirect_dma source(%dma_start3A_90 : memref<10000x64xf32, #tpu.memory_space<hbm>>) target(%dma_start3A_84 : memref<125x64xf32, #tpu.memory_space<vmem>>) offsets(%dma_start3A_87 : memref<125xi32, #tpu.memory_space<vmem>>) semaphore(%arg21 : memref<!tpu.dma_semaphore, #tpu.memory_space<semaphore_mem>>)
      %dma_wait3A = arith.constant 0 : i32
      %dma_wait3A_91 = arith.constant 0 : i32
      %dma_wait3A_92 = arith.constant 0 : i32
      %dma_wait3A_93 = tpu.memref_slice %arg14[%dma_wait3A, %dma_wait3A_91, %dma_wait3A_92] : memref<4x125x64xf32, #tpu.memory_space<vmem>> -> memref<1x125x64xf32, #tpu.memory_space<vmem>>
      %dma_wait3A_94 = tpu.memref_squeeze %dma_wait3A_93 : memref<1x125x64xf32, #tpu.memory_space<vmem>> -> memref<125x64xf32, #tpu.memory_space<vmem>>
      %dma_wait3A_95 = arith.constant 0 : i32
      %dma_wait3A_96 = tpu.memref_slice %arg12[%add3A_41, %dma_wait3A_95] : memref<80x125xi32, #tpu.memory_space<vmem>> -> memref<1x125xi32, #tpu.memory_space<vmem>>
      %dma_wait3A_97 = tpu.memref_squeeze %dma_wait3A_96 : memref<1x125xi32, #tpu.memory_space<vmem>> -> memref<125xi32, #tpu.memory_space<vmem>>
      %dma_wait3A_98 = arith.constant 0 : i32
      %dma_wait3A_99 = arith.constant 0 : i32
      %dma_wait3A_100 = tpu.memref_slice %arg2[%dma_wait3A_98, %dma_wait3A_99] : memref<10000x64xf32, #tpu.memory_space<hbm>> -> memref<10000x64xf32, #tpu.memory_space<hbm>>
      tpu.wait_indirect_dma semaphore(%arg18 : memref<!tpu.dma_semaphore, #tpu.memory_space<semaphore_mem>>) src(%dma_wait3A_100 : memref<10000x64xf32, #tpu.memory_space<hbm>>) dst(%dma_wait3A_94 : memref<125x64xf32, #tpu.memory_space<vmem>>)
      %add3A_101 = arith.constant 0 : i32
      %add3A_102 = arith.addi %mul3A_39, %add3A_101 : i32
      %run_scoped3A = arith.constant 0 : i32
      "tpu.region"() ({
        %run_scoped3A_153 = tpu.sem_alloc : memref<!tpu.dma_semaphore, #tpu.memory_space<semaphore_mem>>
        %dma_start3A_154 = arith.constant 0 : i32
        %dma_start3A_155 = arith.constant 0 : i32
        %dma_start3A_156 = tpu.memref_slice %arg14[%run_scoped3A, %dma_start3A_154, %dma_start3A_155] : memref<4x125x64xf32, #tpu.memory_space<vmem>> -> memref<1x125x64xf32, #tpu.memory_space<vmem>>
        %dma_start3A_157 = tpu.memref_squeeze %dma_start3A_156 : memref<1x125x64xf32, #tpu.memory_space<vmem>> -> memref<125x64xf32, #tpu.memory_space<vmem>>
        %dma_start3A_158 = arith.constant 0 : i32
        %dma_start3A_159 = tpu.memref_slice %arg13[%add3A_102, %dma_start3A_158] : memref<80x125xi32, #tpu.memory_space<vmem>> -> memref<1x125xi32, #tpu.memory_space<vmem>>
        %dma_start3A_160 = tpu.memref_squeeze %dma_start3A_159 : memref<1x125xi32, #tpu.memory_space<vmem>> -> memref<125xi32, #tpu.memory_space<vmem>>
        %dma_start3A_161 = arith.constant 0 : i32
        %dma_start3A_162 = arith.constant 0 : i32
        %dma_start3A_163 = tpu.memref_slice %arg16[%dma_start3A_161, %dma_start3A_162] : memref<10240x64xf32, #tpu.memory_space<vmem_shared>> -> memref<10240x64xf32, #tpu.memory_space<vmem_shared>>
        tpu.enqueue_indirect_dma source(%dma_start3A_157 : memref<125x64xf32, #tpu.memory_space<vmem>>) target(%dma_start3A_163 : memref<10240x64xf32, #tpu.memory_space<vmem_shared>>) offsets(%dma_start3A_160 : memref<125xi32, #tpu.memory_space<vmem>>) semaphore(%run_scoped3A_153 : memref<!tpu.dma_semaphore, #tpu.memory_space<semaphore_mem>>) {add = true}
        %dma_wait3A_164 = arith.constant 0 : i32
        %dma_wait3A_165 = arith.constant 0 : i32
        %dma_wait3A_166 = tpu.memref_slice %arg14[%run_scoped3A, %dma_wait3A_164, %dma_wait3A_165] : memref<4x125x64xf32, #tpu.memory_space<vmem>> -> memref<1x125x64xf32, #tpu.memory_space<vmem>>
        %dma_wait3A_167 = tpu.memref_squeeze %dma_wait3A_166 : memref<1x125x64xf32, #tpu.memory_space<vmem>> -> memref<125x64xf32, #tpu.memory_space<vmem>>
        %dma_wait3A_168 = arith.constant 0 : i32
        %dma_wait3A_169 = tpu.memref_slice %arg13[%add3A_102, %dma_wait3A_168] : memref<80x125xi32, #tpu.memory_space<vmem>> -> memref<1x125xi32, #tpu.memory_space<vmem>>
        %dma_wait3A_170 = tpu.memref_squeeze %dma_wait3A_169 : memref<1x125xi32, #tpu.memory_space<vmem>> -> memref<125xi32, #tpu.memory_space<vmem>>
        %dma_wait3A_171 = arith.constant 0 : i32
        %dma_wait3A_172 = arith.constant 0 : i32
        %dma_wait3A_173 = tpu.memref_slice %arg16[%dma_wait3A_171, %dma_wait3A_172] : memref<10240x64xf32, #tpu.memory_space<vmem_shared>> -> memref<10240x64xf32, #tpu.memory_space<vmem_shared>>
        tpu.wait_indirect_dma semaphore(%run_scoped3A_153 : memref<!tpu.dma_semaphore, #tpu.memory_space<semaphore_mem>>) src(%dma_wait3A_167 : memref<125x64xf32, #tpu.memory_space<vmem>>) dst(%dma_wait3A_173 : memref<10240x64xf32, #tpu.memory_space<vmem_shared>>)
        tpu.yield
      }) : () -> ()
      %add3A_103 = arith.constant 0 : i32
      %add3A_104 = arith.addi %mul3A_39, %add3A_103 : i32
      "tpu.region"() ({
        %run_scoped3A_153 = tpu.sem_alloc : memref<!tpu.dma_semaphore, #tpu.memory_space<semaphore_mem>>
        %dma_start3A_154 = arith.constant 0 : i32
        %dma_start3A_155 = tpu.memref_slice %arg13[%add3A_104, %dma_start3A_154] : memref<80x125xi32, #tpu.memory_space<vmem>> -> memref<1x125xi32, #tpu.memory_space<vmem>>
        %dma_start3A_156 = tpu.memref_squeeze %dma_start3A_155 : memref<1x125xi32, #tpu.memory_space<vmem>> -> memref<125xi32, #tpu.memory_space<vmem>>
        %dma_start3A_157 = arith.constant 0 : i32
        %dma_start3A_158 = arith.constant 0 : i32
        %dma_start3A_159 = tpu.memref_slice %arg17[%dma_start3A_157, %dma_start3A_158] : memref<10240x8xf32, #tpu.memory_space<vmem_shared>> -> memref<10240x8xf32, #tpu.memory_space<vmem_shared>>
        tpu.enqueue_indirect_dma source(%arg15 : memref<125x8xf32, #tpu.memory_space<vmem>>) target(%dma_start3A_159 : memref<10240x8xf32, #tpu.memory_space<vmem_shared>>) offsets(%dma_start3A_156 : memref<125xi32, #tpu.memory_space<vmem>>) semaphore(%run_scoped3A_153 : memref<!tpu.dma_semaphore, #tpu.memory_space<semaphore_mem>>) {add = true}
        %dma_wait3A_160 = arith.constant 0 : i32
        %dma_wait3A_161 = tpu.memref_slice %arg13[%add3A_104, %dma_wait3A_160] : memref<80x125xi32, #tpu.memory_space<vmem>> -> memref<1x125xi32, #tpu.memory_space<vmem>>
        %dma_wait3A_162 = tpu.memref_squeeze %dma_wait3A_161 : memref<1x125xi32, #tpu.memory_space<vmem>> -> memref<125xi32, #tpu.memory_space<vmem>>
        %dma_wait3A_163 = arith.constant 0 : i32
        %dma_wait3A_164 = arith.constant 0 : i32
        %dma_wait3A_165 = tpu.memref_slice %arg17[%dma_wait3A_163, %dma_wait3A_164] : memref<10240x8xf32, #tpu.memory_space<vmem_shared>> -> memref<10240x8xf32, #tpu.memory_space<vmem_shared>>
        tpu.wait_indirect_dma semaphore(%run_scoped3A_153 : memref<!tpu.dma_semaphore, #tpu.memory_space<semaphore_mem>>) src(%arg15 : memref<125x8xf32, #tpu.memory_space<vmem>>) dst(%dma_wait3A_165 : memref<10240x8xf32, #tpu.memory_space<vmem_shared>>)
        tpu.yield
      }) : () -> ()
      %dma_wait3A_105 = arith.constant 1 : i32
      %dma_wait3A_106 = arith.constant 0 : i32
      %dma_wait3A_107 = arith.constant 0 : i32
      %dma_wait3A_108 = tpu.memref_slice %arg14[%dma_wait3A_105, %dma_wait3A_106, %dma_wait3A_107] : memref<4x125x64xf32, #tpu.memory_space<vmem>> -> memref<1x125x64xf32, #tpu.memory_space<vmem>>
      %dma_wait3A_109 = tpu.memref_squeeze %dma_wait3A_108 : memref<1x125x64xf32, #tpu.memory_space<vmem>> -> memref<125x64xf32, #tpu.memory_space<vmem>>
      %dma_wait3A_110 = arith.constant 0 : i32
      %dma_wait3A_111 = tpu.memref_slice %arg12[%add3A_53, %dma_wait3A_110] : memref<80x125xi32, #tpu.memory_space<vmem>> -> memref<1x125xi32, #tpu.memory_space<vmem>>
      %dma_wait3A_112 = tpu.memref_squeeze %dma_wait3A_111 : memref<1x125xi32, #tpu.memory_space<vmem>> -> memref<125xi32, #tpu.memory_space<vmem>>
      %dma_wait3A_113 = arith.constant 0 : i32
      %dma_wait3A_114 = arith.constant 0 : i32
      %dma_wait3A_115 = tpu.memref_slice %arg2[%dma_wait3A_113, %dma_wait3A_114] : memref<10000x64xf32, #tpu.memory_space<hbm>> -> memref<10000x64xf32, #tpu.memory_space<hbm>>
      tpu.wait_indirect_dma semaphore(%arg19 : memref<!tpu.dma_semaphore, #tpu.memory_space<semaphore_mem>>) src(%dma_wait3A_115 : memref<10000x64xf32, #tpu.memory_space<hbm>>) dst(%dma_wait3A_109 : memref<125x64xf32, #tpu.memory_space<vmem>>)
      %add3A_116 = arith.constant 1 : i32
      %add3A_117 = arith.addi %mul3A_39, %add3A_116 : i32
      %run_scoped3A_118 = arith.constant 1 : i32
      "tpu.region"() ({
        %run_scoped3A_153 = tpu.sem_alloc : memref<!tpu.dma_semaphore, #tpu.memory_space<semaphore_mem>>
        %dma_start3A_154 = arith.constant 0 : i32
        %dma_start3A_155 = arith.constant 0 : i32
        %dma_start3A_156 = tpu.memref_slice %arg14[%run_scoped3A_118, %dma_start3A_154, %dma_start3A_155] : memref<4x125x64xf32, #tpu.memory_space<vmem>> -> memref<1x125x64xf32, #tpu.memory_space<vmem>>
        %dma_start3A_157 = tpu.memref_squeeze %dma_start3A_156 : memref<1x125x64xf32, #tpu.memory_space<vmem>> -> memref<125x64xf32, #tpu.memory_space<vmem>>
        %dma_start3A_158 = arith.constant 0 : i32
        %dma_start3A_159 = tpu.memref_slice %arg13[%add3A_117, %dma_start3A_158] : memref<80x125xi32, #tpu.memory_space<vmem>> -> memref<1x125xi32, #tpu.memory_space<vmem>>
        %dma_start3A_160 = tpu.memref_squeeze %dma_start3A_159 : memref<1x125xi32, #tpu.memory_space<vmem>> -> memref<125xi32, #tpu.memory_space<vmem>>
        %dma_start3A_161 = arith.constant 0 : i32
        %dma_start3A_162 = arith.constant 0 : i32
        %dma_start3A_163 = tpu.memref_slice %arg16[%dma_start3A_161, %dma_start3A_162] : memref<10240x64xf32, #tpu.memory_space<vmem_shared>> -> memref<10240x64xf32, #tpu.memory_space<vmem_shared>>
        tpu.enqueue_indirect_dma source(%dma_start3A_157 : memref<125x64xf32, #tpu.memory_space<vmem>>) target(%dma_start3A_163 : memref<10240x64xf32, #tpu.memory_space<vmem_shared>>) offsets(%dma_start3A_160 : memref<125xi32, #tpu.memory_space<vmem>>) semaphore(%run_scoped3A_153 : memref<!tpu.dma_semaphore, #tpu.memory_space<semaphore_mem>>) {add = true}
        %dma_wait3A_164 = arith.constant 0 : i32
        %dma_wait3A_165 = arith.constant 0 : i32
        %dma_wait3A_166 = tpu.memref_slice %arg14[%run_scoped3A_118, %dma_wait3A_164, %dma_wait3A_165] : memref<4x125x64xf32, #tpu.memory_space<vmem>> -> memref<1x125x64xf32, #tpu.memory_space<vmem>>
        %dma_wait3A_167 = tpu.memref_squeeze %dma_wait3A_166 : memref<1x125x64xf32, #tpu.memory_space<vmem>> -> memref<125x64xf32, #tpu.memory_space<vmem>>
        %dma_wait3A_168 = arith.constant 0 : i32
        %dma_wait3A_169 = tpu.memref_slice %arg13[%add3A_117, %dma_wait3A_168] : memref<80x125xi32, #tpu.memory_space<vmem>> -> memref<1x125xi32, #tpu.memory_space<vmem>>
        %dma_wait3A_170 = tpu.memref_squeeze %dma_wait3A_169 : memref<1x125xi32, #tpu.memory_space<vmem>> -> memref<125xi32, #tpu.memory_space<vmem>>
        %dma_wait3A_171 = arith.constant 0 : i32
        %dma_wait3A_172 = arith.constant 0 : i32
        %dma_wait3A_173 = tpu.memref_slice %arg16[%dma_wait3A_171, %dma_wait3A_172] : memref<10240x64xf32, #tpu.memory_space<vmem_shared>> -> memref<10240x64xf32, #tpu.memory_space<vmem_shared>>
        tpu.wait_indirect_dma semaphore(%run_scoped3A_153 : memref<!tpu.dma_semaphore, #tpu.memory_space<semaphore_mem>>) src(%dma_wait3A_167 : memref<125x64xf32, #tpu.memory_space<vmem>>) dst(%dma_wait3A_173 : memref<10240x64xf32, #tpu.memory_space<vmem_shared>>)
        tpu.yield
      }) : () -> ()
      %add3A_119 = arith.constant 1 : i32
      %add3A_120 = arith.addi %mul3A_39, %add3A_119 : i32
      "tpu.region"() ({
        %run_scoped3A_153 = tpu.sem_alloc : memref<!tpu.dma_semaphore, #tpu.memory_space<semaphore_mem>>
        %dma_start3A_154 = arith.constant 0 : i32
        %dma_start3A_155 = tpu.memref_slice %arg13[%add3A_120, %dma_start3A_154] : memref<80x125xi32, #tpu.memory_space<vmem>> -> memref<1x125xi32, #tpu.memory_space<vmem>>
        %dma_start3A_156 = tpu.memref_squeeze %dma_start3A_155 : memref<1x125xi32, #tpu.memory_space<vmem>> -> memref<125xi32, #tpu.memory_space<vmem>>
        %dma_start3A_157 = arith.constant 0 : i32
        %dma_start3A_158 = arith.constant 0 : i32
        %dma_start3A_159 = tpu.memref_slice %arg17[%dma_start3A_157, %dma_start3A_158] : memref<10240x8xf32, #tpu.memory_space<vmem_shared>> -> memref<10240x8xf32, #tpu.memory_space<vmem_shared>>
        tpu.enqueue_indirect_dma source(%arg15 : memref<125x8xf32, #tpu.memory_space<vmem>>) target(%dma_start3A_159 : memref<10240x8xf32, #tpu.memory_space<vmem_shared>>) offsets(%dma_start3A_156 : memref<125xi32, #tpu.memory_space<vmem>>) semaphore(%run_scoped3A_153 : memref<!tpu.dma_semaphore, #tpu.memory_space<semaphore_mem>>) {add = true}
        %dma_wait3A_160 = arith.constant 0 : i32
        %dma_wait3A_161 = tpu.memref_slice %arg13[%add3A_120, %dma_wait3A_160] : memref<80x125xi32, #tpu.memory_space<vmem>> -> memref<1x125xi32, #tpu.memory_space<vmem>>
        %dma_wait3A_162 = tpu.memref_squeeze %dma_wait3A_161 : memref<1x125xi32, #tpu.memory_space<vmem>> -> memref<125xi32, #tpu.memory_space<vmem>>
        %dma_wait3A_163 = arith.constant 0 : i32
        %dma_wait3A_164 = arith.constant 0 : i32
        %dma_wait3A_165 = tpu.memref_slice %arg17[%dma_wait3A_163, %dma_wait3A_164] : memref<10240x8xf32, #tpu.memory_space<vmem_shared>> -> memref<10240x8xf32, #tpu.memory_space<vmem_shared>>
        tpu.wait_indirect_dma semaphore(%run_scoped3A_153 : memref<!tpu.dma_semaphore, #tpu.memory_space<semaphore_mem>>) src(%arg15 : memref<125x8xf32, #tpu.memory_space<vmem>>) dst(%dma_wait3A_165 : memref<10240x8xf32, #tpu.memory_space<vmem_shared>>)
        tpu.yield
      }) : () -> ()
      %dma_wait3A_121 = arith.constant 2 : i32
      %dma_wait3A_122 = arith.constant 0 : i32
      %dma_wait3A_123 = arith.constant 0 : i32
      %dma_wait3A_124 = tpu.memref_slice %arg14[%dma_wait3A_121, %dma_wait3A_122, %dma_wait3A_123] : memref<4x125x64xf32, #tpu.memory_space<vmem>> -> memref<1x125x64xf32, #tpu.memory_space<vmem>>
      %dma_wait3A_125 = tpu.memref_squeeze %dma_wait3A_124 : memref<1x125x64xf32, #tpu.memory_space<vmem>> -> memref<125x64xf32, #tpu.memory_space<vmem>>
      %dma_wait3A_126 = arith.constant 0 : i32
      %dma_wait3A_127 = tpu.memref_slice %arg12[%add3A_66, %dma_wait3A_126] : memref<80x125xi32, #tpu.memory_space<vmem>> -> memref<1x125xi32, #tpu.memory_space<vmem>>
      %dma_wait3A_128 = tpu.memref_squeeze %dma_wait3A_127 : memref<1x125xi32, #tpu.memory_space<vmem>> -> memref<125xi32, #tpu.memory_space<vmem>>
      %dma_wait3A_129 = arith.constant 0 : i32
      %dma_wait3A_130 = arith.constant 0 : i32
      %dma_wait3A_131 = tpu.memref_slice %arg2[%dma_wait3A_129, %dma_wait3A_130] : memref<10000x64xf32, #tpu.memory_space<hbm>> -> memref<10000x64xf32, #tpu.memory_space<hbm>>
      tpu.wait_indirect_dma semaphore(%arg20 : memref<!tpu.dma_semaphore, #tpu.memory_space<semaphore_mem>>) src(%dma_wait3A_131 : memref<10000x64xf32, #tpu.memory_space<hbm>>) dst(%dma_wait3A_125 : memref<125x64xf32, #tpu.memory_space<vmem>>)
      %add3A_132 = arith.constant 2 : i32
      %add3A_133 = arith.addi %mul3A_39, %add3A_132 : i32
      %run_scoped3A_134 = arith.constant 2 : i32
      "tpu.region"() ({
        %run_scoped3A_153 = tpu.sem_alloc : memref<!tpu.dma_semaphore, #tpu.memory_space<semaphore_mem>>
        %dma_start3A_154 = arith.constant 0 : i32
        %dma_start3A_155 = arith.constant 0 : i32
        %dma_start3A_156 = tpu.memref_slice %arg14[%run_scoped3A_134, %dma_start3A_154, %dma_start3A_155] : memref<4x125x64xf32, #tpu.memory_space<vmem>> -> memref<1x125x64xf32, #tpu.memory_space<vmem>>
        %dma_start3A_157 = tpu.memref_squeeze %dma_start3A_156 : memref<1x125x64xf32, #tpu.memory_space<vmem>> -> memref<125x64xf32, #tpu.memory_space<vmem>>
        %dma_start3A_158 = arith.constant 0 : i32
        %dma_start3A_159 = tpu.memref_slice %arg13[%add3A_133, %dma_start3A_158] : memref<80x125xi32, #tpu.memory_space<vmem>> -> memref<1x125xi32, #tpu.memory_space<vmem>>
        %dma_start3A_160 = tpu.memref_squeeze %dma_start3A_159 : memref<1x125xi32, #tpu.memory_space<vmem>> -> memref<125xi32, #tpu.memory_space<vmem>>
        %dma_start3A_161 = arith.constant 0 : i32
        %dma_start3A_162 = arith.constant 0 : i32
        %dma_start3A_163 = tpu.memref_slice %arg16[%dma_start3A_161, %dma_start3A_162] : memref<10240x64xf32, #tpu.memory_space<vmem_shared>> -> memref<10240x64xf32, #tpu.memory_space<vmem_shared>>
        tpu.enqueue_indirect_dma source(%dma_start3A_157 : memref<125x64xf32, #tpu.memory_space<vmem>>) target(%dma_start3A_163 : memref<10240x64xf32, #tpu.memory_space<vmem_shared>>) offsets(%dma_start3A_160 : memref<125xi32, #tpu.memory_space<vmem>>) semaphore(%run_scoped3A_153 : memref<!tpu.dma_semaphore, #tpu.memory_space<semaphore_mem>>) {add = true}
        %dma_wait3A_164 = arith.constant 0 : i32
        %dma_wait3A_165 = arith.constant 0 : i32
        %dma_wait3A_166 = tpu.memref_slice %arg14[%run_scoped3A_134, %dma_wait3A_164, %dma_wait3A_165] : memref<4x125x64xf32, #tpu.memory_space<vmem>> -> memref<1x125x64xf32, #tpu.memory_space<vmem>>
        %dma_wait3A_167 = tpu.memref_squeeze %dma_wait3A_166 : memref<1x125x64xf32, #tpu.memory_space<vmem>> -> memref<125x64xf32, #tpu.memory_space<vmem>>
        %dma_wait3A_168 = arith.constant 0 : i32
        %dma_wait3A_169 = tpu.memref_slice %arg13[%add3A_133, %dma_wait3A_168] : memref<80x125xi32, #tpu.memory_space<vmem>> -> memref<1x125xi32, #tpu.memory_space<vmem>>
        %dma_wait3A_170 = tpu.memref_squeeze %dma_wait3A_169 : memref<1x125xi32, #tpu.memory_space<vmem>> -> memref<125xi32, #tpu.memory_space<vmem>>
        %dma_wait3A_171 = arith.constant 0 : i32
        %dma_wait3A_172 = arith.constant 0 : i32
        %dma_wait3A_173 = tpu.memref_slice %arg16[%dma_wait3A_171, %dma_wait3A_172] : memref<10240x64xf32, #tpu.memory_space<vmem_shared>> -> memref<10240x64xf32, #tpu.memory_space<vmem_shared>>
        tpu.wait_indirect_dma semaphore(%run_scoped3A_153 : memref<!tpu.dma_semaphore, #tpu.memory_space<semaphore_mem>>) src(%dma_wait3A_167 : memref<125x64xf32, #tpu.memory_space<vmem>>) dst(%dma_wait3A_173 : memref<10240x64xf32, #tpu.memory_space<vmem_shared>>)
        tpu.yield
      }) : () -> ()
      %add3A_135 = arith.constant 2 : i32
      %add3A_136 = arith.addi %mul3A_39, %add3A_135 : i32
      "tpu.region"() ({
        %run_scoped3A_153 = tpu.sem_alloc : memref<!tpu.dma_semaphore, #tpu.memory_space<semaphore_mem>>
        %dma_start3A_154 = arith.constant 0 : i32
        %dma_start3A_155 = tpu.memref_slice %arg13[%add3A_136, %dma_start3A_154] : memref<80x125xi32, #tpu.memory_space<vmem>> -> memref<1x125xi32, #tpu.memory_space<vmem>>
        %dma_start3A_156 = tpu.memref_squeeze %dma_start3A_155 : memref<1x125xi32, #tpu.memory_space<vmem>> -> memref<125xi32, #tpu.memory_space<vmem>>
        %dma_start3A_157 = arith.constant 0 : i32
        %dma_start3A_158 = arith.constant 0 : i32
        %dma_start3A_159 = tpu.memref_slice %arg17[%dma_start3A_157, %dma_start3A_158] : memref<10240x8xf32, #tpu.memory_space<vmem_shared>> -> memref<10240x8xf32, #tpu.memory_space<vmem_shared>>
        tpu.enqueue_indirect_dma source(%arg15 : memref<125x8xf32, #tpu.memory_space<vmem>>) target(%dma_start3A_159 : memref<10240x8xf32, #tpu.memory_space<vmem_shared>>) offsets(%dma_start3A_156 : memref<125xi32, #tpu.memory_space<vmem>>) semaphore(%run_scoped3A_153 : memref<!tpu.dma_semaphore, #tpu.memory_space<semaphore_mem>>) {add = true}
        %dma_wait3A_160 = arith.constant 0 : i32
        %dma_wait3A_161 = tpu.memref_slice %arg13[%add3A_136, %dma_wait3A_160] : memref<80x125xi32, #tpu.memory_space<vmem>> -> memref<1x125xi32, #tpu.memory_space<vmem>>
        %dma_wait3A_162 = tpu.memref_squeeze %dma_wait3A_161 : memref<1x125xi32, #tpu.memory_space<vmem>> -> memref<125xi32, #tpu.memory_space<vmem>>
        %dma_wait3A_163 = arith.constant 0 : i32
        %dma_wait3A_164 = arith.constant 0 : i32
        %dma_wait3A_165 = tpu.memref_slice %arg17[%dma_wait3A_163, %dma_wait3A_164] : memref<10240x8xf32, #tpu.memory_space<vmem_shared>> -> memref<10240x8xf32, #tpu.memory_space<vmem_shared>>
        tpu.wait_indirect_dma semaphore(%run_scoped3A_153 : memref<!tpu.dma_semaphore, #tpu.memory_space<semaphore_mem>>) src(%arg15 : memref<125x8xf32, #tpu.memory_space<vmem>>) dst(%dma_wait3A_165 : memref<10240x8xf32, #tpu.memory_space<vmem_shared>>)
        tpu.yield
      }) : () -> ()
      %dma_wait3A_137 = arith.constant 3 : i32
      %dma_wait3A_138 = arith.constant 0 : i32
      %dma_wait3A_139 = arith.constant 0 : i32
      %dma_wait3A_140 = tpu.memref_slice %arg14[%dma_wait3A_137, %dma_wait3A_138, %dma_wait3A_139] : memref<4x125x64xf32, #tpu.memory_space<vmem>> -> memref<1x125x64xf32, #tpu.memory_space<vmem>>
      %dma_wait3A_141 = tpu.memref_squeeze %dma_wait3A_140 : memref<1x125x64xf32, #tpu.memory_space<vmem>> -> memref<125x64xf32, #tpu.memory_space<vmem>>
      %dma_wait3A_142 = arith.constant 0 : i32
      %dma_wait3A_143 = tpu.memref_slice %arg12[%add3A_79, %dma_wait3A_142] : memref<80x125xi32, #tpu.memory_space<vmem>> -> memref<1x125xi32, #tpu.memory_space<vmem>>
      %dma_wait3A_144 = tpu.memref_squeeze %dma_wait3A_143 : memref<1x125xi32, #tpu.memory_space<vmem>> -> memref<125xi32, #tpu.memory_space<vmem>>
      %dma_wait3A_145 = arith.constant 0 : i32
      %dma_wait3A_146 = arith.constant 0 : i32
      %dma_wait3A_147 = tpu.memref_slice %arg2[%dma_wait3A_145, %dma_wait3A_146] : memref<10000x64xf32, #tpu.memory_space<hbm>> -> memref<10000x64xf32, #tpu.memory_space<hbm>>
      tpu.wait_indirect_dma semaphore(%arg21 : memref<!tpu.dma_semaphore, #tpu.memory_space<semaphore_mem>>) src(%dma_wait3A_147 : memref<10000x64xf32, #tpu.memory_space<hbm>>) dst(%dma_wait3A_141 : memref<125x64xf32, #tpu.memory_space<vmem>>)
      %add3A_148 = arith.constant 3 : i32
      %add3A_149 = arith.addi %mul3A_39, %add3A_148 : i32
      %run_scoped3A_150 = arith.constant 3 : i32
      "tpu.region"() ({
        %run_scoped3A_153 = tpu.sem_alloc : memref<!tpu.dma_semaphore, #tpu.memory_space<semaphore_mem>>
        %dma_start3A_154 = arith.constant 0 : i32
        %dma_start3A_155 = arith.constant 0 : i32
        %dma_start3A_156 = tpu.memref_slice %arg14[%run_scoped3A_150, %dma_start3A_154, %dma_start3A_155] : memref<4x125x64xf32, #tpu.memory_space<vmem>> -> memref<1x125x64xf32, #tpu.memory_space<vmem>>
        %dma_start3A_157 = tpu.memref_squeeze %dma_start3A_156 : memref<1x125x64xf32, #tpu.memory_space<vmem>> -> memref<125x64xf32, #tpu.memory_space<vmem>>
        %dma_start3A_158 = arith.constant 0 : i32
        %dma_start3A_159 = tpu.memref_slice %arg13[%add3A_149, %dma_start3A_158] : memref<80x125xi32, #tpu.memory_space<vmem>> -> memref<1x125xi32, #tpu.memory_space<vmem>>
        %dma_start3A_160 = tpu.memref_squeeze %dma_start3A_159 : memref<1x125xi32, #tpu.memory_space<vmem>> -> memref<125xi32, #tpu.memory_space<vmem>>
        %dma_start3A_161 = arith.constant 0 : i32
        %dma_start3A_162 = arith.constant 0 : i32
        %dma_start3A_163 = tpu.memref_slice %arg16[%dma_start3A_161, %dma_start3A_162] : memref<10240x64xf32, #tpu.memory_space<vmem_shared>> -> memref<10240x64xf32, #tpu.memory_space<vmem_shared>>
        tpu.enqueue_indirect_dma source(%dma_start3A_157 : memref<125x64xf32, #tpu.memory_space<vmem>>) target(%dma_start3A_163 : memref<10240x64xf32, #tpu.memory_space<vmem_shared>>) offsets(%dma_start3A_160 : memref<125xi32, #tpu.memory_space<vmem>>) semaphore(%run_scoped3A_153 : memref<!tpu.dma_semaphore, #tpu.memory_space<semaphore_mem>>) {add = true}
        %dma_wait3A_164 = arith.constant 0 : i32
        %dma_wait3A_165 = arith.constant 0 : i32
        %dma_wait3A_166 = tpu.memref_slice %arg14[%run_scoped3A_150, %dma_wait3A_164, %dma_wait3A_165] : memref<4x125x64xf32, #tpu.memory_space<vmem>> -> memref<1x125x64xf32, #tpu.memory_space<vmem>>
        %dma_wait3A_167 = tpu.memref_squeeze %dma_wait3A_166 : memref<1x125x64xf32, #tpu.memory_space<vmem>> -> memref<125x64xf32, #tpu.memory_space<vmem>>
        %dma_wait3A_168 = arith.constant 0 : i32
        %dma_wait3A_169 = tpu.memref_slice %arg13[%add3A_149, %dma_wait3A_168] : memref<80x125xi32, #tpu.memory_space<vmem>> -> memref<1x125xi32, #tpu.memory_space<vmem>>
        %dma_wait3A_170 = tpu.memref_squeeze %dma_wait3A_169 : memref<1x125xi32, #tpu.memory_space<vmem>> -> memref<125xi32, #tpu.memory_space<vmem>>
        %dma_wait3A_171 = arith.constant 0 : i32
        %dma_wait3A_172 = arith.constant 0 : i32
        %dma_wait3A_173 = tpu.memref_slice %arg16[%dma_wait3A_171, %dma_wait3A_172] : memref<10240x64xf32, #tpu.memory_space<vmem_shared>> -> memref<10240x64xf32, #tpu.memory_space<vmem_shared>>
        tpu.wait_indirect_dma semaphore(%run_scoped3A_153 : memref<!tpu.dma_semaphore, #tpu.memory_space<semaphore_mem>>) src(%dma_wait3A_167 : memref<125x64xf32, #tpu.memory_space<vmem>>) dst(%dma_wait3A_173 : memref<10240x64xf32, #tpu.memory_space<vmem_shared>>)
        tpu.yield
      }) : () -> ()
      %add3A_151 = arith.constant 3 : i32
      %add3A_152 = arith.addi %mul3A_39, %add3A_151 : i32
      "tpu.region"() ({
        %run_scoped3A_153 = tpu.sem_alloc : memref<!tpu.dma_semaphore, #tpu.memory_space<semaphore_mem>>
        %dma_start3A_154 = arith.constant 0 : i32
        %dma_start3A_155 = tpu.memref_slice %arg13[%add3A_152, %dma_start3A_154] : memref<80x125xi32, #tpu.memory_space<vmem>> -> memref<1x125xi32, #tpu.memory_space<vmem>>
        %dma_start3A_156 = tpu.memref_squeeze %dma_start3A_155 : memref<1x125xi32, #tpu.memory_space<vmem>> -> memref<125xi32, #tpu.memory_space<vmem>>
        %dma_start3A_157 = arith.constant 0 : i32
        %dma_start3A_158 = arith.constant 0 : i32
        %dma_start3A_159 = tpu.memref_slice %arg17[%dma_start3A_157, %dma_start3A_158] : memref<10240x8xf32, #tpu.memory_space<vmem_shared>> -> memref<10240x8xf32, #tpu.memory_space<vmem_shared>>
        tpu.enqueue_indirect_dma source(%arg15 : memref<125x8xf32, #tpu.memory_space<vmem>>) target(%dma_start3A_159 : memref<10240x8xf32, #tpu.memory_space<vmem_shared>>) offsets(%dma_start3A_156 : memref<125xi32, #tpu.memory_space<vmem>>) semaphore(%run_scoped3A_153 : memref<!tpu.dma_semaphore, #tpu.memory_space<semaphore_mem>>) {add = true}
        %dma_wait3A_160 = arith.constant 0 : i32
        %dma_wait3A_161 = tpu.memref_slice %arg13[%add3A_152, %dma_wait3A_160] : memref<80x125xi32, #tpu.memory_space<vmem>> -> memref<1x125xi32, #tpu.memory_space<vmem>>
        %dma_wait3A_162 = tpu.memref_squeeze %dma_wait3A_161 : memref<1x125xi32, #tpu.memory_space<vmem>> -> memref<125xi32, #tpu.memory_space<vmem>>
        %dma_wait3A_163 = arith.constant 0 : i32
        %dma_wait3A_164 = arith.constant 0 : i32
        %dma_wait3A_165 = tpu.memref_slice %arg17[%dma_wait3A_163, %dma_wait3A_164] : memref<10240x8xf32, #tpu.memory_space<vmem_shared>> -> memref<10240x8xf32, #tpu.memory_space<vmem_shared>>
        tpu.wait_indirect_dma semaphore(%run_scoped3A_153 : memref<!tpu.dma_semaphore, #tpu.memory_space<semaphore_mem>>) src(%arg15 : memref<125x8xf32, #tpu.memory_space<vmem>>) dst(%dma_wait3A_165 : memref<10240x8xf32, #tpu.memory_space<vmem_shared>>)
        tpu.yield
      }) : () -> ()
    }
    %scan3A_12 = arith.constant 20 : i32
    %barrier3A_13 = arith.constant 0 : index
    tpu.barrier barrier_id(%barrier3A_13)
    %mul3A_14 = arith.constant 640 : i32
    %mul3A_15 = arith.muli %arg1, %mul3A_14 : i32
    %mul3A_16 = arith.constant 640 : i32
    %mul3A_17 = arith.muli %arg1, %mul3A_16 : i32
    "tpu.region"() ({
      %run_scoped3A = tpu.sem_alloc : memref<!tpu.dma_semaphore, #tpu.memory_space<semaphore_mem>>
      %dma_start3A = arith.constant 0 : i32
      %dma_start3A_37 = tpu.memref_slice %arg9[%arg0, %mul3A_17, %dma_start3A] : memref<2x10240x64xf32, #tpu.memory_space<hbm>> -> memref<1x640x64xf32, #tpu.memory_space<hbm>>
      %dma_start3A_38 = tpu.memref_squeeze %dma_start3A_37 : memref<1x640x64xf32, #tpu.memory_space<hbm>> -> memref<640x64xf32, #tpu.memory_space<hbm>>
      %dma_start3A_39 = arith.constant 0 : i32
      %dma_start3A_40 = tpu.memref_slice %arg16[%mul3A_15, %dma_start3A_39] : memref<10240x64xf32, #tpu.memory_space<vmem_shared>> -> memref<640x64xf32, #tpu.memory_space<vmem_shared>>
      tpu.enqueue_dma source(%dma_start3A_40 : memref<640x64xf32, #tpu.memory_space<vmem_shared>>) target(%dma_start3A_38 : memref<640x64xf32, #tpu.memory_space<hbm>>) target_semaphore(%run_scoped3A : memref<!tpu.dma_semaphore, #tpu.memory_space<semaphore_mem>>)
      %dma_wait3A = arith.constant 0 : i32
      %dma_wait3A_41 = tpu.memref_slice %arg9[%arg0, %mul3A_17, %dma_wait3A] : memref<2x10240x64xf32, #tpu.memory_space<hbm>> -> memref<1x640x64xf32, #tpu.memory_space<hbm>>
      %dma_wait3A_42 = tpu.memref_squeeze %dma_wait3A_41 : memref<1x640x64xf32, #tpu.memory_space<hbm>> -> memref<640x64xf32, #tpu.memory_space<hbm>>
      %dma_wait3A_43 = arith.constant 0 : i32
      %dma_wait3A_44 = tpu.memref_slice %arg16[%mul3A_15, %dma_wait3A_43] : memref<10240x64xf32, #tpu.memory_space<vmem_shared>> -> memref<640x64xf32, #tpu.memory_space<vmem_shared>>
      tpu.wait_dma2 semaphore(%run_scoped3A : memref<!tpu.dma_semaphore, #tpu.memory_space<semaphore_mem>>) src(%dma_wait3A_44 : memref<640x64xf32, #tpu.memory_space<vmem_shared>>) dst(%dma_wait3A_42 : memref<640x64xf32, #tpu.memory_space<hbm>>)
      tpu.yield
    }) : () -> ()
    %mul3A_18 = arith.constant 640 : i32
    %mul3A_19 = arith.muli %arg1, %mul3A_18 : i32
    %mul3A_20 = arith.constant 640 : i32
    %mul3A_21 = arith.muli %arg1, %mul3A_20 : i32
    "tpu.region"() ({
      %run_scoped3A = tpu.sem_alloc : memref<!tpu.dma_semaphore, #tpu.memory_space<semaphore_mem>>
      %dma_start3A = arith.constant 0 : i32
      %dma_start3A_37 = tpu.memref_slice %arg11[%arg0, %mul3A_21, %dma_start3A] : memref<2x10240x8xf32, #tpu.memory_space<hbm>> -> memref<1x640x8xf32, #tpu.memory_space<hbm>>
      %dma_start3A_38 = tpu.memref_squeeze %dma_start3A_37 : memref<1x640x8xf32, #tpu.memory_space<hbm>> -> memref<640x8xf32, #tpu.memory_space<hbm>>
      %dma_start3A_39 = arith.constant 0 : i32
      %dma_start3A_40 = tpu.memref_slice %arg17[%mul3A_19, %dma_start3A_39] : memref<10240x8xf32, #tpu.memory_space<vmem_shared>> -> memref<640x8xf32, #tpu.memory_space<vmem_shared>>
      tpu.enqueue_dma source(%dma_start3A_40 : memref<640x8xf32, #tpu.memory_space<vmem_shared>>) target(%dma_start3A_38 : memref<640x8xf32, #tpu.memory_space<hbm>>) target_semaphore(%run_scoped3A : memref<!tpu.dma_semaphore, #tpu.memory_space<semaphore_mem>>)
      %dma_wait3A = arith.constant 0 : i32
      %dma_wait3A_41 = tpu.memref_slice %arg11[%arg0, %mul3A_21, %dma_wait3A] : memref<2x10240x8xf32, #tpu.memory_space<hbm>> -> memref<1x640x8xf32, #tpu.memory_space<hbm>>
      %dma_wait3A_42 = tpu.memref_squeeze %dma_wait3A_41 : memref<1x640x8xf32, #tpu.memory_space<hbm>> -> memref<640x8xf32, #tpu.memory_space<hbm>>
      %dma_wait3A_43 = arith.constant 0 : i32
      %dma_wait3A_44 = tpu.memref_slice %arg17[%mul3A_19, %dma_wait3A_43] : memref<10240x8xf32, #tpu.memory_space<vmem_shared>> -> memref<640x8xf32, #tpu.memory_space<vmem_shared>>
      tpu.wait_dma2 semaphore(%run_scoped3A : memref<!tpu.dma_semaphore, #tpu.memory_space<semaphore_mem>>) src(%dma_wait3A_44 : memref<640x8xf32, #tpu.memory_space<vmem_shared>>) dst(%dma_wait3A_42 : memref<640x8xf32, #tpu.memory_space<hbm>>)
      tpu.yield
    }) : () -> ()
    %mul3A_22 = arith.constant 640 : i32
    %mul3A_23 = arith.muli %arg1, %mul3A_22 : i32
    %mul3A_24 = arith.constant 640 : i32
    %mul3A_25 = arith.muli %arg1, %mul3A_24 : i32
    "tpu.region"() ({
      %run_scoped3A = tpu.sem_alloc : memref<!tpu.dma_semaphore, #tpu.memory_space<semaphore_mem>>
      %dma_start3A = arith.constant 0 : i32
      %dma_start3A_37 = tpu.memref_slice %arg16[%mul3A_25, %dma_start3A] : memref<10240x64xf32, #tpu.memory_space<vmem_shared>> -> memref<640x64xf32, #tpu.memory_space<vmem_shared>>
      %dma_start3A_38 = arith.constant 0 : i32
      %dma_start3A_39 = tpu.memref_slice %arg6[%mul3A_23, %dma_start3A_38] : memref<10240x64xf32, #tpu.memory_space<hbm>> -> memref<640x64xf32, #tpu.memory_space<hbm>>
      tpu.enqueue_dma source(%dma_start3A_39 : memref<640x64xf32, #tpu.memory_space<hbm>>) target(%dma_start3A_37 : memref<640x64xf32, #tpu.memory_space<vmem_shared>>) target_semaphore(%run_scoped3A : memref<!tpu.dma_semaphore, #tpu.memory_space<semaphore_mem>>)
      %dma_wait3A = arith.constant 0 : i32
      %dma_wait3A_40 = tpu.memref_slice %arg16[%mul3A_25, %dma_wait3A] : memref<10240x64xf32, #tpu.memory_space<vmem_shared>> -> memref<640x64xf32, #tpu.memory_space<vmem_shared>>
      %dma_wait3A_41 = arith.constant 0 : i32
      %dma_wait3A_42 = tpu.memref_slice %arg6[%mul3A_23, %dma_wait3A_41] : memref<10240x64xf32, #tpu.memory_space<hbm>> -> memref<640x64xf32, #tpu.memory_space<hbm>>
      tpu.wait_dma2 semaphore(%run_scoped3A : memref<!tpu.dma_semaphore, #tpu.memory_space<semaphore_mem>>) src(%dma_wait3A_42 : memref<640x64xf32, #tpu.memory_space<hbm>>) dst(%dma_wait3A_40 : memref<640x64xf32, #tpu.memory_space<vmem_shared>>)
      tpu.yield
    }) : () -> ()
    %barrier3A_26 = arith.constant 0 : index
    tpu.barrier barrier_id(%barrier3A_26)
    %scan3A_27 = arith.constant 0 : i32
    %scan3A_28 = arith.constant 20 : i32
    %scan3A_29 = arith.addi %scan3A_27, %scan3A_28 : i32
    %scan3A_30 = arith.constant 1 : i32
    scf.for %scan3A_37 = %scan3A_27 to %scan3A_29 step %scan3A_30  : i32 {
      %mul3A_38 = arith.constant 4 : i32
      %mul3A_39 = arith.muli %scan3A_37, %mul3A_38 : i32
      %add3A_40 = arith.constant 0 : i32
      %add3A_41 = arith.addi %mul3A_39, %add3A_40 : i32
      %dma_start3A = arith.constant 0 : i32
      %dma_start3A_42 = arith.constant 0 : i32
      %dma_start3A_43 = arith.constant 0 : i32
      %dma_start3A_44 = tpu.memref_slice %arg14[%dma_start3A, %dma_start3A_42, %dma_start3A_43] : memref<4x125x64xf32, #tpu.memory_space<vmem>> -> memref<1x125x64xf32, #tpu.memory_space<vmem>>
      %dma_start3A_45 = tpu.memref_squeeze %dma_start3A_44 : memref<1x125x64xf32, #tpu.memory_space<vmem>> -> memref<125x64xf32, #tpu.memory_space<vmem>>
      %dma_start3A_46 = arith.constant 0 : i32
      %dma_start3A_47 = tpu.memref_slice %arg12[%add3A_41, %dma_start3A_46] : memref<80x125xi32, #tpu.memory_space<vmem>> -> memref<1x125xi32, #tpu.memory_space<vmem>>
      %dma_start3A_48 = tpu.memref_squeeze %dma_start3A_47 : memref<1x125xi32, #tpu.memory_space<vmem>> -> memref<125xi32, #tpu.memory_space<vmem>>
      %dma_start3A_49 = arith.constant 0 : i32
      %dma_start3A_50 = arith.constant 0 : i32
      %dma_start3A_51 = tpu.memref_slice %arg3[%dma_start3A_49, %dma_start3A_50] : memref<10000x64xf32, #tpu.memory_space<hbm>> -> memref<10000x64xf32, #tpu.memory_space<hbm>>
      tpu.enqueue_indirect_dma source(%dma_start3A_51 : memref<10000x64xf32, #tpu.memory_space<hbm>>) target(%dma_start3A_45 : memref<125x64xf32, #tpu.memory_space<vmem>>) offsets(%dma_start3A_48 : memref<125xi32, #tpu.memory_space<vmem>>) semaphore(%arg18 : memref<!tpu.dma_semaphore, #tpu.memory_space<semaphore_mem>>)
      %add3A_52 = arith.constant 1 : i32
      %add3A_53 = arith.addi %mul3A_39, %add3A_52 : i32
      %dma_start3A_54 = arith.constant 1 : i32
      %dma_start3A_55 = arith.constant 0 : i32
      %dma_start3A_56 = arith.constant 0 : i32
      %dma_start3A_57 = tpu.memref_slice %arg14[%dma_start3A_54, %dma_start3A_55, %dma_start3A_56] : memref<4x125x64xf32, #tpu.memory_space<vmem>> -> memref<1x125x64xf32, #tpu.memory_space<vmem>>
      %dma_start3A_58 = tpu.memref_squeeze %dma_start3A_57 : memref<1x125x64xf32, #tpu.memory_space<vmem>> -> memref<125x64xf32, #tpu.memory_space<vmem>>
      %dma_start3A_59 = arith.constant 0 : i32
      %dma_start3A_60 = tpu.memref_slice %arg12[%add3A_53, %dma_start3A_59] : memref<80x125xi32, #tpu.memory_space<vmem>> -> memref<1x125xi32, #tpu.memory_space<vmem>>
      %dma_start3A_61 = tpu.memref_squeeze %dma_start3A_60 : memref<1x125xi32, #tpu.memory_space<vmem>> -> memref<125xi32, #tpu.memory_space<vmem>>
      %dma_start3A_62 = arith.constant 0 : i32
      %dma_start3A_63 = arith.constant 0 : i32
      %dma_start3A_64 = tpu.memref_slice %arg3[%dma_start3A_62, %dma_start3A_63] : memref<10000x64xf32, #tpu.memory_space<hbm>> -> memref<10000x64xf32, #tpu.memory_space<hbm>>
      tpu.enqueue_indirect_dma source(%dma_start3A_64 : memref<10000x64xf32, #tpu.memory_space<hbm>>) target(%dma_start3A_58 : memref<125x64xf32, #tpu.memory_space<vmem>>) offsets(%dma_start3A_61 : memref<125xi32, #tpu.memory_space<vmem>>) semaphore(%arg19 : memref<!tpu.dma_semaphore, #tpu.memory_space<semaphore_mem>>)
      %add3A_65 = arith.constant 2 : i32
      %add3A_66 = arith.addi %mul3A_39, %add3A_65 : i32
      %dma_start3A_67 = arith.constant 2 : i32
      %dma_start3A_68 = arith.constant 0 : i32
      %dma_start3A_69 = arith.constant 0 : i32
      %dma_start3A_70 = tpu.memref_slice %arg14[%dma_start3A_67, %dma_start3A_68, %dma_start3A_69] : memref<4x125x64xf32, #tpu.memory_space<vmem>> -> memref<1x125x64xf32, #tpu.memory_space<vmem>>
      %dma_start3A_71 = tpu.memref_squeeze %dma_start3A_70 : memref<1x125x64xf32, #tpu.memory_space<vmem>> -> memref<125x64xf32, #tpu.memory_space<vmem>>
      %dma_start3A_72 = arith.constant 0 : i32
      %dma_start3A_73 = tpu.memref_slice %arg12[%add3A_66, %dma_start3A_72] : memref<80x125xi32, #tpu.memory_space<vmem>> -> memref<1x125xi32, #tpu.memory_space<vmem>>
      %dma_start3A_74 = tpu.memref_squeeze %dma_start3A_73 : memref<1x125xi32, #tpu.memory_space<vmem>> -> memref<125xi32, #tpu.memory_space<vmem>>
      %dma_start3A_75 = arith.constant 0 : i32
      %dma_start3A_76 = arith.constant 0 : i32
      %dma_start3A_77 = tpu.memref_slice %arg3[%dma_start3A_75, %dma_start3A_76] : memref<10000x64xf32, #tpu.memory_space<hbm>> -> memref<10000x64xf32, #tpu.memory_space<hbm>>
      tpu.enqueue_indirect_dma source(%dma_start3A_77 : memref<10000x64xf32, #tpu.memory_space<hbm>>) target(%dma_start3A_71 : memref<125x64xf32, #tpu.memory_space<vmem>>) offsets(%dma_start3A_74 : memref<125xi32, #tpu.memory_space<vmem>>) semaphore(%arg20 : memref<!tpu.dma_semaphore, #tpu.memory_space<semaphore_mem>>)
      %add3A_78 = arith.constant 3 : i32
      %add3A_79 = arith.addi %mul3A_39, %add3A_78 : i32
      %dma_start3A_80 = arith.constant 3 : i32
      %dma_start3A_81 = arith.constant 0 : i32
      %dma_start3A_82 = arith.constant 0 : i32
      %dma_start3A_83 = tpu.memref_slice %arg14[%dma_start3A_80, %dma_start3A_81, %dma_start3A_82] : memref<4x125x64xf32, #tpu.memory_space<vmem>> -> memref<1x125x64xf32, #tpu.memory_space<vmem>>
      %dma_start3A_84 = tpu.memref_squeeze %dma_start3A_83 : memref<1x125x64xf32, #tpu.memory_space<vmem>> -> memref<125x64xf32, #tpu.memory_space<vmem>>
      %dma_start3A_85 = arith.constant 0 : i32
      %dma_start3A_86 = tpu.memref_slice %arg12[%add3A_79, %dma_start3A_85] : memref<80x125xi32, #tpu.memory_space<vmem>> -> memref<1x125xi32, #tpu.memory_space<vmem>>
      %dma_start3A_87 = tpu.memref_squeeze %dma_start3A_86 : memref<1x125xi32, #tpu.memory_space<vmem>> -> memref<125xi32, #tpu.memory_space<vmem>>
      %dma_start3A_88 = arith.constant 0 : i32
      %dma_start3A_89 = arith.constant 0 : i32
      %dma_start3A_90 = tpu.memref_slice %arg3[%dma_start3A_88, %dma_start3A_89] : memref<10000x64xf32, #tpu.memory_space<hbm>> -> memref<10000x64xf32, #tpu.memory_space<hbm>>
      tpu.enqueue_indirect_dma source(%dma_start3A_90 : memref<10000x64xf32, #tpu.memory_space<hbm>>) target(%dma_start3A_84 : memref<125x64xf32, #tpu.memory_space<vmem>>) offsets(%dma_start3A_87 : memref<125xi32, #tpu.memory_space<vmem>>) semaphore(%arg21 : memref<!tpu.dma_semaphore, #tpu.memory_space<semaphore_mem>>)
      %dma_wait3A = arith.constant 0 : i32
      %dma_wait3A_91 = arith.constant 0 : i32
      %dma_wait3A_92 = arith.constant 0 : i32
      %dma_wait3A_93 = tpu.memref_slice %arg14[%dma_wait3A, %dma_wait3A_91, %dma_wait3A_92] : memref<4x125x64xf32, #tpu.memory_space<vmem>> -> memref<1x125x64xf32, #tpu.memory_space<vmem>>
      %dma_wait3A_94 = tpu.memref_squeeze %dma_wait3A_93 : memref<1x125x64xf32, #tpu.memory_space<vmem>> -> memref<125x64xf32, #tpu.memory_space<vmem>>
      %dma_wait3A_95 = arith.constant 0 : i32
      %dma_wait3A_96 = tpu.memref_slice %arg12[%add3A_41, %dma_wait3A_95] : memref<80x125xi32, #tpu.memory_space<vmem>> -> memref<1x125xi32, #tpu.memory_space<vmem>>
      %dma_wait3A_97 = tpu.memref_squeeze %dma_wait3A_96 : memref<1x125xi32, #tpu.memory_space<vmem>> -> memref<125xi32, #tpu.memory_space<vmem>>
      %dma_wait3A_98 = arith.constant 0 : i32
      %dma_wait3A_99 = arith.constant 0 : i32
      %dma_wait3A_100 = tpu.memref_slice %arg3[%dma_wait3A_98, %dma_wait3A_99] : memref<10000x64xf32, #tpu.memory_space<hbm>> -> memref<10000x64xf32, #tpu.memory_space<hbm>>
      tpu.wait_indirect_dma semaphore(%arg18 : memref<!tpu.dma_semaphore, #tpu.memory_space<semaphore_mem>>) src(%dma_wait3A_100 : memref<10000x64xf32, #tpu.memory_space<hbm>>) dst(%dma_wait3A_94 : memref<125x64xf32, #tpu.memory_space<vmem>>)
      %add3A_101 = arith.constant 0 : i32
      %add3A_102 = arith.addi %mul3A_39, %add3A_101 : i32
      %run_scoped3A = arith.constant 0 : i32
      "tpu.region"() ({
        %run_scoped3A_145 = tpu.sem_alloc : memref<!tpu.dma_semaphore, #tpu.memory_space<semaphore_mem>>
        %dma_start3A_146 = arith.constant 0 : i32
        %dma_start3A_147 = arith.constant 0 : i32
        %dma_start3A_148 = tpu.memref_slice %arg14[%run_scoped3A, %dma_start3A_146, %dma_start3A_147] : memref<4x125x64xf32, #tpu.memory_space<vmem>> -> memref<1x125x64xf32, #tpu.memory_space<vmem>>
        %dma_start3A_149 = tpu.memref_squeeze %dma_start3A_148 : memref<1x125x64xf32, #tpu.memory_space<vmem>> -> memref<125x64xf32, #tpu.memory_space<vmem>>
        %dma_start3A_150 = arith.constant 0 : i32
        %dma_start3A_151 = tpu.memref_slice %arg13[%add3A_102, %dma_start3A_150] : memref<80x125xi32, #tpu.memory_space<vmem>> -> memref<1x125xi32, #tpu.memory_space<vmem>>
        %dma_start3A_152 = tpu.memref_squeeze %dma_start3A_151 : memref<1x125xi32, #tpu.memory_space<vmem>> -> memref<125xi32, #tpu.memory_space<vmem>>
        %dma_start3A_153 = arith.constant 0 : i32
        %dma_start3A_154 = arith.constant 0 : i32
        %dma_start3A_155 = tpu.memref_slice %arg16[%dma_start3A_153, %dma_start3A_154] : memref<10240x64xf32, #tpu.memory_space<vmem_shared>> -> memref<10240x64xf32, #tpu.memory_space<vmem_shared>>
        tpu.enqueue_indirect_dma source(%dma_start3A_149 : memref<125x64xf32, #tpu.memory_space<vmem>>) target(%dma_start3A_155 : memref<10240x64xf32, #tpu.memory_space<vmem_shared>>) offsets(%dma_start3A_152 : memref<125xi32, #tpu.memory_space<vmem>>) semaphore(%run_scoped3A_145 : memref<!tpu.dma_semaphore, #tpu.memory_space<semaphore_mem>>) {add = true}
        %dma_wait3A_156 = arith.constant 0 : i32
        %dma_wait3A_157 = arith.constant 0 : i32
        %dma_wait3A_158 = tpu.memref_slice %arg14[%run_scoped3A, %dma_wait3A_156, %dma_wait3A_157] : memref<4x125x64xf32, #tpu.memory_space<vmem>> -> memref<1x125x64xf32, #tpu.memory_space<vmem>>
        %dma_wait3A_159 = tpu.memref_squeeze %dma_wait3A_158 : memref<1x125x64xf32, #tpu.memory_space<vmem>> -> memref<125x64xf32, #tpu.memory_space<vmem>>
        %dma_wait3A_160 = arith.constant 0 : i32
        %dma_wait3A_161 = tpu.memref_slice %arg13[%add3A_102, %dma_wait3A_160] : memref<80x125xi32, #tpu.memory_space<vmem>> -> memref<1x125xi32, #tpu.memory_space<vmem>>
        %dma_wait3A_162 = tpu.memref_squeeze %dma_wait3A_161 : memref<1x125xi32, #tpu.memory_space<vmem>> -> memref<125xi32, #tpu.memory_space<vmem>>
        %dma_wait3A_163 = arith.constant 0 : i32
        %dma_wait3A_164 = arith.constant 0 : i32
        %dma_wait3A_165 = tpu.memref_slice %arg16[%dma_wait3A_163, %dma_wait3A_164] : memref<10240x64xf32, #tpu.memory_space<vmem_shared>> -> memref<10240x64xf32, #tpu.memory_space<vmem_shared>>
        tpu.wait_indirect_dma semaphore(%run_scoped3A_145 : memref<!tpu.dma_semaphore, #tpu.memory_space<semaphore_mem>>) src(%dma_wait3A_159 : memref<125x64xf32, #tpu.memory_space<vmem>>) dst(%dma_wait3A_165 : memref<10240x64xf32, #tpu.memory_space<vmem_shared>>)
        tpu.yield
      }) : () -> ()
      %dma_wait3A_103 = arith.constant 1 : i32
      %dma_wait3A_104 = arith.constant 0 : i32
      %dma_wait3A_105 = arith.constant 0 : i32
      %dma_wait3A_106 = tpu.memref_slice %arg14[%dma_wait3A_103, %dma_wait3A_104, %dma_wait3A_105] : memref<4x125x64xf32, #tpu.memory_space<vmem>> -> memref<1x125x64xf32, #tpu.memory_space<vmem>>
      %dma_wait3A_107 = tpu.memref_squeeze %dma_wait3A_106 : memref<1x125x64xf32, #tpu.memory_space<vmem>> -> memref<125x64xf32, #tpu.memory_space<vmem>>
      %dma_wait3A_108 = arith.constant 0 : i32
      %dma_wait3A_109 = tpu.memref_slice %arg12[%add3A_53, %dma_wait3A_108] : memref<80x125xi32, #tpu.memory_space<vmem>> -> memref<1x125xi32, #tpu.memory_space<vmem>>
      %dma_wait3A_110 = tpu.memref_squeeze %dma_wait3A_109 : memref<1x125xi32, #tpu.memory_space<vmem>> -> memref<125xi32, #tpu.memory_space<vmem>>
      %dma_wait3A_111 = arith.constant 0 : i32
      %dma_wait3A_112 = arith.constant 0 : i32
      %dma_wait3A_113 = tpu.memref_slice %arg3[%dma_wait3A_111, %dma_wait3A_112] : memref<10000x64xf32, #tpu.memory_space<hbm>> -> memref<10000x64xf32, #tpu.memory_space<hbm>>
      tpu.wait_indirect_dma semaphore(%arg19 : memref<!tpu.dma_semaphore, #tpu.memory_space<semaphore_mem>>) src(%dma_wait3A_113 : memref<10000x64xf32, #tpu.memory_space<hbm>>) dst(%dma_wait3A_107 : memref<125x64xf32, #tpu.memory_space<vmem>>)
      %add3A_114 = arith.constant 1 : i32
      %add3A_115 = arith.addi %mul3A_39, %add3A_114 : i32
      %run_scoped3A_116 = arith.constant 1 : i32
      "tpu.region"() ({
        %run_scoped3A_145 = tpu.sem_alloc : memref<!tpu.dma_semaphore, #tpu.memory_space<semaphore_mem>>
        %dma_start3A_146 = arith.constant 0 : i32
        %dma_start3A_147 = arith.constant 0 : i32
        %dma_start3A_148 = tpu.memref_slice %arg14[%run_scoped3A_116, %dma_start3A_146, %dma_start3A_147] : memref<4x125x64xf32, #tpu.memory_space<vmem>> -> memref<1x125x64xf32, #tpu.memory_space<vmem>>
        %dma_start3A_149 = tpu.memref_squeeze %dma_start3A_148 : memref<1x125x64xf32, #tpu.memory_space<vmem>> -> memref<125x64xf32, #tpu.memory_space<vmem>>
        %dma_start3A_150 = arith.constant 0 : i32
        %dma_start3A_151 = tpu.memref_slice %arg13[%add3A_115, %dma_start3A_150] : memref<80x125xi32, #tpu.memory_space<vmem>> -> memref<1x125xi32, #tpu.memory_space<vmem>>
        %dma_start3A_152 = tpu.memref_squeeze %dma_start3A_151 : memref<1x125xi32, #tpu.memory_space<vmem>> -> memref<125xi32, #tpu.memory_space<vmem>>
        %dma_start3A_153 = arith.constant 0 : i32
        %dma_start3A_154 = arith.constant 0 : i32
        %dma_start3A_155 = tpu.memref_slice %arg16[%dma_start3A_153, %dma_start3A_154] : memref<10240x64xf32, #tpu.memory_space<vmem_shared>> -> memref<10240x64xf32, #tpu.memory_space<vmem_shared>>
        tpu.enqueue_indirect_dma source(%dma_start3A_149 : memref<125x64xf32, #tpu.memory_space<vmem>>) target(%dma_start3A_155 : memref<10240x64xf32, #tpu.memory_space<vmem_shared>>) offsets(%dma_start3A_152 : memref<125xi32, #tpu.memory_space<vmem>>) semaphore(%run_scoped3A_145 : memref<!tpu.dma_semaphore, #tpu.memory_space<semaphore_mem>>) {add = true}
        %dma_wait3A_156 = arith.constant 0 : i32
        %dma_wait3A_157 = arith.constant 0 : i32
        %dma_wait3A_158 = tpu.memref_slice %arg14[%run_scoped3A_116, %dma_wait3A_156, %dma_wait3A_157] : memref<4x125x64xf32, #tpu.memory_space<vmem>> -> memref<1x125x64xf32, #tpu.memory_space<vmem>>
        %dma_wait3A_159 = tpu.memref_squeeze %dma_wait3A_158 : memref<1x125x64xf32, #tpu.memory_space<vmem>> -> memref<125x64xf32, #tpu.memory_space<vmem>>
        %dma_wait3A_160 = arith.constant 0 : i32
        %dma_wait3A_161 = tpu.memref_slice %arg13[%add3A_115, %dma_wait3A_160] : memref<80x125xi32, #tpu.memory_space<vmem>> -> memref<1x125xi32, #tpu.memory_space<vmem>>
        %dma_wait3A_162 = tpu.memref_squeeze %dma_wait3A_161 : memref<1x125xi32, #tpu.memory_space<vmem>> -> memref<125xi32, #tpu.memory_space<vmem>>
        %dma_wait3A_163 = arith.constant 0 : i32
        %dma_wait3A_164 = arith.constant 0 : i32
        %dma_wait3A_165 = tpu.memref_slice %arg16[%dma_wait3A_163, %dma_wait3A_164] : memref<10240x64xf32, #tpu.memory_space<vmem_shared>> -> memref<10240x64xf32, #tpu.memory_space<vmem_shared>>
        tpu.wait_indirect_dma semaphore(%run_scoped3A_145 : memref<!tpu.dma_semaphore, #tpu.memory_space<semaphore_mem>>) src(%dma_wait3A_159 : memref<125x64xf32, #tpu.memory_space<vmem>>) dst(%dma_wait3A_165 : memref<10240x64xf32, #tpu.memory_space<vmem_shared>>)
        tpu.yield
      }) : () -> ()
      %dma_wait3A_117 = arith.constant 2 : i32
      %dma_wait3A_118 = arith.constant 0 : i32
      %dma_wait3A_119 = arith.constant 0 : i32
      %dma_wait3A_120 = tpu.memref_slice %arg14[%dma_wait3A_117, %dma_wait3A_118, %dma_wait3A_119] : memref<4x125x64xf32, #tpu.memory_space<vmem>> -> memref<1x125x64xf32, #tpu.memory_space<vmem>>
      %dma_wait3A_121 = tpu.memref_squeeze %dma_wait3A_120 : memref<1x125x64xf32, #tpu.memory_space<vmem>> -> memref<125x64xf32, #tpu.memory_space<vmem>>
      %dma_wait3A_122 = arith.constant 0 : i32
      %dma_wait3A_123 = tpu.memref_slice %arg12[%add3A_66, %dma_wait3A_122] : memref<80x125xi32, #tpu.memory_space<vmem>> -> memref<1x125xi32, #tpu.memory_space<vmem>>
      %dma_wait3A_124 = tpu.memref_squeeze %dma_wait3A_123 : memref<1x125xi32, #tpu.memory_space<vmem>> -> memref<125xi32, #tpu.memory_space<vmem>>
      %dma_wait3A_125 = arith.constant 0 : i32
      %dma_wait3A_126 = arith.constant 0 : i32
      %dma_wait3A_127 = tpu.memref_slice %arg3[%dma_wait3A_125, %dma_wait3A_126] : memref<10000x64xf32, #tpu.memory_space<hbm>> -> memref<10000x64xf32, #tpu.memory_space<hbm>>
      tpu.wait_indirect_dma semaphore(%arg20 : memref<!tpu.dma_semaphore, #tpu.memory_space<semaphore_mem>>) src(%dma_wait3A_127 : memref<10000x64xf32, #tpu.memory_space<hbm>>) dst(%dma_wait3A_121 : memref<125x64xf32, #tpu.memory_space<vmem>>)
      %add3A_128 = arith.constant 2 : i32
      %add3A_129 = arith.addi %mul3A_39, %add3A_128 : i32
      %run_scoped3A_130 = arith.constant 2 : i32
      "tpu.region"() ({
        %run_scoped3A_145 = tpu.sem_alloc : memref<!tpu.dma_semaphore, #tpu.memory_space<semaphore_mem>>
        %dma_start3A_146 = arith.constant 0 : i32
        %dma_start3A_147 = arith.constant 0 : i32
        %dma_start3A_148 = tpu.memref_slice %arg14[%run_scoped3A_130, %dma_start3A_146, %dma_start3A_147] : memref<4x125x64xf32, #tpu.memory_space<vmem>> -> memref<1x125x64xf32, #tpu.memory_space<vmem>>
        %dma_start3A_149 = tpu.memref_squeeze %dma_start3A_148 : memref<1x125x64xf32, #tpu.memory_space<vmem>> -> memref<125x64xf32, #tpu.memory_space<vmem>>
        %dma_start3A_150 = arith.constant 0 : i32
        %dma_start3A_151 = tpu.memref_slice %arg13[%add3A_129, %dma_start3A_150] : memref<80x125xi32, #tpu.memory_space<vmem>> -> memref<1x125xi32, #tpu.memory_space<vmem>>
        %dma_start3A_152 = tpu.memref_squeeze %dma_start3A_151 : memref<1x125xi32, #tpu.memory_space<vmem>> -> memref<125xi32, #tpu.memory_space<vmem>>
        %dma_start3A_153 = arith.constant 0 : i32
        %dma_start3A_154 = arith.constant 0 : i32
        %dma_start3A_155 = tpu.memref_slice %arg16[%dma_start3A_153, %dma_start3A_154] : memref<10240x64xf32, #tpu.memory_space<vmem_shared>> -> memref<10240x64xf32, #tpu.memory_space<vmem_shared>>
        tpu.enqueue_indirect_dma source(%dma_start3A_149 : memref<125x64xf32, #tpu.memory_space<vmem>>) target(%dma_start3A_155 : memref<10240x64xf32, #tpu.memory_space<vmem_shared>>) offsets(%dma_start3A_152 : memref<125xi32, #tpu.memory_space<vmem>>) semaphore(%run_scoped3A_145 : memref<!tpu.dma_semaphore, #tpu.memory_space<semaphore_mem>>) {add = true}
        %dma_wait3A_156 = arith.constant 0 : i32
        %dma_wait3A_157 = arith.constant 0 : i32
        %dma_wait3A_158 = tpu.memref_slice %arg14[%run_scoped3A_130, %dma_wait3A_156, %dma_wait3A_157] : memref<4x125x64xf32, #tpu.memory_space<vmem>> -> memref<1x125x64xf32, #tpu.memory_space<vmem>>
        %dma_wait3A_159 = tpu.memref_squeeze %dma_wait3A_158 : memref<1x125x64xf32, #tpu.memory_space<vmem>> -> memref<125x64xf32, #tpu.memory_space<vmem>>
        %dma_wait3A_160 = arith.constant 0 : i32
        %dma_wait3A_161 = tpu.memref_slice %arg13[%add3A_129, %dma_wait3A_160] : memref<80x125xi32, #tpu.memory_space<vmem>> -> memref<1x125xi32, #tpu.memory_space<vmem>>
        %dma_wait3A_162 = tpu.memref_squeeze %dma_wait3A_161 : memref<1x125xi32, #tpu.memory_space<vmem>> -> memref<125xi32, #tpu.memory_space<vmem>>
        %dma_wait3A_163 = arith.constant 0 : i32
        %dma_wait3A_164 = arith.constant 0 : i32
        %dma_wait3A_165 = tpu.memref_slice %arg16[%dma_wait3A_163, %dma_wait3A_164] : memref<10240x64xf32, #tpu.memory_space<vmem_shared>> -> memref<10240x64xf32, #tpu.memory_space<vmem_shared>>
        tpu.wait_indirect_dma semaphore(%run_scoped3A_145 : memref<!tpu.dma_semaphore, #tpu.memory_space<semaphore_mem>>) src(%dma_wait3A_159 : memref<125x64xf32, #tpu.memory_space<vmem>>) dst(%dma_wait3A_165 : memref<10240x64xf32, #tpu.memory_space<vmem_shared>>)
        tpu.yield
      }) : () -> ()
      %dma_wait3A_131 = arith.constant 3 : i32
      %dma_wait3A_132 = arith.constant 0 : i32
      %dma_wait3A_133 = arith.constant 0 : i32
      %dma_wait3A_134 = tpu.memref_slice %arg14[%dma_wait3A_131, %dma_wait3A_132, %dma_wait3A_133] : memref<4x125x64xf32, #tpu.memory_space<vmem>> -> memref<1x125x64xf32, #tpu.memory_space<vmem>>
      %dma_wait3A_135 = tpu.memref_squeeze %dma_wait3A_134 : memref<1x125x64xf32, #tpu.memory_space<vmem>> -> memref<125x64xf32, #tpu.memory_space<vmem>>
      %dma_wait3A_136 = arith.constant 0 : i32
      %dma_wait3A_137 = tpu.memref_slice %arg12[%add3A_79, %dma_wait3A_136] : memref<80x125xi32, #tpu.memory_space<vmem>> -> memref<1x125xi32, #tpu.memory_space<vmem>>
      %dma_wait3A_138 = tpu.memref_squeeze %dma_wait3A_137 : memref<1x125xi32, #tpu.memory_space<vmem>> -> memref<125xi32, #tpu.memory_space<vmem>>
      %dma_wait3A_139 = arith.constant 0 : i32
      %dma_wait3A_140 = arith.constant 0 : i32
      %dma_wait3A_141 = tpu.memref_slice %arg3[%dma_wait3A_139, %dma_wait3A_140] : memref<10000x64xf32, #tpu.memory_space<hbm>> -> memref<10000x64xf32, #tpu.memory_space<hbm>>
      tpu.wait_indirect_dma semaphore(%arg21 : memref<!tpu.dma_semaphore, #tpu.memory_space<semaphore_mem>>) src(%dma_wait3A_141 : memref<10000x64xf32, #tpu.memory_space<hbm>>) dst(%dma_wait3A_135 : memref<125x64xf32, #tpu.memory_space<vmem>>)
      %add3A_142 = arith.constant 3 : i32
      %add3A_143 = arith.addi %mul3A_39, %add3A_142 : i32
      %run_scoped3A_144 = arith.constant 3 : i32
      "tpu.region"() ({
        %run_scoped3A_145 = tpu.sem_alloc : memref<!tpu.dma_semaphore, #tpu.memory_space<semaphore_mem>>
        %dma_start3A_146 = arith.constant 0 : i32
        %dma_start3A_147 = arith.constant 0 : i32
        %dma_start3A_148 = tpu.memref_slice %arg14[%run_scoped3A_144, %dma_start3A_146, %dma_start3A_147] : memref<4x125x64xf32, #tpu.memory_space<vmem>> -> memref<1x125x64xf32, #tpu.memory_space<vmem>>
        %dma_start3A_149 = tpu.memref_squeeze %dma_start3A_148 : memref<1x125x64xf32, #tpu.memory_space<vmem>> -> memref<125x64xf32, #tpu.memory_space<vmem>>
        %dma_start3A_150 = arith.constant 0 : i32
        %dma_start3A_151 = tpu.memref_slice %arg13[%add3A_143, %dma_start3A_150] : memref<80x125xi32, #tpu.memory_space<vmem>> -> memref<1x125xi32, #tpu.memory_space<vmem>>
        %dma_start3A_152 = tpu.memref_squeeze %dma_start3A_151 : memref<1x125xi32, #tpu.memory_space<vmem>> -> memref<125xi32, #tpu.memory_space<vmem>>
        %dma_start3A_153 = arith.constant 0 : i32
        %dma_start3A_154 = arith.constant 0 : i32
        %dma_start3A_155 = tpu.memref_slice %arg16[%dma_start3A_153, %dma_start3A_154] : memref<10240x64xf32, #tpu.memory_space<vmem_shared>> -> memref<10240x64xf32, #tpu.memory_space<vmem_shared>>
        tpu.enqueue_indirect_dma source(%dma_start3A_149 : memref<125x64xf32, #tpu.memory_space<vmem>>) target(%dma_start3A_155 : memref<10240x64xf32, #tpu.memory_space<vmem_shared>>) offsets(%dma_start3A_152 : memref<125xi32, #tpu.memory_space<vmem>>) semaphore(%run_scoped3A_145 : memref<!tpu.dma_semaphore, #tpu.memory_space<semaphore_mem>>) {add = true}
        %dma_wait3A_156 = arith.constant 0 : i32
        %dma_wait3A_157 = arith.constant 0 : i32
        %dma_wait3A_158 = tpu.memref_slice %arg14[%run_scoped3A_144, %dma_wait3A_156, %dma_wait3A_157] : memref<4x125x64xf32, #tpu.memory_space<vmem>> -> memref<1x125x64xf32, #tpu.memory_space<vmem>>
        %dma_wait3A_159 = tpu.memref_squeeze %dma_wait3A_158 : memref<1x125x64xf32, #tpu.memory_space<vmem>> -> memref<125x64xf32, #tpu.memory_space<vmem>>
        %dma_wait3A_160 = arith.constant 0 : i32
        %dma_wait3A_161 = tpu.memref_slice %arg13[%add3A_143, %dma_wait3A_160] : memref<80x125xi32, #tpu.memory_space<vmem>> -> memref<1x125xi32, #tpu.memory_space<vmem>>
        %dma_wait3A_162 = tpu.memref_squeeze %dma_wait3A_161 : memref<1x125xi32, #tpu.memory_space<vmem>> -> memref<125xi32, #tpu.memory_space<vmem>>
        %dma_wait3A_163 = arith.constant 0 : i32
        %dma_wait3A_164 = arith.constant 0 : i32
        %dma_wait3A_165 = tpu.memref_slice %arg16[%dma_wait3A_163, %dma_wait3A_164] : memref<10240x64xf32, #tpu.memory_space<vmem_shared>> -> memref<10240x64xf32, #tpu.memory_space<vmem_shared>>
        tpu.wait_indirect_dma semaphore(%run_scoped3A_145 : memref<!tpu.dma_semaphore, #tpu.memory_space<semaphore_mem>>) src(%dma_wait3A_159 : memref<125x64xf32, #tpu.memory_space<vmem>>) dst(%dma_wait3A_165 : memref<10240x64xf32, #tpu.memory_space<vmem_shared>>)
        tpu.yield
      }) : () -> ()
    }
    %scan3A_31 = arith.constant 20 : i32
    %barrier3A_32 = arith.constant 0 : index
    tpu.barrier barrier_id(%barrier3A_32)
    %mul3A_33 = arith.constant 640 : i32
    %mul3A_34 = arith.muli %arg1, %mul3A_33 : i32
    %mul3A_35 = arith.constant 640 : i32
    %mul3A_36 = arith.muli %arg1, %mul3A_35 : i32
    "tpu.region"() ({
      %run_scoped3A = tpu.sem_alloc : memref<!tpu.dma_semaphore, #tpu.memory_space<semaphore_mem>>
      %dma_start3A = arith.constant 0 : i32
      %dma_start3A_37 = tpu.memref_slice %arg10[%arg0, %mul3A_36, %dma_start3A] : memref<2x10240x64xf32, #tpu.memory_space<hbm>> -> memref<1x640x64xf32, #tpu.memory_space<hbm>>
      %dma_start3A_38 = tpu.memref_squeeze %dma_start3A_37 : memref<1x640x64xf32, #tpu.memory_space<hbm>> -> memref<640x64xf32, #tpu.memory_space<hbm>>
      %dma_start3A_39 = arith.constant 0 : i32
      %dma_start3A_40 = tpu.memref_slice %arg16[%mul3A_34, %dma_start3A_39] : memref<10240x64xf32, #tpu.memory_space<vmem_shared>> -> memref<640x64xf32, #tpu.memory_space<vmem_shared>>
      tpu.enqueue_dma source(%dma_start3A_40 : memref<640x64xf32, #tpu.memory_space<vmem_shared>>) target(%dma_start3A_38 : memref<640x64xf32, #tpu.memory_space<hbm>>) target_semaphore(%run_scoped3A : memref<!tpu.dma_semaphore, #tpu.memory_space<semaphore_mem>>)
      %dma_wait3A = arith.constant 0 : i32
      %dma_wait3A_41 = tpu.memref_slice %arg10[%arg0, %mul3A_36, %dma_wait3A] : memref<2x10240x64xf32, #tpu.memory_space<hbm>> -> memref<1x640x64xf32, #tpu.memory_space<hbm>>
      %dma_wait3A_42 = tpu.memref_squeeze %dma_wait3A_41 : memref<1x640x64xf32, #tpu.memory_space<hbm>> -> memref<640x64xf32, #tpu.memory_space<hbm>>
      %dma_wait3A_43 = arith.constant 0 : i32
      %dma_wait3A_44 = tpu.memref_slice %arg16[%mul3A_34, %dma_wait3A_43] : memref<10240x64xf32, #tpu.memory_space<vmem_shared>> -> memref<640x64xf32, #tpu.memory_space<vmem_shared>>
      tpu.wait_dma2 semaphore(%run_scoped3A : memref<!tpu.dma_semaphore, #tpu.memory_space<semaphore_mem>>) src(%dma_wait3A_44 : memref<640x64xf32, #tpu.memory_space<vmem_shared>>) dst(%dma_wait3A_42 : memref<640x64xf32, #tpu.memory_space<hbm>>)
      tpu.yield
    }) : () -> ()
    return
  }
}

#map = affine_map<(d0, d1) -> (0, 0)>
#map1 = affine_map<(d0, d1) -> (0, 0, 0)>
module attributes {stable_mosaic.version = 14 : i64} {
  func.func @_sc_segment_sum_body(%arg0: i32, %arg1: i32, %arg2: memref<10000x16xf32, #tpu.memory_space<hbm>>, %arg3: memref<32x16x625xi32, #tpu.memory_space<hbm>>, %arg4: memref<32x16x625xi32, #tpu.memory_space<hbm>>, %arg5: memref<10240x16xf32, #tpu.memory_space<hbm>>, %arg6: memref<2x10240x16xf32, #tpu.memory_space<hbm>>, %arg7: memref<16x625xi32, #tpu.memory_space<vmem>>, %arg8: memref<16x625xi32, #tpu.memory_space<vmem>>, %arg9: memref<8x625x16xf32, #tpu.memory_space<vmem>>, %arg10: memref<10240x16xf32, #tpu.memory_space<vmem_shared>>, %arg11: memref<!tpu.dma_semaphore, #tpu.memory_space<semaphore_mem>>, %arg12: memref<!tpu.dma_semaphore, #tpu.memory_space<semaphore_mem>>, %arg13: memref<!tpu.dma_semaphore, #tpu.memory_space<semaphore_mem>>, %arg14: memref<!tpu.dma_semaphore, #tpu.memory_space<semaphore_mem>>, %arg15: memref<!tpu.dma_semaphore, #tpu.memory_space<semaphore_mem>>, %arg16: memref<!tpu.dma_semaphore, #tpu.memory_space<semaphore_mem>>, %arg17: memref<!tpu.dma_semaphore, #tpu.memory_space<semaphore_mem>>, %arg18: memref<!tpu.dma_semaphore, #tpu.memory_space<semaphore_mem>>) attributes {dimension_semantics = [#tpu.dimension_semantics<core_parallel>, #tpu.dimension_semantics<subcore_parallel>], iteration_bounds = array<i64: 2, 16>, scalar_prefetch = 0 : i64, scratch_operands = 12 : i64, tpu.core_type = #tpu.core_type<sc_vector_subcore>, window_params = [{transform_indices = #map}, {transform_indices = #map1}, {transform_indices = #map1}, {transform_indices = #map}, {transform_indices = #map1}]} {
    %mul3A = arith.constant 16 : i32
    %mul3A_0 = arith.muli %arg0, %mul3A : i32
    %add3A = arith.addi %mul3A_0, %arg1 : i32
    %mul3A_1 = arith.constant 640 : i32
    %mul3A_2 = arith.muli %arg1, %mul3A_1 : i32
    %mul3A_3 = arith.constant 640 : i32
    %mul3A_4 = arith.muli %arg1, %mul3A_3 : i32
    "tpu.region"() ({
      %run_scoped3A = tpu.sem_alloc : memref<!tpu.dma_semaphore, #tpu.memory_space<semaphore_mem>>
      %dma_start3A = arith.constant 0 : i32
      %dma_start3A_14 = tpu.memref_slice %arg10[%mul3A_4, %dma_start3A] : memref<10240x16xf32, #tpu.memory_space<vmem_shared>> -> memref<640x16xf32, #tpu.memory_space<vmem_shared>>
      %dma_start3A_15 = arith.constant 0 : i32
      %dma_start3A_16 = tpu.memref_slice %arg5[%mul3A_2, %dma_start3A_15] : memref<10240x16xf32, #tpu.memory_space<hbm>> -> memref<640x16xf32, #tpu.memory_space<hbm>>
      tpu.enqueue_dma source(%dma_start3A_16 : memref<640x16xf32, #tpu.memory_space<hbm>>) target(%dma_start3A_14 : memref<640x16xf32, #tpu.memory_space<vmem_shared>>) target_semaphore(%run_scoped3A : memref<!tpu.dma_semaphore, #tpu.memory_space<semaphore_mem>>)
      %dma_wait3A = arith.constant 0 : i32
      %dma_wait3A_17 = tpu.memref_slice %arg10[%mul3A_4, %dma_wait3A] : memref<10240x16xf32, #tpu.memory_space<vmem_shared>> -> memref<640x16xf32, #tpu.memory_space<vmem_shared>>
      %dma_wait3A_18 = arith.constant 0 : i32
      %dma_wait3A_19 = tpu.memref_slice %arg5[%mul3A_2, %dma_wait3A_18] : memref<10240x16xf32, #tpu.memory_space<hbm>> -> memref<640x16xf32, #tpu.memory_space<hbm>>
      tpu.wait_dma2 semaphore(%run_scoped3A : memref<!tpu.dma_semaphore, #tpu.memory_space<semaphore_mem>>) src(%dma_wait3A_19 : memref<640x16xf32, #tpu.memory_space<hbm>>) dst(%dma_wait3A_17 : memref<640x16xf32, #tpu.memory_space<vmem_shared>>)
      tpu.yield
    }) : () -> ()
    "tpu.region"() ({
      %run_scoped3A = tpu.sem_alloc : memref<!tpu.dma_semaphore, #tpu.memory_space<semaphore_mem>>
      %dma_start3A = arith.constant 0 : i32
      %dma_start3A_14 = arith.constant 0 : i32
      %dma_start3A_15 = tpu.memref_slice %arg3[%add3A, %dma_start3A, %dma_start3A_14] : memref<32x16x625xi32, #tpu.memory_space<hbm>> -> memref<1x16x625xi32, #tpu.memory_space<hbm>>
      %dma_start3A_16 = tpu.memref_squeeze %dma_start3A_15 : memref<1x16x625xi32, #tpu.memory_space<hbm>> -> memref<16x625xi32, #tpu.memory_space<hbm>>
      %dma_start3A_17 = arith.constant 0 : i32
      %dma_start3A_18 = arith.constant 0 : i32
      %dma_start3A_19 = tpu.memref_slice %arg3[%add3A, %dma_start3A_17, %dma_start3A_18] : memref<32x16x625xi32, #tpu.memory_space<hbm>> -> memref<1x16x625xi32, #tpu.memory_space<hbm>>
      %dma_start3A_20 = tpu.memref_squeeze %dma_start3A_19 : memref<1x16x625xi32, #tpu.memory_space<hbm>> -> memref<16x625xi32, #tpu.memory_space<hbm>>
      tpu.enqueue_dma source(%dma_start3A_20 : memref<16x625xi32, #tpu.memory_space<hbm>>) target(%arg7 : memref<16x625xi32, #tpu.memory_space<vmem>>) target_semaphore(%run_scoped3A : memref<!tpu.dma_semaphore, #tpu.memory_space<semaphore_mem>>)
      %dma_wait3A = arith.constant 0 : i32
      %dma_wait3A_21 = arith.constant 0 : i32
      %dma_wait3A_22 = tpu.memref_slice %arg3[%add3A, %dma_wait3A, %dma_wait3A_21] : memref<32x16x625xi32, #tpu.memory_space<hbm>> -> memref<1x16x625xi32, #tpu.memory_space<hbm>>
      %dma_wait3A_23 = tpu.memref_squeeze %dma_wait3A_22 : memref<1x16x625xi32, #tpu.memory_space<hbm>> -> memref<16x625xi32, #tpu.memory_space<hbm>>
      %dma_wait3A_24 = arith.constant 0 : i32
      %dma_wait3A_25 = arith.constant 0 : i32
      %dma_wait3A_26 = tpu.memref_slice %arg3[%add3A, %dma_wait3A_24, %dma_wait3A_25] : memref<32x16x625xi32, #tpu.memory_space<hbm>> -> memref<1x16x625xi32, #tpu.memory_space<hbm>>
      %dma_wait3A_27 = tpu.memref_squeeze %dma_wait3A_26 : memref<1x16x625xi32, #tpu.memory_space<hbm>> -> memref<16x625xi32, #tpu.memory_space<hbm>>
      tpu.wait_dma2 semaphore(%run_scoped3A : memref<!tpu.dma_semaphore, #tpu.memory_space<semaphore_mem>>) src(%dma_wait3A_27 : memref<16x625xi32, #tpu.memory_space<hbm>>) dst(%arg7 : memref<16x625xi32, #tpu.memory_space<vmem>>)
      tpu.yield
    }) : () -> ()
    "tpu.region"() ({
      %run_scoped3A = tpu.sem_alloc : memref<!tpu.dma_semaphore, #tpu.memory_space<semaphore_mem>>
      %dma_start3A = arith.constant 0 : i32
      %dma_start3A_14 = arith.constant 0 : i32
      %dma_start3A_15 = tpu.memref_slice %arg4[%add3A, %dma_start3A, %dma_start3A_14] : memref<32x16x625xi32, #tpu.memory_space<hbm>> -> memref<1x16x625xi32, #tpu.memory_space<hbm>>
      %dma_start3A_16 = tpu.memref_squeeze %dma_start3A_15 : memref<1x16x625xi32, #tpu.memory_space<hbm>> -> memref<16x625xi32, #tpu.memory_space<hbm>>
      %dma_start3A_17 = arith.constant 0 : i32
      %dma_start3A_18 = arith.constant 0 : i32
      %dma_start3A_19 = tpu.memref_slice %arg4[%add3A, %dma_start3A_17, %dma_start3A_18] : memref<32x16x625xi32, #tpu.memory_space<hbm>> -> memref<1x16x625xi32, #tpu.memory_space<hbm>>
      %dma_start3A_20 = tpu.memref_squeeze %dma_start3A_19 : memref<1x16x625xi32, #tpu.memory_space<hbm>> -> memref<16x625xi32, #tpu.memory_space<hbm>>
      tpu.enqueue_dma source(%dma_start3A_20 : memref<16x625xi32, #tpu.memory_space<hbm>>) target(%arg8 : memref<16x625xi32, #tpu.memory_space<vmem>>) target_semaphore(%run_scoped3A : memref<!tpu.dma_semaphore, #tpu.memory_space<semaphore_mem>>)
      %dma_wait3A = arith.constant 0 : i32
      %dma_wait3A_21 = arith.constant 0 : i32
      %dma_wait3A_22 = tpu.memref_slice %arg4[%add3A, %dma_wait3A, %dma_wait3A_21] : memref<32x16x625xi32, #tpu.memory_space<hbm>> -> memref<1x16x625xi32, #tpu.memory_space<hbm>>
      %dma_wait3A_23 = tpu.memref_squeeze %dma_wait3A_22 : memref<1x16x625xi32, #tpu.memory_space<hbm>> -> memref<16x625xi32, #tpu.memory_space<hbm>>
      %dma_wait3A_24 = arith.constant 0 : i32
      %dma_wait3A_25 = arith.constant 0 : i32
      %dma_wait3A_26 = tpu.memref_slice %arg4[%add3A, %dma_wait3A_24, %dma_wait3A_25] : memref<32x16x625xi32, #tpu.memory_space<hbm>> -> memref<1x16x625xi32, #tpu.memory_space<hbm>>
      %dma_wait3A_27 = tpu.memref_squeeze %dma_wait3A_26 : memref<1x16x625xi32, #tpu.memory_space<hbm>> -> memref<16x625xi32, #tpu.memory_space<hbm>>
      tpu.wait_dma2 semaphore(%run_scoped3A : memref<!tpu.dma_semaphore, #tpu.memory_space<semaphore_mem>>) src(%dma_wait3A_27 : memref<16x625xi32, #tpu.memory_space<hbm>>) dst(%arg8 : memref<16x625xi32, #tpu.memory_space<vmem>>)
      tpu.yield
    }) : () -> ()
    %barrier3A = arith.constant 0 : index
    tpu.barrier barrier_id(%barrier3A)
    %scan3A = arith.constant 0 : i32
    %scan3A_5 = arith.constant 2 : i32
    %scan3A_6 = arith.addi %scan3A, %scan3A_5 : i32
    %scan3A_7 = arith.constant 1 : i32
    scf.for %scan3A_14 = %scan3A to %scan3A_6 step %scan3A_7  : i32 {
      %mul3A_15 = arith.constant 8 : i32
      %mul3A_16 = arith.muli %scan3A_14, %mul3A_15 : i32
      %add3A_17 = arith.constant 0 : i32
      %add3A_18 = arith.addi %mul3A_16, %add3A_17 : i32
      %dma_start3A = arith.constant 0 : i32
      %dma_start3A_19 = arith.constant 0 : i32
      %dma_start3A_20 = arith.constant 0 : i32
      %dma_start3A_21 = tpu.memref_slice %arg9[%dma_start3A, %dma_start3A_19, %dma_start3A_20] : memref<8x625x16xf32, #tpu.memory_space<vmem>> -> memref<1x625x16xf32, #tpu.memory_space<vmem>>
      %dma_start3A_22 = tpu.memref_squeeze %dma_start3A_21 : memref<1x625x16xf32, #tpu.memory_space<vmem>> -> memref<625x16xf32, #tpu.memory_space<vmem>>
      %dma_start3A_23 = arith.constant 0 : i32
      %dma_start3A_24 = tpu.memref_slice %arg7[%add3A_18, %dma_start3A_23] : memref<16x625xi32, #tpu.memory_space<vmem>> -> memref<1x625xi32, #tpu.memory_space<vmem>>
      %dma_start3A_25 = tpu.memref_squeeze %dma_start3A_24 : memref<1x625xi32, #tpu.memory_space<vmem>> -> memref<625xi32, #tpu.memory_space<vmem>>
      %dma_start3A_26 = arith.constant 0 : i32
      %dma_start3A_27 = arith.constant 0 : i32
      %dma_start3A_28 = tpu.memref_slice %arg2[%dma_start3A_26, %dma_start3A_27] : memref<10000x16xf32, #tpu.memory_space<hbm>> -> memref<10000x16xf32, #tpu.memory_space<hbm>>
      tpu.enqueue_indirect_dma source(%dma_start3A_28 : memref<10000x16xf32, #tpu.memory_space<hbm>>) target(%dma_start3A_22 : memref<625x16xf32, #tpu.memory_space<vmem>>) offsets(%dma_start3A_25 : memref<625xi32, #tpu.memory_space<vmem>>) semaphore(%arg11 : memref<!tpu.dma_semaphore, #tpu.memory_space<semaphore_mem>>)
      %add3A_29 = arith.constant 1 : i32
      %add3A_30 = arith.addi %mul3A_16, %add3A_29 : i32
      %dma_start3A_31 = arith.constant 1 : i32
      %dma_start3A_32 = arith.constant 0 : i32
      %dma_start3A_33 = arith.constant 0 : i32
      %dma_start3A_34 = tpu.memref_slice %arg9[%dma_start3A_31, %dma_start3A_32, %dma_start3A_33] : memref<8x625x16xf32, #tpu.memory_space<vmem>> -> memref<1x625x16xf32, #tpu.memory_space<vmem>>
      %dma_start3A_35 = tpu.memref_squeeze %dma_start3A_34 : memref<1x625x16xf32, #tpu.memory_space<vmem>> -> memref<625x16xf32, #tpu.memory_space<vmem>>
      %dma_start3A_36 = arith.constant 0 : i32
      %dma_start3A_37 = tpu.memref_slice %arg7[%add3A_30, %dma_start3A_36] : memref<16x625xi32, #tpu.memory_space<vmem>> -> memref<1x625xi32, #tpu.memory_space<vmem>>
      %dma_start3A_38 = tpu.memref_squeeze %dma_start3A_37 : memref<1x625xi32, #tpu.memory_space<vmem>> -> memref<625xi32, #tpu.memory_space<vmem>>
      %dma_start3A_39 = arith.constant 0 : i32
      %dma_start3A_40 = arith.constant 0 : i32
      %dma_start3A_41 = tpu.memref_slice %arg2[%dma_start3A_39, %dma_start3A_40] : memref<10000x16xf32, #tpu.memory_space<hbm>> -> memref<10000x16xf32, #tpu.memory_space<hbm>>
      tpu.enqueue_indirect_dma source(%dma_start3A_41 : memref<10000x16xf32, #tpu.memory_space<hbm>>) target(%dma_start3A_35 : memref<625x16xf32, #tpu.memory_space<vmem>>) offsets(%dma_start3A_38 : memref<625xi32, #tpu.memory_space<vmem>>) semaphore(%arg12 : memref<!tpu.dma_semaphore, #tpu.memory_space<semaphore_mem>>)
      %add3A_42 = arith.constant 2 : i32
      %add3A_43 = arith.addi %mul3A_16, %add3A_42 : i32
      %dma_start3A_44 = arith.constant 2 : i32
      %dma_start3A_45 = arith.constant 0 : i32
      %dma_start3A_46 = arith.constant 0 : i32
      %dma_start3A_47 = tpu.memref_slice %arg9[%dma_start3A_44, %dma_start3A_45, %dma_start3A_46] : memref<8x625x16xf32, #tpu.memory_space<vmem>> -> memref<1x625x16xf32, #tpu.memory_space<vmem>>
      %dma_start3A_48 = tpu.memref_squeeze %dma_start3A_47 : memref<1x625x16xf32, #tpu.memory_space<vmem>> -> memref<625x16xf32, #tpu.memory_space<vmem>>
      %dma_start3A_49 = arith.constant 0 : i32
      %dma_start3A_50 = tpu.memref_slice %arg7[%add3A_43, %dma_start3A_49] : memref<16x625xi32, #tpu.memory_space<vmem>> -> memref<1x625xi32, #tpu.memory_space<vmem>>
      %dma_start3A_51 = tpu.memref_squeeze %dma_start3A_50 : memref<1x625xi32, #tpu.memory_space<vmem>> -> memref<625xi32, #tpu.memory_space<vmem>>
      %dma_start3A_52 = arith.constant 0 : i32
      %dma_start3A_53 = arith.constant 0 : i32
      %dma_start3A_54 = tpu.memref_slice %arg2[%dma_start3A_52, %dma_start3A_53] : memref<10000x16xf32, #tpu.memory_space<hbm>> -> memref<10000x16xf32, #tpu.memory_space<hbm>>
      tpu.enqueue_indirect_dma source(%dma_start3A_54 : memref<10000x16xf32, #tpu.memory_space<hbm>>) target(%dma_start3A_48 : memref<625x16xf32, #tpu.memory_space<vmem>>) offsets(%dma_start3A_51 : memref<625xi32, #tpu.memory_space<vmem>>) semaphore(%arg13 : memref<!tpu.dma_semaphore, #tpu.memory_space<semaphore_mem>>)
      %add3A_55 = arith.constant 3 : i32
      %add3A_56 = arith.addi %mul3A_16, %add3A_55 : i32
      %dma_start3A_57 = arith.constant 3 : i32
      %dma_start3A_58 = arith.constant 0 : i32
      %dma_start3A_59 = arith.constant 0 : i32
      %dma_start3A_60 = tpu.memref_slice %arg9[%dma_start3A_57, %dma_start3A_58, %dma_start3A_59] : memref<8x625x16xf32, #tpu.memory_space<vmem>> -> memref<1x625x16xf32, #tpu.memory_space<vmem>>
      %dma_start3A_61 = tpu.memref_squeeze %dma_start3A_60 : memref<1x625x16xf32, #tpu.memory_space<vmem>> -> memref<625x16xf32, #tpu.memory_space<vmem>>
      %dma_start3A_62 = arith.constant 0 : i32
      %dma_start3A_63 = tpu.memref_slice %arg7[%add3A_56, %dma_start3A_62] : memref<16x625xi32, #tpu.memory_space<vmem>> -> memref<1x625xi32, #tpu.memory_space<vmem>>
      %dma_start3A_64 = tpu.memref_squeeze %dma_start3A_63 : memref<1x625xi32, #tpu.memory_space<vmem>> -> memref<625xi32, #tpu.memory_space<vmem>>
      %dma_start3A_65 = arith.constant 0 : i32
      %dma_start3A_66 = arith.constant 0 : i32
      %dma_start3A_67 = tpu.memref_slice %arg2[%dma_start3A_65, %dma_start3A_66] : memref<10000x16xf32, #tpu.memory_space<hbm>> -> memref<10000x16xf32, #tpu.memory_space<hbm>>
      tpu.enqueue_indirect_dma source(%dma_start3A_67 : memref<10000x16xf32, #tpu.memory_space<hbm>>) target(%dma_start3A_61 : memref<625x16xf32, #tpu.memory_space<vmem>>) offsets(%dma_start3A_64 : memref<625xi32, #tpu.memory_space<vmem>>) semaphore(%arg14 : memref<!tpu.dma_semaphore, #tpu.memory_space<semaphore_mem>>)
      %add3A_68 = arith.constant 4 : i32
      %add3A_69 = arith.addi %mul3A_16, %add3A_68 : i32
      %dma_start3A_70 = arith.constant 4 : i32
      %dma_start3A_71 = arith.constant 0 : i32
      %dma_start3A_72 = arith.constant 0 : i32
      %dma_start3A_73 = tpu.memref_slice %arg9[%dma_start3A_70, %dma_start3A_71, %dma_start3A_72] : memref<8x625x16xf32, #tpu.memory_space<vmem>> -> memref<1x625x16xf32, #tpu.memory_space<vmem>>
      %dma_start3A_74 = tpu.memref_squeeze %dma_start3A_73 : memref<1x625x16xf32, #tpu.memory_space<vmem>> -> memref<625x16xf32, #tpu.memory_space<vmem>>
      %dma_start3A_75 = arith.constant 0 : i32
      %dma_start3A_76 = tpu.memref_slice %arg7[%add3A_69, %dma_start3A_75] : memref<16x625xi32, #tpu.memory_space<vmem>> -> memref<1x625xi32, #tpu.memory_space<vmem>>
      %dma_start3A_77 = tpu.memref_squeeze %dma_start3A_76 : memref<1x625xi32, #tpu.memory_space<vmem>> -> memref<625xi32, #tpu.memory_space<vmem>>
      %dma_start3A_78 = arith.constant 0 : i32
      %dma_start3A_79 = arith.constant 0 : i32
      %dma_start3A_80 = tpu.memref_slice %arg2[%dma_start3A_78, %dma_start3A_79] : memref<10000x16xf32, #tpu.memory_space<hbm>> -> memref<10000x16xf32, #tpu.memory_space<hbm>>
      tpu.enqueue_indirect_dma source(%dma_start3A_80 : memref<10000x16xf32, #tpu.memory_space<hbm>>) target(%dma_start3A_74 : memref<625x16xf32, #tpu.memory_space<vmem>>) offsets(%dma_start3A_77 : memref<625xi32, #tpu.memory_space<vmem>>) semaphore(%arg15 : memref<!tpu.dma_semaphore, #tpu.memory_space<semaphore_mem>>)
      %add3A_81 = arith.constant 5 : i32
      %add3A_82 = arith.addi %mul3A_16, %add3A_81 : i32
      %dma_start3A_83 = arith.constant 5 : i32
      %dma_start3A_84 = arith.constant 0 : i32
      %dma_start3A_85 = arith.constant 0 : i32
      %dma_start3A_86 = tpu.memref_slice %arg9[%dma_start3A_83, %dma_start3A_84, %dma_start3A_85] : memref<8x625x16xf32, #tpu.memory_space<vmem>> -> memref<1x625x16xf32, #tpu.memory_space<vmem>>
      %dma_start3A_87 = tpu.memref_squeeze %dma_start3A_86 : memref<1x625x16xf32, #tpu.memory_space<vmem>> -> memref<625x16xf32, #tpu.memory_space<vmem>>
      %dma_start3A_88 = arith.constant 0 : i32
      %dma_start3A_89 = tpu.memref_slice %arg7[%add3A_82, %dma_start3A_88] : memref<16x625xi32, #tpu.memory_space<vmem>> -> memref<1x625xi32, #tpu.memory_space<vmem>>
      %dma_start3A_90 = tpu.memref_squeeze %dma_start3A_89 : memref<1x625xi32, #tpu.memory_space<vmem>> -> memref<625xi32, #tpu.memory_space<vmem>>
      %dma_start3A_91 = arith.constant 0 : i32
      %dma_start3A_92 = arith.constant 0 : i32
      %dma_start3A_93 = tpu.memref_slice %arg2[%dma_start3A_91, %dma_start3A_92] : memref<10000x16xf32, #tpu.memory_space<hbm>> -> memref<10000x16xf32, #tpu.memory_space<hbm>>
      tpu.enqueue_indirect_dma source(%dma_start3A_93 : memref<10000x16xf32, #tpu.memory_space<hbm>>) target(%dma_start3A_87 : memref<625x16xf32, #tpu.memory_space<vmem>>) offsets(%dma_start3A_90 : memref<625xi32, #tpu.memory_space<vmem>>) semaphore(%arg16 : memref<!tpu.dma_semaphore, #tpu.memory_space<semaphore_mem>>)
      %add3A_94 = arith.constant 6 : i32
      %add3A_95 = arith.addi %mul3A_16, %add3A_94 : i32
      %dma_start3A_96 = arith.constant 6 : i32
      %dma_start3A_97 = arith.constant 0 : i32
      %dma_start3A_98 = arith.constant 0 : i32
      %dma_start3A_99 = tpu.memref_slice %arg9[%dma_start3A_96, %dma_start3A_97, %dma_start3A_98] : memref<8x625x16xf32, #tpu.memory_space<vmem>> -> memref<1x625x16xf32, #tpu.memory_space<vmem>>
      %dma_start3A_100 = tpu.memref_squeeze %dma_start3A_99 : memref<1x625x16xf32, #tpu.memory_space<vmem>> -> memref<625x16xf32, #tpu.memory_space<vmem>>
      %dma_start3A_101 = arith.constant 0 : i32
      %dma_start3A_102 = tpu.memref_slice %arg7[%add3A_95, %dma_start3A_101] : memref<16x625xi32, #tpu.memory_space<vmem>> -> memref<1x625xi32, #tpu.memory_space<vmem>>
      %dma_start3A_103 = tpu.memref_squeeze %dma_start3A_102 : memref<1x625xi32, #tpu.memory_space<vmem>> -> memref<625xi32, #tpu.memory_space<vmem>>
      %dma_start3A_104 = arith.constant 0 : i32
      %dma_start3A_105 = arith.constant 0 : i32
      %dma_start3A_106 = tpu.memref_slice %arg2[%dma_start3A_104, %dma_start3A_105] : memref<10000x16xf32, #tpu.memory_space<hbm>> -> memref<10000x16xf32, #tpu.memory_space<hbm>>
      tpu.enqueue_indirect_dma source(%dma_start3A_106 : memref<10000x16xf32, #tpu.memory_space<hbm>>) target(%dma_start3A_100 : memref<625x16xf32, #tpu.memory_space<vmem>>) offsets(%dma_start3A_103 : memref<625xi32, #tpu.memory_space<vmem>>) semaphore(%arg17 : memref<!tpu.dma_semaphore, #tpu.memory_space<semaphore_mem>>)
      %add3A_107 = arith.constant 7 : i32
      %add3A_108 = arith.addi %mul3A_16, %add3A_107 : i32
      %dma_start3A_109 = arith.constant 7 : i32
      %dma_start3A_110 = arith.constant 0 : i32
      %dma_start3A_111 = arith.constant 0 : i32
      %dma_start3A_112 = tpu.memref_slice %arg9[%dma_start3A_109, %dma_start3A_110, %dma_start3A_111] : memref<8x625x16xf32, #tpu.memory_space<vmem>> -> memref<1x625x16xf32, #tpu.memory_space<vmem>>
      %dma_start3A_113 = tpu.memref_squeeze %dma_start3A_112 : memref<1x625x16xf32, #tpu.memory_space<vmem>> -> memref<625x16xf32, #tpu.memory_space<vmem>>
      %dma_start3A_114 = arith.constant 0 : i32
      %dma_start3A_115 = tpu.memref_slice %arg7[%add3A_108, %dma_start3A_114] : memref<16x625xi32, #tpu.memory_space<vmem>> -> memref<1x625xi32, #tpu.memory_space<vmem>>
      %dma_start3A_116 = tpu.memref_squeeze %dma_start3A_115 : memref<1x625xi32, #tpu.memory_space<vmem>> -> memref<625xi32, #tpu.memory_space<vmem>>
      %dma_start3A_117 = arith.constant 0 : i32
      %dma_start3A_118 = arith.constant 0 : i32
      %dma_start3A_119 = tpu.memref_slice %arg2[%dma_start3A_117, %dma_start3A_118] : memref<10000x16xf32, #tpu.memory_space<hbm>> -> memref<10000x16xf32, #tpu.memory_space<hbm>>
      tpu.enqueue_indirect_dma source(%dma_start3A_119 : memref<10000x16xf32, #tpu.memory_space<hbm>>) target(%dma_start3A_113 : memref<625x16xf32, #tpu.memory_space<vmem>>) offsets(%dma_start3A_116 : memref<625xi32, #tpu.memory_space<vmem>>) semaphore(%arg18 : memref<!tpu.dma_semaphore, #tpu.memory_space<semaphore_mem>>)
      %dma_wait3A = arith.constant 0 : i32
      %dma_wait3A_120 = arith.constant 0 : i32
      %dma_wait3A_121 = arith.constant 0 : i32
      %dma_wait3A_122 = tpu.memref_slice %arg9[%dma_wait3A, %dma_wait3A_120, %dma_wait3A_121] : memref<8x625x16xf32, #tpu.memory_space<vmem>> -> memref<1x625x16xf32, #tpu.memory_space<vmem>>
      %dma_wait3A_123 = tpu.memref_squeeze %dma_wait3A_122 : memref<1x625x16xf32, #tpu.memory_space<vmem>> -> memref<625x16xf32, #tpu.memory_space<vmem>>
      %dma_wait3A_124 = arith.constant 0 : i32
      %dma_wait3A_125 = tpu.memref_slice %arg7[%add3A_18, %dma_wait3A_124] : memref<16x625xi32, #tpu.memory_space<vmem>> -> memref<1x625xi32, #tpu.memory_space<vmem>>
      %dma_wait3A_126 = tpu.memref_squeeze %dma_wait3A_125 : memref<1x625xi32, #tpu.memory_space<vmem>> -> memref<625xi32, #tpu.memory_space<vmem>>
      %dma_wait3A_127 = arith.constant 0 : i32
      %dma_wait3A_128 = arith.constant 0 : i32
      %dma_wait3A_129 = tpu.memref_slice %arg2[%dma_wait3A_127, %dma_wait3A_128] : memref<10000x16xf32, #tpu.memory_space<hbm>> -> memref<10000x16xf32, #tpu.memory_space<hbm>>
      tpu.wait_indirect_dma semaphore(%arg11 : memref<!tpu.dma_semaphore, #tpu.memory_space<semaphore_mem>>) src(%dma_wait3A_129 : memref<10000x16xf32, #tpu.memory_space<hbm>>) dst(%dma_wait3A_123 : memref<625x16xf32, #tpu.memory_space<vmem>>)
      %add3A_130 = arith.constant 0 : i32
      %add3A_131 = arith.addi %mul3A_16, %add3A_130 : i32
      %run_scoped3A = arith.constant 0 : i32
      "tpu.region"() ({
        %run_scoped3A_230 = tpu.sem_alloc : memref<!tpu.dma_semaphore, #tpu.memory_space<semaphore_mem>>
        %dma_start3A_231 = arith.constant 0 : i32
        %dma_start3A_232 = arith.constant 0 : i32
        %dma_start3A_233 = tpu.memref_slice %arg9[%run_scoped3A, %dma_start3A_231, %dma_start3A_232] : memref<8x625x16xf32, #tpu.memory_space<vmem>> -> memref<1x625x16xf32, #tpu.memory_space<vmem>>
        %dma_start3A_234 = tpu.memref_squeeze %dma_start3A_233 : memref<1x625x16xf32, #tpu.memory_space<vmem>> -> memref<625x16xf32, #tpu.memory_space<vmem>>
        %dma_start3A_235 = arith.constant 0 : i32
        %dma_start3A_236 = tpu.memref_slice %arg8[%add3A_131, %dma_start3A_235] : memref<16x625xi32, #tpu.memory_space<vmem>> -> memref<1x625xi32, #tpu.memory_space<vmem>>
        %dma_start3A_237 = tpu.memref_squeeze %dma_start3A_236 : memref<1x625xi32, #tpu.memory_space<vmem>> -> memref<625xi32, #tpu.memory_space<vmem>>
        %dma_start3A_238 = arith.constant 0 : i32
        %dma_start3A_239 = arith.constant 0 : i32
        %dma_start3A_240 = tpu.memref_slice %arg10[%dma_start3A_238, %dma_start3A_239] : memref<10240x16xf32, #tpu.memory_space<vmem_shared>> -> memref<10240x16xf32, #tpu.memory_space<vmem_shared>>
        tpu.enqueue_indirect_dma source(%dma_start3A_234 : memref<625x16xf32, #tpu.memory_space<vmem>>) target(%dma_start3A_240 : memref<10240x16xf32, #tpu.memory_space<vmem_shared>>) offsets(%dma_start3A_237 : memref<625xi32, #tpu.memory_space<vmem>>) semaphore(%run_scoped3A_230 : memref<!tpu.dma_semaphore, #tpu.memory_space<semaphore_mem>>) {add = true}
        %dma_wait3A_241 = arith.constant 0 : i32
        %dma_wait3A_242 = arith.constant 0 : i32
        %dma_wait3A_243 = tpu.memref_slice %arg9[%run_scoped3A, %dma_wait3A_241, %dma_wait3A_242] : memref<8x625x16xf32, #tpu.memory_space<vmem>> -> memref<1x625x16xf32, #tpu.memory_space<vmem>>
        %dma_wait3A_244 = tpu.memref_squeeze %dma_wait3A_243 : memref<1x625x16xf32, #tpu.memory_space<vmem>> -> memref<625x16xf32, #tpu.memory_space<vmem>>
        %dma_wait3A_245 = arith.constant 0 : i32
        %dma_wait3A_246 = tpu.memref_slice %arg8[%add3A_131, %dma_wait3A_245] : memref<16x625xi32, #tpu.memory_space<vmem>> -> memref<1x625xi32, #tpu.memory_space<vmem>>
        %dma_wait3A_247 = tpu.memref_squeeze %dma_wait3A_246 : memref<1x625xi32, #tpu.memory_space<vmem>> -> memref<625xi32, #tpu.memory_space<vmem>>
        %dma_wait3A_248 = arith.constant 0 : i32
        %dma_wait3A_249 = arith.constant 0 : i32
        %dma_wait3A_250 = tpu.memref_slice %arg10[%dma_wait3A_248, %dma_wait3A_249] : memref<10240x16xf32, #tpu.memory_space<vmem_shared>> -> memref<10240x16xf32, #tpu.memory_space<vmem_shared>>
        tpu.wait_indirect_dma semaphore(%run_scoped3A_230 : memref<!tpu.dma_semaphore, #tpu.memory_space<semaphore_mem>>) src(%dma_wait3A_244 : memref<625x16xf32, #tpu.memory_space<vmem>>) dst(%dma_wait3A_250 : memref<10240x16xf32, #tpu.memory_space<vmem_shared>>)
        tpu.yield
      }) : () -> ()
      %dma_wait3A_132 = arith.constant 1 : i32
      %dma_wait3A_133 = arith.constant 0 : i32
      %dma_wait3A_134 = arith.constant 0 : i32
      %dma_wait3A_135 = tpu.memref_slice %arg9[%dma_wait3A_132, %dma_wait3A_133, %dma_wait3A_134] : memref<8x625x16xf32, #tpu.memory_space<vmem>> -> memref<1x625x16xf32, #tpu.memory_space<vmem>>
      %dma_wait3A_136 = tpu.memref_squeeze %dma_wait3A_135 : memref<1x625x16xf32, #tpu.memory_space<vmem>> -> memref<625x16xf32, #tpu.memory_space<vmem>>
      %dma_wait3A_137 = arith.constant 0 : i32
      %dma_wait3A_138 = tpu.memref_slice %arg7[%add3A_30, %dma_wait3A_137] : memref<16x625xi32, #tpu.memory_space<vmem>> -> memref<1x625xi32, #tpu.memory_space<vmem>>
      %dma_wait3A_139 = tpu.memref_squeeze %dma_wait3A_138 : memref<1x625xi32, #tpu.memory_space<vmem>> -> memref<625xi32, #tpu.memory_space<vmem>>
      %dma_wait3A_140 = arith.constant 0 : i32
      %dma_wait3A_141 = arith.constant 0 : i32
      %dma_wait3A_142 = tpu.memref_slice %arg2[%dma_wait3A_140, %dma_wait3A_141] : memref<10000x16xf32, #tpu.memory_space<hbm>> -> memref<10000x16xf32, #tpu.memory_space<hbm>>
      tpu.wait_indirect_dma semaphore(%arg12 : memref<!tpu.dma_semaphore, #tpu.memory_space<semaphore_mem>>) src(%dma_wait3A_142 : memref<10000x16xf32, #tpu.memory_space<hbm>>) dst(%dma_wait3A_136 : memref<625x16xf32, #tpu.memory_space<vmem>>)
      %add3A_143 = arith.constant 1 : i32
      %add3A_144 = arith.addi %mul3A_16, %add3A_143 : i32
      %run_scoped3A_145 = arith.constant 1 : i32
      "tpu.region"() ({
        %run_scoped3A_230 = tpu.sem_alloc : memref<!tpu.dma_semaphore, #tpu.memory_space<semaphore_mem>>
        %dma_start3A_231 = arith.constant 0 : i32
        %dma_start3A_232 = arith.constant 0 : i32
        %dma_start3A_233 = tpu.memref_slice %arg9[%run_scoped3A_145, %dma_start3A_231, %dma_start3A_232] : memref<8x625x16xf32, #tpu.memory_space<vmem>> -> memref<1x625x16xf32, #tpu.memory_space<vmem>>
        %dma_start3A_234 = tpu.memref_squeeze %dma_start3A_233 : memref<1x625x16xf32, #tpu.memory_space<vmem>> -> memref<625x16xf32, #tpu.memory_space<vmem>>
        %dma_start3A_235 = arith.constant 0 : i32
        %dma_start3A_236 = tpu.memref_slice %arg8[%add3A_144, %dma_start3A_235] : memref<16x625xi32, #tpu.memory_space<vmem>> -> memref<1x625xi32, #tpu.memory_space<vmem>>
        %dma_start3A_237 = tpu.memref_squeeze %dma_start3A_236 : memref<1x625xi32, #tpu.memory_space<vmem>> -> memref<625xi32, #tpu.memory_space<vmem>>
        %dma_start3A_238 = arith.constant 0 : i32
        %dma_start3A_239 = arith.constant 0 : i32
        %dma_start3A_240 = tpu.memref_slice %arg10[%dma_start3A_238, %dma_start3A_239] : memref<10240x16xf32, #tpu.memory_space<vmem_shared>> -> memref<10240x16xf32, #tpu.memory_space<vmem_shared>>
        tpu.enqueue_indirect_dma source(%dma_start3A_234 : memref<625x16xf32, #tpu.memory_space<vmem>>) target(%dma_start3A_240 : memref<10240x16xf32, #tpu.memory_space<vmem_shared>>) offsets(%dma_start3A_237 : memref<625xi32, #tpu.memory_space<vmem>>) semaphore(%run_scoped3A_230 : memref<!tpu.dma_semaphore, #tpu.memory_space<semaphore_mem>>) {add = true}
        %dma_wait3A_241 = arith.constant 0 : i32
        %dma_wait3A_242 = arith.constant 0 : i32
        %dma_wait3A_243 = tpu.memref_slice %arg9[%run_scoped3A_145, %dma_wait3A_241, %dma_wait3A_242] : memref<8x625x16xf32, #tpu.memory_space<vmem>> -> memref<1x625x16xf32, #tpu.memory_space<vmem>>
        %dma_wait3A_244 = tpu.memref_squeeze %dma_wait3A_243 : memref<1x625x16xf32, #tpu.memory_space<vmem>> -> memref<625x16xf32, #tpu.memory_space<vmem>>
        %dma_wait3A_245 = arith.constant 0 : i32
        %dma_wait3A_246 = tpu.memref_slice %arg8[%add3A_144, %dma_wait3A_245] : memref<16x625xi32, #tpu.memory_space<vmem>> -> memref<1x625xi32, #tpu.memory_space<vmem>>
        %dma_wait3A_247 = tpu.memref_squeeze %dma_wait3A_246 : memref<1x625xi32, #tpu.memory_space<vmem>> -> memref<625xi32, #tpu.memory_space<vmem>>
        %dma_wait3A_248 = arith.constant 0 : i32
        %dma_wait3A_249 = arith.constant 0 : i32
        %dma_wait3A_250 = tpu.memref_slice %arg10[%dma_wait3A_248, %dma_wait3A_249] : memref<10240x16xf32, #tpu.memory_space<vmem_shared>> -> memref<10240x16xf32, #tpu.memory_space<vmem_shared>>
        tpu.wait_indirect_dma semaphore(%run_scoped3A_230 : memref<!tpu.dma_semaphore, #tpu.memory_space<semaphore_mem>>) src(%dma_wait3A_244 : memref<625x16xf32, #tpu.memory_space<vmem>>) dst(%dma_wait3A_250 : memref<10240x16xf32, #tpu.memory_space<vmem_shared>>)
        tpu.yield
      }) : () -> ()
      %dma_wait3A_146 = arith.constant 2 : i32
      %dma_wait3A_147 = arith.constant 0 : i32
      %dma_wait3A_148 = arith.constant 0 : i32
      %dma_wait3A_149 = tpu.memref_slice %arg9[%dma_wait3A_146, %dma_wait3A_147, %dma_wait3A_148] : memref<8x625x16xf32, #tpu.memory_space<vmem>> -> memref<1x625x16xf32, #tpu.memory_space<vmem>>
      %dma_wait3A_150 = tpu.memref_squeeze %dma_wait3A_149 : memref<1x625x16xf32, #tpu.memory_space<vmem>> -> memref<625x16xf32, #tpu.memory_space<vmem>>
      %dma_wait3A_151 = arith.constant 0 : i32
      %dma_wait3A_152 = tpu.memref_slice %arg7[%add3A_43, %dma_wait3A_151] : memref<16x625xi32, #tpu.memory_space<vmem>> -> memref<1x625xi32, #tpu.memory_space<vmem>>
      %dma_wait3A_153 = tpu.memref_squeeze %dma_wait3A_152 : memref<1x625xi32, #tpu.memory_space<vmem>> -> memref<625xi32, #tpu.memory_space<vmem>>
      %dma_wait3A_154 = arith.constant 0 : i32
      %dma_wait3A_155 = arith.constant 0 : i32
      %dma_wait3A_156 = tpu.memref_slice %arg2[%dma_wait3A_154, %dma_wait3A_155] : memref<10000x16xf32, #tpu.memory_space<hbm>> -> memref<10000x16xf32, #tpu.memory_space<hbm>>
      tpu.wait_indirect_dma semaphore(%arg13 : memref<!tpu.dma_semaphore, #tpu.memory_space<semaphore_mem>>) src(%dma_wait3A_156 : memref<10000x16xf32, #tpu.memory_space<hbm>>) dst(%dma_wait3A_150 : memref<625x16xf32, #tpu.memory_space<vmem>>)
      %add3A_157 = arith.constant 2 : i32
      %add3A_158 = arith.addi %mul3A_16, %add3A_157 : i32
      %run_scoped3A_159 = arith.constant 2 : i32
      "tpu.region"() ({
        %run_scoped3A_230 = tpu.sem_alloc : memref<!tpu.dma_semaphore, #tpu.memory_space<semaphore_mem>>
        %dma_start3A_231 = arith.constant 0 : i32
        %dma_start3A_232 = arith.constant 0 : i32
        %dma_start3A_233 = tpu.memref_slice %arg9[%run_scoped3A_159, %dma_start3A_231, %dma_start3A_232] : memref<8x625x16xf32, #tpu.memory_space<vmem>> -> memref<1x625x16xf32, #tpu.memory_space<vmem>>
        %dma_start3A_234 = tpu.memref_squeeze %dma_start3A_233 : memref<1x625x16xf32, #tpu.memory_space<vmem>> -> memref<625x16xf32, #tpu.memory_space<vmem>>
        %dma_start3A_235 = arith.constant 0 : i32
        %dma_start3A_236 = tpu.memref_slice %arg8[%add3A_158, %dma_start3A_235] : memref<16x625xi32, #tpu.memory_space<vmem>> -> memref<1x625xi32, #tpu.memory_space<vmem>>
        %dma_start3A_237 = tpu.memref_squeeze %dma_start3A_236 : memref<1x625xi32, #tpu.memory_space<vmem>> -> memref<625xi32, #tpu.memory_space<vmem>>
        %dma_start3A_238 = arith.constant 0 : i32
        %dma_start3A_239 = arith.constant 0 : i32
        %dma_start3A_240 = tpu.memref_slice %arg10[%dma_start3A_238, %dma_start3A_239] : memref<10240x16xf32, #tpu.memory_space<vmem_shared>> -> memref<10240x16xf32, #tpu.memory_space<vmem_shared>>
        tpu.enqueue_indirect_dma source(%dma_start3A_234 : memref<625x16xf32, #tpu.memory_space<vmem>>) target(%dma_start3A_240 : memref<10240x16xf32, #tpu.memory_space<vmem_shared>>) offsets(%dma_start3A_237 : memref<625xi32, #tpu.memory_space<vmem>>) semaphore(%run_scoped3A_230 : memref<!tpu.dma_semaphore, #tpu.memory_space<semaphore_mem>>) {add = true}
        %dma_wait3A_241 = arith.constant 0 : i32
        %dma_wait3A_242 = arith.constant 0 : i32
        %dma_wait3A_243 = tpu.memref_slice %arg9[%run_scoped3A_159, %dma_wait3A_241, %dma_wait3A_242] : memref<8x625x16xf32, #tpu.memory_space<vmem>> -> memref<1x625x16xf32, #tpu.memory_space<vmem>>
        %dma_wait3A_244 = tpu.memref_squeeze %dma_wait3A_243 : memref<1x625x16xf32, #tpu.memory_space<vmem>> -> memref<625x16xf32, #tpu.memory_space<vmem>>
        %dma_wait3A_245 = arith.constant 0 : i32
        %dma_wait3A_246 = tpu.memref_slice %arg8[%add3A_158, %dma_wait3A_245] : memref<16x625xi32, #tpu.memory_space<vmem>> -> memref<1x625xi32, #tpu.memory_space<vmem>>
        %dma_wait3A_247 = tpu.memref_squeeze %dma_wait3A_246 : memref<1x625xi32, #tpu.memory_space<vmem>> -> memref<625xi32, #tpu.memory_space<vmem>>
        %dma_wait3A_248 = arith.constant 0 : i32
        %dma_wait3A_249 = arith.constant 0 : i32
        %dma_wait3A_250 = tpu.memref_slice %arg10[%dma_wait3A_248, %dma_wait3A_249] : memref<10240x16xf32, #tpu.memory_space<vmem_shared>> -> memref<10240x16xf32, #tpu.memory_space<vmem_shared>>
        tpu.wait_indirect_dma semaphore(%run_scoped3A_230 : memref<!tpu.dma_semaphore, #tpu.memory_space<semaphore_mem>>) src(%dma_wait3A_244 : memref<625x16xf32, #tpu.memory_space<vmem>>) dst(%dma_wait3A_250 : memref<10240x16xf32, #tpu.memory_space<vmem_shared>>)
        tpu.yield
      }) : () -> ()
      %dma_wait3A_160 = arith.constant 3 : i32
      %dma_wait3A_161 = arith.constant 0 : i32
      %dma_wait3A_162 = arith.constant 0 : i32
      %dma_wait3A_163 = tpu.memref_slice %arg9[%dma_wait3A_160, %dma_wait3A_161, %dma_wait3A_162] : memref<8x625x16xf32, #tpu.memory_space<vmem>> -> memref<1x625x16xf32, #tpu.memory_space<vmem>>
      %dma_wait3A_164 = tpu.memref_squeeze %dma_wait3A_163 : memref<1x625x16xf32, #tpu.memory_space<vmem>> -> memref<625x16xf32, #tpu.memory_space<vmem>>
      %dma_wait3A_165 = arith.constant 0 : i32
      %dma_wait3A_166 = tpu.memref_slice %arg7[%add3A_56, %dma_wait3A_165] : memref<16x625xi32, #tpu.memory_space<vmem>> -> memref<1x625xi32, #tpu.memory_space<vmem>>
      %dma_wait3A_167 = tpu.memref_squeeze %dma_wait3A_166 : memref<1x625xi32, #tpu.memory_space<vmem>> -> memref<625xi32, #tpu.memory_space<vmem>>
      %dma_wait3A_168 = arith.constant 0 : i32
      %dma_wait3A_169 = arith.constant 0 : i32
      %dma_wait3A_170 = tpu.memref_slice %arg2[%dma_wait3A_168, %dma_wait3A_169] : memref<10000x16xf32, #tpu.memory_space<hbm>> -> memref<10000x16xf32, #tpu.memory_space<hbm>>
      tpu.wait_indirect_dma semaphore(%arg14 : memref<!tpu.dma_semaphore, #tpu.memory_space<semaphore_mem>>) src(%dma_wait3A_170 : memref<10000x16xf32, #tpu.memory_space<hbm>>) dst(%dma_wait3A_164 : memref<625x16xf32, #tpu.memory_space<vmem>>)
      %add3A_171 = arith.constant 3 : i32
      %add3A_172 = arith.addi %mul3A_16, %add3A_171 : i32
      %run_scoped3A_173 = arith.constant 3 : i32
      "tpu.region"() ({
        %run_scoped3A_230 = tpu.sem_alloc : memref<!tpu.dma_semaphore, #tpu.memory_space<semaphore_mem>>
        %dma_start3A_231 = arith.constant 0 : i32
        %dma_start3A_232 = arith.constant 0 : i32
        %dma_start3A_233 = tpu.memref_slice %arg9[%run_scoped3A_173, %dma_start3A_231, %dma_start3A_232] : memref<8x625x16xf32, #tpu.memory_space<vmem>> -> memref<1x625x16xf32, #tpu.memory_space<vmem>>
        %dma_start3A_234 = tpu.memref_squeeze %dma_start3A_233 : memref<1x625x16xf32, #tpu.memory_space<vmem>> -> memref<625x16xf32, #tpu.memory_space<vmem>>
        %dma_start3A_235 = arith.constant 0 : i32
        %dma_start3A_236 = tpu.memref_slice %arg8[%add3A_172, %dma_start3A_235] : memref<16x625xi32, #tpu.memory_space<vmem>> -> memref<1x625xi32, #tpu.memory_space<vmem>>
        %dma_start3A_237 = tpu.memref_squeeze %dma_start3A_236 : memref<1x625xi32, #tpu.memory_space<vmem>> -> memref<625xi32, #tpu.memory_space<vmem>>
        %dma_start3A_238 = arith.constant 0 : i32
        %dma_start3A_239 = arith.constant 0 : i32
        %dma_start3A_240 = tpu.memref_slice %arg10[%dma_start3A_238, %dma_start3A_239] : memref<10240x16xf32, #tpu.memory_space<vmem_shared>> -> memref<10240x16xf32, #tpu.memory_space<vmem_shared>>
        tpu.enqueue_indirect_dma source(%dma_start3A_234 : memref<625x16xf32, #tpu.memory_space<vmem>>) target(%dma_start3A_240 : memref<10240x16xf32, #tpu.memory_space<vmem_shared>>) offsets(%dma_start3A_237 : memref<625xi32, #tpu.memory_space<vmem>>) semaphore(%run_scoped3A_230 : memref<!tpu.dma_semaphore, #tpu.memory_space<semaphore_mem>>) {add = true}
        %dma_wait3A_241 = arith.constant 0 : i32
        %dma_wait3A_242 = arith.constant 0 : i32
        %dma_wait3A_243 = tpu.memref_slice %arg9[%run_scoped3A_173, %dma_wait3A_241, %dma_wait3A_242] : memref<8x625x16xf32, #tpu.memory_space<vmem>> -> memref<1x625x16xf32, #tpu.memory_space<vmem>>
        %dma_wait3A_244 = tpu.memref_squeeze %dma_wait3A_243 : memref<1x625x16xf32, #tpu.memory_space<vmem>> -> memref<625x16xf32, #tpu.memory_space<vmem>>
        %dma_wait3A_245 = arith.constant 0 : i32
        %dma_wait3A_246 = tpu.memref_slice %arg8[%add3A_172, %dma_wait3A_245] : memref<16x625xi32, #tpu.memory_space<vmem>> -> memref<1x625xi32, #tpu.memory_space<vmem>>
        %dma_wait3A_247 = tpu.memref_squeeze %dma_wait3A_246 : memref<1x625xi32, #tpu.memory_space<vmem>> -> memref<625xi32, #tpu.memory_space<vmem>>
        %dma_wait3A_248 = arith.constant 0 : i32
        %dma_wait3A_249 = arith.constant 0 : i32
        %dma_wait3A_250 = tpu.memref_slice %arg10[%dma_wait3A_248, %dma_wait3A_249] : memref<10240x16xf32, #tpu.memory_space<vmem_shared>> -> memref<10240x16xf32, #tpu.memory_space<vmem_shared>>
        tpu.wait_indirect_dma semaphore(%run_scoped3A_230 : memref<!tpu.dma_semaphore, #tpu.memory_space<semaphore_mem>>) src(%dma_wait3A_244 : memref<625x16xf32, #tpu.memory_space<vmem>>) dst(%dma_wait3A_250 : memref<10240x16xf32, #tpu.memory_space<vmem_shared>>)
        tpu.yield
      }) : () -> ()
      %dma_wait3A_174 = arith.constant 4 : i32
      %dma_wait3A_175 = arith.constant 0 : i32
      %dma_wait3A_176 = arith.constant 0 : i32
      %dma_wait3A_177 = tpu.memref_slice %arg9[%dma_wait3A_174, %dma_wait3A_175, %dma_wait3A_176] : memref<8x625x16xf32, #tpu.memory_space<vmem>> -> memref<1x625x16xf32, #tpu.memory_space<vmem>>
      %dma_wait3A_178 = tpu.memref_squeeze %dma_wait3A_177 : memref<1x625x16xf32, #tpu.memory_space<vmem>> -> memref<625x16xf32, #tpu.memory_space<vmem>>
      %dma_wait3A_179 = arith.constant 0 : i32
      %dma_wait3A_180 = tpu.memref_slice %arg7[%add3A_69, %dma_wait3A_179] : memref<16x625xi32, #tpu.memory_space<vmem>> -> memref<1x625xi32, #tpu.memory_space<vmem>>
      %dma_wait3A_181 = tpu.memref_squeeze %dma_wait3A_180 : memref<1x625xi32, #tpu.memory_space<vmem>> -> memref<625xi32, #tpu.memory_space<vmem>>
      %dma_wait3A_182 = arith.constant 0 : i32
      %dma_wait3A_183 = arith.constant 0 : i32
      %dma_wait3A_184 = tpu.memref_slice %arg2[%dma_wait3A_182, %dma_wait3A_183] : memref<10000x16xf32, #tpu.memory_space<hbm>> -> memref<10000x16xf32, #tpu.memory_space<hbm>>
      tpu.wait_indirect_dma semaphore(%arg15 : memref<!tpu.dma_semaphore, #tpu.memory_space<semaphore_mem>>) src(%dma_wait3A_184 : memref<10000x16xf32, #tpu.memory_space<hbm>>) dst(%dma_wait3A_178 : memref<625x16xf32, #tpu.memory_space<vmem>>)
      %add3A_185 = arith.constant 4 : i32
      %add3A_186 = arith.addi %mul3A_16, %add3A_185 : i32
      %run_scoped3A_187 = arith.constant 4 : i32
      "tpu.region"() ({
        %run_scoped3A_230 = tpu.sem_alloc : memref<!tpu.dma_semaphore, #tpu.memory_space<semaphore_mem>>
        %dma_start3A_231 = arith.constant 0 : i32
        %dma_start3A_232 = arith.constant 0 : i32
        %dma_start3A_233 = tpu.memref_slice %arg9[%run_scoped3A_187, %dma_start3A_231, %dma_start3A_232] : memref<8x625x16xf32, #tpu.memory_space<vmem>> -> memref<1x625x16xf32, #tpu.memory_space<vmem>>
        %dma_start3A_234 = tpu.memref_squeeze %dma_start3A_233 : memref<1x625x16xf32, #tpu.memory_space<vmem>> -> memref<625x16xf32, #tpu.memory_space<vmem>>
        %dma_start3A_235 = arith.constant 0 : i32
        %dma_start3A_236 = tpu.memref_slice %arg8[%add3A_186, %dma_start3A_235] : memref<16x625xi32, #tpu.memory_space<vmem>> -> memref<1x625xi32, #tpu.memory_space<vmem>>
        %dma_start3A_237 = tpu.memref_squeeze %dma_start3A_236 : memref<1x625xi32, #tpu.memory_space<vmem>> -> memref<625xi32, #tpu.memory_space<vmem>>
        %dma_start3A_238 = arith.constant 0 : i32
        %dma_start3A_239 = arith.constant 0 : i32
        %dma_start3A_240 = tpu.memref_slice %arg10[%dma_start3A_238, %dma_start3A_239] : memref<10240x16xf32, #tpu.memory_space<vmem_shared>> -> memref<10240x16xf32, #tpu.memory_space<vmem_shared>>
        tpu.enqueue_indirect_dma source(%dma_start3A_234 : memref<625x16xf32, #tpu.memory_space<vmem>>) target(%dma_start3A_240 : memref<10240x16xf32, #tpu.memory_space<vmem_shared>>) offsets(%dma_start3A_237 : memref<625xi32, #tpu.memory_space<vmem>>) semaphore(%run_scoped3A_230 : memref<!tpu.dma_semaphore, #tpu.memory_space<semaphore_mem>>) {add = true}
        %dma_wait3A_241 = arith.constant 0 : i32
        %dma_wait3A_242 = arith.constant 0 : i32
        %dma_wait3A_243 = tpu.memref_slice %arg9[%run_scoped3A_187, %dma_wait3A_241, %dma_wait3A_242] : memref<8x625x16xf32, #tpu.memory_space<vmem>> -> memref<1x625x16xf32, #tpu.memory_space<vmem>>
        %dma_wait3A_244 = tpu.memref_squeeze %dma_wait3A_243 : memref<1x625x16xf32, #tpu.memory_space<vmem>> -> memref<625x16xf32, #tpu.memory_space<vmem>>
        %dma_wait3A_245 = arith.constant 0 : i32
        %dma_wait3A_246 = tpu.memref_slice %arg8[%add3A_186, %dma_wait3A_245] : memref<16x625xi32, #tpu.memory_space<vmem>> -> memref<1x625xi32, #tpu.memory_space<vmem>>
        %dma_wait3A_247 = tpu.memref_squeeze %dma_wait3A_246 : memref<1x625xi32, #tpu.memory_space<vmem>> -> memref<625xi32, #tpu.memory_space<vmem>>
        %dma_wait3A_248 = arith.constant 0 : i32
        %dma_wait3A_249 = arith.constant 0 : i32
        %dma_wait3A_250 = tpu.memref_slice %arg10[%dma_wait3A_248, %dma_wait3A_249] : memref<10240x16xf32, #tpu.memory_space<vmem_shared>> -> memref<10240x16xf32, #tpu.memory_space<vmem_shared>>
        tpu.wait_indirect_dma semaphore(%run_scoped3A_230 : memref<!tpu.dma_semaphore, #tpu.memory_space<semaphore_mem>>) src(%dma_wait3A_244 : memref<625x16xf32, #tpu.memory_space<vmem>>) dst(%dma_wait3A_250 : memref<10240x16xf32, #tpu.memory_space<vmem_shared>>)
        tpu.yield
      }) : () -> ()
      %dma_wait3A_188 = arith.constant 5 : i32
      %dma_wait3A_189 = arith.constant 0 : i32
      %dma_wait3A_190 = arith.constant 0 : i32
      %dma_wait3A_191 = tpu.memref_slice %arg9[%dma_wait3A_188, %dma_wait3A_189, %dma_wait3A_190] : memref<8x625x16xf32, #tpu.memory_space<vmem>> -> memref<1x625x16xf32, #tpu.memory_space<vmem>>
      %dma_wait3A_192 = tpu.memref_squeeze %dma_wait3A_191 : memref<1x625x16xf32, #tpu.memory_space<vmem>> -> memref<625x16xf32, #tpu.memory_space<vmem>>
      %dma_wait3A_193 = arith.constant 0 : i32
      %dma_wait3A_194 = tpu.memref_slice %arg7[%add3A_82, %dma_wait3A_193] : memref<16x625xi32, #tpu.memory_space<vmem>> -> memref<1x625xi32, #tpu.memory_space<vmem>>
      %dma_wait3A_195 = tpu.memref_squeeze %dma_wait3A_194 : memref<1x625xi32, #tpu.memory_space<vmem>> -> memref<625xi32, #tpu.memory_space<vmem>>
      %dma_wait3A_196 = arith.constant 0 : i32
      %dma_wait3A_197 = arith.constant 0 : i32
      %dma_wait3A_198 = tpu.memref_slice %arg2[%dma_wait3A_196, %dma_wait3A_197] : memref<10000x16xf32, #tpu.memory_space<hbm>> -> memref<10000x16xf32, #tpu.memory_space<hbm>>
      tpu.wait_indirect_dma semaphore(%arg16 : memref<!tpu.dma_semaphore, #tpu.memory_space<semaphore_mem>>) src(%dma_wait3A_198 : memref<10000x16xf32, #tpu.memory_space<hbm>>) dst(%dma_wait3A_192 : memref<625x16xf32, #tpu.memory_space<vmem>>)
      %add3A_199 = arith.constant 5 : i32
      %add3A_200 = arith.addi %mul3A_16, %add3A_199 : i32
      %run_scoped3A_201 = arith.constant 5 : i32
      "tpu.region"() ({
        %run_scoped3A_230 = tpu.sem_alloc : memref<!tpu.dma_semaphore, #tpu.memory_space<semaphore_mem>>
        %dma_start3A_231 = arith.constant 0 : i32
        %dma_start3A_232 = arith.constant 0 : i32
        %dma_start3A_233 = tpu.memref_slice %arg9[%run_scoped3A_201, %dma_start3A_231, %dma_start3A_232] : memref<8x625x16xf32, #tpu.memory_space<vmem>> -> memref<1x625x16xf32, #tpu.memory_space<vmem>>
        %dma_start3A_234 = tpu.memref_squeeze %dma_start3A_233 : memref<1x625x16xf32, #tpu.memory_space<vmem>> -> memref<625x16xf32, #tpu.memory_space<vmem>>
        %dma_start3A_235 = arith.constant 0 : i32
        %dma_start3A_236 = tpu.memref_slice %arg8[%add3A_200, %dma_start3A_235] : memref<16x625xi32, #tpu.memory_space<vmem>> -> memref<1x625xi32, #tpu.memory_space<vmem>>
        %dma_start3A_237 = tpu.memref_squeeze %dma_start3A_236 : memref<1x625xi32, #tpu.memory_space<vmem>> -> memref<625xi32, #tpu.memory_space<vmem>>
        %dma_start3A_238 = arith.constant 0 : i32
        %dma_start3A_239 = arith.constant 0 : i32
        %dma_start3A_240 = tpu.memref_slice %arg10[%dma_start3A_238, %dma_start3A_239] : memref<10240x16xf32, #tpu.memory_space<vmem_shared>> -> memref<10240x16xf32, #tpu.memory_space<vmem_shared>>
        tpu.enqueue_indirect_dma source(%dma_start3A_234 : memref<625x16xf32, #tpu.memory_space<vmem>>) target(%dma_start3A_240 : memref<10240x16xf32, #tpu.memory_space<vmem_shared>>) offsets(%dma_start3A_237 : memref<625xi32, #tpu.memory_space<vmem>>) semaphore(%run_scoped3A_230 : memref<!tpu.dma_semaphore, #tpu.memory_space<semaphore_mem>>) {add = true}
        %dma_wait3A_241 = arith.constant 0 : i32
        %dma_wait3A_242 = arith.constant 0 : i32
        %dma_wait3A_243 = tpu.memref_slice %arg9[%run_scoped3A_201, %dma_wait3A_241, %dma_wait3A_242] : memref<8x625x16xf32, #tpu.memory_space<vmem>> -> memref<1x625x16xf32, #tpu.memory_space<vmem>>
        %dma_wait3A_244 = tpu.memref_squeeze %dma_wait3A_243 : memref<1x625x16xf32, #tpu.memory_space<vmem>> -> memref<625x16xf32, #tpu.memory_space<vmem>>
        %dma_wait3A_245 = arith.constant 0 : i32
        %dma_wait3A_246 = tpu.memref_slice %arg8[%add3A_200, %dma_wait3A_245] : memref<16x625xi32, #tpu.memory_space<vmem>> -> memref<1x625xi32, #tpu.memory_space<vmem>>
        %dma_wait3A_247 = tpu.memref_squeeze %dma_wait3A_246 : memref<1x625xi32, #tpu.memory_space<vmem>> -> memref<625xi32, #tpu.memory_space<vmem>>
        %dma_wait3A_248 = arith.constant 0 : i32
        %dma_wait3A_249 = arith.constant 0 : i32
        %dma_wait3A_250 = tpu.memref_slice %arg10[%dma_wait3A_248, %dma_wait3A_249] : memref<10240x16xf32, #tpu.memory_space<vmem_shared>> -> memref<10240x16xf32, #tpu.memory_space<vmem_shared>>
        tpu.wait_indirect_dma semaphore(%run_scoped3A_230 : memref<!tpu.dma_semaphore, #tpu.memory_space<semaphore_mem>>) src(%dma_wait3A_244 : memref<625x16xf32, #tpu.memory_space<vmem>>) dst(%dma_wait3A_250 : memref<10240x16xf32, #tpu.memory_space<vmem_shared>>)
        tpu.yield
      }) : () -> ()
      %dma_wait3A_202 = arith.constant 6 : i32
      %dma_wait3A_203 = arith.constant 0 : i32
      %dma_wait3A_204 = arith.constant 0 : i32
      %dma_wait3A_205 = tpu.memref_slice %arg9[%dma_wait3A_202, %dma_wait3A_203, %dma_wait3A_204] : memref<8x625x16xf32, #tpu.memory_space<vmem>> -> memref<1x625x16xf32, #tpu.memory_space<vmem>>
      %dma_wait3A_206 = tpu.memref_squeeze %dma_wait3A_205 : memref<1x625x16xf32, #tpu.memory_space<vmem>> -> memref<625x16xf32, #tpu.memory_space<vmem>>
      %dma_wait3A_207 = arith.constant 0 : i32
      %dma_wait3A_208 = tpu.memref_slice %arg7[%add3A_95, %dma_wait3A_207] : memref<16x625xi32, #tpu.memory_space<vmem>> -> memref<1x625xi32, #tpu.memory_space<vmem>>
      %dma_wait3A_209 = tpu.memref_squeeze %dma_wait3A_208 : memref<1x625xi32, #tpu.memory_space<vmem>> -> memref<625xi32, #tpu.memory_space<vmem>>
      %dma_wait3A_210 = arith.constant 0 : i32
      %dma_wait3A_211 = arith.constant 0 : i32
      %dma_wait3A_212 = tpu.memref_slice %arg2[%dma_wait3A_210, %dma_wait3A_211] : memref<10000x16xf32, #tpu.memory_space<hbm>> -> memref<10000x16xf32, #tpu.memory_space<hbm>>
      tpu.wait_indirect_dma semaphore(%arg17 : memref<!tpu.dma_semaphore, #tpu.memory_space<semaphore_mem>>) src(%dma_wait3A_212 : memref<10000x16xf32, #tpu.memory_space<hbm>>) dst(%dma_wait3A_206 : memref<625x16xf32, #tpu.memory_space<vmem>>)
      %add3A_213 = arith.constant 6 : i32
      %add3A_214 = arith.addi %mul3A_16, %add3A_213 : i32
      %run_scoped3A_215 = arith.constant 6 : i32
      "tpu.region"() ({
        %run_scoped3A_230 = tpu.sem_alloc : memref<!tpu.dma_semaphore, #tpu.memory_space<semaphore_mem>>
        %dma_start3A_231 = arith.constant 0 : i32
        %dma_start3A_232 = arith.constant 0 : i32
        %dma_start3A_233 = tpu.memref_slice %arg9[%run_scoped3A_215, %dma_start3A_231, %dma_start3A_232] : memref<8x625x16xf32, #tpu.memory_space<vmem>> -> memref<1x625x16xf32, #tpu.memory_space<vmem>>
        %dma_start3A_234 = tpu.memref_squeeze %dma_start3A_233 : memref<1x625x16xf32, #tpu.memory_space<vmem>> -> memref<625x16xf32, #tpu.memory_space<vmem>>
        %dma_start3A_235 = arith.constant 0 : i32
        %dma_start3A_236 = tpu.memref_slice %arg8[%add3A_214, %dma_start3A_235] : memref<16x625xi32, #tpu.memory_space<vmem>> -> memref<1x625xi32, #tpu.memory_space<vmem>>
        %dma_start3A_237 = tpu.memref_squeeze %dma_start3A_236 : memref<1x625xi32, #tpu.memory_space<vmem>> -> memref<625xi32, #tpu.memory_space<vmem>>
        %dma_start3A_238 = arith.constant 0 : i32
        %dma_start3A_239 = arith.constant 0 : i32
        %dma_start3A_240 = tpu.memref_slice %arg10[%dma_start3A_238, %dma_start3A_239] : memref<10240x16xf32, #tpu.memory_space<vmem_shared>> -> memref<10240x16xf32, #tpu.memory_space<vmem_shared>>
        tpu.enqueue_indirect_dma source(%dma_start3A_234 : memref<625x16xf32, #tpu.memory_space<vmem>>) target(%dma_start3A_240 : memref<10240x16xf32, #tpu.memory_space<vmem_shared>>) offsets(%dma_start3A_237 : memref<625xi32, #tpu.memory_space<vmem>>) semaphore(%run_scoped3A_230 : memref<!tpu.dma_semaphore, #tpu.memory_space<semaphore_mem>>) {add = true}
        %dma_wait3A_241 = arith.constant 0 : i32
        %dma_wait3A_242 = arith.constant 0 : i32
        %dma_wait3A_243 = tpu.memref_slice %arg9[%run_scoped3A_215, %dma_wait3A_241, %dma_wait3A_242] : memref<8x625x16xf32, #tpu.memory_space<vmem>> -> memref<1x625x16xf32, #tpu.memory_space<vmem>>
        %dma_wait3A_244 = tpu.memref_squeeze %dma_wait3A_243 : memref<1x625x16xf32, #tpu.memory_space<vmem>> -> memref<625x16xf32, #tpu.memory_space<vmem>>
        %dma_wait3A_245 = arith.constant 0 : i32
        %dma_wait3A_246 = tpu.memref_slice %arg8[%add3A_214, %dma_wait3A_245] : memref<16x625xi32, #tpu.memory_space<vmem>> -> memref<1x625xi32, #tpu.memory_space<vmem>>
        %dma_wait3A_247 = tpu.memref_squeeze %dma_wait3A_246 : memref<1x625xi32, #tpu.memory_space<vmem>> -> memref<625xi32, #tpu.memory_space<vmem>>
        %dma_wait3A_248 = arith.constant 0 : i32
        %dma_wait3A_249 = arith.constant 0 : i32
        %dma_wait3A_250 = tpu.memref_slice %arg10[%dma_wait3A_248, %dma_wait3A_249] : memref<10240x16xf32, #tpu.memory_space<vmem_shared>> -> memref<10240x16xf32, #tpu.memory_space<vmem_shared>>
        tpu.wait_indirect_dma semaphore(%run_scoped3A_230 : memref<!tpu.dma_semaphore, #tpu.memory_space<semaphore_mem>>) src(%dma_wait3A_244 : memref<625x16xf32, #tpu.memory_space<vmem>>) dst(%dma_wait3A_250 : memref<10240x16xf32, #tpu.memory_space<vmem_shared>>)
        tpu.yield
      }) : () -> ()
      %dma_wait3A_216 = arith.constant 7 : i32
      %dma_wait3A_217 = arith.constant 0 : i32
      %dma_wait3A_218 = arith.constant 0 : i32
      %dma_wait3A_219 = tpu.memref_slice %arg9[%dma_wait3A_216, %dma_wait3A_217, %dma_wait3A_218] : memref<8x625x16xf32, #tpu.memory_space<vmem>> -> memref<1x625x16xf32, #tpu.memory_space<vmem>>
      %dma_wait3A_220 = tpu.memref_squeeze %dma_wait3A_219 : memref<1x625x16xf32, #tpu.memory_space<vmem>> -> memref<625x16xf32, #tpu.memory_space<vmem>>
      %dma_wait3A_221 = arith.constant 0 : i32
      %dma_wait3A_222 = tpu.memref_slice %arg7[%add3A_108, %dma_wait3A_221] : memref<16x625xi32, #tpu.memory_space<vmem>> -> memref<1x625xi32, #tpu.memory_space<vmem>>
      %dma_wait3A_223 = tpu.memref_squeeze %dma_wait3A_222 : memref<1x625xi32, #tpu.memory_space<vmem>> -> memref<625xi32, #tpu.memory_space<vmem>>
      %dma_wait3A_224 = arith.constant 0 : i32
      %dma_wait3A_225 = arith.constant 0 : i32
      %dma_wait3A_226 = tpu.memref_slice %arg2[%dma_wait3A_224, %dma_wait3A_225] : memref<10000x16xf32, #tpu.memory_space<hbm>> -> memref<10000x16xf32, #tpu.memory_space<hbm>>
      tpu.wait_indirect_dma semaphore(%arg18 : memref<!tpu.dma_semaphore, #tpu.memory_space<semaphore_mem>>) src(%dma_wait3A_226 : memref<10000x16xf32, #tpu.memory_space<hbm>>) dst(%dma_wait3A_220 : memref<625x16xf32, #tpu.memory_space<vmem>>)
      %add3A_227 = arith.constant 7 : i32
      %add3A_228 = arith.addi %mul3A_16, %add3A_227 : i32
      %run_scoped3A_229 = arith.constant 7 : i32
      "tpu.region"() ({
        %run_scoped3A_230 = tpu.sem_alloc : memref<!tpu.dma_semaphore, #tpu.memory_space<semaphore_mem>>
        %dma_start3A_231 = arith.constant 0 : i32
        %dma_start3A_232 = arith.constant 0 : i32
        %dma_start3A_233 = tpu.memref_slice %arg9[%run_scoped3A_229, %dma_start3A_231, %dma_start3A_232] : memref<8x625x16xf32, #tpu.memory_space<vmem>> -> memref<1x625x16xf32, #tpu.memory_space<vmem>>
        %dma_start3A_234 = tpu.memref_squeeze %dma_start3A_233 : memref<1x625x16xf32, #tpu.memory_space<vmem>> -> memref<625x16xf32, #tpu.memory_space<vmem>>
        %dma_start3A_235 = arith.constant 0 : i32
        %dma_start3A_236 = tpu.memref_slice %arg8[%add3A_228, %dma_start3A_235] : memref<16x625xi32, #tpu.memory_space<vmem>> -> memref<1x625xi32, #tpu.memory_space<vmem>>
        %dma_start3A_237 = tpu.memref_squeeze %dma_start3A_236 : memref<1x625xi32, #tpu.memory_space<vmem>> -> memref<625xi32, #tpu.memory_space<vmem>>
        %dma_start3A_238 = arith.constant 0 : i32
        %dma_start3A_239 = arith.constant 0 : i32
        %dma_start3A_240 = tpu.memref_slice %arg10[%dma_start3A_238, %dma_start3A_239] : memref<10240x16xf32, #tpu.memory_space<vmem_shared>> -> memref<10240x16xf32, #tpu.memory_space<vmem_shared>>
        tpu.enqueue_indirect_dma source(%dma_start3A_234 : memref<625x16xf32, #tpu.memory_space<vmem>>) target(%dma_start3A_240 : memref<10240x16xf32, #tpu.memory_space<vmem_shared>>) offsets(%dma_start3A_237 : memref<625xi32, #tpu.memory_space<vmem>>) semaphore(%run_scoped3A_230 : memref<!tpu.dma_semaphore, #tpu.memory_space<semaphore_mem>>) {add = true}
        %dma_wait3A_241 = arith.constant 0 : i32
        %dma_wait3A_242 = arith.constant 0 : i32
        %dma_wait3A_243 = tpu.memref_slice %arg9[%run_scoped3A_229, %dma_wait3A_241, %dma_wait3A_242] : memref<8x625x16xf32, #tpu.memory_space<vmem>> -> memref<1x625x16xf32, #tpu.memory_space<vmem>>
        %dma_wait3A_244 = tpu.memref_squeeze %dma_wait3A_243 : memref<1x625x16xf32, #tpu.memory_space<vmem>> -> memref<625x16xf32, #tpu.memory_space<vmem>>
        %dma_wait3A_245 = arith.constant 0 : i32
        %dma_wait3A_246 = tpu.memref_slice %arg8[%add3A_228, %dma_wait3A_245] : memref<16x625xi32, #tpu.memory_space<vmem>> -> memref<1x625xi32, #tpu.memory_space<vmem>>
        %dma_wait3A_247 = tpu.memref_squeeze %dma_wait3A_246 : memref<1x625xi32, #tpu.memory_space<vmem>> -> memref<625xi32, #tpu.memory_space<vmem>>
        %dma_wait3A_248 = arith.constant 0 : i32
        %dma_wait3A_249 = arith.constant 0 : i32
        %dma_wait3A_250 = tpu.memref_slice %arg10[%dma_wait3A_248, %dma_wait3A_249] : memref<10240x16xf32, #tpu.memory_space<vmem_shared>> -> memref<10240x16xf32, #tpu.memory_space<vmem_shared>>
        tpu.wait_indirect_dma semaphore(%run_scoped3A_230 : memref<!tpu.dma_semaphore, #tpu.memory_space<semaphore_mem>>) src(%dma_wait3A_244 : memref<625x16xf32, #tpu.memory_space<vmem>>) dst(%dma_wait3A_250 : memref<10240x16xf32, #tpu.memory_space<vmem_shared>>)
        tpu.yield
      }) : () -> ()
    }
    %scan3A_8 = arith.constant 2 : i32
    %barrier3A_9 = arith.constant 0 : index
    tpu.barrier barrier_id(%barrier3A_9)
    %mul3A_10 = arith.constant 640 : i32
    %mul3A_11 = arith.muli %arg1, %mul3A_10 : i32
    %mul3A_12 = arith.constant 640 : i32
    %mul3A_13 = arith.muli %arg1, %mul3A_12 : i32
    "tpu.region"() ({
      %run_scoped3A = tpu.sem_alloc : memref<!tpu.dma_semaphore, #tpu.memory_space<semaphore_mem>>
      %dma_start3A = arith.constant 0 : i32
      %dma_start3A_14 = tpu.memref_slice %arg6[%arg0, %mul3A_13, %dma_start3A] : memref<2x10240x16xf32, #tpu.memory_space<hbm>> -> memref<1x640x16xf32, #tpu.memory_space<hbm>>
      %dma_start3A_15 = tpu.memref_squeeze %dma_start3A_14 : memref<1x640x16xf32, #tpu.memory_space<hbm>> -> memref<640x16xf32, #tpu.memory_space<hbm>>
      %dma_start3A_16 = arith.constant 0 : i32
      %dma_start3A_17 = tpu.memref_slice %arg10[%mul3A_11, %dma_start3A_16] : memref<10240x16xf32, #tpu.memory_space<vmem_shared>> -> memref<640x16xf32, #tpu.memory_space<vmem_shared>>
      tpu.enqueue_dma source(%dma_start3A_17 : memref<640x16xf32, #tpu.memory_space<vmem_shared>>) target(%dma_start3A_15 : memref<640x16xf32, #tpu.memory_space<hbm>>) target_semaphore(%run_scoped3A : memref<!tpu.dma_semaphore, #tpu.memory_space<semaphore_mem>>)
      %dma_wait3A = arith.constant 0 : i32
      %dma_wait3A_18 = tpu.memref_slice %arg6[%arg0, %mul3A_13, %dma_wait3A] : memref<2x10240x16xf32, #tpu.memory_space<hbm>> -> memref<1x640x16xf32, #tpu.memory_space<hbm>>
      %dma_wait3A_19 = tpu.memref_squeeze %dma_wait3A_18 : memref<1x640x16xf32, #tpu.memory_space<hbm>> -> memref<640x16xf32, #tpu.memory_space<hbm>>
      %dma_wait3A_20 = arith.constant 0 : i32
      %dma_wait3A_21 = tpu.memref_slice %arg10[%mul3A_11, %dma_wait3A_20] : memref<10240x16xf32, #tpu.memory_space<vmem_shared>> -> memref<640x16xf32, #tpu.memory_space<vmem_shared>>
      tpu.wait_dma2 semaphore(%run_scoped3A : memref<!tpu.dma_semaphore, #tpu.memory_space<semaphore_mem>>) src(%dma_wait3A_21 : memref<640x16xf32, #tpu.memory_space<vmem_shared>>) dst(%dma_wait3A_19 : memref<640x16xf32, #tpu.memory_space<hbm>>)
      tpu.yield
    }) : () -> ()
    return
  }
}

#map = affine_map<(d0, d1) -> (0, 0)>
#map1 = affine_map<(d0, d1) -> (0, 0, 0)>
module attributes {stable_mosaic.version = 14 : i64} {
  func.func @_sc_segment_sum_body(%arg0: i32, %arg1: i32, %arg2: memref<10000x16xf32, #tpu.memory_space<hbm>>, %arg3: memref<32x16x625xi32, #tpu.memory_space<hbm>>, %arg4: memref<32x16x625xi32, #tpu.memory_space<hbm>>, %arg5: memref<10240x16xf32, #tpu.memory_space<hbm>>, %arg6: memref<2x10240x16xf32, #tpu.memory_space<hbm>>, %arg7: memref<16x625xi32, #tpu.memory_space<vmem>>, %arg8: memref<16x625xi32, #tpu.memory_space<vmem>>, %arg9: memref<8x625x16xf32, #tpu.memory_space<vmem>>, %arg10: memref<10240x16xf32, #tpu.memory_space<vmem_shared>>, %arg11: memref<!tpu.dma_semaphore, #tpu.memory_space<semaphore_mem>>, %arg12: memref<!tpu.dma_semaphore, #tpu.memory_space<semaphore_mem>>, %arg13: memref<!tpu.dma_semaphore, #tpu.memory_space<semaphore_mem>>, %arg14: memref<!tpu.dma_semaphore, #tpu.memory_space<semaphore_mem>>, %arg15: memref<!tpu.dma_semaphore, #tpu.memory_space<semaphore_mem>>, %arg16: memref<!tpu.dma_semaphore, #tpu.memory_space<semaphore_mem>>, %arg17: memref<!tpu.dma_semaphore, #tpu.memory_space<semaphore_mem>>, %arg18: memref<!tpu.dma_semaphore, #tpu.memory_space<semaphore_mem>>) attributes {dimension_semantics = [#tpu.dimension_semantics<core_parallel>, #tpu.dimension_semantics<subcore_parallel>], iteration_bounds = array<i64: 2, 16>, scalar_prefetch = 0 : i64, scratch_operands = 12 : i64, tpu.core_type = #tpu.core_type<sc_vector_subcore>, window_params = [{transform_indices = #map}, {transform_indices = #map1}, {transform_indices = #map1}, {transform_indices = #map}, {transform_indices = #map1}]} {
    %mul3A = arith.constant 16 : i32
    %mul3A_0 = arith.muli %arg0, %mul3A : i32
    %add3A = arith.addi %mul3A_0, %arg1 : i32
    %mul3A_1 = arith.constant 640 : i32
    %mul3A_2 = arith.muli %arg1, %mul3A_1 : i32
    %mul3A_3 = arith.constant 640 : i32
    %mul3A_4 = arith.muli %arg1, %mul3A_3 : i32
    "tpu.region"() ({
      %run_scoped3A = tpu.sem_alloc : memref<!tpu.dma_semaphore, #tpu.memory_space<semaphore_mem>>
      %dma_start3A = arith.constant 0 : i32
      %dma_start3A_14 = tpu.memref_slice %arg10[%mul3A_4, %dma_start3A] : memref<10240x16xf32, #tpu.memory_space<vmem_shared>> -> memref<640x16xf32, #tpu.memory_space<vmem_shared>>
      %dma_start3A_15 = arith.constant 0 : i32
      %dma_start3A_16 = tpu.memref_slice %arg5[%mul3A_2, %dma_start3A_15] : memref<10240x16xf32, #tpu.memory_space<hbm>> -> memref<640x16xf32, #tpu.memory_space<hbm>>
      tpu.enqueue_dma source(%dma_start3A_16 : memref<640x16xf32, #tpu.memory_space<hbm>>) target(%dma_start3A_14 : memref<640x16xf32, #tpu.memory_space<vmem_shared>>) target_semaphore(%run_scoped3A : memref<!tpu.dma_semaphore, #tpu.memory_space<semaphore_mem>>)
      %dma_wait3A = arith.constant 0 : i32
      %dma_wait3A_17 = tpu.memref_slice %arg10[%mul3A_4, %dma_wait3A] : memref<10240x16xf32, #tpu.memory_space<vmem_shared>> -> memref<640x16xf32, #tpu.memory_space<vmem_shared>>
      %dma_wait3A_18 = arith.constant 0 : i32
      %dma_wait3A_19 = tpu.memref_slice %arg5[%mul3A_2, %dma_wait3A_18] : memref<10240x16xf32, #tpu.memory_space<hbm>> -> memref<640x16xf32, #tpu.memory_space<hbm>>
      tpu.wait_dma2 semaphore(%run_scoped3A : memref<!tpu.dma_semaphore, #tpu.memory_space<semaphore_mem>>) src(%dma_wait3A_19 : memref<640x16xf32, #tpu.memory_space<hbm>>) dst(%dma_wait3A_17 : memref<640x16xf32, #tpu.memory_space<vmem_shared>>)
      tpu.yield
    }) : () -> ()
    "tpu.region"() ({
      %run_scoped3A = tpu.sem_alloc : memref<!tpu.dma_semaphore, #tpu.memory_space<semaphore_mem>>
      %dma_start3A = arith.constant 0 : i32
      %dma_start3A_14 = arith.constant 0 : i32
      %dma_start3A_15 = tpu.memref_slice %arg3[%add3A, %dma_start3A, %dma_start3A_14] : memref<32x16x625xi32, #tpu.memory_space<hbm>> -> memref<1x16x625xi32, #tpu.memory_space<hbm>>
      %dma_start3A_16 = tpu.memref_squeeze %dma_start3A_15 : memref<1x16x625xi32, #tpu.memory_space<hbm>> -> memref<16x625xi32, #tpu.memory_space<hbm>>
      %dma_start3A_17 = arith.constant 0 : i32
      %dma_start3A_18 = arith.constant 0 : i32
      %dma_start3A_19 = tpu.memref_slice %arg3[%add3A, %dma_start3A_17, %dma_start3A_18] : memref<32x16x625xi32, #tpu.memory_space<hbm>> -> memref<1x16x625xi32, #tpu.memory_space<hbm>>
      %dma_start3A_20 = tpu.memref_squeeze %dma_start3A_19 : memref<1x16x625xi32, #tpu.memory_space<hbm>> -> memref<16x625xi32, #tpu.memory_space<hbm>>
      tpu.enqueue_dma source(%dma_start3A_20 : memref<16x625xi32, #tpu.memory_space<hbm>>) target(%arg7 : memref<16x625xi32, #tpu.memory_space<vmem>>) target_semaphore(%run_scoped3A : memref<!tpu.dma_semaphore, #tpu.memory_space<semaphore_mem>>)
      %dma_wait3A = arith.constant 0 : i32
      %dma_wait3A_21 = arith.constant 0 : i32
      %dma_wait3A_22 = tpu.memref_slice %arg3[%add3A, %dma_wait3A, %dma_wait3A_21] : memref<32x16x625xi32, #tpu.memory_space<hbm>> -> memref<1x16x625xi32, #tpu.memory_space<hbm>>
      %dma_wait3A_23 = tpu.memref_squeeze %dma_wait3A_22 : memref<1x16x625xi32, #tpu.memory_space<hbm>> -> memref<16x625xi32, #tpu.memory_space<hbm>>
      %dma_wait3A_24 = arith.constant 0 : i32
      %dma_wait3A_25 = arith.constant 0 : i32
      %dma_wait3A_26 = tpu.memref_slice %arg3[%add3A, %dma_wait3A_24, %dma_wait3A_25] : memref<32x16x625xi32, #tpu.memory_space<hbm>> -> memref<1x16x625xi32, #tpu.memory_space<hbm>>
      %dma_wait3A_27 = tpu.memref_squeeze %dma_wait3A_26 : memref<1x16x625xi32, #tpu.memory_space<hbm>> -> memref<16x625xi32, #tpu.memory_space<hbm>>
      tpu.wait_dma2 semaphore(%run_scoped3A : memref<!tpu.dma_semaphore, #tpu.memory_space<semaphore_mem>>) src(%dma_wait3A_27 : memref<16x625xi32, #tpu.memory_space<hbm>>) dst(%arg7 : memref<16x625xi32, #tpu.memory_space<vmem>>)
      tpu.yield
    }) : () -> ()
    "tpu.region"() ({
      %run_scoped3A = tpu.sem_alloc : memref<!tpu.dma_semaphore, #tpu.memory_space<semaphore_mem>>
      %dma_start3A = arith.constant 0 : i32
      %dma_start3A_14 = arith.constant 0 : i32
      %dma_start3A_15 = tpu.memref_slice %arg4[%add3A, %dma_start3A, %dma_start3A_14] : memref<32x16x625xi32, #tpu.memory_space<hbm>> -> memref<1x16x625xi32, #tpu.memory_space<hbm>>
      %dma_start3A_16 = tpu.memref_squeeze %dma_start3A_15 : memref<1x16x625xi32, #tpu.memory_space<hbm>> -> memref<16x625xi32, #tpu.memory_space<hbm>>
      %dma_start3A_17 = arith.constant 0 : i32
      %dma_start3A_18 = arith.constant 0 : i32
      %dma_start3A_19 = tpu.memref_slice %arg4[%add3A, %dma_start3A_17, %dma_start3A_18] : memref<32x16x625xi32, #tpu.memory_space<hbm>> -> memref<1x16x625xi32, #tpu.memory_space<hbm>>
      %dma_start3A_20 = tpu.memref_squeeze %dma_start3A_19 : memref<1x16x625xi32, #tpu.memory_space<hbm>> -> memref<16x625xi32, #tpu.memory_space<hbm>>
      tpu.enqueue_dma source(%dma_start3A_20 : memref<16x625xi32, #tpu.memory_space<hbm>>) target(%arg8 : memref<16x625xi32, #tpu.memory_space<vmem>>) target_semaphore(%run_scoped3A : memref<!tpu.dma_semaphore, #tpu.memory_space<semaphore_mem>>)
      %dma_wait3A = arith.constant 0 : i32
      %dma_wait3A_21 = arith.constant 0 : i32
      %dma_wait3A_22 = tpu.memref_slice %arg4[%add3A, %dma_wait3A, %dma_wait3A_21] : memref<32x16x625xi32, #tpu.memory_space<hbm>> -> memref<1x16x625xi32, #tpu.memory_space<hbm>>
      %dma_wait3A_23 = tpu.memref_squeeze %dma_wait3A_22 : memref<1x16x625xi32, #tpu.memory_space<hbm>> -> memref<16x625xi32, #tpu.memory_space<hbm>>
      %dma_wait3A_24 = arith.constant 0 : i32
      %dma_wait3A_25 = arith.constant 0 : i32
      %dma_wait3A_26 = tpu.memref_slice %arg4[%add3A, %dma_wait3A_24, %dma_wait3A_25] : memref<32x16x625xi32, #tpu.memory_space<hbm>> -> memref<1x16x625xi32, #tpu.memory_space<hbm>>
      %dma_wait3A_27 = tpu.memref_squeeze %dma_wait3A_26 : memref<1x16x625xi32, #tpu.memory_space<hbm>> -> memref<16x625xi32, #tpu.memory_space<hbm>>
      tpu.wait_dma2 semaphore(%run_scoped3A : memref<!tpu.dma_semaphore, #tpu.memory_space<semaphore_mem>>) src(%dma_wait3A_27 : memref<16x625xi32, #tpu.memory_space<hbm>>) dst(%arg8 : memref<16x625xi32, #tpu.memory_space<vmem>>)
      tpu.yield
    }) : () -> ()
    %barrier3A = arith.constant 0 : index
    tpu.barrier barrier_id(%barrier3A)
    %scan3A = arith.constant 0 : i32
    %scan3A_5 = arith.constant 2 : i32
    %scan3A_6 = arith.addi %scan3A, %scan3A_5 : i32
    %scan3A_7 = arith.constant 1 : i32
    scf.for %scan3A_14 = %scan3A to %scan3A_6 step %scan3A_7  : i32 {
      %mul3A_15 = arith.constant 8 : i32
      %mul3A_16 = arith.muli %scan3A_14, %mul3A_15 : i32
      %add3A_17 = arith.constant 0 : i32
      %add3A_18 = arith.addi %mul3A_16, %add3A_17 : i32
      %dma_start3A = arith.constant 0 : i32
      %dma_start3A_19 = arith.constant 0 : i32
      %dma_start3A_20 = arith.constant 0 : i32
      %dma_start3A_21 = tpu.memref_slice %arg9[%dma_start3A, %dma_start3A_19, %dma_start3A_20] : memref<8x625x16xf32, #tpu.memory_space<vmem>> -> memref<1x625x16xf32, #tpu.memory_space<vmem>>
      %dma_start3A_22 = tpu.memref_squeeze %dma_start3A_21 : memref<1x625x16xf32, #tpu.memory_space<vmem>> -> memref<625x16xf32, #tpu.memory_space<vmem>>
      %dma_start3A_23 = arith.constant 0 : i32
      %dma_start3A_24 = tpu.memref_slice %arg7[%add3A_18, %dma_start3A_23] : memref<16x625xi32, #tpu.memory_space<vmem>> -> memref<1x625xi32, #tpu.memory_space<vmem>>
      %dma_start3A_25 = tpu.memref_squeeze %dma_start3A_24 : memref<1x625xi32, #tpu.memory_space<vmem>> -> memref<625xi32, #tpu.memory_space<vmem>>
      %dma_start3A_26 = arith.constant 0 : i32
      %dma_start3A_27 = arith.constant 0 : i32
      %dma_start3A_28 = tpu.memref_slice %arg2[%dma_start3A_26, %dma_start3A_27] : memref<10000x16xf32, #tpu.memory_space<hbm>> -> memref<10000x16xf32, #tpu.memory_space<hbm>>
      tpu.enqueue_indirect_dma source(%dma_start3A_28 : memref<10000x16xf32, #tpu.memory_space<hbm>>) target(%dma_start3A_22 : memref<625x16xf32, #tpu.memory_space<vmem>>) offsets(%dma_start3A_25 : memref<625xi32, #tpu.memory_space<vmem>>) semaphore(%arg11 : memref<!tpu.dma_semaphore, #tpu.memory_space<semaphore_mem>>)
      %add3A_29 = arith.constant 1 : i32
      %add3A_30 = arith.addi %mul3A_16, %add3A_29 : i32
      %dma_start3A_31 = arith.constant 1 : i32
      %dma_start3A_32 = arith.constant 0 : i32
      %dma_start3A_33 = arith.constant 0 : i32
      %dma_start3A_34 = tpu.memref_slice %arg9[%dma_start3A_31, %dma_start3A_32, %dma_start3A_33] : memref<8x625x16xf32, #tpu.memory_space<vmem>> -> memref<1x625x16xf32, #tpu.memory_space<vmem>>
      %dma_start3A_35 = tpu.memref_squeeze %dma_start3A_34 : memref<1x625x16xf32, #tpu.memory_space<vmem>> -> memref<625x16xf32, #tpu.memory_space<vmem>>
      %dma_start3A_36 = arith.constant 0 : i32
      %dma_start3A_37 = tpu.memref_slice %arg7[%add3A_30, %dma_start3A_36] : memref<16x625xi32, #tpu.memory_space<vmem>> -> memref<1x625xi32, #tpu.memory_space<vmem>>
      %dma_start3A_38 = tpu.memref_squeeze %dma_start3A_37 : memref<1x625xi32, #tpu.memory_space<vmem>> -> memref<625xi32, #tpu.memory_space<vmem>>
      %dma_start3A_39 = arith.constant 0 : i32
      %dma_start3A_40 = arith.constant 0 : i32
      %dma_start3A_41 = tpu.memref_slice %arg2[%dma_start3A_39, %dma_start3A_40] : memref<10000x16xf32, #tpu.memory_space<hbm>> -> memref<10000x16xf32, #tpu.memory_space<hbm>>
      tpu.enqueue_indirect_dma source(%dma_start3A_41 : memref<10000x16xf32, #tpu.memory_space<hbm>>) target(%dma_start3A_35 : memref<625x16xf32, #tpu.memory_space<vmem>>) offsets(%dma_start3A_38 : memref<625xi32, #tpu.memory_space<vmem>>) semaphore(%arg12 : memref<!tpu.dma_semaphore, #tpu.memory_space<semaphore_mem>>)
      %add3A_42 = arith.constant 2 : i32
      %add3A_43 = arith.addi %mul3A_16, %add3A_42 : i32
      %dma_start3A_44 = arith.constant 2 : i32
      %dma_start3A_45 = arith.constant 0 : i32
      %dma_start3A_46 = arith.constant 0 : i32
      %dma_start3A_47 = tpu.memref_slice %arg9[%dma_start3A_44, %dma_start3A_45, %dma_start3A_46] : memref<8x625x16xf32, #tpu.memory_space<vmem>> -> memref<1x625x16xf32, #tpu.memory_space<vmem>>
      %dma_start3A_48 = tpu.memref_squeeze %dma_start3A_47 : memref<1x625x16xf32, #tpu.memory_space<vmem>> -> memref<625x16xf32, #tpu.memory_space<vmem>>
      %dma_start3A_49 = arith.constant 0 : i32
      %dma_start3A_50 = tpu.memref_slice %arg7[%add3A_43, %dma_start3A_49] : memref<16x625xi32, #tpu.memory_space<vmem>> -> memref<1x625xi32, #tpu.memory_space<vmem>>
      %dma_start3A_51 = tpu.memref_squeeze %dma_start3A_50 : memref<1x625xi32, #tpu.memory_space<vmem>> -> memref<625xi32, #tpu.memory_space<vmem>>
      %dma_start3A_52 = arith.constant 0 : i32
      %dma_start3A_53 = arith.constant 0 : i32
      %dma_start3A_54 = tpu.memref_slice %arg2[%dma_start3A_52, %dma_start3A_53] : memref<10000x16xf32, #tpu.memory_space<hbm>> -> memref<10000x16xf32, #tpu.memory_space<hbm>>
      tpu.enqueue_indirect_dma source(%dma_start3A_54 : memref<10000x16xf32, #tpu.memory_space<hbm>>) target(%dma_start3A_48 : memref<625x16xf32, #tpu.memory_space<vmem>>) offsets(%dma_start3A_51 : memref<625xi32, #tpu.memory_space<vmem>>) semaphore(%arg13 : memref<!tpu.dma_semaphore, #tpu.memory_space<semaphore_mem>>)
      %add3A_55 = arith.constant 3 : i32
      %add3A_56 = arith.addi %mul3A_16, %add3A_55 : i32
      %dma_start3A_57 = arith.constant 3 : i32
      %dma_start3A_58 = arith.constant 0 : i32
      %dma_start3A_59 = arith.constant 0 : i32
      %dma_start3A_60 = tpu.memref_slice %arg9[%dma_start3A_57, %dma_start3A_58, %dma_start3A_59] : memref<8x625x16xf32, #tpu.memory_space<vmem>> -> memref<1x625x16xf32, #tpu.memory_space<vmem>>
      %dma_start3A_61 = tpu.memref_squeeze %dma_start3A_60 : memref<1x625x16xf32, #tpu.memory_space<vmem>> -> memref<625x16xf32, #tpu.memory_space<vmem>>
      %dma_start3A_62 = arith.constant 0 : i32
      %dma_start3A_63 = tpu.memref_slice %arg7[%add3A_56, %dma_start3A_62] : memref<16x625xi32, #tpu.memory_space<vmem>> -> memref<1x625xi32, #tpu.memory_space<vmem>>
      %dma_start3A_64 = tpu.memref_squeeze %dma_start3A_63 : memref<1x625xi32, #tpu.memory_space<vmem>> -> memref<625xi32, #tpu.memory_space<vmem>>
      %dma_start3A_65 = arith.constant 0 : i32
      %dma_start3A_66 = arith.constant 0 : i32
      %dma_start3A_67 = tpu.memref_slice %arg2[%dma_start3A_65, %dma_start3A_66] : memref<10000x16xf32, #tpu.memory_space<hbm>> -> memref<10000x16xf32, #tpu.memory_space<hbm>>
      tpu.enqueue_indirect_dma source(%dma_start3A_67 : memref<10000x16xf32, #tpu.memory_space<hbm>>) target(%dma_start3A_61 : memref<625x16xf32, #tpu.memory_space<vmem>>) offsets(%dma_start3A_64 : memref<625xi32, #tpu.memory_space<vmem>>) semaphore(%arg14 : memref<!tpu.dma_semaphore, #tpu.memory_space<semaphore_mem>>)
      %add3A_68 = arith.constant 4 : i32
      %add3A_69 = arith.addi %mul3A_16, %add3A_68 : i32
      %dma_start3A_70 = arith.constant 4 : i32
      %dma_start3A_71 = arith.constant 0 : i32
      %dma_start3A_72 = arith.constant 0 : i32
      %dma_start3A_73 = tpu.memref_slice %arg9[%dma_start3A_70, %dma_start3A_71, %dma_start3A_72] : memref<8x625x16xf32, #tpu.memory_space<vmem>> -> memref<1x625x16xf32, #tpu.memory_space<vmem>>
      %dma_start3A_74 = tpu.memref_squeeze %dma_start3A_73 : memref<1x625x16xf32, #tpu.memory_space<vmem>> -> memref<625x16xf32, #tpu.memory_space<vmem>>
      %dma_start3A_75 = arith.constant 0 : i32
      %dma_start3A_76 = tpu.memref_slice %arg7[%add3A_69, %dma_start3A_75] : memref<16x625xi32, #tpu.memory_space<vmem>> -> memref<1x625xi32, #tpu.memory_space<vmem>>
      %dma_start3A_77 = tpu.memref_squeeze %dma_start3A_76 : memref<1x625xi32, #tpu.memory_space<vmem>> -> memref<625xi32, #tpu.memory_space<vmem>>
      %dma_start3A_78 = arith.constant 0 : i32
      %dma_start3A_79 = arith.constant 0 : i32
      %dma_start3A_80 = tpu.memref_slice %arg2[%dma_start3A_78, %dma_start3A_79] : memref<10000x16xf32, #tpu.memory_space<hbm>> -> memref<10000x16xf32, #tpu.memory_space<hbm>>
      tpu.enqueue_indirect_dma source(%dma_start3A_80 : memref<10000x16xf32, #tpu.memory_space<hbm>>) target(%dma_start3A_74 : memref<625x16xf32, #tpu.memory_space<vmem>>) offsets(%dma_start3A_77 : memref<625xi32, #tpu.memory_space<vmem>>) semaphore(%arg15 : memref<!tpu.dma_semaphore, #tpu.memory_space<semaphore_mem>>)
      %add3A_81 = arith.constant 5 : i32
      %add3A_82 = arith.addi %mul3A_16, %add3A_81 : i32
      %dma_start3A_83 = arith.constant 5 : i32
      %dma_start3A_84 = arith.constant 0 : i32
      %dma_start3A_85 = arith.constant 0 : i32
      %dma_start3A_86 = tpu.memref_slice %arg9[%dma_start3A_83, %dma_start3A_84, %dma_start3A_85] : memref<8x625x16xf32, #tpu.memory_space<vmem>> -> memref<1x625x16xf32, #tpu.memory_space<vmem>>
      %dma_start3A_87 = tpu.memref_squeeze %dma_start3A_86 : memref<1x625x16xf32, #tpu.memory_space<vmem>> -> memref<625x16xf32, #tpu.memory_space<vmem>>
      %dma_start3A_88 = arith.constant 0 : i32
      %dma_start3A_89 = tpu.memref_slice %arg7[%add3A_82, %dma_start3A_88] : memref<16x625xi32, #tpu.memory_space<vmem>> -> memref<1x625xi32, #tpu.memory_space<vmem>>
      %dma_start3A_90 = tpu.memref_squeeze %dma_start3A_89 : memref<1x625xi32, #tpu.memory_space<vmem>> -> memref<625xi32, #tpu.memory_space<vmem>>
      %dma_start3A_91 = arith.constant 0 : i32
      %dma_start3A_92 = arith.constant 0 : i32
      %dma_start3A_93 = tpu.memref_slice %arg2[%dma_start3A_91, %dma_start3A_92] : memref<10000x16xf32, #tpu.memory_space<hbm>> -> memref<10000x16xf32, #tpu.memory_space<hbm>>
      tpu.enqueue_indirect_dma source(%dma_start3A_93 : memref<10000x16xf32, #tpu.memory_space<hbm>>) target(%dma_start3A_87 : memref<625x16xf32, #tpu.memory_space<vmem>>) offsets(%dma_start3A_90 : memref<625xi32, #tpu.memory_space<vmem>>) semaphore(%arg16 : memref<!tpu.dma_semaphore, #tpu.memory_space<semaphore_mem>>)
      %add3A_94 = arith.constant 6 : i32
      %add3A_95 = arith.addi %mul3A_16, %add3A_94 : i32
      %dma_start3A_96 = arith.constant 6 : i32
      %dma_start3A_97 = arith.constant 0 : i32
      %dma_start3A_98 = arith.constant 0 : i32
      %dma_start3A_99 = tpu.memref_slice %arg9[%dma_start3A_96, %dma_start3A_97, %dma_start3A_98] : memref<8x625x16xf32, #tpu.memory_space<vmem>> -> memref<1x625x16xf32, #tpu.memory_space<vmem>>
      %dma_start3A_100 = tpu.memref_squeeze %dma_start3A_99 : memref<1x625x16xf32, #tpu.memory_space<vmem>> -> memref<625x16xf32, #tpu.memory_space<vmem>>
      %dma_start3A_101 = arith.constant 0 : i32
      %dma_start3A_102 = tpu.memref_slice %arg7[%add3A_95, %dma_start3A_101] : memref<16x625xi32, #tpu.memory_space<vmem>> -> memref<1x625xi32, #tpu.memory_space<vmem>>
      %dma_start3A_103 = tpu.memref_squeeze %dma_start3A_102 : memref<1x625xi32, #tpu.memory_space<vmem>> -> memref<625xi32, #tpu.memory_space<vmem>>
      %dma_start3A_104 = arith.constant 0 : i32
      %dma_start3A_105 = arith.constant 0 : i32
      %dma_start3A_106 = tpu.memref_slice %arg2[%dma_start3A_104, %dma_start3A_105] : memref<10000x16xf32, #tpu.memory_space<hbm>> -> memref<10000x16xf32, #tpu.memory_space<hbm>>
      tpu.enqueue_indirect_dma source(%dma_start3A_106 : memref<10000x16xf32, #tpu.memory_space<hbm>>) target(%dma_start3A_100 : memref<625x16xf32, #tpu.memory_space<vmem>>) offsets(%dma_start3A_103 : memref<625xi32, #tpu.memory_space<vmem>>) semaphore(%arg17 : memref<!tpu.dma_semaphore, #tpu.memory_space<semaphore_mem>>)
      %add3A_107 = arith.constant 7 : i32
      %add3A_108 = arith.addi %mul3A_16, %add3A_107 : i32
      %dma_start3A_109 = arith.constant 7 : i32
      %dma_start3A_110 = arith.constant 0 : i32
      %dma_start3A_111 = arith.constant 0 : i32
      %dma_start3A_112 = tpu.memref_slice %arg9[%dma_start3A_109, %dma_start3A_110, %dma_start3A_111] : memref<8x625x16xf32, #tpu.memory_space<vmem>> -> memref<1x625x16xf32, #tpu.memory_space<vmem>>
      %dma_start3A_113 = tpu.memref_squeeze %dma_start3A_112 : memref<1x625x16xf32, #tpu.memory_space<vmem>> -> memref<625x16xf32, #tpu.memory_space<vmem>>
      %dma_start3A_114 = arith.constant 0 : i32
      %dma_start3A_115 = tpu.memref_slice %arg7[%add3A_108, %dma_start3A_114] : memref<16x625xi32, #tpu.memory_space<vmem>> -> memref<1x625xi32, #tpu.memory_space<vmem>>
      %dma_start3A_116 = tpu.memref_squeeze %dma_start3A_115 : memref<1x625xi32, #tpu.memory_space<vmem>> -> memref<625xi32, #tpu.memory_space<vmem>>
      %dma_start3A_117 = arith.constant 0 : i32
      %dma_start3A_118 = arith.constant 0 : i32
      %dma_start3A_119 = tpu.memref_slice %arg2[%dma_start3A_117, %dma_start3A_118] : memref<10000x16xf32, #tpu.memory_space<hbm>> -> memref<10000x16xf32, #tpu.memory_space<hbm>>
      tpu.enqueue_indirect_dma source(%dma_start3A_119 : memref<10000x16xf32, #tpu.memory_space<hbm>>) target(%dma_start3A_113 : memref<625x16xf32, #tpu.memory_space<vmem>>) offsets(%dma_start3A_116 : memref<625xi32, #tpu.memory_space<vmem>>) semaphore(%arg18 : memref<!tpu.dma_semaphore, #tpu.memory_space<semaphore_mem>>)
      %dma_wait3A = arith.constant 0 : i32
      %dma_wait3A_120 = arith.constant 0 : i32
      %dma_wait3A_121 = arith.constant 0 : i32
      %dma_wait3A_122 = tpu.memref_slice %arg9[%dma_wait3A, %dma_wait3A_120, %dma_wait3A_121] : memref<8x625x16xf32, #tpu.memory_space<vmem>> -> memref<1x625x16xf32, #tpu.memory_space<vmem>>
      %dma_wait3A_123 = tpu.memref_squeeze %dma_wait3A_122 : memref<1x625x16xf32, #tpu.memory_space<vmem>> -> memref<625x16xf32, #tpu.memory_space<vmem>>
      %dma_wait3A_124 = arith.constant 0 : i32
      %dma_wait3A_125 = tpu.memref_slice %arg7[%add3A_18, %dma_wait3A_124] : memref<16x625xi32, #tpu.memory_space<vmem>> -> memref<1x625xi32, #tpu.memory_space<vmem>>
      %dma_wait3A_126 = tpu.memref_squeeze %dma_wait3A_125 : memref<1x625xi32, #tpu.memory_space<vmem>> -> memref<625xi32, #tpu.memory_space<vmem>>
      %dma_wait3A_127 = arith.constant 0 : i32
      %dma_wait3A_128 = arith.constant 0 : i32
      %dma_wait3A_129 = tpu.memref_slice %arg2[%dma_wait3A_127, %dma_wait3A_128] : memref<10000x16xf32, #tpu.memory_space<hbm>> -> memref<10000x16xf32, #tpu.memory_space<hbm>>
      tpu.wait_indirect_dma semaphore(%arg11 : memref<!tpu.dma_semaphore, #tpu.memory_space<semaphore_mem>>) src(%dma_wait3A_129 : memref<10000x16xf32, #tpu.memory_space<hbm>>) dst(%dma_wait3A_123 : memref<625x16xf32, #tpu.memory_space<vmem>>)
      %add3A_130 = arith.constant 0 : i32
      %add3A_131 = arith.addi %mul3A_16, %add3A_130 : i32
      %run_scoped3A = arith.constant 0 : i32
      "tpu.region"() ({
        %run_scoped3A_230 = tpu.sem_alloc : memref<!tpu.dma_semaphore, #tpu.memory_space<semaphore_mem>>
        %dma_start3A_231 = arith.constant 0 : i32
        %dma_start3A_232 = arith.constant 0 : i32
        %dma_start3A_233 = tpu.memref_slice %arg9[%run_scoped3A, %dma_start3A_231, %dma_start3A_232] : memref<8x625x16xf32, #tpu.memory_space<vmem>> -> memref<1x625x16xf32, #tpu.memory_space<vmem>>
        %dma_start3A_234 = tpu.memref_squeeze %dma_start3A_233 : memref<1x625x16xf32, #tpu.memory_space<vmem>> -> memref<625x16xf32, #tpu.memory_space<vmem>>
        %dma_start3A_235 = arith.constant 0 : i32
        %dma_start3A_236 = tpu.memref_slice %arg8[%add3A_131, %dma_start3A_235] : memref<16x625xi32, #tpu.memory_space<vmem>> -> memref<1x625xi32, #tpu.memory_space<vmem>>
        %dma_start3A_237 = tpu.memref_squeeze %dma_start3A_236 : memref<1x625xi32, #tpu.memory_space<vmem>> -> memref<625xi32, #tpu.memory_space<vmem>>
        %dma_start3A_238 = arith.constant 0 : i32
        %dma_start3A_239 = arith.constant 0 : i32
        %dma_start3A_240 = tpu.memref_slice %arg10[%dma_start3A_238, %dma_start3A_239] : memref<10240x16xf32, #tpu.memory_space<vmem_shared>> -> memref<10240x16xf32, #tpu.memory_space<vmem_shared>>
        tpu.enqueue_indirect_dma source(%dma_start3A_234 : memref<625x16xf32, #tpu.memory_space<vmem>>) target(%dma_start3A_240 : memref<10240x16xf32, #tpu.memory_space<vmem_shared>>) offsets(%dma_start3A_237 : memref<625xi32, #tpu.memory_space<vmem>>) semaphore(%run_scoped3A_230 : memref<!tpu.dma_semaphore, #tpu.memory_space<semaphore_mem>>) {add = true}
        %dma_wait3A_241 = arith.constant 0 : i32
        %dma_wait3A_242 = arith.constant 0 : i32
        %dma_wait3A_243 = tpu.memref_slice %arg9[%run_scoped3A, %dma_wait3A_241, %dma_wait3A_242] : memref<8x625x16xf32, #tpu.memory_space<vmem>> -> memref<1x625x16xf32, #tpu.memory_space<vmem>>
        %dma_wait3A_244 = tpu.memref_squeeze %dma_wait3A_243 : memref<1x625x16xf32, #tpu.memory_space<vmem>> -> memref<625x16xf32, #tpu.memory_space<vmem>>
        %dma_wait3A_245 = arith.constant 0 : i32
        %dma_wait3A_246 = tpu.memref_slice %arg8[%add3A_131, %dma_wait3A_245] : memref<16x625xi32, #tpu.memory_space<vmem>> -> memref<1x625xi32, #tpu.memory_space<vmem>>
        %dma_wait3A_247 = tpu.memref_squeeze %dma_wait3A_246 : memref<1x625xi32, #tpu.memory_space<vmem>> -> memref<625xi32, #tpu.memory_space<vmem>>
        %dma_wait3A_248 = arith.constant 0 : i32
        %dma_wait3A_249 = arith.constant 0 : i32
        %dma_wait3A_250 = tpu.memref_slice %arg10[%dma_wait3A_248, %dma_wait3A_249] : memref<10240x16xf32, #tpu.memory_space<vmem_shared>> -> memref<10240x16xf32, #tpu.memory_space<vmem_shared>>
        tpu.wait_indirect_dma semaphore(%run_scoped3A_230 : memref<!tpu.dma_semaphore, #tpu.memory_space<semaphore_mem>>) src(%dma_wait3A_244 : memref<625x16xf32, #tpu.memory_space<vmem>>) dst(%dma_wait3A_250 : memref<10240x16xf32, #tpu.memory_space<vmem_shared>>)
        tpu.yield
      }) : () -> ()
      %dma_wait3A_132 = arith.constant 1 : i32
      %dma_wait3A_133 = arith.constant 0 : i32
      %dma_wait3A_134 = arith.constant 0 : i32
      %dma_wait3A_135 = tpu.memref_slice %arg9[%dma_wait3A_132, %dma_wait3A_133, %dma_wait3A_134] : memref<8x625x16xf32, #tpu.memory_space<vmem>> -> memref<1x625x16xf32, #tpu.memory_space<vmem>>
      %dma_wait3A_136 = tpu.memref_squeeze %dma_wait3A_135 : memref<1x625x16xf32, #tpu.memory_space<vmem>> -> memref<625x16xf32, #tpu.memory_space<vmem>>
      %dma_wait3A_137 = arith.constant 0 : i32
      %dma_wait3A_138 = tpu.memref_slice %arg7[%add3A_30, %dma_wait3A_137] : memref<16x625xi32, #tpu.memory_space<vmem>> -> memref<1x625xi32, #tpu.memory_space<vmem>>
      %dma_wait3A_139 = tpu.memref_squeeze %dma_wait3A_138 : memref<1x625xi32, #tpu.memory_space<vmem>> -> memref<625xi32, #tpu.memory_space<vmem>>
      %dma_wait3A_140 = arith.constant 0 : i32
      %dma_wait3A_141 = arith.constant 0 : i32
      %dma_wait3A_142 = tpu.memref_slice %arg2[%dma_wait3A_140, %dma_wait3A_141] : memref<10000x16xf32, #tpu.memory_space<hbm>> -> memref<10000x16xf32, #tpu.memory_space<hbm>>
      tpu.wait_indirect_dma semaphore(%arg12 : memref<!tpu.dma_semaphore, #tpu.memory_space<semaphore_mem>>) src(%dma_wait3A_142 : memref<10000x16xf32, #tpu.memory_space<hbm>>) dst(%dma_wait3A_136 : memref<625x16xf32, #tpu.memory_space<vmem>>)
      %add3A_143 = arith.constant 1 : i32
      %add3A_144 = arith.addi %mul3A_16, %add3A_143 : i32
      %run_scoped3A_145 = arith.constant 1 : i32
      "tpu.region"() ({
        %run_scoped3A_230 = tpu.sem_alloc : memref<!tpu.dma_semaphore, #tpu.memory_space<semaphore_mem>>
        %dma_start3A_231 = arith.constant 0 : i32
        %dma_start3A_232 = arith.constant 0 : i32
        %dma_start3A_233 = tpu.memref_slice %arg9[%run_scoped3A_145, %dma_start3A_231, %dma_start3A_232] : memref<8x625x16xf32, #tpu.memory_space<vmem>> -> memref<1x625x16xf32, #tpu.memory_space<vmem>>
        %dma_start3A_234 = tpu.memref_squeeze %dma_start3A_233 : memref<1x625x16xf32, #tpu.memory_space<vmem>> -> memref<625x16xf32, #tpu.memory_space<vmem>>
        %dma_start3A_235 = arith.constant 0 : i32
        %dma_start3A_236 = tpu.memref_slice %arg8[%add3A_144, %dma_start3A_235] : memref<16x625xi32, #tpu.memory_space<vmem>> -> memref<1x625xi32, #tpu.memory_space<vmem>>
        %dma_start3A_237 = tpu.memref_squeeze %dma_start3A_236 : memref<1x625xi32, #tpu.memory_space<vmem>> -> memref<625xi32, #tpu.memory_space<vmem>>
        %dma_start3A_238 = arith.constant 0 : i32
        %dma_start3A_239 = arith.constant 0 : i32
        %dma_start3A_240 = tpu.memref_slice %arg10[%dma_start3A_238, %dma_start3A_239] : memref<10240x16xf32, #tpu.memory_space<vmem_shared>> -> memref<10240x16xf32, #tpu.memory_space<vmem_shared>>
        tpu.enqueue_indirect_dma source(%dma_start3A_234 : memref<625x16xf32, #tpu.memory_space<vmem>>) target(%dma_start3A_240 : memref<10240x16xf32, #tpu.memory_space<vmem_shared>>) offsets(%dma_start3A_237 : memref<625xi32, #tpu.memory_space<vmem>>) semaphore(%run_scoped3A_230 : memref<!tpu.dma_semaphore, #tpu.memory_space<semaphore_mem>>) {add = true}
        %dma_wait3A_241 = arith.constant 0 : i32
        %dma_wait3A_242 = arith.constant 0 : i32
        %dma_wait3A_243 = tpu.memref_slice %arg9[%run_scoped3A_145, %dma_wait3A_241, %dma_wait3A_242] : memref<8x625x16xf32, #tpu.memory_space<vmem>> -> memref<1x625x16xf32, #tpu.memory_space<vmem>>
        %dma_wait3A_244 = tpu.memref_squeeze %dma_wait3A_243 : memref<1x625x16xf32, #tpu.memory_space<vmem>> -> memref<625x16xf32, #tpu.memory_space<vmem>>
        %dma_wait3A_245 = arith.constant 0 : i32
        %dma_wait3A_246 = tpu.memref_slice %arg8[%add3A_144, %dma_wait3A_245] : memref<16x625xi32, #tpu.memory_space<vmem>> -> memref<1x625xi32, #tpu.memory_space<vmem>>
        %dma_wait3A_247 = tpu.memref_squeeze %dma_wait3A_246 : memref<1x625xi32, #tpu.memory_space<vmem>> -> memref<625xi32, #tpu.memory_space<vmem>>
        %dma_wait3A_248 = arith.constant 0 : i32
        %dma_wait3A_249 = arith.constant 0 : i32
        %dma_wait3A_250 = tpu.memref_slice %arg10[%dma_wait3A_248, %dma_wait3A_249] : memref<10240x16xf32, #tpu.memory_space<vmem_shared>> -> memref<10240x16xf32, #tpu.memory_space<vmem_shared>>
        tpu.wait_indirect_dma semaphore(%run_scoped3A_230 : memref<!tpu.dma_semaphore, #tpu.memory_space<semaphore_mem>>) src(%dma_wait3A_244 : memref<625x16xf32, #tpu.memory_space<vmem>>) dst(%dma_wait3A_250 : memref<10240x16xf32, #tpu.memory_space<vmem_shared>>)
        tpu.yield
      }) : () -> ()
      %dma_wait3A_146 = arith.constant 2 : i32
      %dma_wait3A_147 = arith.constant 0 : i32
      %dma_wait3A_148 = arith.constant 0 : i32
      %dma_wait3A_149 = tpu.memref_slice %arg9[%dma_wait3A_146, %dma_wait3A_147, %dma_wait3A_148] : memref<8x625x16xf32, #tpu.memory_space<vmem>> -> memref<1x625x16xf32, #tpu.memory_space<vmem>>
      %dma_wait3A_150 = tpu.memref_squeeze %dma_wait3A_149 : memref<1x625x16xf32, #tpu.memory_space<vmem>> -> memref<625x16xf32, #tpu.memory_space<vmem>>
      %dma_wait3A_151 = arith.constant 0 : i32
      %dma_wait3A_152 = tpu.memref_slice %arg7[%add3A_43, %dma_wait3A_151] : memref<16x625xi32, #tpu.memory_space<vmem>> -> memref<1x625xi32, #tpu.memory_space<vmem>>
      %dma_wait3A_153 = tpu.memref_squeeze %dma_wait3A_152 : memref<1x625xi32, #tpu.memory_space<vmem>> -> memref<625xi32, #tpu.memory_space<vmem>>
      %dma_wait3A_154 = arith.constant 0 : i32
      %dma_wait3A_155 = arith.constant 0 : i32
      %dma_wait3A_156 = tpu.memref_slice %arg2[%dma_wait3A_154, %dma_wait3A_155] : memref<10000x16xf32, #tpu.memory_space<hbm>> -> memref<10000x16xf32, #tpu.memory_space<hbm>>
      tpu.wait_indirect_dma semaphore(%arg13 : memref<!tpu.dma_semaphore, #tpu.memory_space<semaphore_mem>>) src(%dma_wait3A_156 : memref<10000x16xf32, #tpu.memory_space<hbm>>) dst(%dma_wait3A_150 : memref<625x16xf32, #tpu.memory_space<vmem>>)
      %add3A_157 = arith.constant 2 : i32
      %add3A_158 = arith.addi %mul3A_16, %add3A_157 : i32
      %run_scoped3A_159 = arith.constant 2 : i32
      "tpu.region"() ({
        %run_scoped3A_230 = tpu.sem_alloc : memref<!tpu.dma_semaphore, #tpu.memory_space<semaphore_mem>>
        %dma_start3A_231 = arith.constant 0 : i32
        %dma_start3A_232 = arith.constant 0 : i32
        %dma_start3A_233 = tpu.memref_slice %arg9[%run_scoped3A_159, %dma_start3A_231, %dma_start3A_232] : memref<8x625x16xf32, #tpu.memory_space<vmem>> -> memref<1x625x16xf32, #tpu.memory_space<vmem>>
        %dma_start3A_234 = tpu.memref_squeeze %dma_start3A_233 : memref<1x625x16xf32, #tpu.memory_space<vmem>> -> memref<625x16xf32, #tpu.memory_space<vmem>>
        %dma_start3A_235 = arith.constant 0 : i32
        %dma_start3A_236 = tpu.memref_slice %arg8[%add3A_158, %dma_start3A_235] : memref<16x625xi32, #tpu.memory_space<vmem>> -> memref<1x625xi32, #tpu.memory_space<vmem>>
        %dma_start3A_237 = tpu.memref_squeeze %dma_start3A_236 : memref<1x625xi32, #tpu.memory_space<vmem>> -> memref<625xi32, #tpu.memory_space<vmem>>
        %dma_start3A_238 = arith.constant 0 : i32
        %dma_start3A_239 = arith.constant 0 : i32
        %dma_start3A_240 = tpu.memref_slice %arg10[%dma_start3A_238, %dma_start3A_239] : memref<10240x16xf32, #tpu.memory_space<vmem_shared>> -> memref<10240x16xf32, #tpu.memory_space<vmem_shared>>
        tpu.enqueue_indirect_dma source(%dma_start3A_234 : memref<625x16xf32, #tpu.memory_space<vmem>>) target(%dma_start3A_240 : memref<10240x16xf32, #tpu.memory_space<vmem_shared>>) offsets(%dma_start3A_237 : memref<625xi32, #tpu.memory_space<vmem>>) semaphore(%run_scoped3A_230 : memref<!tpu.dma_semaphore, #tpu.memory_space<semaphore_mem>>) {add = true}
        %dma_wait3A_241 = arith.constant 0 : i32
        %dma_wait3A_242 = arith.constant 0 : i32
        %dma_wait3A_243 = tpu.memref_slice %arg9[%run_scoped3A_159, %dma_wait3A_241, %dma_wait3A_242] : memref<8x625x16xf32, #tpu.memory_space<vmem>> -> memref<1x625x16xf32, #tpu.memory_space<vmem>>
        %dma_wait3A_244 = tpu.memref_squeeze %dma_wait3A_243 : memref<1x625x16xf32, #tpu.memory_space<vmem>> -> memref<625x16xf32, #tpu.memory_space<vmem>>
        %dma_wait3A_245 = arith.constant 0 : i32
        %dma_wait3A_246 = tpu.memref_slice %arg8[%add3A_158, %dma_wait3A_245] : memref<16x625xi32, #tpu.memory_space<vmem>> -> memref<1x625xi32, #tpu.memory_space<vmem>>
        %dma_wait3A_247 = tpu.memref_squeeze %dma_wait3A_246 : memref<1x625xi32, #tpu.memory_space<vmem>> -> memref<625xi32, #tpu.memory_space<vmem>>
        %dma_wait3A_248 = arith.constant 0 : i32
        %dma_wait3A_249 = arith.constant 0 : i32
        %dma_wait3A_250 = tpu.memref_slice %arg10[%dma_wait3A_248, %dma_wait3A_249] : memref<10240x16xf32, #tpu.memory_space<vmem_shared>> -> memref<10240x16xf32, #tpu.memory_space<vmem_shared>>
        tpu.wait_indirect_dma semaphore(%run_scoped3A_230 : memref<!tpu.dma_semaphore, #tpu.memory_space<semaphore_mem>>) src(%dma_wait3A_244 : memref<625x16xf32, #tpu.memory_space<vmem>>) dst(%dma_wait3A_250 : memref<10240x16xf32, #tpu.memory_space<vmem_shared>>)
        tpu.yield
      }) : () -> ()
      %dma_wait3A_160 = arith.constant 3 : i32
      %dma_wait3A_161 = arith.constant 0 : i32
      %dma_wait3A_162 = arith.constant 0 : i32
      %dma_wait3A_163 = tpu.memref_slice %arg9[%dma_wait3A_160, %dma_wait3A_161, %dma_wait3A_162] : memref<8x625x16xf32, #tpu.memory_space<vmem>> -> memref<1x625x16xf32, #tpu.memory_space<vmem>>
      %dma_wait3A_164 = tpu.memref_squeeze %dma_wait3A_163 : memref<1x625x16xf32, #tpu.memory_space<vmem>> -> memref<625x16xf32, #tpu.memory_space<vmem>>
      %dma_wait3A_165 = arith.constant 0 : i32
      %dma_wait3A_166 = tpu.memref_slice %arg7[%add3A_56, %dma_wait3A_165] : memref<16x625xi32, #tpu.memory_space<vmem>> -> memref<1x625xi32, #tpu.memory_space<vmem>>
      %dma_wait3A_167 = tpu.memref_squeeze %dma_wait3A_166 : memref<1x625xi32, #tpu.memory_space<vmem>> -> memref<625xi32, #tpu.memory_space<vmem>>
      %dma_wait3A_168 = arith.constant 0 : i32
      %dma_wait3A_169 = arith.constant 0 : i32
      %dma_wait3A_170 = tpu.memref_slice %arg2[%dma_wait3A_168, %dma_wait3A_169] : memref<10000x16xf32, #tpu.memory_space<hbm>> -> memref<10000x16xf32, #tpu.memory_space<hbm>>
      tpu.wait_indirect_dma semaphore(%arg14 : memref<!tpu.dma_semaphore, #tpu.memory_space<semaphore_mem>>) src(%dma_wait3A_170 : memref<10000x16xf32, #tpu.memory_space<hbm>>) dst(%dma_wait3A_164 : memref<625x16xf32, #tpu.memory_space<vmem>>)
      %add3A_171 = arith.constant 3 : i32
      %add3A_172 = arith.addi %mul3A_16, %add3A_171 : i32
      %run_scoped3A_173 = arith.constant 3 : i32
      "tpu.region"() ({
        %run_scoped3A_230 = tpu.sem_alloc : memref<!tpu.dma_semaphore, #tpu.memory_space<semaphore_mem>>
        %dma_start3A_231 = arith.constant 0 : i32
        %dma_start3A_232 = arith.constant 0 : i32
        %dma_start3A_233 = tpu.memref_slice %arg9[%run_scoped3A_173, %dma_start3A_231, %dma_start3A_232] : memref<8x625x16xf32, #tpu.memory_space<vmem>> -> memref<1x625x16xf32, #tpu.memory_space<vmem>>
        %dma_start3A_234 = tpu.memref_squeeze %dma_start3A_233 : memref<1x625x16xf32, #tpu.memory_space<vmem>> -> memref<625x16xf32, #tpu.memory_space<vmem>>
        %dma_start3A_235 = arith.constant 0 : i32
        %dma_start3A_236 = tpu.memref_slice %arg8[%add3A_172, %dma_start3A_235] : memref<16x625xi32, #tpu.memory_space<vmem>> -> memref<1x625xi32, #tpu.memory_space<vmem>>
        %dma_start3A_237 = tpu.memref_squeeze %dma_start3A_236 : memref<1x625xi32, #tpu.memory_space<vmem>> -> memref<625xi32, #tpu.memory_space<vmem>>
        %dma_start3A_238 = arith.constant 0 : i32
        %dma_start3A_239 = arith.constant 0 : i32
        %dma_start3A_240 = tpu.memref_slice %arg10[%dma_start3A_238, %dma_start3A_239] : memref<10240x16xf32, #tpu.memory_space<vmem_shared>> -> memref<10240x16xf32, #tpu.memory_space<vmem_shared>>
        tpu.enqueue_indirect_dma source(%dma_start3A_234 : memref<625x16xf32, #tpu.memory_space<vmem>>) target(%dma_start3A_240 : memref<10240x16xf32, #tpu.memory_space<vmem_shared>>) offsets(%dma_start3A_237 : memref<625xi32, #tpu.memory_space<vmem>>) semaphore(%run_scoped3A_230 : memref<!tpu.dma_semaphore, #tpu.memory_space<semaphore_mem>>) {add = true}
        %dma_wait3A_241 = arith.constant 0 : i32
        %dma_wait3A_242 = arith.constant 0 : i32
        %dma_wait3A_243 = tpu.memref_slice %arg9[%run_scoped3A_173, %dma_wait3A_241, %dma_wait3A_242] : memref<8x625x16xf32, #tpu.memory_space<vmem>> -> memref<1x625x16xf32, #tpu.memory_space<vmem>>
        %dma_wait3A_244 = tpu.memref_squeeze %dma_wait3A_243 : memref<1x625x16xf32, #tpu.memory_space<vmem>> -> memref<625x16xf32, #tpu.memory_space<vmem>>
        %dma_wait3A_245 = arith.constant 0 : i32
        %dma_wait3A_246 = tpu.memref_slice %arg8[%add3A_172, %dma_wait3A_245] : memref<16x625xi32, #tpu.memory_space<vmem>> -> memref<1x625xi32, #tpu.memory_space<vmem>>
        %dma_wait3A_247 = tpu.memref_squeeze %dma_wait3A_246 : memref<1x625xi32, #tpu.memory_space<vmem>> -> memref<625xi32, #tpu.memory_space<vmem>>
        %dma_wait3A_248 = arith.constant 0 : i32
        %dma_wait3A_249 = arith.constant 0 : i32
        %dma_wait3A_250 = tpu.memref_slice %arg10[%dma_wait3A_248, %dma_wait3A_249] : memref<10240x16xf32, #tpu.memory_space<vmem_shared>> -> memref<10240x16xf32, #tpu.memory_space<vmem_shared>>
        tpu.wait_indirect_dma semaphore(%run_scoped3A_230 : memref<!tpu.dma_semaphore, #tpu.memory_space<semaphore_mem>>) src(%dma_wait3A_244 : memref<625x16xf32, #tpu.memory_space<vmem>>) dst(%dma_wait3A_250 : memref<10240x16xf32, #tpu.memory_space<vmem_shared>>)
        tpu.yield
      }) : () -> ()
      %dma_wait3A_174 = arith.constant 4 : i32
      %dma_wait3A_175 = arith.constant 0 : i32
      %dma_wait3A_176 = arith.constant 0 : i32
      %dma_wait3A_177 = tpu.memref_slice %arg9[%dma_wait3A_174, %dma_wait3A_175, %dma_wait3A_176] : memref<8x625x16xf32, #tpu.memory_space<vmem>> -> memref<1x625x16xf32, #tpu.memory_space<vmem>>
      %dma_wait3A_178 = tpu.memref_squeeze %dma_wait3A_177 : memref<1x625x16xf32, #tpu.memory_space<vmem>> -> memref<625x16xf32, #tpu.memory_space<vmem>>
      %dma_wait3A_179 = arith.constant 0 : i32
      %dma_wait3A_180 = tpu.memref_slice %arg7[%add3A_69, %dma_wait3A_179] : memref<16x625xi32, #tpu.memory_space<vmem>> -> memref<1x625xi32, #tpu.memory_space<vmem>>
      %dma_wait3A_181 = tpu.memref_squeeze %dma_wait3A_180 : memref<1x625xi32, #tpu.memory_space<vmem>> -> memref<625xi32, #tpu.memory_space<vmem>>
      %dma_wait3A_182 = arith.constant 0 : i32
      %dma_wait3A_183 = arith.constant 0 : i32
      %dma_wait3A_184 = tpu.memref_slice %arg2[%dma_wait3A_182, %dma_wait3A_183] : memref<10000x16xf32, #tpu.memory_space<hbm>> -> memref<10000x16xf32, #tpu.memory_space<hbm>>
      tpu.wait_indirect_dma semaphore(%arg15 : memref<!tpu.dma_semaphore, #tpu.memory_space<semaphore_mem>>) src(%dma_wait3A_184 : memref<10000x16xf32, #tpu.memory_space<hbm>>) dst(%dma_wait3A_178 : memref<625x16xf32, #tpu.memory_space<vmem>>)
      %add3A_185 = arith.constant 4 : i32
      %add3A_186 = arith.addi %mul3A_16, %add3A_185 : i32
      %run_scoped3A_187 = arith.constant 4 : i32
      "tpu.region"() ({
        %run_scoped3A_230 = tpu.sem_alloc : memref<!tpu.dma_semaphore, #tpu.memory_space<semaphore_mem>>
        %dma_start3A_231 = arith.constant 0 : i32
        %dma_start3A_232 = arith.constant 0 : i32
        %dma_start3A_233 = tpu.memref_slice %arg9[%run_scoped3A_187, %dma_start3A_231, %dma_start3A_232] : memref<8x625x16xf32, #tpu.memory_space<vmem>> -> memref<1x625x16xf32, #tpu.memory_space<vmem>>
        %dma_start3A_234 = tpu.memref_squeeze %dma_start3A_233 : memref<1x625x16xf32, #tpu.memory_space<vmem>> -> memref<625x16xf32, #tpu.memory_space<vmem>>
        %dma_start3A_235 = arith.constant 0 : i32
        %dma_start3A_236 = tpu.memref_slice %arg8[%add3A_186, %dma_start3A_235] : memref<16x625xi32, #tpu.memory_space<vmem>> -> memref<1x625xi32, #tpu.memory_space<vmem>>
        %dma_start3A_237 = tpu.memref_squeeze %dma_start3A_236 : memref<1x625xi32, #tpu.memory_space<vmem>> -> memref<625xi32, #tpu.memory_space<vmem>>
        %dma_start3A_238 = arith.constant 0 : i32
        %dma_start3A_239 = arith.constant 0 : i32
        %dma_start3A_240 = tpu.memref_slice %arg10[%dma_start3A_238, %dma_start3A_239] : memref<10240x16xf32, #tpu.memory_space<vmem_shared>> -> memref<10240x16xf32, #tpu.memory_space<vmem_shared>>
        tpu.enqueue_indirect_dma source(%dma_start3A_234 : memref<625x16xf32, #tpu.memory_space<vmem>>) target(%dma_start3A_240 : memref<10240x16xf32, #tpu.memory_space<vmem_shared>>) offsets(%dma_start3A_237 : memref<625xi32, #tpu.memory_space<vmem>>) semaphore(%run_scoped3A_230 : memref<!tpu.dma_semaphore, #tpu.memory_space<semaphore_mem>>) {add = true}
        %dma_wait3A_241 = arith.constant 0 : i32
        %dma_wait3A_242 = arith.constant 0 : i32
        %dma_wait3A_243 = tpu.memref_slice %arg9[%run_scoped3A_187, %dma_wait3A_241, %dma_wait3A_242] : memref<8x625x16xf32, #tpu.memory_space<vmem>> -> memref<1x625x16xf32, #tpu.memory_space<vmem>>
        %dma_wait3A_244 = tpu.memref_squeeze %dma_wait3A_243 : memref<1x625x16xf32, #tpu.memory_space<vmem>> -> memref<625x16xf32, #tpu.memory_space<vmem>>
        %dma_wait3A_245 = arith.constant 0 : i32
        %dma_wait3A_246 = tpu.memref_slice %arg8[%add3A_186, %dma_wait3A_245] : memref<16x625xi32, #tpu.memory_space<vmem>> -> memref<1x625xi32, #tpu.memory_space<vmem>>
        %dma_wait3A_247 = tpu.memref_squeeze %dma_wait3A_246 : memref<1x625xi32, #tpu.memory_space<vmem>> -> memref<625xi32, #tpu.memory_space<vmem>>
        %dma_wait3A_248 = arith.constant 0 : i32
        %dma_wait3A_249 = arith.constant 0 : i32
        %dma_wait3A_250 = tpu.memref_slice %arg10[%dma_wait3A_248, %dma_wait3A_249] : memref<10240x16xf32, #tpu.memory_space<vmem_shared>> -> memref<10240x16xf32, #tpu.memory_space<vmem_shared>>
        tpu.wait_indirect_dma semaphore(%run_scoped3A_230 : memref<!tpu.dma_semaphore, #tpu.memory_space<semaphore_mem>>) src(%dma_wait3A_244 : memref<625x16xf32, #tpu.memory_space<vmem>>) dst(%dma_wait3A_250 : memref<10240x16xf32, #tpu.memory_space<vmem_shared>>)
        tpu.yield
      }) : () -> ()
      %dma_wait3A_188 = arith.constant 5 : i32
      %dma_wait3A_189 = arith.constant 0 : i32
      %dma_wait3A_190 = arith.constant 0 : i32
      %dma_wait3A_191 = tpu.memref_slice %arg9[%dma_wait3A_188, %dma_wait3A_189, %dma_wait3A_190] : memref<8x625x16xf32, #tpu.memory_space<vmem>> -> memref<1x625x16xf32, #tpu.memory_space<vmem>>
      %dma_wait3A_192 = tpu.memref_squeeze %dma_wait3A_191 : memref<1x625x16xf32, #tpu.memory_space<vmem>> -> memref<625x16xf32, #tpu.memory_space<vmem>>
      %dma_wait3A_193 = arith.constant 0 : i32
      %dma_wait3A_194 = tpu.memref_slice %arg7[%add3A_82, %dma_wait3A_193] : memref<16x625xi32, #tpu.memory_space<vmem>> -> memref<1x625xi32, #tpu.memory_space<vmem>>
      %dma_wait3A_195 = tpu.memref_squeeze %dma_wait3A_194 : memref<1x625xi32, #tpu.memory_space<vmem>> -> memref<625xi32, #tpu.memory_space<vmem>>
      %dma_wait3A_196 = arith.constant 0 : i32
      %dma_wait3A_197 = arith.constant 0 : i32
      %dma_wait3A_198 = tpu.memref_slice %arg2[%dma_wait3A_196, %dma_wait3A_197] : memref<10000x16xf32, #tpu.memory_space<hbm>> -> memref<10000x16xf32, #tpu.memory_space<hbm>>
      tpu.wait_indirect_dma semaphore(%arg16 : memref<!tpu.dma_semaphore, #tpu.memory_space<semaphore_mem>>) src(%dma_wait3A_198 : memref<10000x16xf32, #tpu.memory_space<hbm>>) dst(%dma_wait3A_192 : memref<625x16xf32, #tpu.memory_space<vmem>>)
      %add3A_199 = arith.constant 5 : i32
      %add3A_200 = arith.addi %mul3A_16, %add3A_199 : i32
      %run_scoped3A_201 = arith.constant 5 : i32
      "tpu.region"() ({
        %run_scoped3A_230 = tpu.sem_alloc : memref<!tpu.dma_semaphore, #tpu.memory_space<semaphore_mem>>
        %dma_start3A_231 = arith.constant 0 : i32
        %dma_start3A_232 = arith.constant 0 : i32
        %dma_start3A_233 = tpu.memref_slice %arg9[%run_scoped3A_201, %dma_start3A_231, %dma_start3A_232] : memref<8x625x16xf32, #tpu.memory_space<vmem>> -> memref<1x625x16xf32, #tpu.memory_space<vmem>>
        %dma_start3A_234 = tpu.memref_squeeze %dma_start3A_233 : memref<1x625x16xf32, #tpu.memory_space<vmem>> -> memref<625x16xf32, #tpu.memory_space<vmem>>
        %dma_start3A_235 = arith.constant 0 : i32
        %dma_start3A_236 = tpu.memref_slice %arg8[%add3A_200, %dma_start3A_235] : memref<16x625xi32, #tpu.memory_space<vmem>> -> memref<1x625xi32, #tpu.memory_space<vmem>>
        %dma_start3A_237 = tpu.memref_squeeze %dma_start3A_236 : memref<1x625xi32, #tpu.memory_space<vmem>> -> memref<625xi32, #tpu.memory_space<vmem>>
        %dma_start3A_238 = arith.constant 0 : i32
        %dma_start3A_239 = arith.constant 0 : i32
        %dma_start3A_240 = tpu.memref_slice %arg10[%dma_start3A_238, %dma_start3A_239] : memref<10240x16xf32, #tpu.memory_space<vmem_shared>> -> memref<10240x16xf32, #tpu.memory_space<vmem_shared>>
        tpu.enqueue_indirect_dma source(%dma_start3A_234 : memref<625x16xf32, #tpu.memory_space<vmem>>) target(%dma_start3A_240 : memref<10240x16xf32, #tpu.memory_space<vmem_shared>>) offsets(%dma_start3A_237 : memref<625xi32, #tpu.memory_space<vmem>>) semaphore(%run_scoped3A_230 : memref<!tpu.dma_semaphore, #tpu.memory_space<semaphore_mem>>) {add = true}
        %dma_wait3A_241 = arith.constant 0 : i32
        %dma_wait3A_242 = arith.constant 0 : i32
        %dma_wait3A_243 = tpu.memref_slice %arg9[%run_scoped3A_201, %dma_wait3A_241, %dma_wait3A_242] : memref<8x625x16xf32, #tpu.memory_space<vmem>> -> memref<1x625x16xf32, #tpu.memory_space<vmem>>
        %dma_wait3A_244 = tpu.memref_squeeze %dma_wait3A_243 : memref<1x625x16xf32, #tpu.memory_space<vmem>> -> memref<625x16xf32, #tpu.memory_space<vmem>>
        %dma_wait3A_245 = arith.constant 0 : i32
        %dma_wait3A_246 = tpu.memref_slice %arg8[%add3A_200, %dma_wait3A_245] : memref<16x625xi32, #tpu.memory_space<vmem>> -> memref<1x625xi32, #tpu.memory_space<vmem>>
        %dma_wait3A_247 = tpu.memref_squeeze %dma_wait3A_246 : memref<1x625xi32, #tpu.memory_space<vmem>> -> memref<625xi32, #tpu.memory_space<vmem>>
        %dma_wait3A_248 = arith.constant 0 : i32
        %dma_wait3A_249 = arith.constant 0 : i32
        %dma_wait3A_250 = tpu.memref_slice %arg10[%dma_wait3A_248, %dma_wait3A_249] : memref<10240x16xf32, #tpu.memory_space<vmem_shared>> -> memref<10240x16xf32, #tpu.memory_space<vmem_shared>>
        tpu.wait_indirect_dma semaphore(%run_scoped3A_230 : memref<!tpu.dma_semaphore, #tpu.memory_space<semaphore_mem>>) src(%dma_wait3A_244 : memref<625x16xf32, #tpu.memory_space<vmem>>) dst(%dma_wait3A_250 : memref<10240x16xf32, #tpu.memory_space<vmem_shared>>)
        tpu.yield
      }) : () -> ()
      %dma_wait3A_202 = arith.constant 6 : i32
      %dma_wait3A_203 = arith.constant 0 : i32
      %dma_wait3A_204 = arith.constant 0 : i32
      %dma_wait3A_205 = tpu.memref_slice %arg9[%dma_wait3A_202, %dma_wait3A_203, %dma_wait3A_204] : memref<8x625x16xf32, #tpu.memory_space<vmem>> -> memref<1x625x16xf32, #tpu.memory_space<vmem>>
      %dma_wait3A_206 = tpu.memref_squeeze %dma_wait3A_205 : memref<1x625x16xf32, #tpu.memory_space<vmem>> -> memref<625x16xf32, #tpu.memory_space<vmem>>
      %dma_wait3A_207 = arith.constant 0 : i32
      %dma_wait3A_208 = tpu.memref_slice %arg7[%add3A_95, %dma_wait3A_207] : memref<16x625xi32, #tpu.memory_space<vmem>> -> memref<1x625xi32, #tpu.memory_space<vmem>>
      %dma_wait3A_209 = tpu.memref_squeeze %dma_wait3A_208 : memref<1x625xi32, #tpu.memory_space<vmem>> -> memref<625xi32, #tpu.memory_space<vmem>>
      %dma_wait3A_210 = arith.constant 0 : i32
      %dma_wait3A_211 = arith.constant 0 : i32
      %dma_wait3A_212 = tpu.memref_slice %arg2[%dma_wait3A_210, %dma_wait3A_211] : memref<10000x16xf32, #tpu.memory_space<hbm>> -> memref<10000x16xf32, #tpu.memory_space<hbm>>
      tpu.wait_indirect_dma semaphore(%arg17 : memref<!tpu.dma_semaphore, #tpu.memory_space<semaphore_mem>>) src(%dma_wait3A_212 : memref<10000x16xf32, #tpu.memory_space<hbm>>) dst(%dma_wait3A_206 : memref<625x16xf32, #tpu.memory_space<vmem>>)
      %add3A_213 = arith.constant 6 : i32
      %add3A_214 = arith.addi %mul3A_16, %add3A_213 : i32
      %run_scoped3A_215 = arith.constant 6 : i32
      "tpu.region"() ({
        %run_scoped3A_230 = tpu.sem_alloc : memref<!tpu.dma_semaphore, #tpu.memory_space<semaphore_mem>>
        %dma_start3A_231 = arith.constant 0 : i32
        %dma_start3A_232 = arith.constant 0 : i32
        %dma_start3A_233 = tpu.memref_slice %arg9[%run_scoped3A_215, %dma_start3A_231, %dma_start3A_232] : memref<8x625x16xf32, #tpu.memory_space<vmem>> -> memref<1x625x16xf32, #tpu.memory_space<vmem>>
        %dma_start3A_234 = tpu.memref_squeeze %dma_start3A_233 : memref<1x625x16xf32, #tpu.memory_space<vmem>> -> memref<625x16xf32, #tpu.memory_space<vmem>>
        %dma_start3A_235 = arith.constant 0 : i32
        %dma_start3A_236 = tpu.memref_slice %arg8[%add3A_214, %dma_start3A_235] : memref<16x625xi32, #tpu.memory_space<vmem>> -> memref<1x625xi32, #tpu.memory_space<vmem>>
        %dma_start3A_237 = tpu.memref_squeeze %dma_start3A_236 : memref<1x625xi32, #tpu.memory_space<vmem>> -> memref<625xi32, #tpu.memory_space<vmem>>
        %dma_start3A_238 = arith.constant 0 : i32
        %dma_start3A_239 = arith.constant 0 : i32
        %dma_start3A_240 = tpu.memref_slice %arg10[%dma_start3A_238, %dma_start3A_239] : memref<10240x16xf32, #tpu.memory_space<vmem_shared>> -> memref<10240x16xf32, #tpu.memory_space<vmem_shared>>
        tpu.enqueue_indirect_dma source(%dma_start3A_234 : memref<625x16xf32, #tpu.memory_space<vmem>>) target(%dma_start3A_240 : memref<10240x16xf32, #tpu.memory_space<vmem_shared>>) offsets(%dma_start3A_237 : memref<625xi32, #tpu.memory_space<vmem>>) semaphore(%run_scoped3A_230 : memref<!tpu.dma_semaphore, #tpu.memory_space<semaphore_mem>>) {add = true}
        %dma_wait3A_241 = arith.constant 0 : i32
        %dma_wait3A_242 = arith.constant 0 : i32
        %dma_wait3A_243 = tpu.memref_slice %arg9[%run_scoped3A_215, %dma_wait3A_241, %dma_wait3A_242] : memref<8x625x16xf32, #tpu.memory_space<vmem>> -> memref<1x625x16xf32, #tpu.memory_space<vmem>>
        %dma_wait3A_244 = tpu.memref_squeeze %dma_wait3A_243 : memref<1x625x16xf32, #tpu.memory_space<vmem>> -> memref<625x16xf32, #tpu.memory_space<vmem>>
        %dma_wait3A_245 = arith.constant 0 : i32
        %dma_wait3A_246 = tpu.memref_slice %arg8[%add3A_214, %dma_wait3A_245] : memref<16x625xi32, #tpu.memory_space<vmem>> -> memref<1x625xi32, #tpu.memory_space<vmem>>
        %dma_wait3A_247 = tpu.memref_squeeze %dma_wait3A_246 : memref<1x625xi32, #tpu.memory_space<vmem>> -> memref<625xi32, #tpu.memory_space<vmem>>
        %dma_wait3A_248 = arith.constant 0 : i32
        %dma_wait3A_249 = arith.constant 0 : i32
        %dma_wait3A_250 = tpu.memref_slice %arg10[%dma_wait3A_248, %dma_wait3A_249] : memref<10240x16xf32, #tpu.memory_space<vmem_shared>> -> memref<10240x16xf32, #tpu.memory_space<vmem_shared>>
        tpu.wait_indirect_dma semaphore(%run_scoped3A_230 : memref<!tpu.dma_semaphore, #tpu.memory_space<semaphore_mem>>) src(%dma_wait3A_244 : memref<625x16xf32, #tpu.memory_space<vmem>>) dst(%dma_wait3A_250 : memref<10240x16xf32, #tpu.memory_space<vmem_shared>>)
        tpu.yield
      }) : () -> ()
      %dma_wait3A_216 = arith.constant 7 : i32
      %dma_wait3A_217 = arith.constant 0 : i32
      %dma_wait3A_218 = arith.constant 0 : i32
      %dma_wait3A_219 = tpu.memref_slice %arg9[%dma_wait3A_216, %dma_wait3A_217, %dma_wait3A_218] : memref<8x625x16xf32, #tpu.memory_space<vmem>> -> memref<1x625x16xf32, #tpu.memory_space<vmem>>
      %dma_wait3A_220 = tpu.memref_squeeze %dma_wait3A_219 : memref<1x625x16xf32, #tpu.memory_space<vmem>> -> memref<625x16xf32, #tpu.memory_space<vmem>>
      %dma_wait3A_221 = arith.constant 0 : i32
      %dma_wait3A_222 = tpu.memref_slice %arg7[%add3A_108, %dma_wait3A_221] : memref<16x625xi32, #tpu.memory_space<vmem>> -> memref<1x625xi32, #tpu.memory_space<vmem>>
      %dma_wait3A_223 = tpu.memref_squeeze %dma_wait3A_222 : memref<1x625xi32, #tpu.memory_space<vmem>> -> memref<625xi32, #tpu.memory_space<vmem>>
      %dma_wait3A_224 = arith.constant 0 : i32
      %dma_wait3A_225 = arith.constant 0 : i32
      %dma_wait3A_226 = tpu.memref_slice %arg2[%dma_wait3A_224, %dma_wait3A_225] : memref<10000x16xf32, #tpu.memory_space<hbm>> -> memref<10000x16xf32, #tpu.memory_space<hbm>>
      tpu.wait_indirect_dma semaphore(%arg18 : memref<!tpu.dma_semaphore, #tpu.memory_space<semaphore_mem>>) src(%dma_wait3A_226 : memref<10000x16xf32, #tpu.memory_space<hbm>>) dst(%dma_wait3A_220 : memref<625x16xf32, #tpu.memory_space<vmem>>)
      %add3A_227 = arith.constant 7 : i32
      %add3A_228 = arith.addi %mul3A_16, %add3A_227 : i32
      %run_scoped3A_229 = arith.constant 7 : i32
      "tpu.region"() ({
        %run_scoped3A_230 = tpu.sem_alloc : memref<!tpu.dma_semaphore, #tpu.memory_space<semaphore_mem>>
        %dma_start3A_231 = arith.constant 0 : i32
        %dma_start3A_232 = arith.constant 0 : i32
        %dma_start3A_233 = tpu.memref_slice %arg9[%run_scoped3A_229, %dma_start3A_231, %dma_start3A_232] : memref<8x625x16xf32, #tpu.memory_space<vmem>> -> memref<1x625x16xf32, #tpu.memory_space<vmem>>
        %dma_start3A_234 = tpu.memref_squeeze %dma_start3A_233 : memref<1x625x16xf32, #tpu.memory_space<vmem>> -> memref<625x16xf32, #tpu.memory_space<vmem>>
        %dma_start3A_235 = arith.constant 0 : i32
        %dma_start3A_236 = tpu.memref_slice %arg8[%add3A_228, %dma_start3A_235] : memref<16x625xi32, #tpu.memory_space<vmem>> -> memref<1x625xi32, #tpu.memory_space<vmem>>
        %dma_start3A_237 = tpu.memref_squeeze %dma_start3A_236 : memref<1x625xi32, #tpu.memory_space<vmem>> -> memref<625xi32, #tpu.memory_space<vmem>>
        %dma_start3A_238 = arith.constant 0 : i32
        %dma_start3A_239 = arith.constant 0 : i32
        %dma_start3A_240 = tpu.memref_slice %arg10[%dma_start3A_238, %dma_start3A_239] : memref<10240x16xf32, #tpu.memory_space<vmem_shared>> -> memref<10240x16xf32, #tpu.memory_space<vmem_shared>>
        tpu.enqueue_indirect_dma source(%dma_start3A_234 : memref<625x16xf32, #tpu.memory_space<vmem>>) target(%dma_start3A_240 : memref<10240x16xf32, #tpu.memory_space<vmem_shared>>) offsets(%dma_start3A_237 : memref<625xi32, #tpu.memory_space<vmem>>) semaphore(%run_scoped3A_230 : memref<!tpu.dma_semaphore, #tpu.memory_space<semaphore_mem>>) {add = true}
        %dma_wait3A_241 = arith.constant 0 : i32
        %dma_wait3A_242 = arith.constant 0 : i32
        %dma_wait3A_243 = tpu.memref_slice %arg9[%run_scoped3A_229, %dma_wait3A_241, %dma_wait3A_242] : memref<8x625x16xf32, #tpu.memory_space<vmem>> -> memref<1x625x16xf32, #tpu.memory_space<vmem>>
        %dma_wait3A_244 = tpu.memref_squeeze %dma_wait3A_243 : memref<1x625x16xf32, #tpu.memory_space<vmem>> -> memref<625x16xf32, #tpu.memory_space<vmem>>
        %dma_wait3A_245 = arith.constant 0 : i32
        %dma_wait3A_246 = tpu.memref_slice %arg8[%add3A_228, %dma_wait3A_245] : memref<16x625xi32, #tpu.memory_space<vmem>> -> memref<1x625xi32, #tpu.memory_space<vmem>>
        %dma_wait3A_247 = tpu.memref_squeeze %dma_wait3A_246 : memref<1x625xi32, #tpu.memory_space<vmem>> -> memref<625xi32, #tpu.memory_space<vmem>>
        %dma_wait3A_248 = arith.constant 0 : i32
        %dma_wait3A_249 = arith.constant 0 : i32
        %dma_wait3A_250 = tpu.memref_slice %arg10[%dma_wait3A_248, %dma_wait3A_249] : memref<10240x16xf32, #tpu.memory_space<vmem_shared>> -> memref<10240x16xf32, #tpu.memory_space<vmem_shared>>
        tpu.wait_indirect_dma semaphore(%run_scoped3A_230 : memref<!tpu.dma_semaphore, #tpu.memory_space<semaphore_mem>>) src(%dma_wait3A_244 : memref<625x16xf32, #tpu.memory_space<vmem>>) dst(%dma_wait3A_250 : memref<10240x16xf32, #tpu.memory_space<vmem_shared>>)
        tpu.yield
      }) : () -> ()
    }
    %scan3A_8 = arith.constant 2 : i32
    %barrier3A_9 = arith.constant 0 : index
    tpu.barrier barrier_id(%barrier3A_9)
    %mul3A_10 = arith.constant 640 : i32
    %mul3A_11 = arith.muli %arg1, %mul3A_10 : i32
    %mul3A_12 = arith.constant 640 : i32
    %mul3A_13 = arith.muli %arg1, %mul3A_12 : i32
    "tpu.region"() ({
      %run_scoped3A = tpu.sem_alloc : memref<!tpu.dma_semaphore, #tpu.memory_space<semaphore_mem>>
      %dma_start3A = arith.constant 0 : i32
      %dma_start3A_14 = tpu.memref_slice %arg6[%arg0, %mul3A_13, %dma_start3A] : memref<2x10240x16xf32, #tpu.memory_space<hbm>> -> memref<1x640x16xf32, #tpu.memory_space<hbm>>
      %dma_start3A_15 = tpu.memref_squeeze %dma_start3A_14 : memref<1x640x16xf32, #tpu.memory_space<hbm>> -> memref<640x16xf32, #tpu.memory_space<hbm>>
      %dma_start3A_16 = arith.constant 0 : i32
      %dma_start3A_17 = tpu.memref_slice %arg10[%mul3A_11, %dma_start3A_16] : memref<10240x16xf32, #tpu.memory_space<vmem_shared>> -> memref<640x16xf32, #tpu.memory_space<vmem_shared>>
      tpu.enqueue_dma source(%dma_start3A_17 : memref<640x16xf32, #tpu.memory_space<vmem_shared>>) target(%dma_start3A_15 : memref<640x16xf32, #tpu.memory_space<hbm>>) target_semaphore(%run_scoped3A : memref<!tpu.dma_semaphore, #tpu.memory_space<semaphore_mem>>)
      %dma_wait3A = arith.constant 0 : i32
      %dma_wait3A_18 = tpu.memref_slice %arg6[%arg0, %mul3A_13, %dma_wait3A] : memref<2x10240x16xf32, #tpu.memory_space<hbm>> -> memref<1x640x16xf32, #tpu.memory_space<hbm>>
      %dma_wait3A_19 = tpu.memref_squeeze %dma_wait3A_18 : memref<1x640x16xf32, #tpu.memory_space<hbm>> -> memref<640x16xf32, #tpu.memory_space<hbm>>
      %dma_wait3A_20 = arith.constant 0 : i32
      %dma_wait3A_21 = tpu.memref_slice %arg10[%mul3A_11, %dma_wait3A_20] : memref<10240x16xf32, #tpu.memory_space<vmem_shared>> -> memref<640x16xf32, #tpu.memory_space<vmem_shared>>
      tpu.wait_dma2 semaphore(%run_scoped3A : memref<!tpu.dma_semaphore, #tpu.memory_space<semaphore_mem>>) src(%dma_wait3A_21 : memref<640x16xf32, #tpu.memory_space<vmem_shared>>) dst(%dma_wait3A_19 : memref<640x16xf32, #tpu.memory_space<hbm>>)
      tpu.yield
    }) : () -> ()
    return
  }
}

module attributes {stable_mosaic.version = 14 : i64} {
  func.func @_tc2_body(%arg0: i32, %arg1: memref<2x1000x64xf32, #tpu.memory_space<vmem>>, %arg2: memref<2x1000x64xf32, #tpu.memory_space<vmem>>, %arg3: memref<2x1000x8xf32, #tpu.memory_space<vmem>>, %arg4: memref<1000x128xf32, #tpu.memory_space<vmem>>, %arg5: memref<128x16xf32, #tpu.memory_space<vmem>>, %arg6: memref<128x16xf32, #tpu.memory_space<vmem>>, %arg7: memref<1x16xf32, #tpu.memory_space<vmem>>, %arg8: memref<1000x16xf32, #tpu.memory_space<vmem>>) attributes {dimension_semantics = [#tpu.dimension_semantics<arbitrary>], iteration_bounds = array<i64: 10>, scalar_prefetch = 0 : i64, scratch_operands = 0 : i64, tpu.core_type = #tpu.core_type<tc>, window_params = [{transform_indices = @transform_0, window_bounds = array<i64: 2, 1000, 64>}, {transform_indices = @transform_1, window_bounds = array<i64: 2, 1000, 64>}, {transform_indices = @transform_2, window_bounds = array<i64: 2, 1000, 8>}, {transform_indices = @transform_3, window_bounds = array<i64: 1000, 128>}, {pipeline_mode = #tpu.pipeline_mode<synchronous>, transform_indices = @transform_4, window_bounds = array<i64: 128, 16>}, {pipeline_mode = #tpu.pipeline_mode<synchronous>, transform_indices = @transform_5, window_bounds = array<i64: 128, 16>}, {pipeline_mode = #tpu.pipeline_mode<synchronous>, transform_indices = @transform_6, window_bounds = array<i64: 1, 16>}, {transform_indices = @transform_7, window_bounds = array<i64: 1000, 16>}]} {
    %get3A = arith.constant 0 : index
    %get3A_0 = arith.constant 0 : index
    %get3A_1 = arith.constant 0 : index
    %get3A_2 = vector.load %arg1[%get3A, %get3A_0, %get3A_1] : memref<2x1000x64xf32, #tpu.memory_space<vmem>>, vector<2x1000x64xf32>
    %get3A_3 = arith.constant 0 : index
    %get3A_4 = arith.constant 0 : index
    %get3A_5 = arith.constant 0 : index
    %get3A_6 = vector.load %arg2[%get3A_3, %get3A_4, %get3A_5] : memref<2x1000x64xf32, #tpu.memory_space<vmem>>, vector<2x1000x64xf32>
    %slice3A = vector.extract_strided_slice %get3A_2 {offsets = [0, 0, 0], sizes = [1, 1000, 64], strides = [1, 1, 1]} : vector<2x1000x64xf32> to vector<1x1000x64xf32>
    %squeeze3A = vector.shape_cast %slice3A : vector<1x1000x64xf32> to vector<1000x64xf32>
    %slice3A_7 = vector.extract_strided_slice %get3A_2 {offsets = [1, 0, 0], sizes = [1, 1000, 64], strides = [1, 1, 1]} : vector<2x1000x64xf32> to vector<1x1000x64xf32>
    %squeeze3A_8 = vector.shape_cast %slice3A_7 : vector<1x1000x64xf32> to vector<1000x64xf32>
    %add3A = arith.addf %squeeze3A, %squeeze3A_8 : vector<1000x64xf32>
    %slice3A_9 = vector.extract_strided_slice %get3A_6 {offsets = [0, 0, 0], sizes = [1, 1000, 64], strides = [1, 1, 1]} : vector<2x1000x64xf32> to vector<1x1000x64xf32>
    %squeeze3A_10 = vector.shape_cast %slice3A_9 : vector<1x1000x64xf32> to vector<1000x64xf32>
    %slice3A_11 = vector.extract_strided_slice %get3A_6 {offsets = [1, 0, 0], sizes = [1, 1000, 64], strides = [1, 1, 1]} : vector<2x1000x64xf32> to vector<1x1000x64xf32>
    %squeeze3A_12 = vector.shape_cast %slice3A_11 : vector<1x1000x64xf32> to vector<1000x64xf32>
    %add3A_13 = arith.addf %squeeze3A_10, %squeeze3A_12 : vector<1000x64xf32>
    %concatenate3A = tpu.concatenate %add3A, %add3A_13 in 1 : vector<1000x64xf32>, vector<1000x64xf32> -> vector<1000x128xf32>
    %get3A_14 = arith.constant 0 : index
    %get3A_15 = arith.constant 0 : index
    %get3A_16 = arith.constant 0 : index
    %get3A_17 = vector.load %arg3[%get3A_14, %get3A_15, %get3A_16] : memref<2x1000x8xf32, #tpu.memory_space<vmem>>, vector<2x1000x8xf32>
    %slice3A_18 = vector.extract_strided_slice %get3A_17 {offsets = [0, 0, 0], sizes = [1, 1000, 8], strides = [1, 1, 1]} : vector<2x1000x8xf32> to vector<1x1000x8xf32>
    %squeeze3A_19 = vector.shape_cast %slice3A_18 : vector<1x1000x8xf32> to vector<1000x8xf32>
    %slice3A_20 = vector.extract_strided_slice %get3A_17 {offsets = [1, 0, 0], sizes = [1, 1000, 8], strides = [1, 1, 1]} : vector<2x1000x8xf32> to vector<1x1000x8xf32>
    %squeeze3A_21 = vector.shape_cast %slice3A_20 : vector<1x1000x8xf32> to vector<1000x8xf32>
    %add3A_22 = arith.addf %squeeze3A_19, %squeeze3A_21 : vector<1000x8xf32>
    %iota3A = tpu.iota {dimensions = array<i32: 1>} : vector<1000x8xi32>
    %eq3A = arith.constant 0 : i32
    %eq3A_23 = vector.broadcast %eq3A : i32 to vector<1000x8xi32>
    %eq3A_24 = arith.cmpi eq, %iota3A, %eq3A_23 : vector<1000x8xi32>
    %jit3A = arith.constant 0.000000e+00 : f32
    %broadcast_in_dim3A = vector.broadcast %jit3A : f32 to vector<1000x8xf32>
    %select_n3A = arith.select %eq3A_24, %add3A_22, %broadcast_in_dim3A : vector<1000x8xi1>, vector<1000x8xf32>
    %reduce_sum3A = arith.constant dense<0.000000e+00> : vector<1000xf32>
    %reduce_sum3A_25 = vector.multi_reduction <add>, %select_n3A, %reduce_sum3A [1] : vector<1000x8xf32> to vector<1000xf32>
    %broadcast_in_dim3A_26 = vector.shape_cast %reduce_sum3A_25 : vector<1000xf32> to vector<1000x1xf32>
    %gt3A = arith.constant 0.000000e+00 : f32
    %gt3A_27 = vector.broadcast %gt3A : f32 to vector<1000x1xf32>
    %gt3A_28 = arith.cmpf ogt, %broadcast_in_dim3A_26, %gt3A_27 : vector<1000x1xf32>
    %jit3A_29 = arith.constant 1.000000e+00 : f32
    %broadcast_in_dim3A_30 = vector.broadcast %jit3A_29 : f32 to vector<1000x1xf32>
    %select_n3A_31 = arith.select %gt3A_28, %broadcast_in_dim3A_26, %broadcast_in_dim3A_30 : vector<1000x1xi1>, vector<1000x1xf32>
    %div3A = vector.broadcast %select_n3A_31 : vector<1000x1xf32> to vector<1000x128xf32>
    %div3A_32 = arith.divf %concatenate3A, %div3A : vector<1000x128xf32>
    %get3A_33 = arith.constant 0 : index
    %get3A_34 = arith.constant 0 : index
    %get3A_35 = vector.load %arg5[%get3A_33, %get3A_34] : memref<128x16xf32, #tpu.memory_space<vmem>>, vector<128x16xf32>
    %dot_general3A = arith.constant dense<0.000000e+00> : vector<1000x16xf32>
    %dot_general3A_36 = tpu.matmul %div3A_32, %get3A_35, %dot_general3A {dimension_numbers = #tpu.dot_dimension_numbers<[1], [0], [0], [1], [0, 0, 1, 1], [], []>, transpose_lhs_hint = false} : vector<1000x128xf32>, vector<128x16xf32>, vector<1000x16xf32> -> vector<1000x16xf32>
    %get3A_37 = arith.constant 0 : index
    %get3A_38 = arith.constant 0 : index
    %get3A_39 = vector.load %arg7[%get3A_37, %get3A_38] : memref<1x16xf32, #tpu.memory_space<vmem>>, vector<1x16xf32>
    %add3A_40 = vector.broadcast %get3A_39 : vector<1x16xf32> to vector<1000x16xf32>
    %add3A_41 = arith.addf %dot_general3A_36, %add3A_40 : vector<1000x16xf32>
    %get3A_42 = arith.constant 0 : index
    %get3A_43 = arith.constant 0 : index
    %get3A_44 = vector.load %arg4[%get3A_42, %get3A_43] : memref<1000x128xf32, #tpu.memory_space<vmem>>, vector<1000x128xf32>
    %get3A_45 = arith.constant 0 : index
    %get3A_46 = arith.constant 0 : index
    %get3A_47 = vector.load %arg6[%get3A_45, %get3A_46] : memref<128x16xf32, #tpu.memory_space<vmem>>, vector<128x16xf32>
    %dot_general3A_48 = arith.constant dense<0.000000e+00> : vector<1000x16xf32>
    %dot_general3A_49 = tpu.matmul %get3A_44, %get3A_47, %dot_general3A_48 {dimension_numbers = #tpu.dot_dimension_numbers<[1], [0], [0], [1], [0, 0, 1, 1], [], []>, transpose_lhs_hint = false} : vector<1000x128xf32>, vector<128x16xf32>, vector<1000x16xf32> -> vector<1000x16xf32>
    %add3A_50 = arith.addf %add3A_41, %dot_general3A_49 : vector<1000x16xf32>
    %logistic3A = arith.negf %add3A_50 : vector<1000x16xf32>
    %logistic3A_51 = math.exp %logistic3A : vector<1000x16xf32>
    %logistic3A_52 = arith.constant 1.000000e+00 : f32
    %logistic3A_53 = vector.broadcast %logistic3A_52 : f32 to vector<1000x16xf32>
    %logistic3A_54 = arith.addf %logistic3A_53, %logistic3A_51 : vector<1000x16xf32>
    %logistic3A_55 = arith.divf %logistic3A_53, %logistic3A_54 : vector<1000x16xf32>
    %iota3A_56 = tpu.iota {dimensions = array<i32: 1>} : vector<1000x16xi32>
    %lt3A = arith.constant 8 : i32
    %lt3A_57 = vector.broadcast %lt3A : i32 to vector<1000x16xi32>
    %lt3A_58 = arith.cmpi slt, %iota3A_56, %lt3A_57 : vector<1000x16xi32>
    %eq3A_59 = arith.constant 8 : i32
    %eq3A_60 = vector.broadcast %eq3A_59 : i32 to vector<1000x16xi32>
    %eq3A_61 = arith.cmpi eq, %iota3A_56, %eq3A_60 : vector<1000x16xi32>
    %jit3A_62 = arith.constant 1.000000e+00 : f32
    %jit3A_63 = arith.constant 0.000000e+00 : f32
    %broadcast_in_dim3A_64 = vector.broadcast %jit3A_62 : f32 to vector<1000x16xf32>
    %broadcast_in_dim3A_65 = vector.broadcast %jit3A_63 : f32 to vector<1000x16xf32>
    %select_n3A_66 = arith.select %eq3A_61, %broadcast_in_dim3A_64, %broadcast_in_dim3A_65 : vector<1000x16xi1>, vector<1000x16xf32>
    %select_n3A_67 = arith.select %lt3A_58, %logistic3A_55, %select_n3A_66 : vector<1000x16xi1>, vector<1000x16xf32>
    %swap3A = arith.constant 0 : index
    %swap3A_68 = arith.constant 0 : index
    %swap3A_69 = vector.load %arg8[%swap3A, %swap3A_68] : memref<1000x16xf32, #tpu.memory_space<vmem>>, vector<1000x16xf32>
    tpu.vector_store %arg8[%swap3A, %swap3A_68], %select_n3A_67 {strides = array<i32>} : memref<1000x16xf32, #tpu.memory_space<vmem>>, vector<1000x16xf32>,
    return
  }
  func.func @transform_0(%arg0: i32) -> (i32, i32, i32) {
    %c0_i32 = arith.constant 0 : i32
    %c0_i32_0 = arith.constant 0 : i32
    %c0_i32_1 = arith.constant 0 : i32
    return %c0_i32, %arg0, %c0_i32_0 : i32, i32, i32
  }
  func.func @transform_1(%arg0: i32) -> (i32, i32, i32) {
    %c0_i32 = arith.constant 0 : i32
    %c0_i32_0 = arith.constant 0 : i32
    %c0_i32_1 = arith.constant 0 : i32
    return %c0_i32, %arg0, %c0_i32_0 : i32, i32, i32
  }
  func.func @transform_2(%arg0: i32) -> (i32, i32, i32) {
    %c0_i32 = arith.constant 0 : i32
    %c0_i32_0 = arith.constant 0 : i32
    %c0_i32_1 = arith.constant 0 : i32
    return %c0_i32, %arg0, %c0_i32_0 : i32, i32, i32
  }
  func.func @transform_3(%arg0: i32) -> (i32, i32) {
    %c0_i32 = arith.constant 0 : i32
    %c0_i32_0 = arith.constant 0 : i32
    return %arg0, %c0_i32 : i32, i32
  }
  func.func @transform_4(%arg0: i32) -> (i32, i32) {
    %c0_i32 = arith.constant 0 : i32
    %c0_i32_0 = arith.constant 0 : i32
    %c0_i32_1 = arith.constant 0 : i32
    return %c0_i32, %c0_i32_0 : i32, i32
  }
  func.func @transform_5(%arg0: i32) -> (i32, i32) {
    %c0_i32 = arith.constant 0 : i32
    %c0_i32_0 = arith.constant 0 : i32
    %c0_i32_1 = arith.constant 0 : i32
    return %c0_i32, %c0_i32_0 : i32, i32
  }
  func.func @transform_6(%arg0: i32) -> (i32, i32) {
    %c0_i32 = arith.constant 0 : i32
    %c0_i32_0 = arith.constant 0 : i32
    %c0_i32_1 = arith.constant 0 : i32
    return %c0_i32, %c0_i32_0 : i32, i32
  }
  func.func @transform_7(%arg0: i32) -> (i32, i32) {
    %c0_i32 = arith.constant 0 : i32
    %c0_i32_0 = arith.constant 0 : i32
    return %arg0, %c0_i32 : i32, i32
  }
}

module attributes {stable_mosaic.version = 14 : i64} {
  func.func @_tc3_body(%arg0: i32, %arg1: memref<2x1000x16xf32, #tpu.memory_space<vmem>>, %arg2: memref<1000x16xf32, #tpu.memory_space<vmem>>, %arg3: memref<16x16xf32, #tpu.memory_space<vmem>>, %arg4: memref<16x16xf32, #tpu.memory_space<vmem>>, %arg5: memref<1x16xf32, #tpu.memory_space<vmem>>, %arg6: memref<16x16xf32, #tpu.memory_space<vmem>>, %arg7: memref<1000x16xf32, #tpu.memory_space<vmem>>, %arg8: memref<1000x16xf32, #tpu.memory_space<vmem>>) attributes {dimension_semantics = [#tpu.dimension_semantics<arbitrary>], iteration_bounds = array<i64: 10>, scalar_prefetch = 0 : i64, scratch_operands = 0 : i64, tpu.core_type = #tpu.core_type<tc>, window_params = [{transform_indices = @transform_0, window_bounds = array<i64: 2, 1000, 16>}, {transform_indices = @transform_1, window_bounds = array<i64: 1000, 16>}, {pipeline_mode = #tpu.pipeline_mode<synchronous>, transform_indices = @transform_2, window_bounds = array<i64: 16, 16>}, {pipeline_mode = #tpu.pipeline_mode<synchronous>, transform_indices = @transform_3, window_bounds = array<i64: 16, 16>}, {pipeline_mode = #tpu.pipeline_mode<synchronous>, transform_indices = @transform_4, window_bounds = array<i64: 1, 16>}, {pipeline_mode = #tpu.pipeline_mode<synchronous>, transform_indices = @transform_5, window_bounds = array<i64: 16, 16>}, {transform_indices = @transform_6, window_bounds = array<i64: 1000, 16>}, {transform_indices = @transform_7, window_bounds = array<i64: 1000, 16>}]} {
    %get3A = arith.constant 0 : index
    %get3A_0 = arith.constant 0 : index
    %get3A_1 = arith.constant 0 : index
    %get3A_2 = vector.load %arg1[%get3A, %get3A_0, %get3A_1] : memref<2x1000x16xf32, #tpu.memory_space<vmem>>, vector<2x1000x16xf32>
    %slice3A = vector.extract_strided_slice %get3A_2 {offsets = [0, 0, 0], sizes = [1, 1000, 16], strides = [1, 1, 1]} : vector<2x1000x16xf32> to vector<1x1000x16xf32>
    %squeeze3A = vector.shape_cast %slice3A : vector<1x1000x16xf32> to vector<1000x16xf32>
    %slice3A_3 = vector.extract_strided_slice %get3A_2 {offsets = [1, 0, 0], sizes = [1, 1000, 16], strides = [1, 1, 1]} : vector<2x1000x16xf32> to vector<1x1000x16xf32>
    %squeeze3A_4 = vector.shape_cast %slice3A_3 : vector<1x1000x16xf32> to vector<1000x16xf32>
    %add3A = arith.addf %squeeze3A, %squeeze3A_4 : vector<1000x16xf32>
    %iota3A = tpu.iota {dimensions = array<i32: 1>} : vector<1000x16xi32>
    %eq3A = arith.constant 8 : i32
    %eq3A_5 = vector.broadcast %eq3A : i32 to vector<1000x16xi32>
    %eq3A_6 = arith.cmpi eq, %iota3A, %eq3A_5 : vector<1000x16xi32>
    %jit3A = arith.constant 0.000000e+00 : f32
    %broadcast_in_dim3A = vector.broadcast %jit3A : f32 to vector<1000x16xf32>
    %select_n3A = arith.select %eq3A_6, %add3A, %broadcast_in_dim3A : vector<1000x16xi1>, vector<1000x16xf32>
    %reduce_sum3A = arith.constant dense<0.000000e+00> : vector<1000xf32>
    %reduce_sum3A_7 = vector.multi_reduction <add>, %select_n3A, %reduce_sum3A [1] : vector<1000x16xf32> to vector<1000xf32>
    %broadcast_in_dim3A_8 = vector.shape_cast %reduce_sum3A_7 : vector<1000xf32> to vector<1000x1xf32>
    %gt3A = arith.constant 0.000000e+00 : f32
    %gt3A_9 = vector.broadcast %gt3A : f32 to vector<1000x1xf32>
    %gt3A_10 = arith.cmpf ogt, %broadcast_in_dim3A_8, %gt3A_9 : vector<1000x1xf32>
    %jit3A_11 = arith.constant 1.000000e+00 : f32
    %broadcast_in_dim3A_12 = vector.broadcast %jit3A_11 : f32 to vector<1000x1xf32>
    %select_n3A_13 = arith.select %gt3A_10, %broadcast_in_dim3A_8, %broadcast_in_dim3A_12 : vector<1000x1xi1>, vector<1000x1xf32>
    %div3A = vector.broadcast %select_n3A_13 : vector<1000x1xf32> to vector<1000x16xf32>
    %div3A_14 = arith.divf %add3A, %div3A : vector<1000x16xf32>
    %get3A_15 = arith.constant 0 : index
    %get3A_16 = arith.constant 0 : index
    %get3A_17 = vector.load %arg2[%get3A_15, %get3A_16] : memref<1000x16xf32, #tpu.memory_space<vmem>>, vector<1000x16xf32>
    %get3A_18 = arith.constant 0 : index
    %get3A_19 = arith.constant 0 : index
    %get3A_20 = vector.load %arg3[%get3A_18, %get3A_19] : memref<16x16xf32, #tpu.memory_space<vmem>>, vector<16x16xf32>
    %dot_general3A = arith.constant dense<0.000000e+00> : vector<1000x16xf32>
    %dot_general3A_21 = tpu.matmul %div3A_14, %get3A_20, %dot_general3A {dimension_numbers = #tpu.dot_dimension_numbers<[1], [0], [0], [1], [0, 0, 1, 1], [], []>, transpose_lhs_hint = false} : vector<1000x16xf32>, vector<16x16xf32>, vector<1000x16xf32> -> vector<1000x16xf32>
    %get3A_22 = arith.constant 0 : index
    %get3A_23 = arith.constant 0 : index
    %get3A_24 = vector.load %arg5[%get3A_22, %get3A_23] : memref<1x16xf32, #tpu.memory_space<vmem>>, vector<1x16xf32>
    %add3A_25 = vector.broadcast %get3A_24 : vector<1x16xf32> to vector<1000x16xf32>
    %add3A_26 = arith.addf %dot_general3A_21, %add3A_25 : vector<1000x16xf32>
    %get3A_27 = arith.constant 0 : index
    %get3A_28 = arith.constant 0 : index
    %get3A_29 = vector.load %arg4[%get3A_27, %get3A_28] : memref<16x16xf32, #tpu.memory_space<vmem>>, vector<16x16xf32>
    %dot_general3A_30 = arith.constant dense<0.000000e+00> : vector<1000x16xf32>
    %dot_general3A_31 = tpu.matmul %get3A_17, %get3A_29, %dot_general3A_30 {dimension_numbers = #tpu.dot_dimension_numbers<[1], [0], [0], [1], [0, 0, 1, 1], [], []>, transpose_lhs_hint = false} : vector<1000x16xf32>, vector<16x16xf32>, vector<1000x16xf32> -> vector<1000x16xf32>
    %add3A_32 = arith.addf %add3A_26, %dot_general3A_31 : vector<1000x16xf32>
    %logistic3A = arith.negf %add3A_32 : vector<1000x16xf32>
    %logistic3A_33 = math.exp %logistic3A : vector<1000x16xf32>
    %logistic3A_34 = arith.constant 1.000000e+00 : f32
    %logistic3A_35 = vector.broadcast %logistic3A_34 : f32 to vector<1000x16xf32>
    %logistic3A_36 = arith.addf %logistic3A_35, %logistic3A_33 : vector<1000x16xf32>
    %logistic3A_37 = arith.divf %logistic3A_35, %logistic3A_36 : vector<1000x16xf32>
    %swap3A = arith.constant 0 : index
    %swap3A_38 = arith.constant 0 : index
    %swap3A_39 = vector.load %arg7[%swap3A, %swap3A_38] : memref<1000x16xf32, #tpu.memory_space<vmem>>, vector<1000x16xf32>
    tpu.vector_store %arg7[%swap3A, %swap3A_38], %logistic3A_37 {strides = array<i32>} : memref<1000x16xf32, #tpu.memory_space<vmem>>, vector<1000x16xf32>,
    %get3A_40 = arith.constant 0 : index
    %get3A_41 = arith.constant 0 : index
    %get3A_42 = vector.load %arg6[%get3A_40, %get3A_41] : memref<16x16xf32, #tpu.memory_space<vmem>>, vector<16x16xf32>
    %dot_general3A_43 = arith.constant dense<0.000000e+00> : vector<1000x16xf32>
    %dot_general3A_44 = tpu.matmul %logistic3A_37, %get3A_42, %dot_general3A_43 {dimension_numbers = #tpu.dot_dimension_numbers<[1], [0], [0], [1], [0, 0, 1, 1], [], []>, transpose_lhs_hint = false} : vector<1000x16xf32>, vector<16x16xf32>, vector<1000x16xf32> -> vector<1000x16xf32>
    %swap3A_45 = arith.constant 0 : index
    %swap3A_46 = arith.constant 0 : index
    %swap3A_47 = vector.load %arg8[%swap3A_45, %swap3A_46] : memref<1000x16xf32, #tpu.memory_space<vmem>>, vector<1000x16xf32>
    tpu.vector_store %arg8[%swap3A_45, %swap3A_46], %dot_general3A_44 {strides = array<i32>} : memref<1000x16xf32, #tpu.memory_space<vmem>>, vector<1000x16xf32>,
    return
  }
  func.func @transform_0(%arg0: i32) -> (i32, i32, i32) {
    %c0_i32 = arith.constant 0 : i32
    %c0_i32_0 = arith.constant 0 : i32
    %c0_i32_1 = arith.constant 0 : i32
    return %c0_i32, %arg0, %c0_i32_0 : i32, i32, i32
  }
  func.func @transform_1(%arg0: i32) -> (i32, i32) {
    %c0_i32 = arith.constant 0 : i32
    %c0_i32_0 = arith.constant 0 : i32
    return %arg0, %c0_i32 : i32, i32
  }
  func.func @transform_2(%arg0: i32) -> (i32, i32) {
    %c0_i32 = arith.constant 0 : i32
    %c0_i32_0 = arith.constant 0 : i32
    %c0_i32_1 = arith.constant 0 : i32
    return %c0_i32, %c0_i32_0 : i32, i32
  }
  func.func @transform_3(%arg0: i32) -> (i32, i32) {
    %c0_i32 = arith.constant 0 : i32
    %c0_i32_0 = arith.constant 0 : i32
    %c0_i32_1 = arith.constant 0 : i32
    return %c0_i32, %c0_i32_0 : i32, i32
  }
  func.func @transform_4(%arg0: i32) -> (i32, i32) {
    %c0_i32 = arith.constant 0 : i32
    %c0_i32_0 = arith.constant 0 : i32
    %c0_i32_1 = arith.constant 0 : i32
    return %c0_i32, %c0_i32_0 : i32, i32
  }
  func.func @transform_5(%arg0: i32) -> (i32, i32) {
    %c0_i32 = arith.constant 0 : i32
    %c0_i32_0 = arith.constant 0 : i32
    %c0_i32_1 = arith.constant 0 : i32
    return %c0_i32, %c0_i32_0 : i32, i32
  }
  func.func @transform_6(%arg0: i32) -> (i32, i32) {
    %c0_i32 = arith.constant 0 : i32
    %c0_i32_0 = arith.constant 0 : i32
    return %arg0, %c0_i32 : i32, i32
  }
  func.func @transform_7(%arg0: i32) -> (i32, i32) {
    %c0_i32 = arith.constant 0 : i32
    %c0_i32_0 = arith.constant 0 : i32
    return %arg0, %c0_i32 : i32, i32
  }
}

module attributes {stable_mosaic.version = 14 : i64} {
  func.func @_tc4_body(%arg0: i32, %arg1: memref<2x1000x16xf32, #tpu.memory_space<vmem>>, %arg2: memref<2x1000x16xf32, #tpu.memory_space<vmem>>, %arg3: memref<1000x16xf32, #tpu.memory_space<vmem>>, %arg4: memref<16x16xf32, #tpu.memory_space<vmem>>, %arg5: memref<1x16xf32, #tpu.memory_space<vmem>>, %arg6: memref<16x32xf32, #tpu.memory_space<vmem>>, %arg7: memref<1x32xf32, #tpu.memory_space<vmem>>, %arg8: memref<32x1xf32, #tpu.memory_space<vmem>>, %arg9: memref<1x1xf32, #tpu.memory_space<vmem>>, %arg10: memref<1000x1xf32, #tpu.memory_space<vmem>>) attributes {dimension_semantics = [#tpu.dimension_semantics<arbitrary>], iteration_bounds = array<i64: 10>, scalar_prefetch = 0 : i64, scratch_operands = 0 : i64, tpu.core_type = #tpu.core_type<tc>, window_params = [{transform_indices = @transform_0, window_bounds = array<i64: 2, 1000, 16>}, {transform_indices = @transform_1, window_bounds = array<i64: 2, 1000, 16>}, {transform_indices = @transform_2, window_bounds = array<i64: 1000, 16>}, {pipeline_mode = #tpu.pipeline_mode<synchronous>, transform_indices = @transform_3, window_bounds = array<i64: 16, 16>}, {pipeline_mode = #tpu.pipeline_mode<synchronous>, transform_indices = @transform_4, window_bounds = array<i64: 1, 16>}, {pipeline_mode = #tpu.pipeline_mode<synchronous>, transform_indices = @transform_5, window_bounds = array<i64: 16, 32>}, {pipeline_mode = #tpu.pipeline_mode<synchronous>, transform_indices = @transform_6, window_bounds = array<i64: 1, 32>}, {pipeline_mode = #tpu.pipeline_mode<synchronous>, transform_indices = @transform_7, window_bounds = array<i64: 32, 1>}, {pipeline_mode = #tpu.pipeline_mode<synchronous>, transform_indices = @transform_8, window_bounds = array<i64: 1, 1>}, {transform_indices = @transform_9, window_bounds = array<i64: 1000, 1>}]} {
    %get3A = arith.constant 0 : index
    %get3A_0 = arith.constant 0 : index
    %get3A_1 = arith.constant 0 : index
    %get3A_2 = vector.load %arg1[%get3A, %get3A_0, %get3A_1] : memref<2x1000x16xf32, #tpu.memory_space<vmem>>, vector<2x1000x16xf32>
    %slice3A = vector.extract_strided_slice %get3A_2 {offsets = [0, 0, 0], sizes = [1, 1000, 16], strides = [1, 1, 1]} : vector<2x1000x16xf32> to vector<1x1000x16xf32>
    %squeeze3A = vector.shape_cast %slice3A : vector<1x1000x16xf32> to vector<1000x16xf32>
    %slice3A_3 = vector.extract_strided_slice %get3A_2 {offsets = [1, 0, 0], sizes = [1, 1000, 16], strides = [1, 1, 1]} : vector<2x1000x16xf32> to vector<1x1000x16xf32>
    %squeeze3A_4 = vector.shape_cast %slice3A_3 : vector<1x1000x16xf32> to vector<1000x16xf32>
    %add3A = arith.addf %squeeze3A, %squeeze3A_4 : vector<1000x16xf32>
    %get3A_5 = arith.constant 0 : index
    %get3A_6 = arith.constant 0 : index
    %get3A_7 = arith.constant 0 : index
    %get3A_8 = vector.load %arg2[%get3A_5, %get3A_6, %get3A_7] : memref<2x1000x16xf32, #tpu.memory_space<vmem>>, vector<2x1000x16xf32>
    %slice3A_9 = vector.extract_strided_slice %get3A_8 {offsets = [0, 0, 0], sizes = [1, 1000, 16], strides = [1, 1, 1]} : vector<2x1000x16xf32> to vector<1x1000x16xf32>
    %squeeze3A_10 = vector.shape_cast %slice3A_9 : vector<1x1000x16xf32> to vector<1000x16xf32>
    %slice3A_11 = vector.extract_strided_slice %get3A_8 {offsets = [1, 0, 0], sizes = [1, 1000, 16], strides = [1, 1, 1]} : vector<2x1000x16xf32> to vector<1x1000x16xf32>
    %squeeze3A_12 = vector.shape_cast %slice3A_11 : vector<1x1000x16xf32> to vector<1000x16xf32>
    %add3A_13 = arith.addf %squeeze3A_10, %squeeze3A_12 : vector<1000x16xf32>
    %iota3A = tpu.iota {dimensions = array<i32: 1>} : vector<1000x16xi32>
    %eq3A = arith.constant 8 : i32
    %eq3A_14 = vector.broadcast %eq3A : i32 to vector<1000x16xi32>
    %eq3A_15 = arith.cmpi eq, %iota3A, %eq3A_14 : vector<1000x16xi32>
    %jit3A = arith.constant 0.000000e+00 : f32
    %broadcast_in_dim3A = vector.broadcast %jit3A : f32 to vector<1000x16xf32>
    %select_n3A = arith.select %eq3A_15, %add3A_13, %broadcast_in_dim3A : vector<1000x16xi1>, vector<1000x16xf32>
    %reduce_sum3A = arith.constant dense<0.000000e+00> : vector<1000xf32>
    %reduce_sum3A_16 = vector.multi_reduction <add>, %select_n3A, %reduce_sum3A [1] : vector<1000x16xf32> to vector<1000xf32>
    %broadcast_in_dim3A_17 = vector.shape_cast %reduce_sum3A_16 : vector<1000xf32> to vector<1000x1xf32>
    %gt3A = arith.constant 0.000000e+00 : f32
    %gt3A_18 = vector.broadcast %gt3A : f32 to vector<1000x1xf32>
    %gt3A_19 = arith.cmpf ogt, %broadcast_in_dim3A_17, %gt3A_18 : vector<1000x1xf32>
    %jit3A_20 = arith.constant 1.000000e+00 : f32
    %broadcast_in_dim3A_21 = vector.broadcast %jit3A_20 : f32 to vector<1000x1xf32>
    %select_n3A_22 = arith.select %gt3A_19, %broadcast_in_dim3A_17, %broadcast_in_dim3A_21 : vector<1000x1xi1>, vector<1000x1xf32>
    %div3A = vector.broadcast %select_n3A_22 : vector<1000x1xf32> to vector<1000x16xf32>
    %div3A_23 = arith.divf %add3A, %div3A : vector<1000x16xf32>
    %get3A_24 = arith.constant 0 : index
    %get3A_25 = arith.constant 0 : index
    %get3A_26 = vector.load %arg4[%get3A_24, %get3A_25] : memref<16x16xf32, #tpu.memory_space<vmem>>, vector<16x16xf32>
    %dot_general3A = arith.constant dense<0.000000e+00> : vector<1000x16xf32>
    %dot_general3A_27 = tpu.matmul %div3A_23, %get3A_26, %dot_general3A {dimension_numbers = #tpu.dot_dimension_numbers<[1], [0], [0], [1], [0, 0, 1, 1], [], []>, transpose_lhs_hint = false} : vector<1000x16xf32>, vector<16x16xf32>, vector<1000x16xf32> -> vector<1000x16xf32>
    %get3A_28 = arith.constant 0 : index
    %get3A_29 = arith.constant 0 : index
    %get3A_30 = vector.load %arg5[%get3A_28, %get3A_29] : memref<1x16xf32, #tpu.memory_space<vmem>>, vector<1x16xf32>
    %add3A_31 = vector.broadcast %get3A_30 : vector<1x16xf32> to vector<1000x16xf32>
    %add3A_32 = arith.addf %dot_general3A_27, %add3A_31 : vector<1000x16xf32>
    %get3A_33 = arith.constant 0 : index
    %get3A_34 = arith.constant 0 : index
    %get3A_35 = vector.load %arg3[%get3A_33, %get3A_34] : memref<1000x16xf32, #tpu.memory_space<vmem>>, vector<1000x16xf32>
    %add3A_36 = arith.addf %add3A_32, %get3A_35 : vector<1000x16xf32>
    %logistic3A = arith.negf %add3A_36 : vector<1000x16xf32>
    %logistic3A_37 = math.exp %logistic3A : vector<1000x16xf32>
    %logistic3A_38 = arith.constant 1.000000e+00 : f32
    %logistic3A_39 = vector.broadcast %logistic3A_38 : f32 to vector<1000x16xf32>
    %logistic3A_40 = arith.addf %logistic3A_39, %logistic3A_37 : vector<1000x16xf32>
    %logistic3A_41 = arith.divf %logistic3A_39, %logistic3A_40 : vector<1000x16xf32>
    %get3A_42 = arith.constant 0 : index
    %get3A_43 = arith.constant 0 : index
    %get3A_44 = vector.load %arg6[%get3A_42, %get3A_43] : memref<16x32xf32, #tpu.memory_space<vmem>>, vector<16x32xf32>
    %dot_general3A_45 = arith.constant dense<0.000000e+00> : vector<1000x32xf32>
    %dot_general3A_46 = tpu.matmul %logistic3A_41, %get3A_44, %dot_general3A_45 {dimension_numbers = #tpu.dot_dimension_numbers<[1], [0], [0], [1], [0, 0, 1, 1], [], []>, transpose_lhs_hint = false} : vector<1000x16xf32>, vector<16x32xf32>, vector<1000x32xf32> -> vector<1000x32xf32>
    %get3A_47 = arith.constant 0 : index
    %get3A_48 = arith.constant 0 : index
    %get3A_49 = vector.load %arg7[%get3A_47, %get3A_48] : memref<1x32xf32, #tpu.memory_space<vmem>>, vector<1x32xf32>
    %add3A_50 = vector.broadcast %get3A_49 : vector<1x32xf32> to vector<1000x32xf32>
    %add3A_51 = arith.addf %dot_general3A_46, %add3A_50 : vector<1000x32xf32>
    %logistic3A_52 = arith.negf %add3A_51 : vector<1000x32xf32>
    %logistic3A_53 = math.exp %logistic3A_52 : vector<1000x32xf32>
    %logistic3A_54 = arith.constant 1.000000e+00 : f32
    %logistic3A_55 = vector.broadcast %logistic3A_54 : f32 to vector<1000x32xf32>
    %logistic3A_56 = arith.addf %logistic3A_55, %logistic3A_53 : vector<1000x32xf32>
    %logistic3A_57 = arith.divf %logistic3A_55, %logistic3A_56 : vector<1000x32xf32>
    %get3A_58 = arith.constant 0 : index
    %get3A_59 = arith.constant 0 : index
    %get3A_60 = vector.load %arg8[%get3A_58, %get3A_59] : memref<32x1xf32, #tpu.memory_space<vmem>>, vector<32x1xf32>
    %dot_general3A_61 = arith.constant dense<0.000000e+00> : vector<1000x1xf32>
    %dot_general3A_62 = tpu.matmul %logistic3A_57, %get3A_60, %dot_general3A_61 {dimension_numbers = #tpu.dot_dimension_numbers<[1], [0], [0], [1], [0, 0, 1, 1], [], []>, transpose_lhs_hint = false} : vector<1000x32xf32>, vector<32x1xf32>, vector<1000x1xf32> -> vector<1000x1xf32>
    %get3A_63 = arith.constant 0 : index
    %get3A_64 = arith.constant 0 : index
    %get3A_65 = vector.load %arg9[%get3A_63, %get3A_64] : memref<1x1xf32, #tpu.memory_space<vmem>>, vector<1x1xf32>
    %add3A_66 = vector.broadcast %get3A_65 : vector<1x1xf32> to vector<1000x1xf32>
    %add3A_67 = arith.addf %dot_general3A_62, %add3A_66 : vector<1000x1xf32>
    %swap3A = arith.constant 0 : index
    %swap3A_68 = arith.constant 0 : index
    %swap3A_69 = vector.load %arg10[%swap3A, %swap3A_68] : memref<1000x1xf32, #tpu.memory_space<vmem>>, vector<1000x1xf32>
    tpu.vector_store %arg10[%swap3A, %swap3A_68], %add3A_67 {strides = array<i32>} : memref<1000x1xf32, #tpu.memory_space<vmem>>, vector<1000x1xf32>,
    return
  }
  func.func @transform_0(%arg0: i32) -> (i32, i32, i32) {
    %c0_i32 = arith.constant 0 : i32
    %c0_i32_0 = arith.constant 0 : i32
    %c0_i32_1 = arith.constant 0 : i32
    return %c0_i32, %arg0, %c0_i32_0 : i32, i32, i32
  }
  func.func @transform_1(%arg0: i32) -> (i32, i32, i32) {
    %c0_i32 = arith.constant 0 : i32
    %c0_i32_0 = arith.constant 0 : i32
    %c0_i32_1 = arith.constant 0 : i32
    return %c0_i32, %arg0, %c0_i32_0 : i32, i32, i32
  }
  func.func @transform_2(%arg0: i32) -> (i32, i32) {
    %c0_i32 = arith.constant 0 : i32
    %c0_i32_0 = arith.constant 0 : i32
    return %arg0, %c0_i32 : i32, i32
  }
  func.func @transform_3(%arg0: i32) -> (i32, i32) {
    %c0_i32 = arith.constant 0 : i32
    %c0_i32_0 = arith.constant 0 : i32
    %c0_i32_1 = arith.constant 0 : i32
    return %c0_i32, %c0_i32_0 : i32, i32
  }
  func.func @transform_4(%arg0: i32) -> (i32, i32) {
    %c0_i32 = arith.constant 0 : i32
    %c0_i32_0 = arith.constant 0 : i32
    %c0_i32_1 = arith.constant 0 : i32
    return %c0_i32, %c0_i32_0 : i32, i32
  }
  func.func @transform_5(%arg0: i32) -> (i32, i32) {
    %c0_i32 = arith.constant 0 : i32
    %c0_i32_0 = arith.constant 0 : i32
    %c0_i32_1 = arith.constant 0 : i32
    return %c0_i32, %c0_i32_0 : i32, i32
  }
  func.func @transform_6(%arg0: i32) -> (i32, i32) {
    %c0_i32 = arith.constant 0 : i32
    %c0_i32_0 = arith.constant 0 : i32
    %c0_i32_1 = arith.constant 0 : i32
    return %c0_i32, %c0_i32_0 : i32, i32
  }
  func.func @transform_7(%arg0: i32) -> (i32, i32) {
    %c0_i32 = arith.constant 0 : i32
    %c0_i32_0 = arith.constant 0 : i32
    %c0_i32_1 = arith.constant 0 : i32
    return %c0_i32, %c0_i32_0 : i32, i32
  }
  func.func @transform_8(%arg0: i32) -> (i32, i32) {
    %c0_i32 = arith.constant 0 : i32
    %c0_i32_0 = arith.constant 0 : i32
    %c0_i32_1 = arith.constant 0 : i32
    return %c0_i32, %c0_i32_0 : i32, i32
  }
  func.func @transform_9(%arg0: i32) -> (i32, i32) {
    %c0_i32 = arith.constant 0 : i32
    %c0_i32_0 = arith.constant 0 : i32
    return %arg0, %c0_i32 : i32, i32
  }
}

</mosaic_0001>

<sc_bundles>
// kernel: kernel.11.cloned.1.call-start
scs
__scs_entry_jumppad:
0x0: {  	(pc) =	sbr.rel $0x88, $3  }
0x1: {  	(tag) =	ssettag $0x0;
	lr =	simm.s32 $0x1  }
0x2: {  	[smem:$0x3F92] =	sst lr;
	_ =	strace $0xD0000000  }
0x3: {  	_ = 	snop  }
0x4: {  	_ = 	snop  }
0x5: {  	_ = 	snop  }
0x6: {  	_ = 	snop  }
0x7: {  	_ = 	snop  }
__scs_overlays_trampoline_lowered:
0x8: {  	[smem:$0x3FA1] =	sst s0  }
0x9: {  	[smem:$0x3FA2] =	sst s1  }
0xa: {  	[smem:$0x3FA3] =	sst s2  }
0xb: {  	[smem:$0x3FA4] =	sst s3  }
0xc: {  	[smem:$0x3FA5] =	sst s4  }
0xd: {  	[smem:$0x3FA6] =	sst s5  }
0xe: {  	[smem:$0x3FA7] =	sst s6  }
0xf: {  	[smem:$0x3FA8] =	sst s7  }
0x10: {  	[smem:$0x3FA9] =	sst s8  }
0x11: {  	[smem:$0x3FAA] =	sst s9;
	s0 =	simm.s32 @!p0 $0x0  }
0x12: {  	s1 =	sld [smem:$0x3F90];
	s0 =	simm.s32 @p0 $0x1  }
0x13: {  	[smem:$0x3FAB] =	sst s0;
	s0 =	simm.s32 @!p1 $0x0  }
0x14: {  	s2 =	sld [smem:$0x3F8F];
	s0 =	simm.s32 @p1 $0x1  }
0x15: {  	[smem:$0x3FAC] =	sst s0;
	s0 =	simm.s32 @!p2 $0x0  }
0x16: {  	s3 =	sld [smem:$0x3FDB];
	s0 =	simm.s32 @p2 $0x1  }
0x17: {  	s4 =	simm.s32 $0x1BF5;
	[smem:$0x3FAE] =	sst s0  }
0x18: {  	s0 =	sld [smem:$0x3F91];
	_ =	swait.ge [sflag:s4], $0x0  }
0x19: {  	s7 =	sld [smem:$0x3F92]  }
0x1a: {  	s8 =	sadd.s32 $0xFFFFE003, lr  }
0x1b: {  	s9 =	sadd.s32 $0xFFFFFEF7, lr;
	s5 =	simm.s32 $0xFFFFFFFF;
	p2 =	slt.u32 s8, $0xFFFFF086  }
0x1c: {  	p1 =	slt.u32 s9, $0xF7A;
	s5 =	simm.s32 @!p2 $0x0  }
0x1d: {  	s5 =	simm.s32 @p1 $0x1;
	p0 =	seq.s32 s7, s2  }
0x1e: {  	s7 =	smul.u32 @!p0 $0xF7A, s2;
	p2 =	seq.s32 @!p0 s5, $0x0  }
0x1f: {  	s9 =	smul.u32 $0xF7A, s1;
	s8 =	simm.s32 @!p0 $0x1BF5;
	p2 =	por !p2, p0  }
0x20: {  	[sflag:s8] =	ssyncset.s32 @!p0 $0xFFFFF086;
	s6 =	sadd.s32 @!p0 s3, s7;
	s7 =	simm.s32 @!p0 $0x108  }
0x21: {  	s3 =	sadd.s32 s3, s9;
	s6 =	sadd.s32 @!p0 $0x88, s6;
	s7 =	simm.s32 @p2 $0x1082  }
0x22: {  	[simem:s7], [sflag:s8] =	dma.local @!p0 [hbm:s6], $0xF7A  }
0x23: {  	s9 =	sor.u32 $0xD0000000, s2;
	s6 =	simm.s32 $0x108;
	_ =	swait.ge @!p0 [sflag:s8], $0x0  }
0x24: {  	s3 =	sadd.s32 $0x88, s3;
	s6 =	simm.s32 @!p1 $0x1082;
	[sflag:s4] =	ssyncset.s32 $0xFFFFF086  }
0x25: {  	[simem:s6], [sflag:s4] =	dma.local [hbm:s3], $0xF7A  }
0x26: {  	[smem:$0x3F92] =	sst s1;
	(tag) =	ssettag s2;
	_ =	strace s9  }
0x27: {  	s1 =	sld [smem:$0x3FA2]  }
0x28: {  	s2 =	sld [smem:$0x3FA3]  }
0x29: {  	s4 =	sld [smem:$0x3FA5]  }
0x2a: {  	p0 =	seq.s32 s5, $0x0;
	s5 =	sld [smem:$0x3FA6]  }
0x2b: {  	s6 =	sld [smem:$0x3FA7]  }
0x2c: {  	s7 =	sld [smem:$0x3FA8]  }
0x2d: {  	s3 =	simm.s32 $0x108;
	s8 =	sld [smem:$0x3FA9]  }
0x2e: {  	s3 =	simm.s32 @!p0 $0x1082;
	s9 =	sld [smem:$0x3FAA]  }
0x2f: {  	lr =	sadd.s32 s0, s3;
	s0 =	sld [smem:$0x3FA1]  }
0x30: {  	s3 =	sld [smem:$0x3FA4]  }
0x31: {  	[smem:$0x3FAD] =	sst s10  }
0x32: {  	s10 =	sld [smem:$0x3FAB];
	_ =	sdelay $0x3  }
0x33: {  	p0 =	seq.s32 s10, $0x1;
	s10 =	sld [smem:$0x3FAD];
	_ =	sdelay $0x3  }
0x34: {  	[smem:$0x3FAD] =	sst s10  }
0x35: {  	s10 =	sld [smem:$0x3FAC];
	_ =	sdelay $0x3  }
0x36: {  	p1 =	seq.s32 s10, $0x1;
	s10 =	sld [smem:$0x3FAD];
	_ =	sdelay $0x3  }
0x37: {  	[smem:$0x3FAD] =	sst s10  }
0x38: {  	s10 =	sld [smem:$0x3FAE]  }
0x39: {  	_ = 	snop;
	(pc) =	sbr.ind lr, $3  }
0x3a: {  	_ = 	snop  }
0x3b: {  	_ = 	snop  }
0x3c: {  	p2 =	seq.s32 s10, $0x1;
	s10 =	sld [smem:$0x3FAD]  }
0x3d: {  	_ =	shalt  }
0x3e: {  	_ =	shalt  }
0x3f: {  	_ =	shalt  }
0x40: {  	_ =	shalt  }
0x41: {  	_ =	shalt  }
0x42: {  	_ =	shalt  }
0x43: {  	_ =	shalt  }
0x44: {  	_ =	shalt  }
0x45: {  	_ =	shalt  }
0x46: {  	_ =	shalt  }
0x47: {  	_ =	shalt  }
0x48: {  	_ =	shalt  }
0x49: {  	_ =	shalt  }
0x4a: {  	_ =	shalt  }
0x4b: {  	_ =	shalt  }
0x4c: {  	_ =	shalt  }
0x4d: {  	_ =	shalt  }
0x4e: {  	_ =	shalt  }
0x4f: {  	_ =	shalt  }
0x50: {  	_ =	shalt  }
0x51: {  	_ =	shalt  }
0x52: {  	_ =	shalt  }
0x53: {  	_ =	shalt  }
0x54: {  	_ =	shalt  }
0x55: {  	_ =	shalt  }
0x56: {  	_ =	shalt  }
0x57: {  	_ =	shalt  }
0x58: {  	_ =	shalt  }
0x59: {  	_ =	shalt  }
0x5a: {  	_ =	shalt  }
0x5b: {  	_ =	shalt  }
0x5c: {  	_ =	shalt  }
0x5d: {  	_ =	shalt  }
0x5e: {  	_ =	shalt  }
0x5f: {  	_ =	shalt  }
0x60: {  	_ =	shalt  }
0x61: {  	_ =	shalt  }
0x62: {  	_ =	shalt  }
0x63: {  	_ =	shalt  }
0x64: {  	_ =	shalt  }
0x65: {  	_ =	shalt  }
0x66: {  	_ =	shalt  }
0x67: {  	_ =	shalt  }
0x68: {  	_ =	shalt  }
0x69: {  	_ =	shalt  }
0x6a: {  	_ =	shalt  }
0x6b: {  	_ =	shalt  }
0x6c: {  	_ =	shalt  }
0x6d: {  	_ =	shalt  }
0x6e: {  	_ =	shalt  }
0x6f: {  	_ =	shalt  }
0x70: {  	_ =	shalt  }
0x71: {  	_ =	shalt  }
0x72: {  	_ =	shalt  }
0x73: {  	_ =	shalt  }
0x74: {  	_ =	shalt  }
0x75: {  	_ =	shalt  }
0x76: {  	_ =	shalt  }
0x77: {  	_ =	shalt  }
0x78: {  	_ =	shalt  }
0x79: {  	_ =	shalt  }
0x7a: {  	_ =	shalt  }
0x7b: {  	_ =	shalt  }
0x7c: {  	_ =	shalt  }
0x7d: {  	_ =	shalt  }
0x7e: {  	_ =	shalt  }
0x7f: {  	_ =	shalt  }
0x80: {  	_ =	shalt  }
0x81: {  	_ =	shalt  }
0x82: {  	_ =	shalt  }
0x83: {  	_ =	shalt  }
0x84: {  	_ =	shalt  }
0x85: {  	_ =	shalt  }
0x86: {  	_ =	shalt  }
0x87: {  	_ =	shalt  }
.Lfunc_end0:
.L_simem_size_0:
called_computation.1_lowered:
.L_overlay_start_0:
0x88: {  	s2 =	sld [smem:$0x3FD9]  }
0x89: {  	s3 =	sld [smem:$0x3FFE];
	_ =	sdelay $0x1  }
0x8a: {  	s1 =	srdreg.scid  }
0x8b: {  	s0 =	sand.u32 $0x1, s1  }
0x8c: {  	s16 =	sshll.u32 s0, $0xA;
	s2 =	sadd.s32 s3, s2  }
0x8d: {  	s2 =	sadd.s32 s2, s16  }
0x8e: {  	[smem:$0x3FB9] =	sst s2  }
0x8f: {  	_ = 	snop  }
0x90: {  	(tm) =	ssettm $0x1  }
0x91: {  	s17 =	sld [smem:$0x3FFB];
	_ =	sdelay $0x3  }
0x92: {  	_ =	strace s17  }
0x93: {  	s2 =	sld [smem:$0x3FFC];
	_ =	sdelay $0x3  }
0x94: {  	_ =	strace s2  }
0x95: {  	s2 =	sld [smem:$0x3FFD];
	_ =	sdelay $0x3  }
0x96: {  	_ =	strace s2  }
0x97: {  	_ =	strace $0x8FFFFFFF  }
0x98: {  	s18 =	sld [smem:$0x3FDB];
	_ =	sdelay $0x1  }
0x99: {  	s19 =	simm.s32 $_scs_section_size  }
0x9a: {  	s4 =	simm.s32 $_size__tile_overlayer_lowered;
	s5 =	simm.s32 $_tile_overlayer_lowered  }
0x9b: {  	s22 =	simm.s32 $0x1BFF;
	s21 =	sshll.u32 s5, $0x1;
	s2 =	sadd.s32 s19, s18  }
0x9c: {  	s6 =	simm.s32 $0x0;
	s20 =	sshll.u32 s4, $0x1;
	s4 =	sadd.s32 s21, s2  }
0x9d: {  	[timem:s6], [sflag:s22] =	dma.local [hbm:s4], s20  }
0x9e: {  	_ =	swait.ge [sflag:s22], s20  }
0x9f: {  	s3 =	ssub.s32 $0x0, s20;
	[sflag:s22] =	ssyncset.done $0x0  }
0xa0: {  	[sflag:s22] =	ssyncadd.s32 s3;
	_ =	sdelay $0x1  }
0xa1: {  	s23 =	simm.s32 $0x1B8B  }
0xa2: {  	_ =	swait.ge [sflag:s23], $0x1  }
0xa3: {  	[sflag:s23] =	ssyncset.done $0x0  }
0xa4: {  	s25 =	simm.s32 $0x1B8E;
	s24 =	sld [smem:$0x3FFE];
	[sflag:s23] =	ssyncadd.s32 $0xFFFFFFFF  }
0xa5: {  	s26 =	simm.s32 $execute0_lowered;
	[smem:$0x3FD2] =	sst s25  }
0xa6: {  	s4 =	sshll.u32 s26, $0x1;
	_ =	strace $0x80000049;
	[dreg:$0x1] =	wrdreg $0xFFFFFFFF  }
0xa7: {  	s28 =	simm.s32 $_size_execute0_lowered;
	s2 =	sadd.s32 s2, s4;
	[dreg:$0x0] =	wrdreg $0x0  }
0xa8: {  	s4 =	sshll.u32 s28, $0x1;
	[dreg:$0x2] =	wrdreg s2  }
0xa9: {  	[dreg:$0x3] =	wrdreg s4  }
0xaa: {  	[dreg:$0x4] =	wrdreg $0xC0  }
0xab: {  	_ =	task [dreg:s6], $0x5FFFF  }
0xac: {  	[dreg:$0x1] =	wrdreg $0xFFFFFFFF  }
0xad: {  	[dreg:$0x0] =	wrdreg $0x60  }
0xae: {  	[dreg:$0x2] =	wrdreg s24  }
0xaf: {  	[dreg:$0x3] =	wrdreg $0x187800  }
0xb0: {  	[dreg:$0x4] =	wrdreg $0x9  }
0xb1: {  	_ =	task.clear_ibuf [dreg:s6], $0x5FFFF;
	_ =	strace $0x90000049  }
0xb2: {  	s29 =	simm.s32 $0x9;
	_ =	strace $0x8000004B  }
0xb3: {  	_ =	swait.ge [sflag:s29], $0x1  }
0xb4: {  	[sflag:s29] =	ssyncadd.s32 $0xFFFFFFFF  }
0xb5: {  	_ =	strace $0x9000004B  }
0xb6: {  	_ =	sfence  }
0xb7: {  	s30 =	sld [smem:$0x0];
	_ =	sdelay $0x2  }
0xb8: {  	s31 =	sshll.u32 s1, $0xD;
	s1 =	sshrl.u32 s1, $0x2  }
0xb9: {  	s3 =	sand.u32 $0x4000, s31;
	s1 =	sadd.s32 s1, s30  }
0xba: {  	s0 =	sor.u32 s3, s0;
	s1 =	sshll.u32 s1, $0x11  }
0xbb: {  	s0 =	sor.u32 s1, s0  }
0xbc: {  	s0 =	sadd.s32 $0x8F2B, s0  }
0xbd: {  	[sflag:s0] =	ssyncadd.remote.s32 $0x1  }
0xbe: {  	_ =	sfence.sel $0xFFFF  }
0xbf: {  	[dreg:$0x0] =	wrdreg $0xFFFFFFFF;
	(pc) =	sbr.abs _section_cstart, $3  }
0xc0: {  	[dreg:$0x1] =	wrdreg $0xFFFFFFFF  }
0xc1: {  	_ =	task.clear_ibuf [dreg:s6], $0x2FFFF;
	_ =	strace $0x9FFFFFFF  }
0xc2: {  	(tm) =	ssettm $0x7FFFFFFF  }
0xc3: {  	_ =	shalt  }
tec
execute0_lowered:
.L_overlay_start_1:
0x0: {  	(tag) =	ssettag $0x1  }
0x1: {  	s0 =	srdreg.scid  }
0x2: {  	s1 =	rddreg [dreg:$0x0];
	s18 =	stileid.u32  }
0x3: {  	s2 =	rddreg [dreg:$0x1];
	s30 =	simm.s32 $0x0;
	s8 =	simm.s32 $0x4F0  }
0x4: {  	s9 =	simm.s32 $0x768;
	s10 =	simm.s32 $0x9E0;
	[smem:$0x7FF] =	sst s30  }
0x5: {  	s12 =	simm.s32 $0xC58;
	_ =	strace $0x8000004A;
	[dreg:$0x8] =	wrdreg s8  }
0x6: {  	s13 =	simm.s32 $0xED0;
	s14 =	simm.s32 $0x1148;
	[dreg:$0x9] =	wrdreg s9  }
0x7: {  	s15 =	simm.s32 $0x29F8;
	s16 =	simm.s32 $0x2C70;
	[dreg:$0xa] =	wrdreg s10  }
0x8: {  	s31 =	simm.s32 $0x2780;
	s17 =	simm.s32 $0x2EE8;
	[dreg:$0xb] =	wrdreg s12  }
0x9: {  	s19 =	simm.s32 $0x3160;
	s20 =	simm.s32 $0x33D8;
	[dreg:$0xc] =	wrdreg s13  }
0xa: {  	s21 =	simm.s32 $0x3650;
	s22 =	simm.s32 $0x38C8;
	[dreg:$0xd] =	wrdreg s14  }
0xb: {  	s23 =	simm.s32 $0x13C0;
	s24 =	simm.s32 $0x1638;
	[dreg:$0xe] =	wrdreg s15  }
0xc: {  	s25 =	simm.s32 $0x18B0;
	s28 =	simm.s32 $0x1;
	[dreg:$0xf] =	wrdreg s16  }
0xd: {  	p0 =	por $0x0, $0x0;
	s29 =	simm.s32 $0x4520;
	[dreg:$0x10] =	wrdreg s17  }
0xe: {  	s0 =	sand.u32 $0x1, s0;
	s4 =	smul.u32 $0x2800, s18;
	[dreg:$0x11] =	wrdreg s19  }
0xf: {  	s7 =	sadd.s32 $0x3000, s1;
	s11 =	sshll.u32 s18, $0x6;
	[dreg:$0x12] =	wrdreg s20  }
0x10: {  	s3 =	sshll.u32 s0, $0x4;
	s6 =	smul.u32 $0x28000, s0;
	[dreg:$0x13] =	wrdreg s21  }
0x11: {  	s0 =	ssub.s32 $0x2, s0;
	s16 =	simm.s32 $0x4F00;
	[dreg:$0x14] =	wrdreg s22  }
0x12: {  	s14 =	simm.s32 $0x7610;
	s13 =	simm.s32 $0x9D20;
	[dreg:$0x15] =	wrdreg s23  }
0x13: {  	s12 =	simm.s32 $0xC430;
	s10 =	simm.s32 $0x11250;
	[dreg:$0x16] =	wrdreg s24  }
0x14: {  	s9 =	simm.s32 $0x13960;
	[dreg:$0x17] =	wrdreg s25;
	s15 =	simm.s32 $0x1DA0  }
0x15: {  	s8 =	simm.s32 $0x16070;
	s17 =	simm.s32 $0x2018;
	[dreg:$0x19] =	wrdreg s15  }
0x16: {  	s19 =	simm.s32 $0x2290;
	s24 =	simm.s32 $0x3;
	[dreg:$0x1a] =	wrdreg s17  }
0x17: {  	s20 =	simm.s32 $0x2508;
	s22 =	simm.s32 $0x4;
	[dreg:$0x1b] =	wrdreg s19  }
0x18: {  	s21 =	simm.s32 $0x3B40;
	s23 =	simm.s32 $0x3DB8;
	[dreg:$0x1c] =	wrdreg s20  }
0x19: {  	s25 =	simm.s32 $0x4030;
	s3 =	sor.u32 s18, s3;
	[dreg:$0x1d] =	wrdreg s21  }
0x1a: {  	s5 =	sshrl.u32 s4, $0x3;
	s20 =	simm.s32 $0x5;
	[dreg:$0x1e] =	wrdreg s23  }
0x1b: {  	s19 =	simm.s32 $0x6;
	[dreg:$0x1f] =	wrdreg s25;
	s3 =	smul.u32 $0x4F0, s3  }
0x1c: {  	s17 =	simm.s32 $0x7;
	s15 =	simm.s32 $0x8;
	s6 =	sadd.s32 s4, s6  }
0x1d: {  	s25 =	simm.s32 $0x4798;
	s6 =	sshrl.u32 s6, $0x3;
	s3 =	sadd.s32 s3, s1  }
0x1e: {  	s6 =	sadd.s32 s6, s1;
	s26 =	sadd.s32 $0xB3C00, s3;
	s3 =	sadd.s32 $0xA9E00, s3  }
0x1f: {  	[dreg:$0x5] =	wrdreg s3;
	s3 =	sadd.s32 $0xD000, s6;
	s6 =	sshrl.u32 s0, $0x1  }
0x20: {  	s23 =	simm.s32 $0x4A10;
	s5 =	sadd.s32 s5, s1;
	s0 =	ssub.s32 s0, s6  }
0x21: {  	s21 =	simm.s32 $0x4C88;
	s5 =	sadd.s32 $0x8000, s5;
	s0 =	smax.u32 s0, $0x1  }
0x22: {  	[dreg:$0x3] =	wrdreg s5;
	s5 =	simm.s32 $0x278;
	p1 =	sne.s32 s0, $0x1  }
.Ltmp0:
0x23: {  	s4 =	sadd.s32 s4, s2;
	[dreg:$0x7] =	wrdreg s5;
	(pc) =	sbr.rel @!p1 .LBB2_1-.Ltmp0, $4  }
0x24: {  	s4 =	sshrl.u32 s4, $0x3;
	s5 =	simm.s32 $0x9;
	[dreg:$0x4] =	wrdreg s26  }
0x25: {  	s26 =	simm.s32 $0x1B28;
	[dreg:$0x6] =	wrdreg s3;
	s3 =	sor.u32 $0x1C09, s11  }
0x26: {  	s6 =	simm.s32 $0x271;
	s11 =	simm.s32 $0xEB40;
	[dreg:$0x18] =	wrdreg s26  }
0x27: {  	s26 =	simm.s32 $0x2;
	s1 =	sadd.s32 $0xFFFFFFFF, s0;
	s0 =	rddreg [dreg:$0x3]  }
0x28: {  	[spmem:s4], [sflag:s3] =	dma.local [hbm:s0], $0x500  }
0x29: {  	_ =	swait.ge [sflag:s5], $0x500  }
0x2a: {  	[sflag:s5] =	ssyncset.done $0x0  }
0x2b: {  	s18 =	rddreg [dreg:$0x4];
	[sflag:s5] =	ssyncadd.s32 $0xFFFFFB00  }
0x2c: {  	[tilespmem:s30], [sflag:$0x9] =	stream.linear.gather [hbm4b:s18+s30], $0x2780, $0x38;
	[tilespmem:$0x1AF80] =	vst v63  }
0x2d: {  	_ =	swait.ge [sflag:s5], $0x2780  }
0x2e: {  	[sflag:s5] =	ssyncset.done $0x0  }
0x2f: {  	s18 =	rddreg [dreg:$0x5];
	[sflag:s5] =	ssyncadd.s32 $0xFFFFD880  }
0x30: {  	[tilespmem:s31], [sflag:$0x9] =	stream.linear.gather [hbm4b:s18+s30], $0x2780, $0x38;
	[tilespmem:$0x1AF80] =	vst v63  }
0x31: {  	_ =	swait.ge [sflag:s5], $0x2780  }
0x32: {  	[sflag:s5] =	ssyncset.done $0x0  }
0x33: {  	[sflag:s5] =	ssyncadd.s32 $0xFFFFD880  }
0x34: {  	[bflag:$0x0] =	sbarrier.arrive $0xFFFF  }
0x35: {  	[tilespmem:s16], [sflag:$0x1] =	stream.indirect.gather [hbm4b:s7+s6], $0x10, s30, s6, $0xb8;
	[tilespmem:$0x1AF80] =	vst v63  }
0x36: {  	s0 =	rddreg [dreg:$0x7]  }
0x37: {  	[tilespmem:s14], [sflag:$0x2] =	stream.indirect.gather [hbm4b:s7+s6], $0x10, s0, s6, $0xb8;
	[tilespmem:$0x1AF80] =	vst v63  }
0x38: {  	s18 =	smov.u32 s1;
	s1 =	rddreg [dreg:$0x8]  }
0x39: {  	[tilespmem:s13], [sflag:$0x3] =	stream.indirect.gather [hbm4b:s7+s6], $0x10, s1, s6, $0xb8;
	[tilespmem:$0x1AF80] =	vst v63  }
0x3a: {  	s0 =	rddreg [dreg:$0x9]  }
0x3b: {  	[tilespmem:s12], [sflag:$0x4] =	stream.indirect.gather [hbm4b:s7+s6], $0x10, s0, s6, $0xb8;
	[tilespmem:$0x1AF80] =	vst v63  }
0x3c: {  	s1 =	rddreg [dreg:$0xa]  }
0x3d: {  	[tilespmem:s11], [sflag:$0x5] =	stream.indirect.gather [hbm4b:s7+s6], $0x10, s1, s6, $0xb8;
	[tilespmem:$0x1AF80] =	vst v63  }
0x3e: {  	s0 =	rddreg [dreg:$0xb]  }
0x3f: {  	[tilespmem:s10], [sflag:$0x6] =	stream.indirect.gather [hbm4b:s7+s6], $0x10, s0, s6, $0xb8;
	[tilespmem:$0x1AF80] =	vst v63  }
0x40: {  	s1 =	rddreg [dreg:$0xc]  }
0x41: {  	[tilespmem:s9], [sflag:$0x7] =	stream.indirect.gather [hbm4b:s7+s6], $0x10, s1, s6, $0xb8;
	[tilespmem:$0x1AF80] =	vst v63  }
0x42: {  	s0 =	rddreg [dreg:$0xd]  }
0x43: {  	[tilespmem:s8], [sflag:$0x8] =	stream.indirect.gather [hbm4b:s7+s6], $0x10, s0, s6, $0xb8;
	[tilespmem:$0x1AF80] =	vst v63  }
0x44: {  	_ =	swait.ge [sflag:s28], $0x2710  }
0x45: {  	[sflag:s28] =	ssyncset.done $0x0  }
0x46: {  	[sflag:s28] =	ssyncadd.s32 $0xFFFFD8F0  }
0x47: {  	[spmem:s2] =	stream.indirect.scatter.add.f32 [tilespmem:s16], [sflag:$0x9], $0x10, s31, s6, $0xb8;
	[tilespmem:$0x1AF80] =	vst v63  }
0x48: {  	_ =	swait.ge [sflag:s5], $0x2710  }
0x49: {  	[sflag:s5] =	ssyncset.done $0x0  }
0x4a: {  	[sflag:s5] =	ssyncadd.s32 $0xFFFFD8F0  }
0x4b: {  	_ =	swait.ge [sflag:s26], $0x2710  }
0x4c: {  	[sflag:s26] =	ssyncset.done $0x0  }
0x4d: {  	s1 =	rddreg [dreg:$0xe];
	[sflag:s26] =	ssyncadd.s32 $0xFFFFD8F0  }
0x4e: {  	[spmem:s2] =	stream.indirect.scatter.add.f32 [tilespmem:s14], [sflag:$0x9], $0x10, s1, s6, $0xb8;
	[tilespmem:$0x1AF80] =	vst v63  }
0x4f: {  	_ =	swait.ge [sflag:s5], $0x2710  }
0x50: {  	[sflag:s5] =	ssyncset.done $0x0  }
0x51: {  	[sflag:s5] =	ssyncadd.s32 $0xFFFFD8F0  }
0x52: {  	_ =	swait.ge [sflag:s24], $0x2710  }
0x53: {  	[sflag:s24] =	ssyncset.done $0x0  }
0x54: {  	s1 =	rddreg [dreg:$0xf];
	[sflag:s24] =	ssyncadd.s32 $0xFFFFD8F0  }
0x55: {  	[spmem:s2] =	stream.indirect.scatter.add.f32 [tilespmem:s13], [sflag:$0x9], $0x10, s1, s6, $0xb8;
	[tilespmem:$0x1AF80] =	vst v63  }
0x56: {  	_ =	swait.ge [sflag:s5], $0x2710  }
0x57: {  	[sflag:s5] =	ssyncset.done $0x0  }
0x58: {  	[sflag:s5] =	ssyncadd.s32 $0xFFFFD8F0  }
0x59: {  	_ =	swait.ge [sflag:s22], $0x2710  }
0x5a: {  	[sflag:s22] =	ssyncset.done $0x0  }
0x5b: {  	s1 =	rddreg [dreg:$0x10];
	[sflag:s22] =	ssyncadd.s32 $0xFFFFD8F0  }
0x5c: {  	[spmem:s2] =	stream.indirect.scatter.add.f32 [tilespmem:s12], [sflag:$0x9], $0x10, s1, s6, $0xb8;
	[tilespmem:$0x1AF80] =	vst v63  }
0x5d: {  	_ =	swait.ge [sflag:s5], $0x2710  }
0x5e: {  	[sflag:s5] =	ssyncset.done $0x0  }
0x5f: {  	[sflag:s5] =	ssyncadd.s32 $0xFFFFD8F0  }
0x60: {  	_ =	swait.ge [sflag:s20], $0x2710  }
0x61: {  	[sflag:s20] =	ssyncset.done $0x0  }
0x62: {  	s1 =	rddreg [dreg:$0x11];
	[sflag:s20] =	ssyncadd.s32 $0xFFFFD8F0  }
0x63: {  	[spmem:s2] =	stream.indirect.scatter.add.f32 [tilespmem:s11], [sflag:$0x9], $0x10, s1, s6, $0xb8;
	[tilespmem:$0x1AF80] =	vst v63  }
0x64: {  	_ =	swait.ge [sflag:s5], $0x2710  }
0x65: {  	[sflag:s5] =	ssyncset.done $0x0  }
0x66: {  	[sflag:s5] =	ssyncadd.s32 $0xFFFFD8F0  }
0x67: {  	_ =	swait.ge [sflag:s19], $0x2710  }
0x68: {  	[sflag:s19] =	ssyncset.done $0x0  }
0x69: {  	s1 =	rddreg [dreg:$0x12];
	[sflag:s19] =	ssyncadd.s32 $0xFFFFD8F0  }
0x6a: {  	[spmem:s2] =	stream.indirect.scatter.add.f32 [tilespmem:s10], [sflag:$0x9], $0x10, s1, s6, $0xb8;
	[tilespmem:$0x1AF80] =	vst v63  }
0x6b: {  	_ =	swait.ge [sflag:s5], $0x2710  }
0x6c: {  	[sflag:s5] =	ssyncset.done $0x0  }
0x6d: {  	[sflag:s5] =	ssyncadd.s32 $0xFFFFD8F0  }
0x6e: {  	_ =	swait.ge [sflag:s17], $0x2710  }
0x6f: {  	[sflag:s17] =	ssyncset.done $0x0  }
0x70: {  	s1 =	rddreg [dreg:$0x13];
	[sflag:s17] =	ssyncadd.s32 $0xFFFFD8F0  }
0x71: {  	[spmem:s2] =	stream.indirect.scatter.add.f32 [tilespmem:s9], [sflag:$0x9], $0x10, s1, s6, $0xb8;
	[tilespmem:$0x1AF80] =	vst v63  }
0x72: {  	_ =	swait.ge [sflag:s5], $0x2710  }
0x73: {  	[sflag:s5] =	ssyncset.done $0x0  }
0x74: {  	[sflag:s5] =	ssyncadd.s32 $0xFFFFD8F0  }
0x75: {  	_ =	swait.ge [sflag:s15], $0x2710  }
0x76: {  	[sflag:s15] =	ssyncset.done $0x0  }
0x77: {  	s1 =	rddreg [dreg:$0x14];
	[sflag:s15] =	ssyncadd.s32 $0xFFFFD8F0  }
0x78: {  	[spmem:s2] =	stream.indirect.scatter.add.f32 [tilespmem:s8], [sflag:$0x9], $0x10, s1, s6, $0xb8;
	[tilespmem:$0x1AF80] =	vst v63  }
0x79: {  	_ =	swait.ge [sflag:s5], $0x2710  }
0x7a: {  	[sflag:s5] =	ssyncset.done $0x0  }
0x7b: {  	s0 =	rddreg [dreg:$0x15];
	[sflag:s5] =	ssyncadd.s32 $0xFFFFD8F0  }
0x7c: {  	[tilespmem:s16], [sflag:$0x1] =	stream.indirect.gather [hbm4b:s7+s6], $0x10, s0, s6, $0xb8;
	[tilespmem:$0x1AF80] =	vst v63  }
0x7d: {  	s1 =	rddreg [dreg:$0x16]  }
0x7e: {  	[tilespmem:s14], [sflag:$0x2] =	stream.indirect.gather [hbm4b:s7+s6], $0x10, s1, s6, $0xb8;
	[tilespmem:$0x1AF80] =	vst v63  }
0x7f: {  	s0 =	rddreg [dreg:$0x17]  }
0x80: {  	[tilespmem:s13], [sflag:$0x3] =	stream.indirect.gather [hbm4b:s7+s6], $0x10, s0, s6, $0xb8;
	[tilespmem:$0x1AF80] =	vst v63  }
0x81: {  	s1 =	rddreg [dreg:$0x18]  }
0x82: {  	[tilespmem:s12], [sflag:$0x4] =	stream.indirect.gather [hbm4b:s7+s6], $0x10, s1, s6, $0xb8;
	[tilespmem:$0x1AF80] =	vst v63  }
0x83: {  	s0 =	rddreg [dreg:$0x19]  }
0x84: {  	[tilespmem:s11], [sflag:$0x5] =	stream.indirect.gather [hbm4b:s7+s6], $0x10, s0, s6, $0xb8;
	[tilespmem:$0x1AF80] =	vst v63  }
0x85: {  	s1 =	rddreg [dreg:$0x1a]  }
0x86: {  	[tilespmem:s10], [sflag:$0x6] =	stream.indirect.gather [hbm4b:s7+s6], $0x10, s1, s6, $0xb8;
	[tilespmem:$0x1AF80] =	vst v63  }
0x87: {  	s0 =	rddreg [dreg:$0x1b]  }
0x88: {  	[tilespmem:s9], [sflag:$0x7] =	stream.indirect.gather [hbm4b:s7+s6], $0x10, s0, s6, $0xb8;
	[tilespmem:$0x1AF80] =	vst v63  }
0x89: {  	s1 =	rddreg [dreg:$0x1c]  }
0x8a: {  	[tilespmem:s8], [sflag:$0x8] =	stream.indirect.gather [hbm4b:s7+s6], $0x10, s1, s6, $0xb8;
	[tilespmem:$0x1AF80] =	vst v63  }
0x8b: {  	_ =	swait.ge [sflag:s28], $0x2710  }
0x8c: {  	[sflag:s28] =	ssyncset.done $0x0  }
0x8d: {  	s1 =	rddreg [dreg:$0x1d];
	[sflag:s28] =	ssyncadd.s32 $0xFFFFD8F0  }
0x8e: {  	[spmem:s2] =	stream.indirect.scatter.add.f32 [tilespmem:s16], [sflag:$0x9], $0x10, s1, s6, $0xb8;
	[tilespmem:$0x1AF80] =	vst v63  }
0x8f: {  	_ =	swait.ge [sflag:s5], $0x2710  }
0x90: {  	[sflag:s5] =	ssyncset.done $0x0  }
0x91: {  	[sflag:s5] =	ssyncadd.s32 $0xFFFFD8F0  }
0x92: {  	_ =	swait.ge [sflag:s26], $0x2710  }
0x93: {  	[sflag:s26] =	ssyncset.done $0x0  }
0x94: {  	s1 =	rddreg [dreg:$0x1e];
	[sflag:s26] =	ssyncadd.s32 $0xFFFFD8F0  }
0x95: {  	[spmem:s2] =	stream.indirect.scatter.add.f32 [tilespmem:s14], [sflag:$0x9], $0x10, s1, s6, $0xb8;
	[tilespmem:$0x1AF80] =	vst v63  }
0x96: {  	_ =	swait.ge [sflag:s5], $0x2710  }
0x97: {  	[sflag:s5] =	ssyncset.done $0x0  }
0x98: {  	[sflag:s5] =	ssyncadd.s32 $0xFFFFD8F0  }
0x99: {  	_ =	swait.ge [sflag:s24], $0x2710  }
0x9a: {  	[sflag:s24] =	ssyncset.done $0x0  }
0x9b: {  	s1 =	rddreg [dreg:$0x1f];
	[sflag:s24] =	ssyncadd.s32 $0xFFFFD8F0  }
0x9c: {  	[spmem:s2] =	stream.indirect.scatter.add.f32 [tilespmem:s13], [sflag:$0x9], $0x10, s1, s6, $0xb8;
	[tilespmem:$0x1AF80] =	vst v63  }
0x9d: {  	_ =	swait.ge [sflag:s5], $0x2710  }
0x9e: {  	[sflag:s5] =	ssyncset.done $0x0  }
0x9f: {  	[sflag:s5] =	ssyncadd.s32 $0xFFFFD8F0  }
0xa0: {  	_ =	swait.ge [sflag:s22], $0x2710  }
0xa1: {  	[sflag:s22] =	ssyncset.done $0x0  }
0xa2: {  	s1 =	simm.s32 $0x42A8;
	[sflag:s22] =	ssyncadd.s32 $0xFFFFD8F0  }
0xa3: {  	[spmem:s2] =	stream.indirect.scatter.add.f32 [tilespmem:s12], [sflag:$0x9], $0x10, s1, s6, $0xb8;
	[tilespmem:$0x1AF80] =	vst v63  }
0xa4: {  	_ =	swait.ge [sflag:s5], $0x2710  }
0xa5: {  	[sflag:s5] =	ssyncset.done $0x0  }
0xa6: {  	[sflag:s5] =	ssyncadd.s32 $0xFFFFD8F0  }
0xa7: {  	_ =	swait.ge [sflag:s20], $0x2710  }
0xa8: {  	[sflag:s20] =	ssyncset.done $0x0  }
0xa9: {  	[sflag:s20] =	ssyncadd.s32 $0xFFFFD8F0  }
0xaa: {  	[spmem:s2] =	stream.indirect.scatter.add.f32 [tilespmem:s11], [sflag:$0x9], $0x10, s29, s6, $0xb8;
	[tilespmem:$0x1AF80] =	vst v63  }
0xab: {  	_ =	swait.ge [sflag:s5], $0x2710  }
0xac: {  	[sflag:s5] =	ssyncset.done $0x0  }
0xad: {  	[sflag:s5] =	ssyncadd.s32 $0xFFFFD8F0  }
0xae: {  	_ =	swait.ge [sflag:s19], $0x2710  }
0xaf: {  	[sflag:s19] =	ssyncset.done $0x0  }
0xb0: {  	[sflag:s19] =	ssyncadd.s32 $0xFFFFD8F0  }
0xb1: {  	[spmem:s2] =	stream.indirect.scatter.add.f32 [tilespmem:s10], [sflag:$0x9], $0x10, s25, s6, $0xb8;
	[tilespmem:$0x1AF80] =	vst v63  }
0xb2: {  	_ =	swait.ge [sflag:s5], $0x2710  }
0xb3: {  	[sflag:s5] =	ssyncset.done $0x0  }
0xb4: {  	[sflag:s5] =	ssyncadd.s32 $0xFFFFD8F0  }
0xb5: {  	_ =	swait.ge [sflag:s17], $0x2710  }
0xb6: {  	[sflag:s17] =	ssyncset.done $0x0  }
0xb7: {  	[sflag:s17] =	ssyncadd.s32 $0xFFFFD8F0  }
0xb8: {  	[spmem:s2] =	stream.indirect.scatter.add.f32 [tilespmem:s9], [sflag:$0x9], $0x10, s23, s6, $0xb8;
	[tilespmem:$0x1AF80] =	vst v63  }
0xb9: {  	_ =	swait.ge [sflag:s5], $0x2710  }
0xba: {  	[sflag:s5] =	ssyncset.done $0x0  }
0xbb: {  	[sflag:s5] =	ssyncadd.s32 $0xFFFFD8F0  }
0xbc: {  	_ =	swait.ge [sflag:s15], $0x2710  }
0xbd: {  	[sflag:s15] =	ssyncset.done $0x0  }
0xbe: {  	[sflag:s15] =	ssyncadd.s32 $0xFFFFD8F0  }
0xbf: {  	[spmem:s2] =	stream.indirect.scatter.add.f32 [tilespmem:s8], [sflag:$0x9], $0x10, s21, s6, $0xb8;
	[tilespmem:$0x1AF80] =	vst v63  }
0xc0: {  	_ =	swait.ge [sflag:s5], $0x2710  }
0xc1: {  	[sflag:s5] =	ssyncset.done $0x0  }
0xc2: {  	p1 =	sne.s32 s18, $0x1;
	[sflag:s5] =	ssyncadd.s32 $0xFFFFD8F0  }
.Ltmp1:
0xc3: {  	[bflag:$0x0] =	sbarrier.arrive $0xFFFF;
	(pc) =	sbr.rel @!p1 .LBB2_3-.Ltmp1, $4  }
0xc4: {  	s1 =	rddreg [dreg:$0x6]  }
0xc5: {  	[hbm:s1], [sflag:s3] =	dma.local [spmem:s4], $0x500  }
0xc6: {  	p0 =	por $0x1, $0x1;
	_ =	swait.ge [sflag:s5], $0x500  }
0xc7: {  	s1 =	sadd.s32 $0xFFFFFFFF, s18;
	s0 =	rddreg [dreg:$0x3];
	[sflag:s5] =	ssyncset.done $0x0  }
.LBB2_4:
0xc8: {  	[sflag:s5] =	ssyncadd.s32 $0xFFFFFB00  }
0xc9: {  	[spmem:s4], [sflag:s3] =	dma.local [hbm:s0], $0x500  }
0xca: {  	_ =	swait.ge [sflag:s5], $0x500  }
0xcb: {  	[sflag:s5] =	ssyncset.done $0x0  }
0xcc: {  	s18 =	rddreg [dreg:$0x4];
	[sflag:s5] =	ssyncadd.s32 $0xFFFFFB00  }
0xcd: {  	[tilespmem:s30], [sflag:$0x9] =	stream.linear.gather [hbm4b:s18+s30], $0x2780, $0x38;
	[tilespmem:$0x1AF80] =	vst v63  }
0xce: {  	_ =	swait.ge [sflag:s5], $0x2780  }
0xcf: {  	[sflag:s5] =	ssyncset.done $0x0  }
0xd0: {  	s18 =	rddreg [dreg:$0x5];
	[sflag:s5] =	ssyncadd.s32 $0xFFFFD880  }
0xd1: {  	[tilespmem:s31], [sflag:$0x9] =	stream.linear.gather [hbm4b:s18+s30], $0x2780, $0x38;
	[tilespmem:$0x1AF80] =	vst v63  }
0xd2: {  	_ =	swait.ge [sflag:s5], $0x2780  }
0xd3: {  	[sflag:s5] =	ssyncset.done $0x0  }
0xd4: {  	[sflag:s5] =	ssyncadd.s32 $0xFFFFD880  }
0xd5: {  	[bflag:$0x0] =	sbarrier.arrive $0xFFFF  }
0xd6: {  	[tilespmem:s16], [sflag:$0x1] =	stream.indirect.gather [hbm4b:s7+s6], $0x10, s30, s6, $0xb8;
	[tilespmem:$0x1AF80] =	vst v63  }
0xd7: {  	s0 =	rddreg [dreg:$0x7]  }
0xd8: {  	[tilespmem:s14], [sflag:$0x2] =	stream.indirect.gather [hbm4b:s7+s6], $0x10, s0, s6, $0xb8;
	[tilespmem:$0x1AF80] =	vst v63  }
0xd9: {  	s18 =	rddreg [dreg:$0x8]  }
0xda: {  	[tilespmem:s13], [sflag:$0x3] =	stream.indirect.gather [hbm4b:s7+s6], $0x10, s18, s6, $0xb8;
	[tilespmem:$0x1AF80] =	vst v63  }
0xdb: {  	s0 =	rddreg [dreg:$0x9]  }
0xdc: {  	[tilespmem:s12], [sflag:$0x4] =	stream.indirect.gather [hbm4b:s7+s6], $0x10, s0, s6, $0xb8;
	[tilespmem:$0x1AF80] =	vst v63  }
0xdd: {  	s18 =	rddreg [dreg:$0xa]  }
0xde: {  	[tilespmem:s11], [sflag:$0x5] =	stream.indirect.gather [hbm4b:s7+s6], $0x10, s18, s6, $0xb8;
	[tilespmem:$0x1AF80] =	vst v63  }
0xdf: {  	s0 =	rddreg [dreg:$0xb]  }
0xe0: {  	[tilespmem:s10], [sflag:$0x6] =	stream.indirect.gather [hbm4b:s7+s6], $0x10, s0, s6, $0xb8;
	[tilespmem:$0x1AF80] =	vst v63  }
0xe1: {  	s18 =	rddreg [dreg:$0xc]  }
0xe2: {  	[tilespmem:s9], [sflag:$0x7] =	stream.indirect.gather [hbm4b:s7+s6], $0x10, s18, s6, $0xb8;
	[tilespmem:$0x1AF80] =	vst v63  }
0xe3: {  	s0 =	rddreg [dreg:$0xd]  }
0xe4: {  	[tilespmem:s8], [sflag:$0x8] =	stream.indirect.gather [hbm4b:s7+s6], $0x10, s0, s6, $0xb8;
	[tilespmem:$0x1AF80] =	vst v63  }
0xe5: {  	_ =	swait.ge [sflag:s28], $0x2710  }
0xe6: {  	[sflag:s28] =	ssyncset.done $0x0  }
0xe7: {  	[sflag:s28] =	ssyncadd.s32 $0xFFFFD8F0  }
0xe8: {  	[spmem:s2] =	stream.indirect.scatter.add.f32 [tilespmem:s16], [sflag:$0x9], $0x10, s31, s6, $0xb8;
	[tilespmem:$0x1AF80] =	vst v63  }
0xe9: {  	_ =	swait.ge [sflag:s5], $0x2710  }
0xea: {  	[sflag:s5] =	ssyncset.done $0x0  }
0xeb: {  	[sflag:s5] =	ssyncadd.s32 $0xFFFFD8F0  }
0xec: {  	_ =	swait.ge [sflag:s26], $0x2710  }
0xed: {  	[sflag:s26] =	ssyncset.done $0x0  }
0xee: {  	s18 =	rddreg [dreg:$0xe];
	[sflag:s26] =	ssyncadd.s32 $0xFFFFD8F0  }
0xef: {  	[spmem:s2] =	stream.indirect.scatter.add.f32 [tilespmem:s14], [sflag:$0x9], $0x10, s18, s6, $0xb8;
	[tilespmem:$0x1AF80] =	vst v63  }
0xf0: {  	_ =	swait.ge [sflag:s5], $0x2710  }
0xf1: {  	[sflag:s5] =	ssyncset.done $0x0  }
0xf2: {  	[sflag:s5] =	ssyncadd.s32 $0xFFFFD8F0  }
0xf3: {  	_ =	swait.ge [sflag:s24], $0x2710  }
0xf4: {  	[sflag:s24] =	ssyncset.done $0x0  }
0xf5: {  	s18 =	rddreg [dreg:$0xf];
	[sflag:s24] =	ssyncadd.s32 $0xFFFFD8F0  }
0xf6: {  	[spmem:s2] =	stream.indirect.scatter.add.f32 [tilespmem:s13], [sflag:$0x9], $0x10, s18, s6, $0xb8;
	[tilespmem:$0x1AF80] =	vst v63  }
0xf7: {  	_ =	swait.ge [sflag:s5], $0x2710  }
0xf8: {  	[sflag:s5] =	ssyncset.done $0x0  }
0xf9: {  	[sflag:s5] =	ssyncadd.s32 $0xFFFFD8F0  }
0xfa: {  	_ =	swait.ge [sflag:s22], $0x2710  }
0xfb: {  	[sflag:s22] =	ssyncset.done $0x0  }
0xfc: {  	s18 =	rddreg [dreg:$0x10];
	[sflag:s22] =	ssyncadd.s32 $0xFFFFD8F0  }
0xfd: {  	[spmem:s2] =	stream.indirect.scatter.add.f32 [tilespmem:s12], [sflag:$0x9], $0x10, s18, s6, $0xb8;
	[tilespmem:$0x1AF80] =	vst v63  }
0xfe: {  	_ =	swait.ge [sflag:s5], $0x2710  }
0xff: {  	[sflag:s5] =	ssyncset.done $0x0  }
0x100: {  	[sflag:s5] =	ssyncadd.s32 $0xFFFFD8F0  }
0x101: {  	_ =	swait.ge [sflag:s20], $0x2710  }
0x102: {  	[sflag:s20] =	ssyncset.done $0x0  }
0x103: {  	s18 =	rddreg [dreg:$0x11];
	[sflag:s20] =	ssyncadd.s32 $0xFFFFD8F0  }
0x104: {  	[spmem:s2] =	stream.indirect.scatter.add.f32 [tilespmem:s11], [sflag:$0x9], $0x10, s18, s6, $0xb8;
	[tilespmem:$0x1AF80] =	vst v63  }
0x105: {  	_ =	swait.ge [sflag:s5], $0x2710  }
0x106: {  	[sflag:s5] =	ssyncset.done $0x0  }
0x107: {  	[sflag:s5] =	ssyncadd.s32 $0xFFFFD8F0  }
0x108: {  	_ =	swait.ge [sflag:s19], $0x2710  }
0x109: {  	[sflag:s19] =	ssyncset.done $0x0  }
0x10a: {  	s18 =	rddreg [dreg:$0x12];
	[sflag:s19] =	ssyncadd.s32 $0xFFFFD8F0  }
0x10b: {  	[spmem:s2] =	stream.indirect.scatter.add.f32 [tilespmem:s10], [sflag:$0x9], $0x10, s18, s6, $0xb8;
	[tilespmem:$0x1AF80] =	vst v63  }
0x10c: {  	_ =	swait.ge [sflag:s5], $0x2710  }
0x10d: {  	[sflag:s5] =	ssyncset.done $0x0  }
0x10e: {  	[sflag:s5] =	ssyncadd.s32 $0xFFFFD8F0  }
0x10f: {  	_ =	swait.ge [sflag:s17], $0x2710  }
0x110: {  	[sflag:s17] =	ssyncset.done $0x0  }
0x111: {  	s18 =	rddreg [dreg:$0x13];
	[sflag:s17] =	ssyncadd.s32 $0xFFFFD8F0  }
0x112: {  	[spmem:s2] =	stream.indirect.scatter.add.f32 [tilespmem:s9], [sflag:$0x9], $0x10, s18, s6, $0xb8;
	[tilespmem:$0x1AF80] =	vst v63  }
0x113: {  	_ =	swait.ge [sflag:s5], $0x2710  }
0x114: {  	[sflag:s5] =	ssyncset.done $0x0  }
0x115: {  	[sflag:s5] =	ssyncadd.s32 $0xFFFFD8F0  }
0x116: {  	_ =	swait.ge [sflag:s15], $0x2710  }
0x117: {  	[sflag:s15] =	ssyncset.done $0x0  }
0x118: {  	s18 =	rddreg [dreg:$0x14];
	[sflag:s15] =	ssyncadd.s32 $0xFFFFD8F0  }
0x119: {  	[spmem:s2] =	stream.indirect.scatter.add.f32 [tilespmem:s8], [sflag:$0x9], $0x10, s18, s6, $0xb8;
	[tilespmem:$0x1AF80] =	vst v63  }
0x11a: {  	_ =	swait.ge [sflag:s5], $0x2710  }
0x11b: {  	[sflag:s5] =	ssyncset.done $0x0  }
0x11c: {  	s0 =	rddreg [dreg:$0x15];
	[sflag:s5] =	ssyncadd.s32 $0xFFFFD8F0  }
0x11d: {  	[tilespmem:s16], [sflag:$0x1] =	stream.indirect.gather [hbm4b:s7+s6], $0x10, s0, s6, $0xb8;
	[tilespmem:$0x1AF80] =	vst v63  }
0x11e: {  	s18 =	rddreg [dreg:$0x16]  }
0x11f: {  	[tilespmem:s14], [sflag:$0x2] =	stream.indirect.gather [hbm4b:s7+s6], $0x10, s18, s6, $0xb8;
	[tilespmem:$0x1AF80] =	vst v63  }
0x120: {  	s0 =	rddreg [dreg:$0x17]  }
0x121: {  	[tilespmem:s13], [sflag:$0x3] =	stream.indirect.gather [hbm4b:s7+s6], $0x10, s0, s6, $0xb8;
	[tilespmem:$0x1AF80] =	vst v63  }
0x122: {  	s18 =	rddreg [dreg:$0x18]  }
0x123: {  	[tilespmem:s12], [sflag:$0x4] =	stream.indirect.gather [hbm4b:s7+s6], $0x10, s18, s6, $0xb8;
	[tilespmem:$0x1AF80] =	vst v63  }
0x124: {  	s0 =	rddreg [dreg:$0x19]  }
0x125: {  	[tilespmem:s11], [sflag:$0x5] =	stream.indirect.gather [hbm4b:s7+s6], $0x10, s0, s6, $0xb8;
	[tilespmem:$0x1AF80] =	vst v63  }
0x126: {  	s18 =	rddreg [dreg:$0x1a]  }
0x127: {  	[tilespmem:s10], [sflag:$0x6] =	stream.indirect.gather [hbm4b:s7+s6], $0x10, s18, s6, $0xb8;
	[tilespmem:$0x1AF80] =	vst v63  }
0x128: {  	s0 =	rddreg [dreg:$0x1b]  }
0x129: {  	[tilespmem:s9], [sflag:$0x7] =	stream.indirect.gather [hbm4b:s7+s6], $0x10, s0, s6, $0xb8;
	[tilespmem:$0x1AF80] =	vst v63  }
0x12a: {  	s18 =	rddreg [dreg:$0x1c]  }
0x12b: {  	[tilespmem:s8], [sflag:$0x8] =	stream.indirect.gather [hbm4b:s7+s6], $0x10, s18, s6, $0xb8;
	[tilespmem:$0x1AF80] =	vst v63  }
0x12c: {  	_ =	swait.ge [sflag:s28], $0x2710  }
0x12d: {  	[sflag:s28] =	ssyncset.done $0x0  }
0x12e: {  	s18 =	rddreg [dreg:$0x1d];
	[sflag:s28] =	ssyncadd.s32 $0xFFFFD8F0  }
0x12f: {  	[spmem:s2] =	stream.indirect.scatter.add.f32 [tilespmem:s16], [sflag:$0x9], $0x10, s18, s6, $0xb8;
	[tilespmem:$0x1AF80] =	vst v63  }
0x130: {  	_ =	swait.ge [sflag:s5], $0x2710  }
0x131: {  	[sflag:s5] =	ssyncset.done $0x0  }
0x132: {  	[sflag:s5] =	ssyncadd.s32 $0xFFFFD8F0  }
0x133: {  	_ =	swait.ge [sflag:s26], $0x2710  }
0x134: {  	[sflag:s26] =	ssyncset.done $0x0  }
0x135: {  	s18 =	rddreg [dreg:$0x1e];
	[sflag:s26] =	ssyncadd.s32 $0xFFFFD8F0  }
0x136: {  	[spmem:s2] =	stream.indirect.scatter.add.f32 [tilespmem:s14], [sflag:$0x9], $0x10, s18, s6, $0xb8;
	[tilespmem:$0x1AF80] =	vst v63  }
0x137: {  	_ =	swait.ge [sflag:s5], $0x2710  }
0x138: {  	[sflag:s5] =	ssyncset.done $0x0  }
0x139: {  	[sflag:s5] =	ssyncadd.s32 $0xFFFFD8F0  }
0x13a: {  	_ =	swait.ge [sflag:s24], $0x2710  }
0x13b: {  	[sflag:s24] =	ssyncset.done $0x0  }
0x13c: {  	s18 =	rddreg [dreg:$0x1f];
	[sflag:s24] =	ssyncadd.s32 $0xFFFFD8F0  }
0x13d: {  	[spmem:s2] =	stream.indirect.scatter.add.f32 [tilespmem:s13], [sflag:$0x9], $0x10, s18, s6, $0xb8;
	[tilespmem:$0x1AF80] =	vst v63  }
0x13e: {  	_ =	swait.ge [sflag:s5], $0x2710  }
0x13f: {  	[sflag:s5] =	ssyncset.done $0x0  }
0x140: {  	[sflag:s5] =	ssyncadd.s32 $0xFFFFD8F0  }
0x141: {  	_ =	swait.ge [sflag:s22], $0x2710  }
0x142: {  	[sflag:s22] =	ssyncset.done $0x0  }
0x143: {  	s18 =	simm.s32 $0x42A8;
	[sflag:s22] =	ssyncadd.s32 $0xFFFFD8F0  }
0x144: {  	[spmem:s2] =	stream.indirect.scatter.add.f32 [tilespmem:s12], [sflag:$0x9], $0x10, s18, s6, $0xb8;
	[tilespmem:$0x1AF80] =	vst v63  }
0x145: {  	_ =	swait.ge [sflag:s5], $0x2710  }
0x146: {  	[sflag:s5] =	ssyncset.done $0x0  }
0x147: {  	[sflag:s5] =	ssyncadd.s32 $0xFFFFD8F0  }
0x148: {  	_ =	swait.ge [sflag:s20], $0x2710  }
0x149: {  	[sflag:s20] =	ssyncset.done $0x0  }
0x14a: {  	[sflag:s20] =	ssyncadd.s32 $0xFFFFD8F0  }
0x14b: {  	[spmem:s2] =	stream.indirect.scatter.add.f32 [tilespmem:s11], [sflag:$0x9], $0x10, s29, s6, $0xb8;
	[tilespmem:$0x1AF80] =	vst v63  }
0x14c: {  	_ =	swait.ge [sflag:s5], $0x2710  }
0x14d: {  	[sflag:s5] =	ssyncset.done $0x0  }
0x14e: {  	[sflag:s5] =	ssyncadd.s32 $0xFFFFD8F0  }
0x14f: {  	_ =	swait.ge [sflag:s19], $0x2710  }
0x150: {  	[sflag:s19] =	ssyncset.done $0x0  }
0x151: {  	[sflag:s19] =	ssyncadd.s32 $0xFFFFD8F0  }
0x152: {  	[spmem:s2] =	stream.indirect.scatter.add.f32 [tilespmem:s10], [sflag:$0x9], $0x10, s25, s6, $0xb8;
	[tilespmem:$0x1AF80] =	vst v63  }
0x153: {  	_ =	swait.ge [sflag:s5], $0x2710  }
0x154: {  	[sflag:s5] =	ssyncset.done $0x0  }
0x155: {  	[sflag:s5] =	ssyncadd.s32 $0xFFFFD8F0  }
0x156: {  	_ =	swait.ge [sflag:s17], $0x2710  }
0x157: {  	[sflag:s17] =	ssyncset.done $0x0  }
0x158: {  	[sflag:s17] =	ssyncadd.s32 $0xFFFFD8F0  }
0x159: {  	[spmem:s2] =	stream.indirect.scatter.add.f32 [tilespmem:s9], [sflag:$0x9], $0x10, s23, s6, $0xb8;
	[tilespmem:$0x1AF80] =	vst v63  }
0x15a: {  	_ =	swait.ge [sflag:s5], $0x2710  }
0x15b: {  	[sflag:s5] =	ssyncset.done $0x0  }
0x15c: {  	[sflag:s5] =	ssyncadd.s32 $0xFFFFD8F0  }
0x15d: {  	_ =	swait.ge [sflag:s15], $0x2710  }
0x15e: {  	[sflag:s15] =	ssyncset.done $0x0  }
0x15f: {  	[sflag:s15] =	ssyncadd.s32 $0xFFFFD8F0  }
0x160: {  	[spmem:s2] =	stream.indirect.scatter.add.f32 [tilespmem:s8], [sflag:$0x9], $0x10, s21, s6, $0xb8;
	[tilespmem:$0x1AF80] =	vst v63  }
0x161: {  	_ =	swait.ge [sflag:s5], $0x2710  }
0x162: {  	[sflag:s5] =	ssyncset.done $0x0  }
0x163: {  	p1 =	sne.s32 s1, $0x1;
	[sflag:s5] =	ssyncadd.s32 $0xFFFFD8F0  }
.Ltmp2:
0x164: {  	[bflag:$0x0] =	sbarrier.arrive $0xFFFF;
	(pc) =	sbr.rel @p1 .LBB2_4-.Ltmp2, $4  }
0x165: {  	s18 =	rddreg [dreg:$0x6]  }
0x166: {  	[hbm:s18], [sflag:s3] =	dma.local [spmem:s4], $0x500  }
0x167: {  	_ =	swait.ge [sflag:s5], $0x500  }
0x168: {  	s1 =	sadd.s32 $0xFFFFFFFF, s1;
	s0 =	rddreg [dreg:$0x3];
	[sflag:s5] =	ssyncset.done $0x0  }
0x169: {  	s21 =	simm.s32 $0x42A8;
	s29 =	simm.s32 $0x4520  }
0x16a: {  	s25 =	simm.s32 $0x4798;
	s23 =	simm.s32 $0x4A10;
	s18 =	stileid.u32  }
.LBB2_6:
0x16b: {  	[sflag:s5] =	ssyncadd.s32 @p0 $0xFFFFFB00  }
0x16c: {  	[spmem:s4], [sflag:s3] =	dma.local [hbm:s0], $0x500  }
0x16d: {  	_ =	swait.ge [sflag:s5], $0x500  }
0x16e: {  	[sflag:s5] =	ssyncset.done $0x0  }
0x16f: {  	s1 =	rddreg [dreg:$0x4];
	[sflag:s5] =	ssyncadd.s32 $0xFFFFFB00  }
0x170: {  	[tilespmem:s30], [sflag:$0x9] =	stream.linear.gather [hbm4b:s1+s30], $0x2780, $0x38;
	[tilespmem:$0x1AF80] =	vst v63  }
0x171: {  	_ =	swait.ge [sflag:s5], $0x2780  }
0x172: {  	[sflag:s5] =	ssyncset.done $0x0  }
0x173: {  	s1 =	rddreg [dreg:$0x5];
	[sflag:s5] =	ssyncadd.s32 $0xFFFFD880  }
0x174: {  	[tilespmem:s31], [sflag:$0x9] =	stream.linear.gather [hbm4b:s1+s30], $0x2780, $0x38;
	[tilespmem:$0x1AF80] =	vst v63  }
0x175: {  	_ =	swait.ge [sflag:s5], $0x2780  }
0x176: {  	[sflag:s5] =	ssyncset.done $0x0  }
0x177: {  	[sflag:s5] =	ssyncadd.s32 $0xFFFFD880  }
0x178: {  	[bflag:$0x0] =	sbarrier.arrive $0xFFFF  }
0x179: {  	[tilespmem:s16], [sflag:$0x1] =	stream.indirect.gather [hbm4b:s7+s6], $0x10, s30, s6, $0xb8;
	[tilespmem:$0x1AF80] =	vst v63  }
0x17a: {  	s0 =	rddreg [dreg:$0x7]  }
0x17b: {  	[tilespmem:s14], [sflag:$0x2] =	stream.indirect.gather [hbm4b:s7+s6], $0x10, s0, s6, $0xb8;
	[tilespmem:$0x1AF80] =	vst v63  }
0x17c: {  	s1 =	rddreg [dreg:$0x8]  }
0x17d: {  	[tilespmem:s13], [sflag:$0x3] =	stream.indirect.gather [hbm4b:s7+s6], $0x10, s1, s6, $0xb8;
	[tilespmem:$0x1AF80] =	vst v63  }
0x17e: {  	s30 =	rddreg [dreg:$0x9]  }
0x17f: {  	[tilespmem:s12], [sflag:$0x4] =	stream.indirect.gather [hbm4b:s7+s6], $0x10, s30, s6, $0xb8;
	[tilespmem:$0x1AF80] =	vst v63  }
0x180: {  	s1 =	rddreg [dreg:$0xa]  }
0x181: {  	[tilespmem:s11], [sflag:$0x5] =	stream.indirect.gather [hbm4b:s7+s6], $0x10, s1, s6, $0xb8;
	[tilespmem:$0x1AF80] =	vst v63  }
0x182: {  	s30 =	rddreg [dreg:$0xb]  }
0x183: {  	[tilespmem:s10], [sflag:$0x6] =	stream.indirect.gather [hbm4b:s7+s6], $0x10, s30, s6, $0xb8;
	[tilespmem:$0x1AF80] =	vst v63  }
0x184: {  	s1 =	rddreg [dreg:$0xc]  }
0x185: {  	[tilespmem:s9], [sflag:$0x7] =	stream.indirect.gather [hbm4b:s7+s6], $0x10, s1, s6, $0xb8;
	[tilespmem:$0x1AF80] =	vst v63  }
0x186: {  	s30 =	rddreg [dreg:$0xd]  }
0x187: {  	[tilespmem:s8], [sflag:$0x8] =	stream.indirect.gather [hbm4b:s7+s6], $0x10, s30, s6, $0xb8;
	[tilespmem:$0x1AF80] =	vst v63  }
0x188: {  	_ =	swait.ge [sflag:s28], $0x2710  }
0x189: {  	[sflag:s28] =	ssyncset.done $0x0  }
0x18a: {  	[sflag:s28] =	ssyncadd.s32 $0xFFFFD8F0  }
0x18b: {  	[spmem:s2] =	stream.indirect.scatter.add.f32 [tilespmem:s16], [sflag:$0x9], $0x10, s31, s6, $0xb8;
	[tilespmem:$0x1AF80] =	vst v63  }
0x18c: {  	_ =	swait.ge [sflag:s5], $0x2710  }
0x18d: {  	[sflag:s5] =	ssyncset.done $0x0  }
0x18e: {  	[sflag:s5] =	ssyncadd.s32 $0xFFFFD8F0  }
0x18f: {  	_ =	swait.ge [sflag:s26], $0x2710  }
0x190: {  	[sflag:s26] =	ssyncset.done $0x0  }
0x191: {  	s1 =	rddreg [dreg:$0xe];
	[sflag:s26] =	ssyncadd.s32 $0xFFFFD8F0  }
0x192: {  	[spmem:s2] =	stream.indirect.scatter.add.f32 [tilespmem:s14], [sflag:$0x9], $0x10, s1, s6, $0xb8;
	[tilespmem:$0x1AF80] =	vst v63  }
0x193: {  	_ =	swait.ge [sflag:s5], $0x2710  }
0x194: {  	[sflag:s5] =	ssyncset.done $0x0  }
0x195: {  	[sflag:s5] =	ssyncadd.s32 $0xFFFFD8F0  }
0x196: {  	_ =	swait.ge [sflag:s24], $0x2710  }
0x197: {  	[sflag:s24] =	ssyncset.done $0x0  }
0x198: {  	s30 =	rddreg [dreg:$0xf];
	[sflag:s24] =	ssyncadd.s32 $0xFFFFD8F0  }
0x199: {  	[spmem:s2] =	stream.indirect.scatter.add.f32 [tilespmem:s13], [sflag:$0x9], $0x10, s30, s6, $0xb8;
	[tilespmem:$0x1AF80] =	vst v63  }
0x19a: {  	_ =	swait.ge [sflag:s5], $0x2710  }
0x19b: {  	[sflag:s5] =	ssyncset.done $0x0  }
0x19c: {  	[sflag:s5] =	ssyncadd.s32 $0xFFFFD8F0  }
0x19d: {  	_ =	swait.ge [sflag:s22], $0x2710  }
0x19e: {  	[sflag:s22] =	ssyncset.done $0x0  }
0x19f: {  	s31 =	rddreg [dreg:$0x10];
	[sflag:s22] =	ssyncadd.s32 $0xFFFFD8F0  }
0x1a0: {  	[spmem:s2] =	stream.indirect.scatter.add.f32 [tilespmem:s12], [sflag:$0x9], $0x10, s31, s6, $0xb8;
	[tilespmem:$0x1AF80] =	vst v63  }
0x1a1: {  	_ =	swait.ge [sflag:s5], $0x2710  }
0x1a2: {  	[sflag:s5] =	ssyncset.done $0x0  }
0x1a3: {  	[sflag:s5] =	ssyncadd.s32 $0xFFFFD8F0  }
0x1a4: {  	_ =	swait.ge [sflag:s20], $0x2710  }
0x1a5: {  	[sflag:s20] =	ssyncset.done $0x0  }
0x1a6: {  	s1 =	rddreg [dreg:$0x11];
	[sflag:s20] =	ssyncadd.s32 $0xFFFFD8F0  }
0x1a7: {  	[spmem:s2] =	stream.indirect.scatter.add.f32 [tilespmem:s11], [sflag:$0x9], $0x10, s1, s6, $0xb8;
	[tilespmem:$0x1AF80] =	vst v63  }
0x1a8: {  	_ =	swait.ge [sflag:s5], $0x2710  }
0x1a9: {  	[sflag:s5] =	ssyncset.done $0x0  }
0x1aa: {  	[sflag:s5] =	ssyncadd.s32 $0xFFFFD8F0  }
0x1ab: {  	_ =	swait.ge [sflag:s19], $0x2710  }
0x1ac: {  	[sflag:s19] =	ssyncset.done $0x0  }
0x1ad: {  	s30 =	rddreg [dreg:$0x12];
	[sflag:s19] =	ssyncadd.s32 $0xFFFFD8F0  }
0x1ae: {  	[spmem:s2] =	stream.indirect.scatter.add.f32 [tilespmem:s10], [sflag:$0x9], $0x10, s30, s6, $0xb8;
	[tilespmem:$0x1AF80] =	vst v63  }
0x1af: {  	_ =	swait.ge [sflag:s5], $0x2710  }
0x1b0: {  	[sflag:s5] =	ssyncset.done $0x0  }
0x1b1: {  	[sflag:s5] =	ssyncadd.s32 $0xFFFFD8F0  }
0x1b2: {  	_ =	swait.ge [sflag:s17], $0x2710  }
0x1b3: {  	[sflag:s17] =	ssyncset.done $0x0  }
0x1b4: {  	s31 =	rddreg [dreg:$0x13];
	[sflag:s17] =	ssyncadd.s32 $0xFFFFD8F0  }
0x1b5: {  	[spmem:s2] =	stream.indirect.scatter.add.f32 [tilespmem:s9], [sflag:$0x9], $0x10, s31, s6, $0xb8;
	[tilespmem:$0x1AF80] =	vst v63  }
0x1b6: {  	_ =	swait.ge [sflag:s5], $0x2710  }
0x1b7: {  	[sflag:s5] =	ssyncset.done $0x0  }
0x1b8: {  	[sflag:s5] =	ssyncadd.s32 $0xFFFFD8F0  }
0x1b9: {  	_ =	swait.ge [sflag:s15], $0x2710  }
0x1ba: {  	[sflag:s15] =	ssyncset.done $0x0  }
0x1bb: {  	s1 =	rddreg [dreg:$0x14];
	[sflag:s15] =	ssyncadd.s32 $0xFFFFD8F0  }
0x1bc: {  	[spmem:s2] =	stream.indirect.scatter.add.f32 [tilespmem:s8], [sflag:$0x9], $0x10, s1, s6, $0xb8;
	[tilespmem:$0x1AF80] =	vst v63  }
0x1bd: {  	_ =	swait.ge [sflag:s5], $0x2710  }
0x1be: {  	[sflag:s5] =	ssyncset.done $0x0  }
0x1bf: {  	s30 =	rddreg [dreg:$0x15];
	[sflag:s5] =	ssyncadd.s32 $0xFFFFD8F0  }
0x1c0: {  	[tilespmem:s16], [sflag:$0x1] =	stream.indirect.gather [hbm4b:s7+s6], $0x10, s30, s6, $0xb8;
	[tilespmem:$0x1AF80] =	vst v63  }
0x1c1: {  	s31 =	rddreg [dreg:$0x16]  }
0x1c2: {  	[tilespmem:s14], [sflag:$0x2] =	stream.indirect.gather [hbm4b:s7+s6], $0x10, s31, s6, $0xb8;
	[tilespmem:$0x1AF80] =	vst v63  }
0x1c3: {  	s30 =	rddreg [dreg:$0x17]  }
0x1c4: {  	[tilespmem:s13], [sflag:$0x3] =	stream.indirect.gather [hbm4b:s7+s6], $0x10, s30, s6, $0xb8;
	[tilespmem:$0x1AF80] =	vst v63  }
0x1c5: {  	s31 =	rddreg [dreg:$0x18]  }
0x1c6: {  	[tilespmem:s12], [sflag:$0x4] =	stream.indirect.gather [hbm4b:s7+s6], $0x10, s31, s6, $0xb8;
	[tilespmem:$0x1AF80] =	vst v63  }
0x1c7: {  	s30 =	rddreg [dreg:$0x19]  }
0x1c8: {  	[tilespmem:s11], [sflag:$0x5] =	stream.indirect.gather [hbm4b:s7+s6], $0x10, s30, s6, $0xb8;
	[tilespmem:$0x1AF80] =	vst v63  }
0x1c9: {  	s31 =	rddreg [dreg:$0x1a]  }
0x1ca: {  	[tilespmem:s10], [sflag:$0x6] =	stream.indirect.gather [hbm4b:s7+s6], $0x10, s31, s6, $0xb8;
	[tilespmem:$0x1AF80] =	vst v63  }
0x1cb: {  	s30 =	rddreg [dreg:$0x1b]  }
0x1cc: {  	[tilespmem:s9], [sflag:$0x7] =	stream.indirect.gather [hbm4b:s7+s6], $0x10, s30, s6, $0xb8;
	[tilespmem:$0x1AF80] =	vst v63  }
0x1cd: {  	s31 =	rddreg [dreg:$0x1c]  }
0x1ce: {  	[tilespmem:s8], [sflag:$0x8] =	stream.indirect.gather [hbm4b:s7+s6], $0x10, s31, s6, $0xb8;
	[tilespmem:$0x1AF80] =	vst v63  }
0x1cf: {  	_ =	swait.ge [sflag:s28], $0x2710  }
0x1d0: {  	[sflag:s28] =	ssyncset.done $0x0  }
0x1d1: {  	s7 =	rddreg [dreg:$0x1d];
	[sflag:s28] =	ssyncadd.s32 $0xFFFFD8F0  }
0x1d2: {  	[spmem:s2] =	stream.indirect.scatter.add.f32 [tilespmem:s16], [sflag:$0x9], $0x10, s7, s6, $0xb8;
	[tilespmem:$0x1AF80] =	vst v63  }
0x1d3: {  	_ =	swait.ge [sflag:s5], $0x2710  }
0x1d4: {  	[sflag:s5] =	ssyncset.done $0x0  }
0x1d5: {  	[sflag:s5] =	ssyncadd.s32 $0xFFFFD8F0  }
0x1d6: {  	_ =	swait.ge [sflag:s26], $0x2710  }
0x1d7: {  	[sflag:s26] =	ssyncset.done $0x0  }
0x1d8: {  	s16 =	rddreg [dreg:$0x1e];
	[sflag:s26] =	ssyncadd.s32 $0xFFFFD8F0  }
0x1d9: {  	[spmem:s2] =	stream.indirect.scatter.add.f32 [tilespmem:s14], [sflag:$0x9], $0x10, s16, s6, $0xb8;
	[tilespmem:$0x1AF80] =	vst v63  }
0x1da: {  	_ =	swait.ge [sflag:s5], $0x2710  }
0x1db: {  	[sflag:s5] =	ssyncset.done $0x0  }
0x1dc: {  	[sflag:s5] =	ssyncadd.s32 $0xFFFFD8F0  }
0x1dd: {  	_ =	swait.ge [sflag:s24], $0x2710  }
0x1de: {  	[sflag:s24] =	ssyncset.done $0x0  }
0x1df: {  	s28 =	rddreg [dreg:$0x1f];
	[sflag:s24] =	ssyncadd.s32 $0xFFFFD8F0  }
0x1e0: {  	[spmem:s2] =	stream.indirect.scatter.add.f32 [tilespmem:s13], [sflag:$0x9], $0x10, s28, s6, $0xb8;
	[tilespmem:$0x1AF80] =	vst v63  }
0x1e1: {  	_ =	swait.ge [sflag:s5], $0x2710  }
0x1e2: {  	[sflag:s5] =	ssyncset.done $0x0  }
0x1e3: {  	[sflag:s5] =	ssyncadd.s32 $0xFFFFD8F0  }
0x1e4: {  	_ =	swait.ge [sflag:s22], $0x2710  }
0x1e5: {  	[sflag:s22] =	ssyncset.done $0x0  }
0x1e6: {  	[sflag:s22] =	ssyncadd.s32 $0xFFFFD8F0  }
0x1e7: {  	[spmem:s2] =	stream.indirect.scatter.add.f32 [tilespmem:s12], [sflag:$0x9], $0x10, s21, s6, $0xb8;
	[tilespmem:$0x1AF80] =	vst v63  }
0x1e8: {  	_ =	swait.ge [sflag:s5], $0x2710  }
0x1e9: {  	[sflag:s5] =	ssyncset.done $0x0  }
0x1ea: {  	[sflag:s5] =	ssyncadd.s32 $0xFFFFD8F0  }
0x1eb: {  	_ =	swait.ge [sflag:s20], $0x2710  }
0x1ec: {  	[sflag:s20] =	ssyncset.done $0x0  }
0x1ed: {  	[sflag:s20] =	ssyncadd.s32 $0xFFFFD8F0  }
0x1ee: {  	[spmem:s2] =	stream.indirect.scatter.add.f32 [tilespmem:s11], [sflag:$0x9], $0x10, s29, s6, $0xb8;
	[tilespmem:$0x1AF80] =	vst v63  }
0x1ef: {  	_ =	swait.ge [sflag:s5], $0x2710  }
0x1f0: {  	[sflag:s5] =	ssyncset.done $0x0  }
0x1f1: {  	[sflag:s5] =	ssyncadd.s32 $0xFFFFD8F0  }
0x1f2: {  	_ =	swait.ge [sflag:s19], $0x2710  }
0x1f3: {  	[sflag:s19] =	ssyncset.done $0x0  }
0x1f4: {  	[sflag:s19] =	ssyncadd.s32 $0xFFFFD8F0  }
0x1f5: {  	[spmem:s2] =	stream.indirect.scatter.add.f32 [tilespmem:s10], [sflag:$0x9], $0x10, s25, s6, $0xb8;
	[tilespmem:$0x1AF80] =	vst v63  }
0x1f6: {  	_ =	swait.ge [sflag:s5], $0x2710  }
0x1f7: {  	[sflag:s5] =	ssyncset.done $0x0  }
0x1f8: {  	[sflag:s5] =	ssyncadd.s32 $0xFFFFD8F0  }
0x1f9: {  	_ =	swait.ge [sflag:s17], $0x2710  }
0x1fa: {  	[sflag:s17] =	ssyncset.done $0x0  }
0x1fb: {  	[sflag:s17] =	ssyncadd.s32 $0xFFFFD8F0  }
0x1fc: {  	[spmem:s2] =	stream.indirect.scatter.add.f32 [tilespmem:s9], [sflag:$0x9], $0x10, s23, s6, $0xb8;
	[tilespmem:$0x1AF80] =	vst v63  }
0x1fd: {  	_ =	swait.ge [sflag:s5], $0x2710  }
0x1fe: {  	[sflag:s5] =	ssyncset.done $0x0  }
0x1ff: {  	[sflag:s5] =	ssyncadd.s32 $0xFFFFD8F0  }
0x200: {  	_ =	swait.ge [sflag:s15], $0x2710  }
0x201: {  	[sflag:s15] =	ssyncset.done $0x0  }
0x202: {  	s30 =	simm.s32 $0x4C88;
	[sflag:s15] =	ssyncadd.s32 $0xFFFFD8F0  }
0x203: {  	[spmem:s2] =	stream.indirect.scatter.add.f32 [tilespmem:s8], [sflag:$0x9], $0x10, s30, s6, $0xb8;
	[tilespmem:$0x1AF80] =	vst v63  }
0x204: {  	_ =	swait.ge [sflag:s5], $0x2710  }
0x205: {  	[sflag:s5] =	ssyncset.done $0x0  }
0x206: {  	[sflag:s5] =	ssyncadd.s32 $0xFFFFD8F0  }
0x207: {  	[bflag:$0x0] =	sbarrier.arrive $0xFFFF  }
0x208: {  	s31 =	rddreg [dreg:$0x6]  }
0x209: {  	[hbm:s31], [sflag:s3] =	dma.local [spmem:s4], $0x500  }
0x20a: {  	_ =	swait.ge [sflag:s5], $0x500  }
0x20b: {  	[sflag:s5] =	ssyncset.done $0x0  }
0x20c: {  	[sflag:s5] =	ssyncadd.s32 $0xFFFFFB00  }
0x20d: {  	_ =	sfence.sel $0x180000  }
0x20e: {  	[bflag:$0x0] =	sbarrier.arrive $0xFFFF  }
0x20f: {  	_ =	strace $0x9000004A  }
0x210: {  	[bflag:$0x2] =	sbarrier.arrive $0xFFFF  }
0x211: {  	p0 =	sne.s32 s18, $0x0;
	s0 =	rddreg [dreg:$0x2]  }
0x212: {  	s0 =	sadd.s32 @!p0 $0x100000, s0  }
0x213: {  	[sflag:s0] =	ssyncadd.tile.s32 @!p0 $0x1;
	_ =	shalt  }
.LBB2_1:
.Ltmp3:
0x214: {  	(pc) =	sbr.rel .LBB2_6-.Ltmp3, $3  }
0x215: {  	_ =	sdelay $0x1  }
0x216: {  	s21 =	simm.s32 $0x42A8  }
0x217: {  	s29 =	simm.s32 $0x4520;
	s25 =	simm.s32 $0x4798;
	s23 =	simm.s32 $0x4A10  }
.LBB2_3:
.Ltmp4:
0x218: {  	(pc) =	sbr.rel .LBB2_6-.Ltmp4, $3  }
0x219: {  	_ =	sdelay $0x1  }
0x21a: {  	s21 =	simm.s32 $0x42A8;
	s29 =	simm.s32 $0x4520  }
0x21b: {  	s25 =	simm.s32 $0x4798;
	s23 =	simm.s32 $0x4A10;
	s18 =	stileid.u32  }
.Lfunc_end2:
_tile_overlayer_lowered:
.L_overlay_start_2:
0x21c: {  	(tag) =	ssettag $0x2  }
0x21d: {  	s0 =	rddreg [dreg:$0x0];
	s2 =	stileid.u32  }
0x21e: {  	s1 =	rddreg [dreg:$0x1];
	p0 =	sne.s32 s2, $0x0  }
0x21f: {  	s3 =	rddreg [dreg:$0x2];
	[bflag:$0x3] =	sbarrier.arrive $0xFFFF;
	s2 =	simm.s32 @!p0 $0x1C09  }
0x220: {  	[timem:s3], [sflag:s2] =	dma.local @!p0 [hbm:s0], s1  }
0x221: {  	s0 =	simm.s32 @!p0 $0x9  }
0x222: {  	_ =	swait.ge @!p0 [sflag:s0], s1  }
0x223: {  	s1 =	ssub.s32 @!p0 $0x0, s1;
	[sflag:s0] =	ssyncset.done @!p0 $0x0  }
0x224: {  	[sflag:s0] =	ssyncadd.s32 @!p0 s1  }
0x225: {  	[bflag:$0x3] =	sbarrier.arrive $0xFFFF  }
0x226: {  	_ =	shalt  }

// kernel: kernel.14.cloned.1.call-start
scs
__scs_entry_jumppad:
0x0: {  	(pc) =	sbr.rel $0x88, $3  }
0x1: {  	(tag) =	ssettag $0x0;
	lr =	simm.s32 $0x1  }
0x2: {  	[smem:$0x3F92] =	sst lr;
	_ =	strace $0xD0000000  }
0x3: {  	_ = 	snop  }
0x4: {  	_ = 	snop  }
0x5: {  	_ = 	snop  }
0x6: {  	_ = 	snop  }
0x7: {  	_ = 	snop  }
__scs_overlays_trampoline_lowered:
0x8: {  	[smem:$0x3FA1] =	sst s0  }
0x9: {  	[smem:$0x3FA2] =	sst s1  }
0xa: {  	[smem:$0x3FA3] =	sst s2  }
0xb: {  	[smem:$0x3FA4] =	sst s3  }
0xc: {  	[smem:$0x3FA5] =	sst s4  }
0xd: {  	[smem:$0x3FA6] =	sst s5  }
0xe: {  	[smem:$0x3FA7] =	sst s6  }
0xf: {  	[smem:$0x3FA8] =	sst s7  }
0x10: {  	[smem:$0x3FA9] =	sst s8  }
0x11: {  	[smem:$0x3FAA] =	sst s9;
	s0 =	simm.s32 @!p0 $0x0  }
0x12: {  	s1 =	sld [smem:$0x3F90];
	s0 =	simm.s32 @p0 $0x1  }
0x13: {  	[smem:$0x3FAB] =	sst s0;
	s0 =	simm.s32 @!p1 $0x0  }
0x14: {  	s2 =	sld [smem:$0x3F8F];
	s0 =	simm.s32 @p1 $0x1  }
0x15: {  	[smem:$0x3FAC] =	sst s0;
	s0 =	simm.s32 @!p2 $0x0  }
0x16: {  	s3 =	sld [smem:$0x3FDB];
	s0 =	simm.s32 @p2 $0x1  }
0x17: {  	s4 =	simm.s32 $0x1BF5;
	[smem:$0x3FAE] =	sst s0  }
0x18: {  	s0 =	sld [smem:$0x3F91];
	_ =	swait.ge [sflag:s4], $0x0  }
0x19: {  	s7 =	sld [smem:$0x3F92]  }
0x1a: {  	s8 =	sadd.s32 $0xFFFFE003, lr  }
0x1b: {  	s9 =	sadd.s32 $0xFFFFFEF7, lr;
	s5 =	simm.s32 $0xFFFFFFFF;
	p2 =	slt.u32 s8, $0xFFFFF086  }
0x1c: {  	p1 =	slt.u32 s9, $0xF7A;
	s5 =	simm.s32 @!p2 $0x0  }
0x1d: {  	s5 =	simm.s32 @p1 $0x1;
	p0 =	seq.s32 s7, s2  }
0x1e: {  	s7 =	smul.u32 @!p0 $0xF7A, s2;
	p2 =	seq.s32 @!p0 s5, $0x0  }
0x1f: {  	s9 =	smul.u32 $0xF7A, s1;
	s8 =	simm.s32 @!p0 $0x1BF5;
	p2 =	por !p2, p0  }
0x20: {  	[sflag:s8] =	ssyncset.s32 @!p0 $0xFFFFF086;
	s6 =	sadd.s32 @!p0 s3, s7;
	s7 =	simm.s32 @!p0 $0x108  }
0x21: {  	s3 =	sadd.s32 s3, s9;
	s6 =	sadd.s32 @!p0 $0x88, s6;
	s7 =	simm.s32 @p2 $0x1082  }
0x22: {  	[simem:s7], [sflag:s8] =	dma.local @!p0 [hbm:s6], $0xF7A  }
0x23: {  	s9 =	sor.u32 $0xD0000000, s2;
	s6 =	simm.s32 $0x108;
	_ =	swait.ge @!p0 [sflag:s8], $0x0  }
0x24: {  	s3 =	sadd.s32 $0x88, s3;
	s6 =	simm.s32 @!p1 $0x1082;
	[sflag:s4] =	ssyncset.s32 $0xFFFFF086  }
0x25: {  	[simem:s6], [sflag:s4] =	dma.local [hbm:s3], $0xF7A  }
0x26: {  	[smem:$0x3F92] =	sst s1;
	(tag) =	ssettag s2;
	_ =	strace s9  }
0x27: {  	s1 =	sld [smem:$0x3FA2]  }
0x28: {  	s2 =	sld [smem:$0x3FA3]  }
0x29: {  	s4 =	sld [smem:$0x3FA5]  }
0x2a: {  	p0 =	seq.s32 s5, $0x0;
	s5 =	sld [smem:$0x3FA6]  }
0x2b: {  	s6 =	sld [smem:$0x3FA7]  }
0x2c: {  	s7 =	sld [smem:$0x3FA8]  }
0x2d: {  	s3 =	simm.s32 $0x108;
	s8 =	sld [smem:$0x3FA9]  }
0x2e: {  	s3 =	simm.s32 @!p0 $0x1082;
	s9 =	sld [smem:$0x3FAA]  }
0x2f: {  	lr =	sadd.s32 s0, s3;
	s0 =	sld [smem:$0x3FA1]  }
0x30: {  	s3 =	sld [smem:$0x3FA4]  }
0x31: {  	[smem:$0x3FAD] =	sst s10  }
0x32: {  	s10 =	sld [smem:$0x3FAB];
	_ =	sdelay $0x3  }
0x33: {  	p0 =	seq.s32 s10, $0x1;
	s10 =	sld [smem:$0x3FAD];
	_ =	sdelay $0x3  }
0x34: {  	[smem:$0x3FAD] =	sst s10  }
0x35: {  	s10 =	sld [smem:$0x3FAC];
	_ =	sdelay $0x3  }
0x36: {  	p1 =	seq.s32 s10, $0x1;
	s10 =	sld [smem:$0x3FAD];
	_ =	sdelay $0x3  }
0x37: {  	[smem:$0x3FAD] =	sst s10  }
0x38: {  	s10 =	sld [smem:$0x3FAE]  }
0x39: {  	_ = 	snop;
	(pc) =	sbr.ind lr, $3  }
0x3a: {  	_ = 	snop  }
0x3b: {  	_ = 	snop  }
0x3c: {  	p2 =	seq.s32 s10, $0x1;
	s10 =	sld [smem:$0x3FAD]  }
0x3d: {  	_ =	shalt  }
0x3e: {  	_ =	shalt  }
0x3f: {  	_ =	shalt  }
0x40: {  	_ =	shalt  }
0x41: {  	_ =	shalt  }
0x42: {  	_ =	shalt  }
0x43: {  	_ =	shalt  }
0x44: {  	_ =	shalt  }
0x45: {  	_ =	shalt  }
0x46: {  	_ =	shalt  }
0x47: {  	_ =	shalt  }
0x48: {  	_ =	shalt  }
0x49: {  	_ =	shalt  }
0x4a: {  	_ =	shalt  }
0x4b: {  	_ =	shalt  }
0x4c: {  	_ =	shalt  }
0x4d: {  	_ =	shalt  }
0x4e: {  	_ =	shalt  }
0x4f: {  	_ =	shalt  }
0x50: {  	_ =	shalt  }
0x51: {  	_ =	shalt  }
0x52: {  	_ =	shalt  }
0x53: {  	_ =	shalt  }
0x54: {  	_ =	shalt  }
0x55: {  	_ =	shalt  }
0x56: {  	_ =	shalt  }
0x57: {  	_ =	shalt  }
0x58: {  	_ =	shalt  }
0x59: {  	_ =	shalt  }
0x5a: {  	_ =	shalt  }
0x5b: {  	_ =	shalt  }
0x5c: {  	_ =	shalt  }
0x5d: {  	_ =	shalt  }
0x5e: {  	_ =	shalt  }
0x5f: {  	_ =	shalt  }
0x60: {  	_ =	shalt  }
0x61: {  	_ =	shalt  }
0x62: {  	_ =	shalt  }
0x63: {  	_ =	shalt  }
0x64: {  	_ =	shalt  }
0x65: {  	_ =	shalt  }
0x66: {  	_ =	shalt  }
0x67: {  	_ =	shalt  }
0x68: {  	_ =	shalt  }
0x69: {  	_ =	shalt  }
0x6a: {  	_ =	shalt  }
0x6b: {  	_ =	shalt  }
0x6c: {  	_ =	shalt  }
0x6d: {  	_ =	shalt  }
0x6e: {  	_ =	shalt  }
0x6f: {  	_ =	shalt  }
0x70: {  	_ =	shalt  }
0x71: {  	_ =	shalt  }
0x72: {  	_ =	shalt  }
0x73: {  	_ =	shalt  }
0x74: {  	_ =	shalt  }
0x75: {  	_ =	shalt  }
0x76: {  	_ =	shalt  }
0x77: {  	_ =	shalt  }
0x78: {  	_ =	shalt  }
0x79: {  	_ =	shalt  }
0x7a: {  	_ =	shalt  }
0x7b: {  	_ =	shalt  }
0x7c: {  	_ =	shalt  }
0x7d: {  	_ =	shalt  }
0x7e: {  	_ =	shalt  }
0x7f: {  	_ =	shalt  }
0x80: {  	_ =	shalt  }
0x81: {  	_ =	shalt  }
0x82: {  	_ =	shalt  }
0x83: {  	_ =	shalt  }
0x84: {  	_ =	shalt  }
0x85: {  	_ =	shalt  }
0x86: {  	_ =	shalt  }
0x87: {  	_ =	shalt  }
.Lfunc_end0:
.L_simem_size_0:
called_computation.2_lowered:
.L_overlay_start_0:
0x88: {  	s2 =	sld [smem:$0x3FD9]  }
0x89: {  	s3 =	sld [smem:$0x3FFE];
	_ =	sdelay $0x1  }
0x8a: {  	s1 =	srdreg.scid  }
0x8b: {  	s0 =	sand.u32 $0x1, s1  }
0x8c: {  	s16 =	sshll.u32 s0, $0xA;
	s2 =	sadd.s32 s3, s2  }
0x8d: {  	s2 =	sadd.s32 s2, s16  }
0x8e: {  	[smem:$0x3FB9] =	sst s2  }
0x8f: {  	_ = 	snop  }
0x90: {  	(tm) =	ssettm $0x1  }
0x91: {  	s17 =	sld [smem:$0x3FFB];
	_ =	sdelay $0x3  }
0x92: {  	_ =	strace s17  }
0x93: {  	s2 =	sld [smem:$0x3FFC];
	_ =	sdelay $0x3  }
0x94: {  	_ =	strace s2  }
0x95: {  	s2 =	sld [smem:$0x3FFD];
	_ =	sdelay $0x3  }
0x96: {  	_ =	strace s2  }
0x97: {  	_ =	strace $0x8FFFFFFF  }
0x98: {  	s18 =	sld [smem:$0x3FDB];
	_ =	sdelay $0x1  }
0x99: {  	s19 =	simm.s32 $_scs_section_size  }
0x9a: {  	s4 =	simm.s32 $_size__tile_overlayer_lowered;
	s5 =	simm.s32 $_tile_overlayer_lowered  }
0x9b: {  	s22 =	simm.s32 $0x1BFF;
	s21 =	sshll.u32 s5, $0x1;
	s2 =	sadd.s32 s19, s18  }
0x9c: {  	s6 =	simm.s32 $0x0;
	s20 =	sshll.u32 s4, $0x1;
	s4 =	sadd.s32 s21, s2  }
0x9d: {  	[timem:s6], [sflag:s22] =	dma.local [hbm:s4], s20  }
0x9e: {  	_ =	swait.ge [sflag:s22], s20  }
0x9f: {  	s3 =	ssub.s32 $0x0, s20;
	[sflag:s22] =	ssyncset.done $0x0  }
0xa0: {  	[sflag:s22] =	ssyncadd.s32 s3;
	_ =	sdelay $0x1  }
0xa1: {  	s23 =	simm.s32 $0x1B8B  }
0xa2: {  	_ =	swait.ge [sflag:s23], $0x1  }
0xa3: {  	[sflag:s23] =	ssyncset.done $0x0  }
0xa4: {  	s25 =	simm.s32 $0x1B8E;
	s24 =	sld [smem:$0x3FFE];
	[sflag:s23] =	ssyncadd.s32 $0xFFFFFFFF  }
0xa5: {  	s26 =	simm.s32 $execute0_lowered;
	[smem:$0x3FD2] =	sst s25  }
0xa6: {  	s4 =	sshll.u32 s26, $0x1;
	_ =	strace $0x8000004C;
	[dreg:$0x1] =	wrdreg $0xFFFFFFFF  }
0xa7: {  	s28 =	simm.s32 $_size_execute0_lowered;
	s2 =	sadd.s32 s2, s4;
	[dreg:$0x0] =	wrdreg $0x0  }
0xa8: {  	s4 =	sshll.u32 s28, $0x1;
	[dreg:$0x2] =	wrdreg s2  }
0xa9: {  	[dreg:$0x3] =	wrdreg s4  }
0xaa: {  	[dreg:$0x4] =	wrdreg $0xC0  }
0xab: {  	_ =	task [dreg:s6], $0x5FFFF  }
0xac: {  	[dreg:$0x1] =	wrdreg $0xFFFFFFFF  }
0xad: {  	[dreg:$0x0] =	wrdreg $0x60  }
0xae: {  	[dreg:$0x2] =	wrdreg s24  }
0xaf: {  	[dreg:$0x3] =	wrdreg $0x187800  }
0xb0: {  	[dreg:$0x4] =	wrdreg $0x9  }
0xb1: {  	_ =	task.clear_ibuf [dreg:s6], $0x5FFFF;
	_ =	strace $0x9000004C  }
0xb2: {  	s29 =	simm.s32 $0x9;
	_ =	strace $0x8000004E  }
0xb3: {  	_ =	swait.ge [sflag:s29], $0x1  }
0xb4: {  	[sflag:s29] =	ssyncadd.s32 $0xFFFFFFFF  }
0xb5: {  	_ =	strace $0x9000004E  }
0xb6: {  	_ =	sfence  }
0xb7: {  	s30 =	sld [smem:$0x0];
	_ =	sdelay $0x2  }
0xb8: {  	s31 =	sshll.u32 s1, $0xD;
	s1 =	sshrl.u32 s1, $0x2  }
0xb9: {  	s3 =	sand.u32 $0x4000, s31;
	s1 =	sadd.s32 s1, s30  }
0xba: {  	s0 =	sor.u32 s3, s0;
	s1 =	sshll.u32 s1, $0x11  }
0xbb: {  	s0 =	sor.u32 s1, s0  }
0xbc: {  	s0 =	sadd.s32 $0x8F2B, s0  }
0xbd: {  	[sflag:s0] =	ssyncadd.remote.s32 $0x1  }
0xbe: {  	_ =	sfence.sel $0xFFFF  }
0xbf: {  	[dreg:$0x0] =	wrdreg $0xFFFFFFFF;
	(pc) =	sbr.abs _section_cstart, $3  }
0xc0: {  	[dreg:$0x1] =	wrdreg $0xFFFFFFFF  }
0xc1: {  	_ =	task.clear_ibuf [dreg:s6], $0x2FFFF;
	_ =	strace $0x9FFFFFFF  }
0xc2: {  	(tm) =	ssettm $0x7FFFFFFF  }
0xc3: {  	_ =	shalt  }
tec
execute0_lowered:
.L_overlay_start_1:
0x0: {  	(tag) =	ssettag $0x1  }
0x1: {  	s0 =	srdreg.scid  }
0x2: {  	s1 =	rddreg [dreg:$0x0];
	s18 =	stileid.u32  }
0x3: {  	s2 =	rddreg [dreg:$0x1];
	s30 =	simm.s32 $0x0;
	s8 =	simm.s32 $0x4F0  }
0x4: {  	s9 =	simm.s32 $0x768;
	s10 =	simm.s32 $0x9E0;
	[smem:$0x7FF] =	sst s30  }
0x5: {  	s12 =	simm.s32 $0xC58;
	_ =	strace $0x8000004D;
	[dreg:$0x8] =	wrdreg s8  }
0x6: {  	s13 =	simm.s32 $0xED0;
	s14 =	simm.s32 $0x1148;
	[dreg:$0x9] =	wrdreg s9  }
0x7: {  	s15 =	simm.s32 $0x29F8;
	s16 =	simm.s32 $0x2C70;
	[dreg:$0xa] =	wrdreg s10  }
0x8: {  	s31 =	simm.s32 $0x2780;
	s17 =	simm.s32 $0x2EE8;
	[dreg:$0xb] =	wrdreg s12  }
0x9: {  	s19 =	simm.s32 $0x3160;
	s20 =	simm.s32 $0x33D8;
	[dreg:$0xc] =	wrdreg s13  }
0xa: {  	s21 =	simm.s32 $0x3650;
	s22 =	simm.s32 $0x38C8;
	[dreg:$0xd] =	wrdreg s14  }
0xb: {  	s23 =	simm.s32 $0x13C0;
	s24 =	simm.s32 $0x1638;
	[dreg:$0xe] =	wrdreg s15  }
0xc: {  	s25 =	simm.s32 $0x18B0;
	s28 =	simm.s32 $0x1;
	[dreg:$0xf] =	wrdreg s16  }
0xd: {  	p0 =	por $0x0, $0x0;
	s29 =	simm.s32 $0x4520;
	[dreg:$0x10] =	wrdreg s17  }
0xe: {  	s0 =	sand.u32 $0x1, s0;
	s4 =	smul.u32 $0x2800, s18;
	[dreg:$0x11] =	wrdreg s19  }
0xf: {  	s7 =	sadd.s32 $0x3000, s1;
	s11 =	sshll.u32 s18, $0x6;
	[dreg:$0x12] =	wrdreg s20  }
0x10: {  	s3 =	sshll.u32 s0, $0x4;
	s6 =	smul.u32 $0x28000, s0;
	[dreg:$0x13] =	wrdreg s21  }
0x11: {  	s0 =	ssub.s32 $0x2, s0;
	s16 =	simm.s32 $0x4F00;
	[dreg:$0x14] =	wrdreg s22  }
0x12: {  	s14 =	simm.s32 $0x7610;
	s13 =	simm.s32 $0x9D20;
	[dreg:$0x15] =	wrdreg s23  }
0x13: {  	s12 =	simm.s32 $0xC430;
	s10 =	simm.s32 $0x11250;
	[dreg:$0x16] =	wrdreg s24  }
0x14: {  	s9 =	simm.s32 $0x13960;
	[dreg:$0x17] =	wrdreg s25;
	s15 =	simm.s32 $0x1DA0  }
0x15: {  	s8 =	simm.s32 $0x16070;
	s17 =	simm.s32 $0x2018;
	[dreg:$0x19] =	wrdreg s15  }
0x16: {  	s19 =	simm.s32 $0x2290;
	s24 =	simm.s32 $0x3;
	[dreg:$0x1a] =	wrdreg s17  }
0x17: {  	s20 =	simm.s32 $0x2508;
	s22 =	simm.s32 $0x4;
	[dreg:$0x1b] =	wrdreg s19  }
0x18: {  	s21 =	simm.s32 $0x3B40;
	s23 =	simm.s32 $0x3DB8;
	[dreg:$0x1c] =	wrdreg s20  }
0x19: {  	s25 =	simm.s32 $0x4030;
	s3 =	sor.u32 s18, s3;
	[dreg:$0x1d] =	wrdreg s21  }
0x1a: {  	s5 =	sshrl.u32 s4, $0x3;
	s20 =	simm.s32 $0x5;
	[dreg:$0x1e] =	wrdreg s23  }
0x1b: {  	s19 =	simm.s32 $0x6;
	[dreg:$0x1f] =	wrdreg s25;
	s3 =	smul.u32 $0x4F0, s3  }
0x1c: {  	s17 =	simm.s32 $0x7;
	s15 =	simm.s32 $0x8;
	s6 =	sadd.s32 s4, s6  }
0x1d: {  	s25 =	simm.s32 $0x4798;
	s6 =	sshrl.u32 s6, $0x3;
	s3 =	sadd.s32 s3, s1  }
0x1e: {  	s6 =	sadd.s32 s6, s1;
	s26 =	sadd.s32 $0xB3C00, s3;
	s3 =	sadd.s32 $0xA9E00, s3  }
0x1f: {  	[dreg:$0x5] =	wrdreg s3;
	s3 =	sadd.s32 $0xD000, s6;
	s6 =	sshrl.u32 s0, $0x1  }
0x20: {  	s23 =	simm.s32 $0x4A10;
	s5 =	sadd.s32 s5, s1;
	s0 =	ssub.s32 s0, s6  }
0x21: {  	s21 =	simm.s32 $0x4C88;
	s5 =	sadd.s32 $0x8000, s5;
	s0 =	smax.u32 s0, $0x1  }
0x22: {  	[dreg:$0x3] =	wrdreg s5;
	s5 =	simm.s32 $0x278;
	p1 =	sne.s32 s0, $0x1  }
.Ltmp0:
0x23: {  	s4 =	sadd.s32 s4, s2;
	[dreg:$0x7] =	wrdreg s5;
	(pc) =	sbr.rel @!p1 .LBB2_1-.Ltmp0, $4  }
0x24: {  	s4 =	sshrl.u32 s4, $0x3;
	s5 =	simm.s32 $0x9;
	[dreg:$0x4] =	wrdreg s26  }
0x25: {  	s26 =	simm.s32 $0x1B28;
	[dreg:$0x6] =	wrdreg s3;
	s3 =	sor.u32 $0x1C09, s11  }
0x26: {  	s6 =	simm.s32 $0x271;
	s11 =	simm.s32 $0xEB40;
	[dreg:$0x18] =	wrdreg s26  }
0x27: {  	s26 =	simm.s32 $0x2;
	s1 =	sadd.s32 $0xFFFFFFFF, s0;
	s0 =	rddreg [dreg:$0x3]  }
0x28: {  	[spmem:s4], [sflag:s3] =	dma.local [hbm:s0], $0x500  }
0x29: {  	_ =	swait.ge [sflag:s5], $0x500  }
0x2a: {  	[sflag:s5] =	ssyncset.done $0x0  }
0x2b: {  	s18 =	rddreg [dreg:$0x4];
	[sflag:s5] =	ssyncadd.s32 $0xFFFFFB00  }
0x2c: {  	[tilespmem:s30], [sflag:$0x9] =	stream.linear.gather [hbm4b:s18+s30], $0x2780, $0x38;
	[tilespmem:$0x1AF80] =	vst v63  }
0x2d: {  	_ =	swait.ge [sflag:s5], $0x2780  }
0x2e: {  	[sflag:s5] =	ssyncset.done $0x0  }
0x2f: {  	s18 =	rddreg [dreg:$0x5];
	[sflag:s5] =	ssyncadd.s32 $0xFFFFD880  }
0x30: {  	[tilespmem:s31], [sflag:$0x9] =	stream.linear.gather [hbm4b:s18+s30], $0x2780, $0x38;
	[tilespmem:$0x1AF80] =	vst v63  }
0x31: {  	_ =	swait.ge [sflag:s5], $0x2780  }
0x32: {  	[sflag:s5] =	ssyncset.done $0x0  }
0x33: {  	[sflag:s5] =	ssyncadd.s32 $0xFFFFD880  }
0x34: {  	[bflag:$0x0] =	sbarrier.arrive $0xFFFF  }
0x35: {  	[tilespmem:s16], [sflag:$0x1] =	stream.indirect.gather [hbm4b:s7+s6], $0x10, s30, s6, $0xb8;
	[tilespmem:$0x1AF80] =	vst v63  }
0x36: {  	s0 =	rddreg [dreg:$0x7]  }
0x37: {  	[tilespmem:s14], [sflag:$0x2] =	stream.indirect.gather [hbm4b:s7+s6], $0x10, s0, s6, $0xb8;
	[tilespmem:$0x1AF80] =	vst v63  }
0x38: {  	s18 =	smov.u32 s1;
	s1 =	rddreg [dreg:$0x8]  }
0x39: {  	[tilespmem:s13], [sflag:$0x3] =	stream.indirect.gather [hbm4b:s7+s6], $0x10, s1, s6, $0xb8;
	[tilespmem:$0x1AF80] =	vst v63  }
0x3a: {  	s0 =	rddreg [dreg:$0x9]  }
0x3b: {  	[tilespmem:s12], [sflag:$0x4] =	stream.indirect.gather [hbm4b:s7+s6], $0x10, s0, s6, $0xb8;
	[tilespmem:$0x1AF80] =	vst v63  }
0x3c: {  	s1 =	rddreg [dreg:$0xa]  }
0x3d: {  	[tilespmem:s11], [sflag:$0x5] =	stream.indirect.gather [hbm4b:s7+s6], $0x10, s1, s6, $0xb8;
	[tilespmem:$0x1AF80] =	vst v63  }
0x3e: {  	s0 =	rddreg [dreg:$0xb]  }
0x3f: {  	[tilespmem:s10], [sflag:$0x6] =	stream.indirect.gather [hbm4b:s7+s6], $0x10, s0, s6, $0xb8;
	[tilespmem:$0x1AF80] =	vst v63  }
0x40: {  	s1 =	rddreg [dreg:$0xc]  }
0x41: {  	[tilespmem:s9], [sflag:$0x7] =	stream.indirect.gather [hbm4b:s7+s6], $0x10, s1, s6, $0xb8;
	[tilespmem:$0x1AF80] =	vst v63  }
0x42: {  	s0 =	rddreg [dreg:$0xd]  }
0x43: {  	[tilespmem:s8], [sflag:$0x8] =	stream.indirect.gather [hbm4b:s7+s6], $0x10, s0, s6, $0xb8;
	[tilespmem:$0x1AF80] =	vst v63  }
0x44: {  	_ =	swait.ge [sflag:s28], $0x2710  }
0x45: {  	[sflag:s28] =	ssyncset.done $0x0  }
0x46: {  	[sflag:s28] =	ssyncadd.s32 $0xFFFFD8F0  }
0x47: {  	[spmem:s2] =	stream.indirect.scatter.add.f32 [tilespmem:s16], [sflag:$0x9], $0x10, s31, s6, $0xb8;
	[tilespmem:$0x1AF80] =	vst v63  }
0x48: {  	_ =	swait.ge [sflag:s5], $0x2710  }
0x49: {  	[sflag:s5] =	ssyncset.done $0x0  }
0x4a: {  	[sflag:s5] =	ssyncadd.s32 $0xFFFFD8F0  }
0x4b: {  	_ =	swait.ge [sflag:s26], $0x2710  }
0x4c: {  	[sflag:s26] =	ssyncset.done $0x0  }
0x4d: {  	s1 =	rddreg [dreg:$0xe];
	[sflag:s26] =	ssyncadd.s32 $0xFFFFD8F0  }
0x4e: {  	[spmem:s2] =	stream.indirect.scatter.add.f32 [tilespmem:s14], [sflag:$0x9], $0x10, s1, s6, $0xb8;
	[tilespmem:$0x1AF80] =	vst v63  }
0x4f: {  	_ =	swait.ge [sflag:s5], $0x2710  }
0x50: {  	[sflag:s5] =	ssyncset.done $0x0  }
0x51: {  	[sflag:s5] =	ssyncadd.s32 $0xFFFFD8F0  }
0x52: {  	_ =	swait.ge [sflag:s24], $0x2710  }
0x53: {  	[sflag:s24] =	ssyncset.done $0x0  }
0x54: {  	s1 =	rddreg [dreg:$0xf];
	[sflag:s24] =	ssyncadd.s32 $0xFFFFD8F0  }
0x55: {  	[spmem:s2] =	stream.indirect.scatter.add.f32 [tilespmem:s13], [sflag:$0x9], $0x10, s1, s6, $0xb8;
	[tilespmem:$0x1AF80] =	vst v63  }
0x56: {  	_ =	swait.ge [sflag:s5], $0x2710  }
0x57: {  	[sflag:s5] =	ssyncset.done $0x0  }
0x58: {  	[sflag:s5] =	ssyncadd.s32 $0xFFFFD8F0  }
0x59: {  	_ =	swait.ge [sflag:s22], $0x2710  }
0x5a: {  	[sflag:s22] =	ssyncset.done $0x0  }
0x5b: {  	s1 =	rddreg [dreg:$0x10];
	[sflag:s22] =	ssyncadd.s32 $0xFFFFD8F0  }
0x5c: {  	[spmem:s2] =	stream.indirect.scatter.add.f32 [tilespmem:s12], [sflag:$0x9], $0x10, s1, s6, $0xb8;
	[tilespmem:$0x1AF80] =	vst v63  }
0x5d: {  	_ =	swait.ge [sflag:s5], $0x2710  }
0x5e: {  	[sflag:s5] =	ssyncset.done $0x0  }
0x5f: {  	[sflag:s5] =	ssyncadd.s32 $0xFFFFD8F0  }
0x60: {  	_ =	swait.ge [sflag:s20], $0x2710  }
0x61: {  	[sflag:s20] =	ssyncset.done $0x0  }
0x62: {  	s1 =	rddreg [dreg:$0x11];
	[sflag:s20] =	ssyncadd.s32 $0xFFFFD8F0  }
0x63: {  	[spmem:s2] =	stream.indirect.scatter.add.f32 [tilespmem:s11], [sflag:$0x9], $0x10, s1, s6, $0xb8;
	[tilespmem:$0x1AF80] =	vst v63  }
0x64: {  	_ =	swait.ge [sflag:s5], $0x2710  }
0x65: {  	[sflag:s5] =	ssyncset.done $0x0  }
0x66: {  	[sflag:s5] =	ssyncadd.s32 $0xFFFFD8F0  }
0x67: {  	_ =	swait.ge [sflag:s19], $0x2710  }
0x68: {  	[sflag:s19] =	ssyncset.done $0x0  }
0x69: {  	s1 =	rddreg [dreg:$0x12];
	[sflag:s19] =	ssyncadd.s32 $0xFFFFD8F0  }
0x6a: {  	[spmem:s2] =	stream.indirect.scatter.add.f32 [tilespmem:s10], [sflag:$0x9], $0x10, s1, s6, $0xb8;
	[tilespmem:$0x1AF80] =	vst v63  }
0x6b: {  	_ =	swait.ge [sflag:s5], $0x2710  }
0x6c: {  	[sflag:s5] =	ssyncset.done $0x0  }
0x6d: {  	[sflag:s5] =	ssyncadd.s32 $0xFFFFD8F0  }
0x6e: {  	_ =	swait.ge [sflag:s17], $0x2710  }
0x6f: {  	[sflag:s17] =	ssyncset.done $0x0  }
0x70: {  	s1 =	rddreg [dreg:$0x13];
	[sflag:s17] =	ssyncadd.s32 $0xFFFFD8F0  }
0x71: {  	[spmem:s2] =	stream.indirect.scatter.add.f32 [tilespmem:s9], [sflag:$0x9], $0x10, s1, s6, $0xb8;
	[tilespmem:$0x1AF80] =	vst v63  }
0x72: {  	_ =	swait.ge [sflag:s5], $0x2710  }
0x73: {  	[sflag:s5] =	ssyncset.done $0x0  }
0x74: {  	[sflag:s5] =	ssyncadd.s32 $0xFFFFD8F0  }
0x75: {  	_ =	swait.ge [sflag:s15], $0x2710  }
0x76: {  	[sflag:s15] =	ssyncset.done $0x0  }
0x77: {  	s1 =	rddreg [dreg:$0x14];
	[sflag:s15] =	ssyncadd.s32 $0xFFFFD8F0  }
0x78: {  	[spmem:s2] =	stream.indirect.scatter.add.f32 [tilespmem:s8], [sflag:$0x9], $0x10, s1, s6, $0xb8;
	[tilespmem:$0x1AF80] =	vst v63  }
0x79: {  	_ =	swait.ge [sflag:s5], $0x2710  }
0x7a: {  	[sflag:s5] =	ssyncset.done $0x0  }
0x7b: {  	s0 =	rddreg [dreg:$0x15];
	[sflag:s5] =	ssyncadd.s32 $0xFFFFD8F0  }
0x7c: {  	[tilespmem:s16], [sflag:$0x1] =	stream.indirect.gather [hbm4b:s7+s6], $0x10, s0, s6, $0xb8;
	[tilespmem:$0x1AF80] =	vst v63  }
0x7d: {  	s1 =	rddreg [dreg:$0x16]  }
0x7e: {  	[tilespmem:s14], [sflag:$0x2] =	stream.indirect.gather [hbm4b:s7+s6], $0x10, s1, s6, $0xb8;
	[tilespmem:$0x1AF80] =	vst v63  }
0x7f: {  	s0 =	rddreg [dreg:$0x17]  }
0x80: {  	[tilespmem:s13], [sflag:$0x3] =	stream.indirect.gather [hbm4b:s7+s6], $0x10, s0, s6, $0xb8;
	[tilespmem:$0x1AF80] =	vst v63  }
0x81: {  	s1 =	rddreg [dreg:$0x18]  }
0x82: {  	[tilespmem:s12], [sflag:$0x4] =	stream.indirect.gather [hbm4b:s7+s6], $0x10, s1, s6, $0xb8;
	[tilespmem:$0x1AF80] =	vst v63  }
0x83: {  	s0 =	rddreg [dreg:$0x19]  }
0x84: {  	[tilespmem:s11], [sflag:$0x5] =	stream.indirect.gather [hbm4b:s7+s6], $0x10, s0, s6, $0xb8;
	[tilespmem:$0x1AF80] =	vst v63  }
0x85: {  	s1 =	rddreg [dreg:$0x1a]  }
0x86: {  	[tilespmem:s10], [sflag:$0x6] =	stream.indirect.gather [hbm4b:s7+s6], $0x10, s1, s6, $0xb8;
	[tilespmem:$0x1AF80] =	vst v63  }
0x87: {  	s0 =	rddreg [dreg:$0x1b]  }
0x88: {  	[tilespmem:s9], [sflag:$0x7] =	stream.indirect.gather [hbm4b:s7+s6], $0x10, s0, s6, $0xb8;
	[tilespmem:$0x1AF80] =	vst v63  }
0x89: {  	s1 =	rddreg [dreg:$0x1c]  }
0x8a: {  	[tilespmem:s8], [sflag:$0x8] =	stream.indirect.gather [hbm4b:s7+s6], $0x10, s1, s6, $0xb8;
	[tilespmem:$0x1AF80] =	vst v63  }
0x8b: {  	_ =	swait.ge [sflag:s28], $0x2710  }
0x8c: {  	[sflag:s28] =	ssyncset.done $0x0  }
0x8d: {  	s1 =	rddreg [dreg:$0x1d];
	[sflag:s28] =	ssyncadd.s32 $0xFFFFD8F0  }
0x8e: {  	[spmem:s2] =	stream.indirect.scatter.add.f32 [tilespmem:s16], [sflag:$0x9], $0x10, s1, s6, $0xb8;
	[tilespmem:$0x1AF80] =	vst v63  }
0x8f: {  	_ =	swait.ge [sflag:s5], $0x2710  }
0x90: {  	[sflag:s5] =	ssyncset.done $0x0  }
0x91: {  	[sflag:s5] =	ssyncadd.s32 $0xFFFFD8F0  }
0x92: {  	_ =	swait.ge [sflag:s26], $0x2710  }
0x93: {  	[sflag:s26] =	ssyncset.done $0x0  }
0x94: {  	s1 =	rddreg [dreg:$0x1e];
	[sflag:s26] =	ssyncadd.s32 $0xFFFFD8F0  }
0x95: {  	[spmem:s2] =	stream.indirect.scatter.add.f32 [tilespmem:s14], [sflag:$0x9], $0x10, s1, s6, $0xb8;
	[tilespmem:$0x1AF80] =	vst v63  }
0x96: {  	_ =	swait.ge [sflag:s5], $0x2710  }
0x97: {  	[sflag:s5] =	ssyncset.done $0x0  }
0x98: {  	[sflag:s5] =	ssyncadd.s32 $0xFFFFD8F0  }
0x99: {  	_ =	swait.ge [sflag:s24], $0x2710  }
0x9a: {  	[sflag:s24] =	ssyncset.done $0x0  }
0x9b: {  	s1 =	rddreg [dreg:$0x1f];
	[sflag:s24] =	ssyncadd.s32 $0xFFFFD8F0  }
0x9c: {  	[spmem:s2] =	stream.indirect.scatter.add.f32 [tilespmem:s13], [sflag:$0x9], $0x10, s1, s6, $0xb8;
	[tilespmem:$0x1AF80] =	vst v63  }
0x9d: {  	_ =	swait.ge [sflag:s5], $0x2710  }
0x9e: {  	[sflag:s5] =	ssyncset.done $0x0  }
0x9f: {  	[sflag:s5] =	ssyncadd.s32 $0xFFFFD8F0  }
0xa0: {  	_ =	swait.ge [sflag:s22], $0x2710  }
0xa1: {  	[sflag:s22] =	ssyncset.done $0x0  }
0xa2: {  	s1 =	simm.s32 $0x42A8;
	[sflag:s22] =	ssyncadd.s32 $0xFFFFD8F0  }
0xa3: {  	[spmem:s2] =	stream.indirect.scatter.add.f32 [tilespmem:s12], [sflag:$0x9], $0x10, s1, s6, $0xb8;
	[tilespmem:$0x1AF80] =	vst v63  }
0xa4: {  	_ =	swait.ge [sflag:s5], $0x2710  }
0xa5: {  	[sflag:s5] =	ssyncset.done $0x0  }
0xa6: {  	[sflag:s5] =	ssyncadd.s32 $0xFFFFD8F0  }
0xa7: {  	_ =	swait.ge [sflag:s20], $0x2710  }
0xa8: {  	[sflag:s20] =	ssyncset.done $0x0  }
0xa9: {  	[sflag:s20] =	ssyncadd.s32 $0xFFFFD8F0  }
0xaa: {  	[spmem:s2] =	stream.indirect.scatter.add.f32 [tilespmem:s11], [sflag:$0x9], $0x10, s29, s6, $0xb8;
	[tilespmem:$0x1AF80] =	vst v63  }
0xab: {  	_ =	swait.ge [sflag:s5], $0x2710  }
0xac: {  	[sflag:s5] =	ssyncset.done $0x0  }
0xad: {  	[sflag:s5] =	ssyncadd.s32 $0xFFFFD8F0  }
0xae: {  	_ =	swait.ge [sflag:s19], $0x2710  }
0xaf: {  	[sflag:s19] =	ssyncset.done $0x0  }
0xb0: {  	[sflag:s19] =	ssyncadd.s32 $0xFFFFD8F0  }
0xb1: {  	[spmem:s2] =	stream.indirect.scatter.add.f32 [tilespmem:s10], [sflag:$0x9], $0x10, s25, s6, $0xb8;
	[tilespmem:$0x1AF80] =	vst v63  }
0xb2: {  	_ =	swait.ge [sflag:s5], $0x2710  }
0xb3: {  	[sflag:s5] =	ssyncset.done $0x0  }
0xb4: {  	[sflag:s5] =	ssyncadd.s32 $0xFFFFD8F0  }
0xb5: {  	_ =	swait.ge [sflag:s17], $0x2710  }
0xb6: {  	[sflag:s17] =	ssyncset.done $0x0  }
0xb7: {  	[sflag:s17] =	ssyncadd.s32 $0xFFFFD8F0  }
0xb8: {  	[spmem:s2] =	stream.indirect.scatter.add.f32 [tilespmem:s9], [sflag:$0x9], $0x10, s23, s6, $0xb8;
	[tilespmem:$0x1AF80] =	vst v63  }
0xb9: {  	_ =	swait.ge [sflag:s5], $0x2710  }
0xba: {  	[sflag:s5] =	ssyncset.done $0x0  }
0xbb: {  	[sflag:s5] =	ssyncadd.s32 $0xFFFFD8F0  }
0xbc: {  	_ =	swait.ge [sflag:s15], $0x2710  }
0xbd: {  	[sflag:s15] =	ssyncset.done $0x0  }
0xbe: {  	[sflag:s15] =	ssyncadd.s32 $0xFFFFD8F0  }
0xbf: {  	[spmem:s2] =	stream.indirect.scatter.add.f32 [tilespmem:s8], [sflag:$0x9], $0x10, s21, s6, $0xb8;
	[tilespmem:$0x1AF80] =	vst v63  }
0xc0: {  	_ =	swait.ge [sflag:s5], $0x2710  }
0xc1: {  	[sflag:s5] =	ssyncset.done $0x0  }
0xc2: {  	p1 =	sne.s32 s18, $0x1;
	[sflag:s5] =	ssyncadd.s32 $0xFFFFD8F0  }
.Ltmp1:
0xc3: {  	[bflag:$0x0] =	sbarrier.arrive $0xFFFF;
	(pc) =	sbr.rel @!p1 .LBB2_3-.Ltmp1, $4  }
0xc4: {  	s1 =	rddreg [dreg:$0x6]  }
0xc5: {  	[hbm:s1], [sflag:s3] =	dma.local [spmem:s4], $0x500  }
0xc6: {  	p0 =	por $0x1, $0x1;
	_ =	swait.ge [sflag:s5], $0x500  }
0xc7: {  	s1 =	sadd.s32 $0xFFFFFFFF, s18;
	s0 =	rddreg [dreg:$0x3];
	[sflag:s5] =	ssyncset.done $0x0  }
.LBB2_4:
0xc8: {  	[sflag:s5] =	ssyncadd.s32 $0xFFFFFB00  }
0xc9: {  	[spmem:s4], [sflag:s3] =	dma.local [hbm:s0], $0x500  }
0xca: {  	_ =	swait.ge [sflag:s5], $0x500  }
0xcb: {  	[sflag:s5] =	ssyncset.done $0x0  }
0xcc: {  	s18 =	rddreg [dreg:$0x4];
	[sflag:s5] =	ssyncadd.s32 $0xFFFFFB00  }
0xcd: {  	[tilespmem:s30], [sflag:$0x9] =	stream.linear.gather [hbm4b:s18+s30], $0x2780, $0x38;
	[tilespmem:$0x1AF80] =	vst v63  }
0xce: {  	_ =	swait.ge [sflag:s5], $0x2780  }
0xcf: {  	[sflag:s5] =	ssyncset.done $0x0  }
0xd0: {  	s18 =	rddreg [dreg:$0x5];
	[sflag:s5] =	ssyncadd.s32 $0xFFFFD880  }
0xd1: {  	[tilespmem:s31], [sflag:$0x9] =	stream.linear.gather [hbm4b:s18+s30], $0x2780, $0x38;
	[tilespmem:$0x1AF80] =	vst v63  }
0xd2: {  	_ =	swait.ge [sflag:s5], $0x2780  }
0xd3: {  	[sflag:s5] =	ssyncset.done $0x0  }
0xd4: {  	[sflag:s5] =	ssyncadd.s32 $0xFFFFD880  }
0xd5: {  	[bflag:$0x0] =	sbarrier.arrive $0xFFFF  }
0xd6: {  	[tilespmem:s16], [sflag:$0x1] =	stream.indirect.gather [hbm4b:s7+s6], $0x10, s30, s6, $0xb8;
	[tilespmem:$0x1AF80] =	vst v63  }
0xd7: {  	s0 =	rddreg [dreg:$0x7]  }
0xd8: {  	[tilespmem:s14], [sflag:$0x2] =	stream.indirect.gather [hbm4b:s7+s6], $0x10, s0, s6, $0xb8;
	[tilespmem:$0x1AF80] =	vst v63  }
0xd9: {  	s18 =	rddreg [dreg:$0x8]  }
0xda: {  	[tilespmem:s13], [sflag:$0x3] =	stream.indirect.gather [hbm4b:s7+s6], $0x10, s18, s6, $0xb8;
	[tilespmem:$0x1AF80] =	vst v63  }
0xdb: {  	s0 =	rddreg [dreg:$0x9]  }
0xdc: {  	[tilespmem:s12], [sflag:$0x4] =	stream.indirect.gather [hbm4b:s7+s6], $0x10, s0, s6, $0xb8;
	[tilespmem:$0x1AF80] =	vst v63  }
0xdd: {  	s18 =	rddreg [dreg:$0xa]  }
0xde: {  	[tilespmem:s11], [sflag:$0x5] =	stream.indirect.gather [hbm4b:s7+s6], $0x10, s18, s6, $0xb8;
	[tilespmem:$0x1AF80] =	vst v63  }
0xdf: {  	s0 =	rddreg [dreg:$0xb]  }
0xe0: {  	[tilespmem:s10], [sflag:$0x6] =	stream.indirect.gather [hbm4b:s7+s6], $0x10, s0, s6, $0xb8;
	[tilespmem:$0x1AF80] =	vst v63  }
0xe1: {  	s18 =	rddreg [dreg:$0xc]  }
0xe2: {  	[tilespmem:s9], [sflag:$0x7] =	stream.indirect.gather [hbm4b:s7+s6], $0x10, s18, s6, $0xb8;
	[tilespmem:$0x1AF80] =	vst v63  }
0xe3: {  	s0 =	rddreg [dreg:$0xd]  }
0xe4: {  	[tilespmem:s8], [sflag:$0x8] =	stream.indirect.gather [hbm4b:s7+s6], $0x10, s0, s6, $0xb8;
	[tilespmem:$0x1AF80] =	vst v63  }
0xe5: {  	_ =	swait.ge [sflag:s28], $0x2710  }
0xe6: {  	[sflag:s28] =	ssyncset.done $0x0  }
0xe7: {  	[sflag:s28] =	ssyncadd.s32 $0xFFFFD8F0  }
0xe8: {  	[spmem:s2] =	stream.indirect.scatter.add.f32 [tilespmem:s16], [sflag:$0x9], $0x10, s31, s6, $0xb8;
	[tilespmem:$0x1AF80] =	vst v63  }
0xe9: {  	_ =	swait.ge [sflag:s5], $0x2710  }
0xea: {  	[sflag:s5] =	ssyncset.done $0x0  }
0xeb: {  	[sflag:s5] =	ssyncadd.s32 $0xFFFFD8F0  }
0xec: {  	_ =	swait.ge [sflag:s26], $0x2710  }
0xed: {  	[sflag:s26] =	ssyncset.done $0x0  }
0xee: {  	s18 =	rddreg [dreg:$0xe];
	[sflag:s26] =	ssyncadd.s32 $0xFFFFD8F0  }
0xef: {  	[spmem:s2] =	stream.indirect.scatter.add.f32 [tilespmem:s14], [sflag:$0x9], $0x10, s18, s6, $0xb8;
	[tilespmem:$0x1AF80] =	vst v63  }
0xf0: {  	_ =	swait.ge [sflag:s5], $0x2710  }
0xf1: {  	[sflag:s5] =	ssyncset.done $0x0  }
0xf2: {  	[sflag:s5] =	ssyncadd.s32 $0xFFFFD8F0  }
0xf3: {  	_ =	swait.ge [sflag:s24], $0x2710  }
0xf4: {  	[sflag:s24] =	ssyncset.done $0x0  }
0xf5: {  	s18 =	rddreg [dreg:$0xf];
	[sflag:s24] =	ssyncadd.s32 $0xFFFFD8F0  }
0xf6: {  	[spmem:s2] =	stream.indirect.scatter.add.f32 [tilespmem:s13], [sflag:$0x9], $0x10, s18, s6, $0xb8;
	[tilespmem:$0x1AF80] =	vst v63  }
0xf7: {  	_ =	swait.ge [sflag:s5], $0x2710  }
0xf8: {  	[sflag:s5] =	ssyncset.done $0x0  }
0xf9: {  	[sflag:s5] =	ssyncadd.s32 $0xFFFFD8F0  }
0xfa: {  	_ =	swait.ge [sflag:s22], $0x2710  }
0xfb: {  	[sflag:s22] =	ssyncset.done $0x0  }
0xfc: {  	s18 =	rddreg [dreg:$0x10];
	[sflag:s22] =	ssyncadd.s32 $0xFFFFD8F0  }
0xfd: {  	[spmem:s2] =	stream.indirect.scatter.add.f32 [tilespmem:s12], [sflag:$0x9], $0x10, s18, s6, $0xb8;
	[tilespmem:$0x1AF80] =	vst v63  }
0xfe: {  	_ =	swait.ge [sflag:s5], $0x2710  }
0xff: {  	[sflag:s5] =	ssyncset.done $0x0  }
0x100: {  	[sflag:s5] =	ssyncadd.s32 $0xFFFFD8F0  }
0x101: {  	_ =	swait.ge [sflag:s20], $0x2710  }
0x102: {  	[sflag:s20] =	ssyncset.done $0x0  }
0x103: {  	s18 =	rddreg [dreg:$0x11];
	[sflag:s20] =	ssyncadd.s32 $0xFFFFD8F0  }
0x104: {  	[spmem:s2] =	stream.indirect.scatter.add.f32 [tilespmem:s11], [sflag:$0x9], $0x10, s18, s6, $0xb8;
	[tilespmem:$0x1AF80] =	vst v63  }
0x105: {  	_ =	swait.ge [sflag:s5], $0x2710  }
0x106: {  	[sflag:s5] =	ssyncset.done $0x0  }
0x107: {  	[sflag:s5] =	ssyncadd.s32 $0xFFFFD8F0  }
0x108: {  	_ =	swait.ge [sflag:s19], $0x2710  }
0x109: {  	[sflag:s19] =	ssyncset.done $0x0  }
0x10a: {  	s18 =	rddreg [dreg:$0x12];
	[sflag:s19] =	ssyncadd.s32 $0xFFFFD8F0  }
0x10b: {  	[spmem:s2] =	stream.indirect.scatter.add.f32 [tilespmem:s10], [sflag:$0x9], $0x10, s18, s6, $0xb8;
	[tilespmem:$0x1AF80] =	vst v63  }
0x10c: {  	_ =	swait.ge [sflag:s5], $0x2710  }
0x10d: {  	[sflag:s5] =	ssyncset.done $0x0  }
0x10e: {  	[sflag:s5] =	ssyncadd.s32 $0xFFFFD8F0  }
0x10f: {  	_ =	swait.ge [sflag:s17], $0x2710  }
0x110: {  	[sflag:s17] =	ssyncset.done $0x0  }
0x111: {  	s18 =	rddreg [dreg:$0x13];
	[sflag:s17] =	ssyncadd.s32 $0xFFFFD8F0  }
0x112: {  	[spmem:s2] =	stream.indirect.scatter.add.f32 [tilespmem:s9], [sflag:$0x9], $0x10, s18, s6, $0xb8;
	[tilespmem:$0x1AF80] =	vst v63  }
0x113: {  	_ =	swait.ge [sflag:s5], $0x2710  }
0x114: {  	[sflag:s5] =	ssyncset.done $0x0  }
0x115: {  	[sflag:s5] =	ssyncadd.s32 $0xFFFFD8F0  }
0x116: {  	_ =	swait.ge [sflag:s15], $0x2710  }
0x117: {  	[sflag:s15] =	ssyncset.done $0x0  }
0x118: {  	s18 =	rddreg [dreg:$0x14];
	[sflag:s15] =	ssyncadd.s32 $0xFFFFD8F0  }
0x119: {  	[spmem:s2] =	stream.indirect.scatter.add.f32 [tilespmem:s8], [sflag:$0x9], $0x10, s18, s6, $0xb8;
	[tilespmem:$0x1AF80] =	vst v63  }
0x11a: {  	_ =	swait.ge [sflag:s5], $0x2710  }
0x11b: {  	[sflag:s5] =	ssyncset.done $0x0  }
0x11c: {  	s0 =	rddreg [dreg:$0x15];
	[sflag:s5] =	ssyncadd.s32 $0xFFFFD8F0  }
0x11d: {  	[tilespmem:s16], [sflag:$0x1] =	stream.indirect.gather [hbm4b:s7+s6], $0x10, s0, s6, $0xb8;
	[tilespmem:$0x1AF80] =	vst v63  }
0x11e: {  	s18 =	rddreg [dreg:$0x16]  }
0x11f: {  	[tilespmem:s14], [sflag:$0x2] =	stream.indirect.gather [hbm4b:s7+s6], $0x10, s18, s6, $0xb8;
	[tilespmem:$0x1AF80] =	vst v63  }
0x120: {  	s0 =	rddreg [dreg:$0x17]  }
0x121: {  	[tilespmem:s13], [sflag:$0x3] =	stream.indirect.gather [hbm4b:s7+s6], $0x10, s0, s6, $0xb8;
	[tilespmem:$0x1AF80] =	vst v63  }
0x122: {  	s18 =	rddreg [dreg:$0x18]  }
0x123: {  	[tilespmem:s12], [sflag:$0x4] =	stream.indirect.gather [hbm4b:s7+s6], $0x10, s18, s6, $0xb8;
	[tilespmem:$0x1AF80] =	vst v63  }
0x124: {  	s0 =	rddreg [dreg:$0x19]  }
0x125: {  	[tilespmem:s11], [sflag:$0x5] =	stream.indirect.gather [hbm4b:s7+s6], $0x10, s0, s6, $0xb8;
	[tilespmem:$0x1AF80] =	vst v63  }
0x126: {  	s18 =	rddreg [dreg:$0x1a]  }
0x127: {  	[tilespmem:s10], [sflag:$0x6] =	stream.indirect.gather [hbm4b:s7+s6], $0x10, s18, s6, $0xb8;
	[tilespmem:$0x1AF80] =	vst v63  }
0x128: {  	s0 =	rddreg [dreg:$0x1b]  }
0x129: {  	[tilespmem:s9], [sflag:$0x7] =	stream.indirect.gather [hbm4b:s7+s6], $0x10, s0, s6, $0xb8;
	[tilespmem:$0x1AF80] =	vst v63  }
0x12a: {  	s18 =	rddreg [dreg:$0x1c]  }
0x12b: {  	[tilespmem:s8], [sflag:$0x8] =	stream.indirect.gather [hbm4b:s7+s6], $0x10, s18, s6, $0xb8;
	[tilespmem:$0x1AF80] =	vst v63  }
0x12c: {  	_ =	swait.ge [sflag:s28], $0x2710  }
0x12d: {  	[sflag:s28] =	ssyncset.done $0x0  }
0x12e: {  	s18 =	rddreg [dreg:$0x1d];
	[sflag:s28] =	ssyncadd.s32 $0xFFFFD8F0  }
0x12f: {  	[spmem:s2] =	stream.indirect.scatter.add.f32 [tilespmem:s16], [sflag:$0x9], $0x10, s18, s6, $0xb8;
	[tilespmem:$0x1AF80] =	vst v63  }
0x130: {  	_ =	swait.ge [sflag:s5], $0x2710  }
0x131: {  	[sflag:s5] =	ssyncset.done $0x0  }
0x132: {  	[sflag:s5] =	ssyncadd.s32 $0xFFFFD8F0  }
0x133: {  	_ =	swait.ge [sflag:s26], $0x2710  }
0x134: {  	[sflag:s26] =	ssyncset.done $0x0  }
0x135: {  	s18 =	rddreg [dreg:$0x1e];
	[sflag:s26] =	ssyncadd.s32 $0xFFFFD8F0  }
0x136: {  	[spmem:s2] =	stream.indirect.scatter.add.f32 [tilespmem:s14], [sflag:$0x9], $0x10, s18, s6, $0xb8;
	[tilespmem:$0x1AF80] =	vst v63  }
0x137: {  	_ =	swait.ge [sflag:s5], $0x2710  }
0x138: {  	[sflag:s5] =	ssyncset.done $0x0  }
0x139: {  	[sflag:s5] =	ssyncadd.s32 $0xFFFFD8F0  }
0x13a: {  	_ =	swait.ge [sflag:s24], $0x2710  }
0x13b: {  	[sflag:s24] =	ssyncset.done $0x0  }
0x13c: {  	s18 =	rddreg [dreg:$0x1f];
	[sflag:s24] =	ssyncadd.s32 $0xFFFFD8F0  }
0x13d: {  	[spmem:s2] =	stream.indirect.scatter.add.f32 [tilespmem:s13], [sflag:$0x9], $0x10, s18, s6, $0xb8;
	[tilespmem:$0x1AF80] =	vst v63  }
0x13e: {  	_ =	swait.ge [sflag:s5], $0x2710  }
0x13f: {  	[sflag:s5] =	ssyncset.done $0x0  }
0x140: {  	[sflag:s5] =	ssyncadd.s32 $0xFFFFD8F0  }
0x141: {  	_ =	swait.ge [sflag:s22], $0x2710  }
0x142: {  	[sflag:s22] =	ssyncset.done $0x0  }
0x143: {  	s18 =	simm.s32 $0x42A8;
	[sflag:s22] =	ssyncadd.s32 $0xFFFFD8F0  }
0x144: {  	[spmem:s2] =	stream.indirect.scatter.add.f32 [tilespmem:s12], [sflag:$0x9], $0x10, s18, s6, $0xb8;
	[tilespmem:$0x1AF80] =	vst v63  }
0x145: {  	_ =	swait.ge [sflag:s5], $0x2710  }
0x146: {  	[sflag:s5] =	ssyncset.done $0x0  }
0x147: {  	[sflag:s5] =	ssyncadd.s32 $0xFFFFD8F0  }
0x148: {  	_ =	swait.ge [sflag:s20], $0x2710  }
0x149: {  	[sflag:s20] =	ssyncset.done $0x0  }
0x14a: {  	[sflag:s20] =	ssyncadd.s32 $0xFFFFD8F0  }
0x14b: {  	[spmem:s2] =	stream.indirect.scatter.add.f32 [tilespmem:s11], [sflag:$0x9], $0x10, s29, s6, $0xb8;
	[tilespmem:$0x1AF80] =	vst v63  }
0x14c: {  	_ =	swait.ge [sflag:s5], $0x2710  }
0x14d: {  	[sflag:s5] =	ssyncset.done $0x0  }
0x14e: {  	[sflag:s5] =	ssyncadd.s32 $0xFFFFD8F0  }
0x14f: {  	_ =	swait.ge [sflag:s19], $0x2710  }
0x150: {  	[sflag:s19] =	ssyncset.done $0x0  }
0x151: {  	[sflag:s19] =	ssyncadd.s32 $0xFFFFD8F0  }
0x152: {  	[spmem:s2] =	stream.indirect.scatter.add.f32 [tilespmem:s10], [sflag:$0x9], $0x10, s25, s6, $0xb8;
	[tilespmem:$0x1AF80] =	vst v63  }
0x153: {  	_ =	swait.ge [sflag:s5], $0x2710  }
0x154: {  	[sflag:s5] =	ssyncset.done $0x0  }
0x155: {  	[sflag:s5] =	ssyncadd.s32 $0xFFFFD8F0  }
0x156: {  	_ =	swait.ge [sflag:s17], $0x2710  }
0x157: {  	[sflag:s17] =	ssyncset.done $0x0  }
0x158: {  	[sflag:s17] =	ssyncadd.s32 $0xFFFFD8F0  }
0x159: {  	[spmem:s2] =	stream.indirect.scatter.add.f32 [tilespmem:s9], [sflag:$0x9], $0x10, s23, s6, $0xb8;
	[tilespmem:$0x1AF80] =	vst v63  }
0x15a: {  	_ =	swait.ge [sflag:s5], $0x2710  }
0x15b: {  	[sflag:s5] =	ssyncset.done $0x0  }
0x15c: {  	[sflag:s5] =	ssyncadd.s32 $0xFFFFD8F0  }
0x15d: {  	_ =	swait.ge [sflag:s15], $0x2710  }
0x15e: {  	[sflag:s15] =	ssyncset.done $0x0  }
0x15f: {  	[sflag:s15] =	ssyncadd.s32 $0xFFFFD8F0  }
0x160: {  	[spmem:s2] =	stream.indirect.scatter.add.f32 [tilespmem:s8], [sflag:$0x9], $0x10, s21, s6, $0xb8;
	[tilespmem:$0x1AF80] =	vst v63  }
0x161: {  	_ =	swait.ge [sflag:s5], $0x2710  }
0x162: {  	[sflag:s5] =	ssyncset.done $0x0  }
0x163: {  	p1 =	sne.s32 s1, $0x1;
	[sflag:s5] =	ssyncadd.s32 $0xFFFFD8F0  }
.Ltmp2:
0x164: {  	[bflag:$0x0] =	sbarrier.arrive $0xFFFF;
	(pc) =	sbr.rel @p1 .LBB2_4-.Ltmp2, $4  }
0x165: {  	s18 =	rddreg [dreg:$0x6]  }
0x166: {  	[hbm:s18], [sflag:s3] =	dma.local [spmem:s4], $0x500  }
0x167: {  	_ =	swait.ge [sflag:s5], $0x500  }
0x168: {  	s1 =	sadd.s32 $0xFFFFFFFF, s1;
	s0 =	rddreg [dreg:$0x3];
	[sflag:s5] =	ssyncset.done $0x0  }
0x169: {  	s21 =	simm.s32 $0x42A8;
	s29 =	simm.s32 $0x4520  }
0x16a: {  	s25 =	simm.s32 $0x4798;
	s23 =	simm.s32 $0x4A10;
	s18 =	stileid.u32  }
.LBB2_6:
0x16b: {  	[sflag:s5] =	ssyncadd.s32 @p0 $0xFFFFFB00  }
0x16c: {  	[spmem:s4], [sflag:s3] =	dma.local [hbm:s0], $0x500  }
0x16d: {  	_ =	swait.ge [sflag:s5], $0x500  }
0x16e: {  	[sflag:s5] =	ssyncset.done $0x0  }
0x16f: {  	s1 =	rddreg [dreg:$0x4];
	[sflag:s5] =	ssyncadd.s32 $0xFFFFFB00  }
0x170: {  	[tilespmem:s30], [sflag:$0x9] =	stream.linear.gather [hbm4b:s1+s30], $0x2780, $0x38;
	[tilespmem:$0x1AF80] =	vst v63  }
0x171: {  	_ =	swait.ge [sflag:s5], $0x2780  }
0x172: {  	[sflag:s5] =	ssyncset.done $0x0  }
0x173: {  	s1 =	rddreg [dreg:$0x5];
	[sflag:s5] =	ssyncadd.s32 $0xFFFFD880  }
0x174: {  	[tilespmem:s31], [sflag:$0x9] =	stream.linear.gather [hbm4b:s1+s30], $0x2780, $0x38;
	[tilespmem:$0x1AF80] =	vst v63  }
0x175: {  	_ =	swait.ge [sflag:s5], $0x2780  }
0x176: {  	[sflag:s5] =	ssyncset.done $0x0  }
0x177: {  	[sflag:s5] =	ssyncadd.s32 $0xFFFFD880  }
0x178: {  	[bflag:$0x0] =	sbarrier.arrive $0xFFFF  }
0x179: {  	[tilespmem:s16], [sflag:$0x1] =	stream.indirect.gather [hbm4b:s7+s6], $0x10, s30, s6, $0xb8;
	[tilespmem:$0x1AF80] =	vst v63  }
0x17a: {  	s0 =	rddreg [dreg:$0x7]  }
0x17b: {  	[tilespmem:s14], [sflag:$0x2] =	stream.indirect.gather [hbm4b:s7+s6], $0x10, s0, s6, $0xb8;
	[tilespmem:$0x1AF80] =	vst v63  }
0x17c: {  	s1 =	rddreg [dreg:$0x8]  }
0x17d: {  	[tilespmem:s13], [sflag:$0x3] =	stream.indirect.gather [hbm4b:s7+s6], $0x10, s1, s6, $0xb8;
	[tilespmem:$0x1AF80] =	vst v63  }
0x17e: {  	s30 =	rddreg [dreg:$0x9]  }
0x17f: {  	[tilespmem:s12], [sflag:$0x4] =	stream.indirect.gather [hbm4b:s7+s6], $0x10, s30, s6, $0xb8;
	[tilespmem:$0x1AF80] =	vst v63  }
0x180: {  	s1 =	rddreg [dreg:$0xa]  }
0x181: {  	[tilespmem:s11], [sflag:$0x5] =	stream.indirect.gather [hbm4b:s7+s6], $0x10, s1, s6, $0xb8;
	[tilespmem:$0x1AF80] =	vst v63  }
0x182: {  	s30 =	rddreg [dreg:$0xb]  }
0x183: {  	[tilespmem:s10], [sflag:$0x6] =	stream.indirect.gather [hbm4b:s7+s6], $0x10, s30, s6, $0xb8;
	[tilespmem:$0x1AF80] =	vst v63  }
0x184: {  	s1 =	rddreg [dreg:$0xc]  }
0x185: {  	[tilespmem:s9], [sflag:$0x7] =	stream.indirect.gather [hbm4b:s7+s6], $0x10, s1, s6, $0xb8;
	[tilespmem:$0x1AF80] =	vst v63  }
0x186: {  	s30 =	rddreg [dreg:$0xd]  }
0x187: {  	[tilespmem:s8], [sflag:$0x8] =	stream.indirect.gather [hbm4b:s7+s6], $0x10, s30, s6, $0xb8;
	[tilespmem:$0x1AF80] =	vst v63  }
0x188: {  	_ =	swait.ge [sflag:s28], $0x2710  }
0x189: {  	[sflag:s28] =	ssyncset.done $0x0  }
0x18a: {  	[sflag:s28] =	ssyncadd.s32 $0xFFFFD8F0  }
0x18b: {  	[spmem:s2] =	stream.indirect.scatter.add.f32 [tilespmem:s16], [sflag:$0x9], $0x10, s31, s6, $0xb8;
	[tilespmem:$0x1AF80] =	vst v63  }
0x18c: {  	_ =	swait.ge [sflag:s5], $0x2710  }
0x18d: {  	[sflag:s5] =	ssyncset.done $0x0  }
0x18e: {  	[sflag:s5] =	ssyncadd.s32 $0xFFFFD8F0  }
0x18f: {  	_ =	swait.ge [sflag:s26], $0x2710  }
0x190: {  	[sflag:s26] =	ssyncset.done $0x0  }
0x191: {  	s1 =	rddreg [dreg:$0xe];
	[sflag:s26] =	ssyncadd.s32 $0xFFFFD8F0  }
0x192: {  	[spmem:s2] =	stream.indirect.scatter.add.f32 [tilespmem:s14], [sflag:$0x9], $0x10, s1, s6, $0xb8;
	[tilespmem:$0x1AF80] =	vst v63  }
0x193: {  	_ =	swait.ge [sflag:s5], $0x2710  }
0x194: {  	[sflag:s5] =	ssyncset.done $0x0  }
0x195: {  	[sflag:s5] =	ssyncadd.s32 $0xFFFFD8F0  }
0x196: {  	_ =	swait.ge [sflag:s24], $0x2710  }
0x197: {  	[sflag:s24] =	ssyncset.done $0x0  }
0x198: {  	s30 =	rddreg [dreg:$0xf];
	[sflag:s24] =	ssyncadd.s32 $0xFFFFD8F0  }
0x199: {  	[spmem:s2] =	stream.indirect.scatter.add.f32 [tilespmem:s13], [sflag:$0x9], $0x10, s30, s6, $0xb8;
	[tilespmem:$0x1AF80] =	vst v63  }
0x19a: {  	_ =	swait.ge [sflag:s5], $0x2710  }
0x19b: {  	[sflag:s5] =	ssyncset.done $0x0  }
0x19c: {  	[sflag:s5] =	ssyncadd.s32 $0xFFFFD8F0  }
0x19d: {  	_ =	swait.ge [sflag:s22], $0x2710  }
0x19e: {  	[sflag:s22] =	ssyncset.done $0x0  }
0x19f: {  	s31 =	rddreg [dreg:$0x10];
	[sflag:s22] =	ssyncadd.s32 $0xFFFFD8F0  }
0x1a0: {  	[spmem:s2] =	stream.indirect.scatter.add.f32 [tilespmem:s12], [sflag:$0x9], $0x10, s31, s6, $0xb8;
	[tilespmem:$0x1AF80] =	vst v63  }
0x1a1: {  	_ =	swait.ge [sflag:s5], $0x2710  }
0x1a2: {  	[sflag:s5] =	ssyncset.done $0x0  }
0x1a3: {  	[sflag:s5] =	ssyncadd.s32 $0xFFFFD8F0  }
0x1a4: {  	_ =	swait.ge [sflag:s20], $0x2710  }
0x1a5: {  	[sflag:s20] =	ssyncset.done $0x0  }
0x1a6: {  	s1 =	rddreg [dreg:$0x11];
	[sflag:s20] =	ssyncadd.s32 $0xFFFFD8F0  }
0x1a7: {  	[spmem:s2] =	stream.indirect.scatter.add.f32 [tilespmem:s11], [sflag:$0x9], $0x10, s1, s6, $0xb8;
	[tilespmem:$0x1AF80] =	vst v63  }
0x1a8: {  	_ =	swait.ge [sflag:s5], $0x2710  }
0x1a9: {  	[sflag:s5] =	ssyncset.done $0x0  }
0x1aa: {  	[sflag:s5] =	ssyncadd.s32 $0xFFFFD8F0  }
0x1ab: {  	_ =	swait.ge [sflag:s19], $0x2710  }
0x1ac: {  	[sflag:s19] =	ssyncset.done $0x0  }
0x1ad: {  	s30 =	rddreg [dreg:$0x12];
	[sflag:s19] =	ssyncadd.s32 $0xFFFFD8F0  }
0x1ae: {  	[spmem:s2] =	stream.indirect.scatter.add.f32 [tilespmem:s10], [sflag:$0x9], $0x10, s30, s6, $0xb8;
	[tilespmem:$0x1AF80] =	vst v63  }
0x1af: {  	_ =	swait.ge [sflag:s5], $0x2710  }
0x1b0: {  	[sflag:s5] =	ssyncset.done $0x0  }
0x1b1: {  	[sflag:s5] =	ssyncadd.s32 $0xFFFFD8F0  }
0x1b2: {  	_ =	swait.ge [sflag:s17], $0x2710  }
0x1b3: {  	[sflag:s17] =	ssyncset.done $0x0  }
0x1b4: {  	s31 =	rddreg [dreg:$0x13];
	[sflag:s17] =	ssyncadd.s32 $0xFFFFD8F0  }
0x1b5: {  	[spmem:s2] =	stream.indirect.scatter.add.f32 [tilespmem:s9], [sflag:$0x9], $0x10, s31, s6, $0xb8;
	[tilespmem:$0x1AF80] =	vst v63  }
0x1b6: {  	_ =	swait.ge [sflag:s5], $0x2710  }
0x1b7: {  	[sflag:s5] =	ssyncset.done $0x0  }
0x1b8: {  	[sflag:s5] =	ssyncadd.s32 $0xFFFFD8F0  }
0x1b9: {  	_ =	swait.ge [sflag:s15], $0x2710  }
0x1ba: {  	[sflag:s15] =	ssyncset.done $0x0  }
0x1bb: {  	s1 =	rddreg [dreg:$0x14];
	[sflag:s15] =	ssyncadd.s32 $0xFFFFD8F0  }
0x1bc: {  	[spmem:s2] =	stream.indirect.scatter.add.f32 [tilespmem:s8], [sflag:$0x9], $0x10, s1, s6, $0xb8;
	[tilespmem:$0x1AF80] =	vst v63  }
0x1bd: {  	_ =	swait.ge [sflag:s5], $0x2710  }
0x1be: {  	[sflag:s5] =	ssyncset.done $0x0  }
0x1bf: {  	s30 =	rddreg [dreg:$0x15];
	[sflag:s5] =	ssyncadd.s32 $0xFFFFD8F0  }
0x1c0: {  	[tilespmem:s16], [sflag:$0x1] =	stream.indirect.gather [hbm4b:s7+s6], $0x10, s30, s6, $0xb8;
	[tilespmem:$0x1AF80] =	vst v63  }
0x1c1: {  	s31 =	rddreg [dreg:$0x16]  }
0x1c2: {  	[tilespmem:s14], [sflag:$0x2] =	stream.indirect.gather [hbm4b:s7+s6], $0x10, s31, s6, $0xb8;
	[tilespmem:$0x1AF80] =	vst v63  }
0x1c3: {  	s30 =	rddreg [dreg:$0x17]  }
0x1c4: {  	[tilespmem:s13], [sflag:$0x3] =	stream.indirect.gather [hbm4b:s7+s6], $0x10, s30, s6, $0xb8;
	[tilespmem:$0x1AF80] =	vst v63  }
0x1c5: {  	s31 =	rddreg [dreg:$0x18]  }
0x1c6: {  	[tilespmem:s12], [sflag:$0x4] =	stream.indirect.gather [hbm4b:s7+s6], $0x10, s31, s6, $0xb8;
	[tilespmem:$0x1AF80] =	vst v63  }
0x1c7: {  	s30 =	rddreg [dreg:$0x19]  }
0x1c8: {  	[tilespmem:s11], [sflag:$0x5] =	stream.indirect.gather [hbm4b:s7+s6], $0x10, s30, s6, $0xb8;
	[tilespmem:$0x1AF80] =	vst v63  }
0x1c9: {  	s31 =	rddreg [dreg:$0x1a]  }
0x1ca: {  	[tilespmem:s10], [sflag:$0x6] =	stream.indirect.gather [hbm4b:s7+s6], $0x10, s31, s6, $0xb8;
	[tilespmem:$0x1AF80] =	vst v63  }
0x1cb: {  	s30 =	rddreg [dreg:$0x1b]  }
0x1cc: {  	[tilespmem:s9], [sflag:$0x7] =	stream.indirect.gather [hbm4b:s7+s6], $0x10, s30, s6, $0xb8;
	[tilespmem:$0x1AF80] =	vst v63  }
0x1cd: {  	s31 =	rddreg [dreg:$0x1c]  }
0x1ce: {  	[tilespmem:s8], [sflag:$0x8] =	stream.indirect.gather [hbm4b:s7+s6], $0x10, s31, s6, $0xb8;
	[tilespmem:$0x1AF80] =	vst v63  }
0x1cf: {  	_ =	swait.ge [sflag:s28], $0x2710  }
0x1d0: {  	[sflag:s28] =	ssyncset.done $0x0  }
0x1d1: {  	s7 =	rddreg [dreg:$0x1d];
	[sflag:s28] =	ssyncadd.s32 $0xFFFFD8F0  }
0x1d2: {  	[spmem:s2] =	stream.indirect.scatter.add.f32 [tilespmem:s16], [sflag:$0x9], $0x10, s7, s6, $0xb8;
	[tilespmem:$0x1AF80] =	vst v63  }
0x1d3: {  	_ =	swait.ge [sflag:s5], $0x2710  }
0x1d4: {  	[sflag:s5] =	ssyncset.done $0x0  }
0x1d5: {  	[sflag:s5] =	ssyncadd.s32 $0xFFFFD8F0  }
0x1d6: {  	_ =	swait.ge [sflag:s26], $0x2710  }
0x1d7: {  	[sflag:s26] =	ssyncset.done $0x0  }
0x1d8: {  	s16 =	rddreg [dreg:$0x1e];
	[sflag:s26] =	ssyncadd.s32 $0xFFFFD8F0  }
0x1d9: {  	[spmem:s2] =	stream.indirect.scatter.add.f32 [tilespmem:s14], [sflag:$0x9], $0x10, s16, s6, $0xb8;
	[tilespmem:$0x1AF80] =	vst v63  }
0x1da: {  	_ =	swait.ge [sflag:s5], $0x2710  }
0x1db: {  	[sflag:s5] =	ssyncset.done $0x0  }
0x1dc: {  	[sflag:s5] =	ssyncadd.s32 $0xFFFFD8F0  }
0x1dd: {  	_ =	swait.ge [sflag:s24], $0x2710  }
0x1de: {  	[sflag:s24] =	ssyncset.done $0x0  }
0x1df: {  	s28 =	rddreg [dreg:$0x1f];
	[sflag:s24] =	ssyncadd.s32 $0xFFFFD8F0  }
0x1e0: {  	[spmem:s2] =	stream.indirect.scatter.add.f32 [tilespmem:s13], [sflag:$0x9], $0x10, s28, s6, $0xb8;
	[tilespmem:$0x1AF80] =	vst v63  }
0x1e1: {  	_ =	swait.ge [sflag:s5], $0x2710  }
0x1e2: {  	[sflag:s5] =	ssyncset.done $0x0  }
0x1e3: {  	[sflag:s5] =	ssyncadd.s32 $0xFFFFD8F0  }
0x1e4: {  	_ =	swait.ge [sflag:s22], $0x2710  }
0x1e5: {  	[sflag:s22] =	ssyncset.done $0x0  }
0x1e6: {  	[sflag:s22] =	ssyncadd.s32 $0xFFFFD8F0  }
0x1e7: {  	[spmem:s2] =	stream.indirect.scatter.add.f32 [tilespmem:s12], [sflag:$0x9], $0x10, s21, s6, $0xb8;
	[tilespmem:$0x1AF80] =	vst v63  }
0x1e8: {  	_ =	swait.ge [sflag:s5], $0x2710  }
0x1e9: {  	[sflag:s5] =	ssyncset.done $0x0  }
0x1ea: {  	[sflag:s5] =	ssyncadd.s32 $0xFFFFD8F0  }
0x1eb: {  	_ =	swait.ge [sflag:s20], $0x2710  }
0x1ec: {  	[sflag:s20] =	ssyncset.done $0x0  }
0x1ed: {  	[sflag:s20] =	ssyncadd.s32 $0xFFFFD8F0  }
0x1ee: {  	[spmem:s2] =	stream.indirect.scatter.add.f32 [tilespmem:s11], [sflag:$0x9], $0x10, s29, s6, $0xb8;
	[tilespmem:$0x1AF80] =	vst v63  }
0x1ef: {  	_ =	swait.ge [sflag:s5], $0x2710  }
0x1f0: {  	[sflag:s5] =	ssyncset.done $0x0  }
0x1f1: {  	[sflag:s5] =	ssyncadd.s32 $0xFFFFD8F0  }
0x1f2: {  	_ =	swait.ge [sflag:s19], $0x2710  }
0x1f3: {  	[sflag:s19] =	ssyncset.done $0x0  }
0x1f4: {  	[sflag:s19] =	ssyncadd.s32 $0xFFFFD8F0  }
0x1f5: {  	[spmem:s2] =	stream.indirect.scatter.add.f32 [tilespmem:s10], [sflag:$0x9], $0x10, s25, s6, $0xb8;
	[tilespmem:$0x1AF80] =	vst v63  }
0x1f6: {  	_ =	swait.ge [sflag:s5], $0x2710  }
0x1f7: {  	[sflag:s5] =	ssyncset.done $0x0  }
0x1f8: {  	[sflag:s5] =	ssyncadd.s32 $0xFFFFD8F0  }
0x1f9: {  	_ =	swait.ge [sflag:s17], $0x2710  }
0x1fa: {  	[sflag:s17] =	ssyncset.done $0x0  }
0x1fb: {  	[sflag:s17] =	ssyncadd.s32 $0xFFFFD8F0  }
0x1fc: {  	[spmem:s2] =	stream.indirect.scatter.add.f32 [tilespmem:s9], [sflag:$0x9], $0x10, s23, s6, $0xb8;
	[tilespmem:$0x1AF80] =	vst v63  }
0x1fd: {  	_ =	swait.ge [sflag:s5], $0x2710  }
0x1fe: {  	[sflag:s5] =	ssyncset.done $0x0  }
0x1ff: {  	[sflag:s5] =	ssyncadd.s32 $0xFFFFD8F0  }
0x200: {  	_ =	swait.ge [sflag:s15], $0x2710  }
0x201: {  	[sflag:s15] =	ssyncset.done $0x0  }
0x202: {  	s30 =	simm.s32 $0x4C88;
	[sflag:s15] =	ssyncadd.s32 $0xFFFFD8F0  }
0x203: {  	[spmem:s2] =	stream.indirect.scatter.add.f32 [tilespmem:s8], [sflag:$0x9], $0x10, s30, s6, $0xb8;
	[tilespmem:$0x1AF80] =	vst v63  }
0x204: {  	_ =	swait.ge [sflag:s5], $0x2710  }
0x205: {  	[sflag:s5] =	ssyncset.done $0x0  }
0x206: {  	[sflag:s5] =	ssyncadd.s32 $0xFFFFD8F0  }
0x207: {  	[bflag:$0x0] =	sbarrier.arrive $0xFFFF  }
0x208: {  	s31 =	rddreg [dreg:$0x6]  }
0x209: {  	[hbm:s31], [sflag:s3] =	dma.local [spmem:s4], $0x500  }
0x20a: {  	_ =	swait.ge [sflag:s5], $0x500  }
0x20b: {  	[sflag:s5] =	ssyncset.done $0x0  }
0x20c: {  	[sflag:s5] =	ssyncadd.s32 $0xFFFFFB00  }
0x20d: {  	_ =	sfence.sel $0x180000  }
0x20e: {  	[bflag:$0x0] =	sbarrier.arrive $0xFFFF  }
0x20f: {  	_ =	strace $0x9000004D  }
0x210: {  	[bflag:$0x2] =	sbarrier.arrive $0xFFFF  }
0x211: {  	p0 =	sne.s32 s18, $0x0;
	s0 =	rddreg [dreg:$0x2]  }
0x212: {  	s0 =	sadd.s32 @!p0 $0x100000, s0  }
0x213: {  	[sflag:s0] =	ssyncadd.tile.s32 @!p0 $0x1;
	_ =	shalt  }
.LBB2_1:
.Ltmp3:
0x214: {  	(pc) =	sbr.rel .LBB2_6-.Ltmp3, $3  }
0x215: {  	_ =	sdelay $0x1  }
0x216: {  	s21 =	simm.s32 $0x42A8  }
0x217: {  	s29 =	simm.s32 $0x4520;
	s25 =	simm.s32 $0x4798;
	s23 =	simm.s32 $0x4A10  }
.LBB2_3:
.Ltmp4:
0x218: {  	(pc) =	sbr.rel .LBB2_6-.Ltmp4, $3  }
0x219: {  	_ =	sdelay $0x1  }
0x21a: {  	s21 =	simm.s32 $0x42A8;
	s29 =	simm.s32 $0x4520  }
0x21b: {  	s25 =	simm.s32 $0x4798;
	s23 =	simm.s32 $0x4A10;
	s18 =	stileid.u32  }
.Lfunc_end2:
_tile_overlayer_lowered:
.L_overlay_start_2:
0x21c: {  	(tag) =	ssettag $0x2  }
0x21d: {  	s0 =	rddreg [dreg:$0x0];
	s2 =	stileid.u32  }
0x21e: {  	s1 =	rddreg [dreg:$0x1];
	p0 =	sne.s32 s2, $0x0  }
0x21f: {  	s3 =	rddreg [dreg:$0x2];
	[bflag:$0x3] =	sbarrier.arrive $0xFFFF;
	s2 =	simm.s32 @!p0 $0x1C09  }
0x220: {  	[timem:s3], [sflag:s2] =	dma.local @!p0 [hbm:s0], s1  }
0x221: {  	s0 =	simm.s32 @!p0 $0x9  }
0x222: {  	_ =	swait.ge @!p0 [sflag:s0], s1  }
0x223: {  	s1 =	ssub.s32 @!p0 $0x0, s1;
	[sflag:s0] =	ssyncset.done @!p0 $0x0  }
0x224: {  	[sflag:s0] =	ssyncadd.s32 @!p0 s1  }
0x225: {  	[bflag:$0x3] =	sbarrier.arrive $0xFFFF  }
0x226: {  	_ =	shalt  }

// kernel: kernel.8.cloned.1.call-start
scs
__scs_entry_jumppad:
0x0: {  	(pc) =	sbr.rel $0x88, $3  }
0x1: {  	(tag) =	ssettag $0x0;
	lr =	simm.s32 $0x1  }
0x2: {  	[smem:$0x3F92] =	sst lr;
	_ =	strace $0xD0000000  }
0x3: {  	_ = 	snop  }
0x4: {  	_ = 	snop  }
0x5: {  	_ = 	snop  }
0x6: {  	_ = 	snop  }
0x7: {  	_ = 	snop  }
__scs_overlays_trampoline_lowered:
0x8: {  	[smem:$0x3FA1] =	sst s0  }
0x9: {  	[smem:$0x3FA2] =	sst s1  }
0xa: {  	[smem:$0x3FA3] =	sst s2  }
0xb: {  	[smem:$0x3FA4] =	sst s3  }
0xc: {  	[smem:$0x3FA5] =	sst s4  }
0xd: {  	[smem:$0x3FA6] =	sst s5  }
0xe: {  	[smem:$0x3FA7] =	sst s6  }
0xf: {  	[smem:$0x3FA8] =	sst s7  }
0x10: {  	[smem:$0x3FA9] =	sst s8  }
0x11: {  	[smem:$0x3FAA] =	sst s9;
	s0 =	simm.s32 @!p0 $0x0  }
0x12: {  	s1 =	sld [smem:$0x3F90];
	s0 =	simm.s32 @p0 $0x1  }
0x13: {  	[smem:$0x3FAB] =	sst s0;
	s0 =	simm.s32 @!p1 $0x0  }
0x14: {  	s2 =	sld [smem:$0x3F8F];
	s0 =	simm.s32 @p1 $0x1  }
0x15: {  	[smem:$0x3FAC] =	sst s0;
	s0 =	simm.s32 @!p2 $0x0  }
0x16: {  	s3 =	sld [smem:$0x3FDB];
	s0 =	simm.s32 @p2 $0x1  }
0x17: {  	s4 =	simm.s32 $0x1BF5;
	[smem:$0x3FAE] =	sst s0  }
0x18: {  	s0 =	sld [smem:$0x3F91];
	_ =	swait.ge [sflag:s4], $0x0  }
0x19: {  	s7 =	sld [smem:$0x3F92]  }
0x1a: {  	s8 =	sadd.s32 $0xFFFFE003, lr  }
0x1b: {  	s9 =	sadd.s32 $0xFFFFFEF7, lr;
	s5 =	simm.s32 $0xFFFFFFFF;
	p2 =	slt.u32 s8, $0xFFFFF086  }
0x1c: {  	p1 =	slt.u32 s9, $0xF7A;
	s5 =	simm.s32 @!p2 $0x0  }
0x1d: {  	s5 =	simm.s32 @p1 $0x1;
	p0 =	seq.s32 s7, s2  }
0x1e: {  	s7 =	smul.u32 @!p0 $0xF7A, s2;
	p2 =	seq.s32 @!p0 s5, $0x0  }
0x1f: {  	s9 =	smul.u32 $0xF7A, s1;
	s8 =	simm.s32 @!p0 $0x1BF5;
	p2 =	por !p2, p0  }
0x20: {  	[sflag:s8] =	ssyncset.s32 @!p0 $0xFFFFF086;
	s6 =	sadd.s32 @!p0 s3, s7;
	s7 =	simm.s32 @!p0 $0x108  }
0x21: {  	s3 =	sadd.s32 s3, s9;
	s6 =	sadd.s32 @!p0 $0x88, s6;
	s7 =	simm.s32 @p2 $0x1082  }
0x22: {  	[simem:s7], [sflag:s8] =	dma.local @!p0 [hbm:s6], $0xF7A  }
0x23: {  	s9 =	sor.u32 $0xD0000000, s2;
	s6 =	simm.s32 $0x108;
	_ =	swait.ge @!p0 [sflag:s8], $0x0  }
0x24: {  	s3 =	sadd.s32 $0x88, s3;
	s6 =	simm.s32 @!p1 $0x1082;
	[sflag:s4] =	ssyncset.s32 $0xFFFFF086  }
0x25: {  	[simem:s6], [sflag:s4] =	dma.local [hbm:s3], $0xF7A  }
0x26: {  	[smem:$0x3F92] =	sst s1;
	(tag) =	ssettag s2;
	_ =	strace s9  }
0x27: {  	s1 =	sld [smem:$0x3FA2]  }
0x28: {  	s2 =	sld [smem:$0x3FA3]  }
0x29: {  	s4 =	sld [smem:$0x3FA5]  }
0x2a: {  	p0 =	seq.s32 s5, $0x0;
	s5 =	sld [smem:$0x3FA6]  }
0x2b: {  	s6 =	sld [smem:$0x3FA7]  }
0x2c: {  	s7 =	sld [smem:$0x3FA8]  }
0x2d: {  	s3 =	simm.s32 $0x108;
	s8 =	sld [smem:$0x3FA9]  }
0x2e: {  	s3 =	simm.s32 @!p0 $0x1082;
	s9 =	sld [smem:$0x3FAA]  }
0x2f: {  	lr =	sadd.s32 s0, s3;
	s0 =	sld [smem:$0x3FA1]  }
0x30: {  	s3 =	sld [smem:$0x3FA4]  }
0x31: {  	[smem:$0x3FAD] =	sst s10  }
0x32: {  	s10 =	sld [smem:$0x3FAB];
	_ =	sdelay $0x3  }
0x33: {  	p0 =	seq.s32 s10, $0x1;
	s10 =	sld [smem:$0x3FAD];
	_ =	sdelay $0x3  }
0x34: {  	[smem:$0x3FAD] =	sst s10  }
0x35: {  	s10 =	sld [smem:$0x3FAC];
	_ =	sdelay $0x3  }
0x36: {  	p1 =	seq.s32 s10, $0x1;
	s10 =	sld [smem:$0x3FAD];
	_ =	sdelay $0x3  }
0x37: {  	[smem:$0x3FAD] =	sst s10  }
0x38: {  	s10 =	sld [smem:$0x3FAE]  }
0x39: {  	_ = 	snop;
	(pc) =	sbr.ind lr, $3  }
0x3a: {  	_ = 	snop  }
0x3b: {  	_ = 	snop  }
0x3c: {  	p2 =	seq.s32 s10, $0x1;
	s10 =	sld [smem:$0x3FAD]  }
0x3d: {  	_ =	shalt  }
0x3e: {  	_ =	shalt  }
0x3f: {  	_ =	shalt  }
0x40: {  	_ =	shalt  }
0x41: {  	_ =	shalt  }
0x42: {  	_ =	shalt  }
0x43: {  	_ =	shalt  }
0x44: {  	_ =	shalt  }
0x45: {  	_ =	shalt  }
0x46: {  	_ =	shalt  }
0x47: {  	_ =	shalt  }
0x48: {  	_ =	shalt  }
0x49: {  	_ =	shalt  }
0x4a: {  	_ =	shalt  }
0x4b: {  	_ =	shalt  }
0x4c: {  	_ =	shalt  }
0x4d: {  	_ =	shalt  }
0x4e: {  	_ =	shalt  }
0x4f: {  	_ =	shalt  }
0x50: {  	_ =	shalt  }
0x51: {  	_ =	shalt  }
0x52: {  	_ =	shalt  }
0x53: {  	_ =	shalt  }
0x54: {  	_ =	shalt  }
0x55: {  	_ =	shalt  }
0x56: {  	_ =	shalt  }
0x57: {  	_ =	shalt  }
0x58: {  	_ =	shalt  }
0x59: {  	_ =	shalt  }
0x5a: {  	_ =	shalt  }
0x5b: {  	_ =	shalt  }
0x5c: {  	_ =	shalt  }
0x5d: {  	_ =	shalt  }
0x5e: {  	_ =	shalt  }
0x5f: {  	_ =	shalt  }
0x60: {  	_ =	shalt  }
0x61: {  	_ =	shalt  }
0x62: {  	_ =	shalt  }
0x63: {  	_ =	shalt  }
0x64: {  	_ =	shalt  }
0x65: {  	_ =	shalt  }
0x66: {  	_ =	shalt  }
0x67: {  	_ =	shalt  }
0x68: {  	_ =	shalt  }
0x69: {  	_ =	shalt  }
0x6a: {  	_ =	shalt  }
0x6b: {  	_ =	shalt  }
0x6c: {  	_ =	shalt  }
0x6d: {  	_ =	shalt  }
0x6e: {  	_ =	shalt  }
0x6f: {  	_ =	shalt  }
0x70: {  	_ =	shalt  }
0x71: {  	_ =	shalt  }
0x72: {  	_ =	shalt  }
0x73: {  	_ =	shalt  }
0x74: {  	_ =	shalt  }
0x75: {  	_ =	shalt  }
0x76: {  	_ =	shalt  }
0x77: {  	_ =	shalt  }
0x78: {  	_ =	shalt  }
0x79: {  	_ =	shalt  }
0x7a: {  	_ =	shalt  }
0x7b: {  	_ =	shalt  }
0x7c: {  	_ =	shalt  }
0x7d: {  	_ =	shalt  }
0x7e: {  	_ =	shalt  }
0x7f: {  	_ =	shalt  }
0x80: {  	_ =	shalt  }
0x81: {  	_ =	shalt  }
0x82: {  	_ =	shalt  }
0x83: {  	_ =	shalt  }
0x84: {  	_ =	shalt  }
0x85: {  	_ =	shalt  }
0x86: {  	_ =	shalt  }
0x87: {  	_ =	shalt  }
.Lfunc_end0:
.L_simem_size_0:
called_computation_lowered:
.L_overlay_start_0:
0x88: {  	s2 =	sld [smem:$0x3FD9]  }
0x89: {  	s3 =	sld [smem:$0x3FFE];
	_ =	sdelay $0x1  }
0x8a: {  	s1 =	srdreg.scid  }
0x8b: {  	s0 =	sand.u32 $0x1, s1  }
0x8c: {  	s17 =	sshll.u32 s0, $0xA;
	s2 =	sadd.s32 s3, s2  }
0x8d: {  	s2 =	sadd.s32 s2, s17  }
0x8e: {  	[smem:$0x3FB9] =	sst s2  }
0x8f: {  	_ = 	snop  }
0x90: {  	s2 =	sld [smem:$0x3FD0];
	(tm) =	ssettm $0x1  }
0x91: {  	s18 =	sld [smem:$0x3FFB];
	_ =	sdelay $0x3  }
0x92: {  	_ =	strace s18  }
0x93: {  	s3 =	sld [smem:$0x3FFC];
	_ =	sdelay $0x3  }
0x94: {  	_ =	strace s3  }
0x95: {  	s3 =	sld [smem:$0x3FFD];
	_ =	sdelay $0x3  }
0x96: {  	_ =	strace s3  }
0x97: {  	_ =	strace $0x8FFFFFFF  }
0x98: {  	s19 =	sld [smem:$0x3FDB];
	_ =	sdelay $0x1  }
0x99: {  	s4 =	simm.s32 $_scs_section_size  }
0x9a: {  	s5 =	simm.s32 $_size__tile_overlayer_lowered;
	s6 =	simm.s32 $_tile_overlayer_lowered  }
0x9b: {  	s22 =	simm.s32 $0x1BFF;
	s21 =	sshll.u32 s6, $0x1;
	s3 =	sadd.s32 s4, s19  }
0x9c: {  	s7 =	simm.s32 $0x0;
	s20 =	sshll.u32 s5, $0x1;
	s5 =	sadd.s32 s21, s3  }
0x9d: {  	[timem:s7], [sflag:s22] =	dma.local [hbm:s5], s20  }
0x9e: {  	_ =	swait.ge [sflag:s22], s20  }
0x9f: {  	s4 =	ssub.s32 $0x0, s20;
	[sflag:s22] =	ssyncset.done $0x0  }
0xa0: {  	[sflag:s22] =	ssyncadd.s32 s4;
	_ =	sdelay $0x1  }
0xa1: {  	s23 =	simm.s32 $0x1B8B  }
0xa2: {  	_ =	swait.ge [sflag:s23], $0x1  }
0xa3: {  	[sflag:s23] =	ssyncset.done $0x0  }
0xa4: {  	s25 =	simm.s32 $0x1B8E;
	s24 =	sld [smem:$0x3FFE];
	[sflag:s23] =	ssyncadd.s32 $0xFFFFFFFF  }
0xa5: {  	s26 =	simm.s32 $execute0_lowered;
	[smem:$0x3FD2] =	sst s25  }
0xa6: {  	s5 =	sshll.u32 s26, $0x1;
	_ =	strace $0x80000046;
	[dreg:$0x1] =	wrdreg $0xFFFFFFFF  }
0xa7: {  	s28 =	simm.s32 $_size_execute0_lowered;
	s3 =	sadd.s32 s3, s5;
	[dreg:$0x0] =	wrdreg $0x0  }
0xa8: {  	s5 =	sshll.u32 s28, $0x1;
	[dreg:$0x2] =	wrdreg s3  }
0xa9: {  	[dreg:$0x3] =	wrdreg s5  }
0xaa: {  	[dreg:$0x4] =	wrdreg $0xC0  }
0xab: {  	_ =	task [dreg:s7], $0x5FFFF  }
0xac: {  	[dreg:$0x1] =	wrdreg $0xFFFFFFFF  }
0xad: {  	[dreg:$0x0] =	wrdreg $0x60  }
0xae: {  	[dreg:$0x2] =	wrdreg s24  }
0xaf: {  	[dreg:$0x3] =	wrdreg s2  }
0xb0: {  	[dreg:$0x4] =	wrdreg $0xD0E80  }
0xb1: {  	[dreg:$0x5] =	wrdreg $0x170E80  }
0xb2: {  	[dreg:$0x6] =	wrdreg $0x9  }
0xb3: {  	_ =	task.clear_ibuf [dreg:s7], $0x7FFFF;
	_ =	strace $0x90000046  }
0xb4: {  	s29 =	simm.s32 $0x9;
	_ =	strace $0x80000048  }
0xb5: {  	_ =	swait.ge [sflag:s29], $0x1  }
0xb6: {  	[sflag:s29] =	ssyncadd.s32 $0xFFFFFFFF  }
0xb7: {  	_ =	strace $0x90000048  }
0xb8: {  	_ =	sfence  }
0xb9: {  	s30 =	sld [smem:$0x0];
	_ =	sdelay $0x2  }
0xba: {  	s31 =	sshll.u32 s1, $0xD;
	s1 =	sshrl.u32 s1, $0x2  }
0xbb: {  	s3 =	sand.u32 $0x4000, s31;
	s1 =	sadd.s32 s1, s30  }
0xbc: {  	s0 =	sor.u32 s3, s0;
	s1 =	sshll.u32 s1, $0x11  }
0xbd: {  	s0 =	sor.u32 s1, s0  }
0xbe: {  	s0 =	sadd.s32 $0x8F2B, s0  }
0xbf: {  	[sflag:s0] =	ssyncadd.remote.s32 $0x1  }
0xc0: {  	_ =	sfence.sel $0xFFFF  }
0xc1: {  	[dreg:$0x0] =	wrdreg $0xFFFFFFFF;
	(pc) =	sbr.abs _section_cstart, $3  }
0xc2: {  	[dreg:$0x1] =	wrdreg $0xFFFFFFFF  }
0xc3: {  	_ =	task.clear_ibuf [dreg:s7], $0x2FFFF;
	_ =	strace $0x9FFFFFFF  }
0xc4: {  	(tm) =	ssettm $0x7FFFFFFF  }
0xc5: {  	_ =	shalt  }
tec
execute0_lowered:
.L_overlay_start_1:
0x0: {  	(tag) =	ssettag $0x1  }
0x1: {  	s0 =	rddreg [dreg:$0x0]  }
0x2: {  	s1 =	srdreg.scid;
	s3 =	rddreg [dreg:$0x2]  }
0x3: {  	s16 =	stileid.u32;
	s4 =	rddreg [dreg:$0x3]  }
0x4: {  	s5 =	simm.s32 $0x0;
	s18 =	simm.s32 $0x5;
	s20 =	simm.s32 $0xCD00  }
0x5: {  	s22 =	simm.s32 $0x7D;
	s23 =	simm.s32 $0x5000;
	s24 =	simm.s32 $0x6F40  }
0x6: {  	s28 =	simm.s32 $0x1;
	s29 =	simm.s32 $0x2;
	s30 =	simm.s32 $0x3  }
0x7: {  	s31 =	simm.s32 $0x4;
	s1 =	sand.u32 $0x1, s1;
	s8 =	smul.u32 $0xA000, s16  }
0x8: {  	[smem:$0x7FF] =	sst s5;
	s10 =	smul.u32 $0x1400, s16;
	s6 =	sadd.s32 $0x2AA00, s0  }
0x9: {  	s7 =	sadd.s32 $0x17000, s0;
	s25 =	sshll.u32 s16, $0x6;
	s9 =	smul.u32 $0xA0000, s1  }
0xa: {  	s2 =	sshll.u32 s1, $0x4;
	_ =	strace $0x80000047;
	s13 =	smul.u32 $0x14000, s1  }
0xb: {  	s1 =	ssub.s32 $0x2, s1;
	s2 =	sor.u32 s16, s2;
	s11 =	sshrl.u32 s8, $0x3  }
0xc: {  	s12 =	sshrl.u32 s10, $0x3;
	s14 =	sshrl.u32 s1, $0x1;
	s17 =	sadd.s32 s8, s3  }
0xd: {  	s2 =	smul.u32 $0x500, s2;
	s11 =	sadd.s32 s11, s0;
	s12 =	sadd.s32 s12, s0  }
0xe: {  	s9 =	sadd.s32 s8, s9;
	s13 =	sadd.s32 s10, s13;
	s1 =	ssub.s32 s1, s14  }
0xf: {  	s10 =	sadd.s32 s10, s4;
	s17 =	sshrl.u32 s17, $0x3;
	s9 =	sshrl.u32 s9, $0x3  }
0x10: {  	s13 =	sshrl.u32 s13, $0x3;
	s8 =	sadd.s32 $0x3E400, s11;
	s26 =	sadd.s32 $0x52400, s12  }
0x11: {  	s16 =	smax.u32 s1, $0x1;
	s19 =	sshrl.u32 s10, $0x3;
	s2 =	sadd.s32 s2, s0  }
0x12: {  	s15 =	sadd.s32 s9, s0;
	s0 =	sadd.s32 s13, s0;
	s9 =	sor.u32 $0x1C05, s25  }
0x13: {  	[dreg:$0x5] =	wrdreg s26;
	s25 =	simm.s32 $0x8E80;
	s26 =	simm.s32 $0xADC0  }
0x14: {  	s11 =	sadd.s32 $0xD000, s2;
	s12 =	sadd.s32 $0x3000, s2;
	s13 =	sadd.s32 $0x81C00, s15  }
0x15: {  	s14 =	sadd.s32 $0x54C00, s0;
	s15 =	sadd.s32 $0x59C00, s15;
	s2 =	simm.s32 $0x0  }
.LBB2_1:
0x16: {  	[spmem:s17], [sflag:s9] =	dma.local [hbm:s8], $0x1400  }
0x17: {  	_ =	swait.ge [sflag:s18], $0x1400  }
0x18: {  	[sflag:s18] =	ssyncset.done $0x0  }
0x19: {  	s0 =	rddreg [dreg:$0x5];
	[sflag:s18] =	ssyncadd.s32 $0xFFFFEC00  }
0x1a: {  	[spmem:s19], [sflag:s9] =	dma.local [hbm:s0], $0x280  }
0x1b: {  	_ =	swait.ge [sflag:s18], $0x280  }
0x1c: {  	[sflag:s18] =	ssyncset.done $0x0  }
0x1d: {  	[sflag:s18] =	ssyncadd.s32 $0xFFFFFD80  }
0x1e: {  	s21 =	rddreg [dreg:$0x1]  }
0x1f: {  	[tilespmem:s20], [sflag:$0x5] =	stream.linear.gather [hbm4b:s21+s5], $0x3E8, $0x38;
	[tilespmem:$0x184E8] =	vst v63  }
0x20: {  	_ =	swait.ge [sflag:s18], $0x3E8  }
0x21: {  	[sflag:s18] =	ssyncset.done $0x0  }
0x22: {  	[sflag:s18] =	ssyncadd.s32 $0xFFFFFC18  }
0x23: {  	[tilespmem:s5], [sflag:$0x5] =	stream.linear.gather [hbm4b:s11+s5], $0x2800, $0x38;
	[tilespmem:$0x184E8] =	vst v63  }
0x24: {  	_ =	swait.ge [sflag:s18], $0x2800  }
0x25: {  	[sflag:s18] =	ssyncset.done $0x0  }
0x26: {  	s1 =	simm.s32 $0x2800;
	[sflag:s18] =	ssyncadd.s32 $0xFFFFD800  }
0x27: {  	[tilespmem:s1], [sflag:$0x5] =	stream.linear.gather [hbm4b:s12+s5], $0x2800, $0x38;
	[tilespmem:$0x184E8] =	vst v63  }
0x28: {  	_ =	swait.ge [sflag:s18], $0x2800  }
0x29: {  	[sflag:s18] =	ssyncset.done $0x0  }
0x2a: {  	[sflag:s18] =	ssyncadd.s32 $0xFFFFD800  }
0x2b: {  	s10 =	simm.s32 $0x0;
	[bflag:$0x0] =	sbarrier.arrive $0xFFFF  }
0x2c: {  	[tilespmem:s23], [sflag:$0x1] =	stream.indirect.gather [hbm4b:s6+s22], $0x40, s10, s22, $0xb8;
	[tilespmem:$0x184E8] =	vst v63  }
0x2d: {  	s21 =	simm.s32 $0x80  }
0x2e: {  	[tilespmem:s24], [sflag:$0x2] =	stream.indirect.gather [hbm4b:s6+s22], $0x40, s21, s22, $0xb8;
	[tilespmem:$0x184E8] =	vst v63  }
0x2f: {  	s1 =	simm.s32 $0x100  }
0x30: {  	[tilespmem:s25], [sflag:$0x3] =	stream.indirect.gather [hbm4b:s6+s22], $0x40, s1, s22, $0xb8;
	[tilespmem:$0x184E8] =	vst v63  }
0x31: {  	s10 =	simm.s32 $0x180  }
0x32: {  	[tilespmem:s26], [sflag:$0x4] =	stream.indirect.gather [hbm4b:s6+s22], $0x40, s10, s22, $0xb8;
	[tilespmem:$0x184E8] =	vst v63  }
0x33: {  	_ =	swait.ge [sflag:s28], $0x1F40  }
0x34: {  	[sflag:s28] =	ssyncset.done $0x0  }
0x35: {  	s21 =	simm.s32 $0x2800;
	[sflag:s28] =	ssyncadd.s32 $0xFFFFE0C0  }
0x36: {  	[spmem:s3] =	stream.indirect.scatter.add.f32 [tilespmem:s23], [sflag:$0x5], $0x40, s21, s22, $0xb8;
	[tilespmem:$0x184E8] =	vst v63  }
0x37: {  	_ =	swait.ge [sflag:s18], $0x1F40  }
0x38: {  	[sflag:s18] =	ssyncset.done $0x0  }
0x39: {  	[sflag:s18] =	ssyncadd.s32 $0xFFFFE0C0  }
0x3a: {  	[spmem:s4] =	stream.indirect.scatter.add.f32 [tilespmem:s20], [sflag:$0x5], $0x8, s21, s22, $0xb8;
	[tilespmem:$0x184E8] =	vst v63  }
0x3b: {  	_ =	swait.ge [sflag:s18], $0x3E8  }
0x3c: {  	[sflag:s18] =	ssyncset.done $0x0  }
0x3d: {  	[sflag:s18] =	ssyncadd.s32 $0xFFFFFC18  }
0x3e: {  	_ =	swait.ge [sflag:s29], $0x1F40  }
0x3f: {  	[sflag:s29] =	ssyncset.done $0x0  }
0x40: {  	s1 =	simm.s32 $0x2880;
	[sflag:s29] =	ssyncadd.s32 $0xFFFFE0C0  }
0x41: {  	[spmem:s3] =	stream.indirect.scatter.add.f32 [tilespmem:s24], [sflag:$0x5], $0x40, s1, s22, $0xb8;
	[tilespmem:$0x184E8] =	vst v63  }
0x42: {  	_ =	swait.ge [sflag:s18], $0x1F40  }
0x43: {  	[sflag:s18] =	ssyncset.done $0x0  }
0x44: {  	[sflag:s18] =	ssyncadd.s32 $0xFFFFE0C0  }
0x45: {  	[spmem:s4] =	stream.indirect.scatter.add.f32 [tilespmem:s20], [sflag:$0x5], $0x8, s1, s22, $0xb8;
	[tilespmem:$0x184E8] =	vst v63  }
0x46: {  	_ =	swait.ge [sflag:s18], $0x3E8  }
0x47: {  	[sflag:s18] =	ssyncset.done $0x0  }
0x48: {  	[sflag:s18] =	ssyncadd.s32 $0xFFFFFC18  }
0x49: {  	_ =	swait.ge [sflag:s30], $0x1F40  }
0x4a: {  	[sflag:s30] =	ssyncset.done $0x0  }
0x4b: {  	s10 =	simm.s32 $0x2900;
	[sflag:s30] =	ssyncadd.s32 $0xFFFFE0C0  }
0x4c: {  	[spmem:s3] =	stream.indirect.scatter.add.f32 [tilespmem:s25], [sflag:$0x5], $0x40, s10, s22, $0xb8;
	[tilespmem:$0x184E8] =	vst v63  }
0x4d: {  	_ =	swait.ge [sflag:s18], $0x1F40  }
0x4e: {  	[sflag:s18] =	ssyncset.done $0x0  }
0x4f: {  	[sflag:s18] =	ssyncadd.s32 $0xFFFFE0C0  }
0x50: {  	[spmem:s4] =	stream.indirect.scatter.add.f32 [tilespmem:s20], [sflag:$0x5], $0x8, s10, s22, $0xb8;
	[tilespmem:$0x184E8] =	vst v63  }
0x51: {  	_ =	swait.ge [sflag:s18], $0x3E8  }
0x52: {  	[sflag:s18] =	ssyncset.done $0x0  }
0x53: {  	[sflag:s18] =	ssyncadd.s32 $0xFFFFFC18  }
0x54: {  	_ =	swait.ge [sflag:s31], $0x1F40  }
0x55: {  	[sflag:s31] =	ssyncset.done $0x0  }
0x56: {  	s21 =	simm.s32 $0x2980;
	[sflag:s31] =	ssyncadd.s32 $0xFFFFE0C0  }
0x57: {  	[spmem:s3] =	stream.indirect.scatter.add.f32 [tilespmem:s26], [sflag:$0x5], $0x40, s21, s22, $0xb8;
	[tilespmem:$0x184E8] =	vst v63  }
0x58: {  	_ =	swait.ge [sflag:s18], $0x1F40  }
0x59: {  	[sflag:s18] =	ssyncset.done $0x0  }
0x5a: {  	[sflag:s18] =	ssyncadd.s32 $0xFFFFE0C0  }
0x5b: {  	[spmem:s4] =	stream.indirect.scatter.add.f32 [tilespmem:s20], [sflag:$0x5], $0x8, s21, s22, $0xb8;
	[tilespmem:$0x184E8] =	vst v63  }
0x5c: {  	_ =	swait.ge [sflag:s18], $0x3E8  }
0x5d: {  	s0 =	simm.s32 $0x800;
	s1 =	simm.s32 $0x1000;
	[sflag:s18] =	ssyncset.done $0x0  }
.LBB2_2:
0x5e: {  	s21 =	sshra.s32 s0, $0x2  }
0x5f: {  	[sflag:s18] =	ssyncadd.s32 $0xFFFFFC18;
	s0 =	smov.u32 s1;
	s10 =	sadd.s32 $0x800, s1  }
0x60: {  	[tilespmem:s23], [sflag:$0x1] =	stream.indirect.gather [hbm4b:s6+s22], $0x40, s21, s22, $0xb8;
	[tilespmem:$0x184E8] =	vst v63  }
0x61: {  	p0 =	sne.s32 s1, $0x9800;
	s1 =	sadd.s32 $0x80, s21  }
0x62: {  	[tilespmem:s24], [sflag:$0x2] =	stream.indirect.gather [hbm4b:s6+s22], $0x40, s1, s22, $0xb8;
	[tilespmem:$0x184E8] =	vst v63  }
0x63: {  	s1 =	sadd.s32 $0x100, s21  }
0x64: {  	[tilespmem:s25], [sflag:$0x3] =	stream.indirect.gather [hbm4b:s6+s22], $0x40, s1, s22, $0xb8;
	[tilespmem:$0x184E8] =	vst v63  }
0x65: {  	s1 =	sadd.s32 $0x180, s21  }
0x66: {  	[tilespmem:s26], [sflag:$0x4] =	stream.indirect.gather [hbm4b:s6+s22], $0x40, s1, s22, $0xb8;
	[tilespmem:$0x184E8] =	vst v63  }
0x67: {  	_ =	swait.ge [sflag:s28], $0x1F40  }
0x68: {  	[sflag:s28] =	ssyncset.done $0x0  }
0x69: {  	s1 =	sadd.s32 $0x2800, s21;
	[sflag:s28] =	ssyncadd.s32 $0xFFFFE0C0  }
0x6a: {  	[spmem:s3] =	stream.indirect.scatter.add.f32 [tilespmem:s23], [sflag:$0x5], $0x40, s1, s22, $0xb8;
	[tilespmem:$0x184E8] =	vst v63  }
0x6b: {  	_ =	swait.ge [sflag:s18], $0x1F40  }
0x6c: {  	[sflag:s18] =	ssyncset.done $0x0  }
0x6d: {  	[sflag:s18] =	ssyncadd.s32 $0xFFFFE0C0  }
0x6e: {  	[spmem:s4] =	stream.indirect.scatter.add.f32 [tilespmem:s20], [sflag:$0x5], $0x8, s1, s22, $0xb8;
	[tilespmem:$0x184E8] =	vst v63  }
0x6f: {  	_ =	swait.ge [sflag:s18], $0x3E8  }
0x70: {  	[sflag:s18] =	ssyncset.done $0x0  }
0x71: {  	[sflag:s18] =	ssyncadd.s32 $0xFFFFFC18  }
0x72: {  	_ =	swait.ge [sflag:s29], $0x1F40  }
0x73: {  	[sflag:s29] =	ssyncset.done $0x0  }
0x74: {  	s1 =	sadd.s32 $0x2880, s21;
	[sflag:s29] =	ssyncadd.s32 $0xFFFFE0C0  }
0x75: {  	[spmem:s3] =	stream.indirect.scatter.add.f32 [tilespmem:s24], [sflag:$0x5], $0x40, s1, s22, $0xb8;
	[tilespmem:$0x184E8] =	vst v63  }
0x76: {  	_ =	swait.ge [sflag:s18], $0x1F40  }
0x77: {  	[sflag:s18] =	ssyncset.done $0x0  }
0x78: {  	[sflag:s18] =	ssyncadd.s32 $0xFFFFE0C0  }
0x79: {  	[spmem:s4] =	stream.indirect.scatter.add.f32 [tilespmem:s20], [sflag:$0x5], $0x8, s1, s22, $0xb8;
	[tilespmem:$0x184E8] =	vst v63  }
0x7a: {  	_ =	swait.ge [sflag:s18], $0x3E8  }
0x7b: {  	[sflag:s18] =	ssyncset.done $0x0  }
0x7c: {  	[sflag:s18] =	ssyncadd.s32 $0xFFFFFC18  }
0x7d: {  	_ =	swait.ge [sflag:s30], $0x1F40  }
0x7e: {  	[sflag:s30] =	ssyncset.done $0x0  }
0x7f: {  	s1 =	sadd.s32 $0x2900, s21;
	[sflag:s30] =	ssyncadd.s32 $0xFFFFE0C0  }
0x80: {  	[spmem:s3] =	stream.indirect.scatter.add.f32 [tilespmem:s25], [sflag:$0x5], $0x40, s1, s22, $0xb8;
	[tilespmem:$0x184E8] =	vst v63  }
0x81: {  	_ =	swait.ge [sflag:s18], $0x1F40  }
0x82: {  	[sflag:s18] =	ssyncset.done $0x0  }
0x83: {  	[sflag:s18] =	ssyncadd.s32 $0xFFFFE0C0  }
0x84: {  	[spmem:s4] =	stream.indirect.scatter.add.f32 [tilespmem:s20], [sflag:$0x5], $0x8, s1, s22, $0xb8;
	[tilespmem:$0x184E8] =	vst v63  }
0x85: {  	_ =	swait.ge [sflag:s18], $0x3E8  }
0x86: {  	[sflag:s18] =	ssyncset.done $0x0  }
0x87: {  	[sflag:s18] =	ssyncadd.s32 $0xFFFFFC18  }
0x88: {  	_ =	swait.ge [sflag:s31], $0x1F40  }
0x89: {  	[sflag:s31] =	ssyncset.done $0x0  }
0x8a: {  	s1 =	sadd.s32 $0x2980, s21;
	[sflag:s31] =	ssyncadd.s32 $0xFFFFE0C0  }
0x8b: {  	[spmem:s3] =	stream.indirect.scatter.add.f32 [tilespmem:s26], [sflag:$0x5], $0x40, s1, s22, $0xb8;
	[tilespmem:$0x184E8] =	vst v63  }
0x8c: {  	_ =	swait.ge [sflag:s18], $0x1F40  }
.Ltmp0:
0x8d: {  	[sflag:s18] =	ssyncset.done $0x0;
	(pc) =	sbr.rel @p0 .LBB2_2-.Ltmp0, $4  }
0x8e: {  	[sflag:s18] =	ssyncadd.s32 $0xFFFFE0C0  }
0x8f: {  	[spmem:s4] =	stream.indirect.scatter.add.f32 [tilespmem:s20], [sflag:$0x5], $0x8, s1, s22, $0xb8;
	[tilespmem:$0x184E8] =	vst v63  }
0x90: {  	_ =	swait.ge [sflag:s18], $0x3E8  }
0x91: {  	s1 =	smov.u32 s10;
	[sflag:s18] =	ssyncset.done $0x0  }
0x92: {  	s0 =	sshra.s32 s0, $0x2;
	[sflag:s18] =	ssyncadd.s32 $0xFFFFFC18  }
0x93: {  	[tilespmem:s23], [sflag:$0x1] =	stream.indirect.gather [hbm4b:s6+s22], $0x40, s0, s22, $0xb8;
	[tilespmem:$0x184E8] =	vst v63  }
0x94: {  	s1 =	sadd.s32 $0x80, s0  }
0x95: {  	[tilespmem:s24], [sflag:$0x2] =	stream.indirect.gather [hbm4b:s6+s22], $0x40, s1, s22, $0xb8;
	[tilespmem:$0x184E8] =	vst v63  }
0x96: {  	s21 =	sadd.s32 $0x100, s0  }
0x97: {  	[tilespmem:s25], [sflag:$0x3] =	stream.indirect.gather [hbm4b:s6+s22], $0x40, s21, s22, $0xb8;
	[tilespmem:$0x184E8] =	vst v63  }
0x98: {  	s10 =	sadd.s32 $0x180, s0  }
0x99: {  	[tilespmem:s26], [sflag:$0x4] =	stream.indirect.gather [hbm4b:s6+s22], $0x40, s10, s22, $0xb8;
	[tilespmem:$0x184E8] =	vst v63  }
0x9a: {  	_ =	swait.ge [sflag:s28], $0x1F40  }
0x9b: {  	[sflag:s28] =	ssyncset.done $0x0  }
0x9c: {  	s21 =	sadd.s32 $0x2800, s0;
	[sflag:s28] =	ssyncadd.s32 $0xFFFFE0C0  }
0x9d: {  	[spmem:s3] =	stream.indirect.scatter.add.f32 [tilespmem:s23], [sflag:$0x5], $0x40, s21, s22, $0xb8;
	[tilespmem:$0x184E8] =	vst v63  }
0x9e: {  	_ =	swait.ge [sflag:s18], $0x1F40  }
0x9f: {  	[sflag:s18] =	ssyncset.done $0x0  }
0xa0: {  	[sflag:s18] =	ssyncadd.s32 $0xFFFFE0C0  }
0xa1: {  	[spmem:s4] =	stream.indirect.scatter.add.f32 [tilespmem:s20], [sflag:$0x5], $0x8, s21, s22, $0xb8;
	[tilespmem:$0x184E8] =	vst v63  }
0xa2: {  	_ =	swait.ge [sflag:s18], $0x3E8  }
0xa3: {  	[sflag:s18] =	ssyncset.done $0x0  }
0xa4: {  	[sflag:s18] =	ssyncadd.s32 $0xFFFFFC18  }
0xa5: {  	_ =	swait.ge [sflag:s29], $0x1F40  }
0xa6: {  	[sflag:s29] =	ssyncset.done $0x0  }
0xa7: {  	s10 =	sadd.s32 $0x2880, s0;
	[sflag:s29] =	ssyncadd.s32 $0xFFFFE0C0  }
0xa8: {  	[spmem:s3] =	stream.indirect.scatter.add.f32 [tilespmem:s24], [sflag:$0x5], $0x40, s10, s22, $0xb8;
	[tilespmem:$0x184E8] =	vst v63  }
0xa9: {  	_ =	swait.ge [sflag:s18], $0x1F40  }
0xaa: {  	[sflag:s18] =	ssyncset.done $0x0  }
0xab: {  	[sflag:s18] =	ssyncadd.s32 $0xFFFFE0C0  }
0xac: {  	[spmem:s4] =	stream.indirect.scatter.add.f32 [tilespmem:s20], [sflag:$0x5], $0x8, s10, s22, $0xb8;
	[tilespmem:$0x184E8] =	vst v63  }
0xad: {  	_ =	swait.ge [sflag:s18], $0x3E8  }
0xae: {  	[sflag:s18] =	ssyncset.done $0x0  }
0xaf: {  	[sflag:s18] =	ssyncadd.s32 $0xFFFFFC18  }
0xb0: {  	_ =	swait.ge [sflag:s30], $0x1F40  }
0xb1: {  	[sflag:s30] =	ssyncset.done $0x0  }
0xb2: {  	s21 =	sadd.s32 $0x2900, s0;
	[sflag:s30] =	ssyncadd.s32 $0xFFFFE0C0  }
0xb3: {  	[spmem:s3] =	stream.indirect.scatter.add.f32 [tilespmem:s25], [sflag:$0x5], $0x40, s21, s22, $0xb8;
	[tilespmem:$0x184E8] =	vst v63  }
0xb4: {  	_ =	swait.ge [sflag:s18], $0x1F40  }
0xb5: {  	[sflag:s18] =	ssyncset.done $0x0  }
0xb6: {  	[sflag:s18] =	ssyncadd.s32 $0xFFFFE0C0  }
0xb7: {  	[spmem:s4] =	stream.indirect.scatter.add.f32 [tilespmem:s20], [sflag:$0x5], $0x8, s21, s22, $0xb8;
	[tilespmem:$0x184E8] =	vst v63  }
0xb8: {  	_ =	swait.ge [sflag:s18], $0x3E8  }
0xb9: {  	[sflag:s18] =	ssyncset.done $0x0  }
0xba: {  	[sflag:s18] =	ssyncadd.s32 $0xFFFFFC18  }
0xbb: {  	_ =	swait.ge [sflag:s31], $0x1F40  }
0xbc: {  	[sflag:s31] =	ssyncset.done $0x0  }
0xbd: {  	s0 =	sadd.s32 $0x2980, s0;
	[sflag:s31] =	ssyncadd.s32 $0xFFFFE0C0  }
0xbe: {  	[spmem:s3] =	stream.indirect.scatter.add.f32 [tilespmem:s26], [sflag:$0x5], $0x40, s0, s22, $0xb8;
	[tilespmem:$0x184E8] =	vst v63  }
0xbf: {  	_ =	swait.ge [sflag:s18], $0x1F40  }
0xc0: {  	[sflag:s18] =	ssyncset.done $0x0  }
0xc1: {  	[sflag:s18] =	ssyncadd.s32 $0xFFFFE0C0  }
0xc2: {  	[spmem:s4] =	stream.indirect.scatter.add.f32 [tilespmem:s20], [sflag:$0x5], $0x8, s0, s22, $0xb8;
	[tilespmem:$0x184E8] =	vst v63  }
0xc3: {  	_ =	swait.ge [sflag:s18], $0x3E8  }
0xc4: {  	[sflag:s18] =	ssyncset.done $0x0  }
0xc5: {  	[sflag:s18] =	ssyncadd.s32 $0xFFFFFC18  }
0xc6: {  	[bflag:$0x0] =	sbarrier.arrive $0xFFFF  }
0xc7: {  	[hbm:s13], [sflag:s9] =	dma.local [spmem:s17], $0x1400  }
0xc8: {  	_ =	swait.ge [sflag:s18], $0x1400  }
0xc9: {  	[sflag:s18] =	ssyncset.done $0x0  }
0xca: {  	[sflag:s18] =	ssyncadd.s32 $0xFFFFEC00  }
0xcb: {  	[hbm:s14], [sflag:s9] =	dma.local [spmem:s19], $0x280  }
0xcc: {  	_ =	swait.ge [sflag:s18], $0x280  }
0xcd: {  	[sflag:s18] =	ssyncset.done $0x0  }
0xce: {  	[sflag:s18] =	ssyncadd.s32 $0xFFFFFD80  }
0xcf: {  	[spmem:s17], [sflag:s9] =	dma.local [hbm:s8], $0x1400  }
0xd0: {  	_ =	swait.ge [sflag:s18], $0x1400  }
0xd1: {  	[sflag:s18] =	ssyncset.done $0x0  }
0xd2: {  	[sflag:s18] =	ssyncadd.s32 $0xFFFFEC00  }
0xd3: {  	s10 =	simm.s32 $0x0;
	[bflag:$0x0] =	sbarrier.arrive $0xFFFF  }
0xd4: {  	[tilespmem:s23], [sflag:$0x1] =	stream.indirect.gather [hbm4b:s7+s22], $0x40, s10, s22, $0xb8;
	[tilespmem:$0x184E8] =	vst v63  }
0xd5: {  	s21 =	simm.s32 $0x80  }
0xd6: {  	[tilespmem:s24], [sflag:$0x2] =	stream.indirect.gather [hbm4b:s7+s22], $0x40, s21, s22, $0xb8;
	[tilespmem:$0x184E8] =	vst v63  }
0xd7: {  	s1 =	simm.s32 $0x100  }
0xd8: {  	[tilespmem:s25], [sflag:$0x3] =	stream.indirect.gather [hbm4b:s7+s22], $0x40, s1, s22, $0xb8;
	[tilespmem:$0x184E8] =	vst v63  }
0xd9: {  	s10 =	simm.s32 $0x180  }
0xda: {  	[tilespmem:s26], [sflag:$0x4] =	stream.indirect.gather [hbm4b:s7+s22], $0x40, s10, s22, $0xb8;
	[tilespmem:$0x184E8] =	vst v63  }
0xdb: {  	_ =	swait.ge [sflag:s28], $0x1F40  }
0xdc: {  	[sflag:s28] =	ssyncset.done $0x0  }
0xdd: {  	s21 =	simm.s32 $0x2800;
	[sflag:s28] =	ssyncadd.s32 $0xFFFFE0C0  }
0xde: {  	[spmem:s3] =	stream.indirect.scatter.add.f32 [tilespmem:s23], [sflag:$0x5], $0x40, s21, s22, $0xb8;
	[tilespmem:$0x184E8] =	vst v63  }
0xdf: {  	_ =	swait.ge [sflag:s18], $0x1F40  }
0xe0: {  	[sflag:s18] =	ssyncset.done $0x0  }
0xe1: {  	[sflag:s18] =	ssyncadd.s32 $0xFFFFE0C0  }
0xe2: {  	_ =	swait.ge [sflag:s29], $0x1F40  }
0xe3: {  	[sflag:s29] =	ssyncset.done $0x0  }
0xe4: {  	s1 =	simm.s32 $0x2880;
	[sflag:s29] =	ssyncadd.s32 $0xFFFFE0C0  }
0xe5: {  	[spmem:s3] =	stream.indirect.scatter.add.f32 [tilespmem:s24], [sflag:$0x5], $0x40, s1, s22, $0xb8;
	[tilespmem:$0x184E8] =	vst v63  }
0xe6: {  	_ =	swait.ge [sflag:s18], $0x1F40  }
0xe7: {  	[sflag:s18] =	ssyncset.done $0x0  }
0xe8: {  	[sflag:s18] =	ssyncadd.s32 $0xFFFFE0C0  }
0xe9: {  	_ =	swait.ge [sflag:s30], $0x1F40  }
0xea: {  	[sflag:s30] =	ssyncset.done $0x0  }
0xeb: {  	s10 =	simm.s32 $0x2900;
	[sflag:s30] =	ssyncadd.s32 $0xFFFFE0C0  }
0xec: {  	[spmem:s3] =	stream.indirect.scatter.add.f32 [tilespmem:s25], [sflag:$0x5], $0x40, s10, s22, $0xb8;
	[tilespmem:$0x184E8] =	vst v63  }
0xed: {  	_ =	swait.ge [sflag:s18], $0x1F40  }
0xee: {  	[sflag:s18] =	ssyncset.done $0x0  }
0xef: {  	[sflag:s18] =	ssyncadd.s32 $0xFFFFE0C0  }
0xf0: {  	_ =	swait.ge [sflag:s31], $0x1F40  }
0xf1: {  	[sflag:s31] =	ssyncset.done $0x0  }
0xf2: {  	s21 =	simm.s32 $0x2980;
	[sflag:s31] =	ssyncadd.s32 $0xFFFFE0C0  }
0xf3: {  	[spmem:s3] =	stream.indirect.scatter.add.f32 [tilespmem:s26], [sflag:$0x5], $0x40, s21, s22, $0xb8;
	[tilespmem:$0x184E8] =	vst v63  }
0xf4: {  	_ =	swait.ge [sflag:s18], $0x1F40  }
0xf5: {  	s0 =	simm.s32 $0x800;
	s10 =	simm.s32 $0x1000;
	[sflag:s18] =	ssyncset.done $0x0  }
.LBB2_4:
0xf6: {  	s21 =	sshra.s32 s0, $0x2  }
0xf7: {  	[sflag:s18] =	ssyncadd.s32 $0xFFFFE0C0;
	s0 =	smov.u32 s10;
	s1 =	sadd.s32 $0x800, s10  }
0xf8: {  	[tilespmem:s23], [sflag:$0x1] =	stream.indirect.gather [hbm4b:s7+s22], $0x40, s21, s22, $0xb8;
	[tilespmem:$0x184E8] =	vst v63  }
0xf9: {  	p0 =	sne.s32 s10, $0x9800;
	s10 =	sadd.s32 $0x80, s21  }
0xfa: {  	[tilespmem:s24], [sflag:$0x2] =	stream.indirect.gather [hbm4b:s7+s22], $0x40, s10, s22, $0xb8;
	[tilespmem:$0x184E8] =	vst v63  }
0xfb: {  	s10 =	sadd.s32 $0x100, s21  }
0xfc: {  	[tilespmem:s25], [sflag:$0x3] =	stream.indirect.gather [hbm4b:s7+s22], $0x40, s10, s22, $0xb8;
	[tilespmem:$0x184E8] =	vst v63  }
0xfd: {  	s10 =	sadd.s32 $0x180, s21  }
0xfe: {  	[tilespmem:s26], [sflag:$0x4] =	stream.indirect.gather [hbm4b:s7+s22], $0x40, s10, s22, $0xb8;
	[tilespmem:$0x184E8] =	vst v63  }
0xff: {  	_ =	swait.ge [sflag:s28], $0x1F40  }
0x100: {  	[sflag:s28] =	ssyncset.done $0x0  }
0x101: {  	s10 =	sadd.s32 $0x2800, s21;
	[sflag:s28] =	ssyncadd.s32 $0xFFFFE0C0  }
0x102: {  	[spmem:s3] =	stream.indirect.scatter.add.f32 [tilespmem:s23], [sflag:$0x5], $0x40, s10, s22, $0xb8;
	[tilespmem:$0x184E8] =	vst v63  }
0x103: {  	_ =	swait.ge [sflag:s18], $0x1F40  }
0x104: {  	[sflag:s18] =	ssyncset.done $0x0  }
0x105: {  	[sflag:s18] =	ssyncadd.s32 $0xFFFFE0C0  }
0x106: {  	_ =	swait.ge [sflag:s29], $0x1F40  }
0x107: {  	[sflag:s29] =	ssyncset.done $0x0  }
0x108: {  	s10 =	sadd.s32 $0x2880, s21;
	[sflag:s29] =	ssyncadd.s32 $0xFFFFE0C0  }
0x109: {  	[spmem:s3] =	stream.indirect.scatter.add.f32 [tilespmem:s24], [sflag:$0x5], $0x40, s10, s22, $0xb8;
	[tilespmem:$0x184E8] =	vst v63  }
0x10a: {  	_ =	swait.ge [sflag:s18], $0x1F40  }
0x10b: {  	[sflag:s18] =	ssyncset.done $0x0  }
0x10c: {  	[sflag:s18] =	ssyncadd.s32 $0xFFFFE0C0  }
0x10d: {  	_ =	swait.ge [sflag:s30], $0x1F40  }
0x10e: {  	[sflag:s30] =	ssyncset.done $0x0  }
0x10f: {  	s10 =	sadd.s32 $0x2900, s21;
	[sflag:s30] =	ssyncadd.s32 $0xFFFFE0C0  }
0x110: {  	[spmem:s3] =	stream.indirect.scatter.add.f32 [tilespmem:s25], [sflag:$0x5], $0x40, s10, s22, $0xb8;
	[tilespmem:$0x184E8] =	vst v63  }
0x111: {  	_ =	swait.ge [sflag:s18], $0x1F40  }
0x112: {  	[sflag:s18] =	ssyncset.done $0x0  }
0x113: {  	[sflag:s18] =	ssyncadd.s32 $0xFFFFE0C0  }
0x114: {  	_ =	swait.ge [sflag:s31], $0x1F40  }
.Ltmp1:
0x115: {  	[sflag:s31] =	ssyncset.done $0x0;
	(pc) =	sbr.rel @p0 .LBB2_4-.Ltmp1, $4  }
0x116: {  	s10 =	sadd.s32 $0x2980, s21;
	[sflag:s31] =	ssyncadd.s32 $0xFFFFE0C0  }
0x117: {  	[spmem:s3] =	stream.indirect.scatter.add.f32 [tilespmem:s26], [sflag:$0x5], $0x40, s10, s22, $0xb8;
	[tilespmem:$0x184E8] =	vst v63  }
0x118: {  	_ =	swait.ge [sflag:s18], $0x1F40  }
0x119: {  	s10 =	smov.u32 s1;
	[sflag:s18] =	ssyncset.done $0x0  }
0x11a: {  	s0 =	sshra.s32 s0, $0x2;
	[sflag:s18] =	ssyncadd.s32 $0xFFFFE0C0  }
0x11b: {  	[tilespmem:s23], [sflag:$0x1] =	stream.indirect.gather [hbm4b:s7+s22], $0x40, s0, s22, $0xb8;
	[tilespmem:$0x184E8] =	vst v63  }
0x11c: {  	s1 =	sadd.s32 $0x80, s0  }
0x11d: {  	[tilespmem:s24], [sflag:$0x2] =	stream.indirect.gather [hbm4b:s7+s22], $0x40, s1, s22, $0xb8;
	[tilespmem:$0x184E8] =	vst v63  }
0x11e: {  	s21 =	sadd.s32 $0x100, s0  }
0x11f: {  	[tilespmem:s25], [sflag:$0x3] =	stream.indirect.gather [hbm4b:s7+s22], $0x40, s21, s22, $0xb8;
	[tilespmem:$0x184E8] =	vst v63  }
0x120: {  	s10 =	sadd.s32 $0x180, s0  }
0x121: {  	[tilespmem:s26], [sflag:$0x4] =	stream.indirect.gather [hbm4b:s7+s22], $0x40, s10, s22, $0xb8;
	[tilespmem:$0x184E8] =	vst v63  }
0x122: {  	_ =	swait.ge [sflag:s28], $0x1F40  }
0x123: {  	[sflag:s28] =	ssyncset.done $0x0  }
0x124: {  	s21 =	sadd.s32 $0x2800, s0;
	[sflag:s28] =	ssyncadd.s32 $0xFFFFE0C0  }
0x125: {  	[spmem:s3] =	stream.indirect.scatter.add.f32 [tilespmem:s23], [sflag:$0x5], $0x40, s21, s22, $0xb8;
	[tilespmem:$0x184E8] =	vst v63  }
0x126: {  	_ =	swait.ge [sflag:s18], $0x1F40  }
0x127: {  	[sflag:s18] =	ssyncset.done $0x0  }
0x128: {  	[sflag:s18] =	ssyncadd.s32 $0xFFFFE0C0  }
0x129: {  	_ =	swait.ge [sflag:s29], $0x1F40  }
0x12a: {  	[sflag:s29] =	ssyncset.done $0x0  }
0x12b: {  	s10 =	sadd.s32 $0x2880, s0;
	[sflag:s29] =	ssyncadd.s32 $0xFFFFE0C0  }
0x12c: {  	[spmem:s3] =	stream.indirect.scatter.add.f32 [tilespmem:s24], [sflag:$0x5], $0x40, s10, s22, $0xb8;
	[tilespmem:$0x184E8] =	vst v63  }
0x12d: {  	_ =	swait.ge [sflag:s18], $0x1F40  }
0x12e: {  	[sflag:s18] =	ssyncset.done $0x0  }
0x12f: {  	[sflag:s18] =	ssyncadd.s32 $0xFFFFE0C0  }
0x130: {  	_ =	swait.ge [sflag:s30], $0x1F40  }
0x131: {  	[sflag:s30] =	ssyncset.done $0x0  }
0x132: {  	s21 =	sadd.s32 $0x2900, s0;
	[sflag:s30] =	ssyncadd.s32 $0xFFFFE0C0  }
0x133: {  	[spmem:s3] =	stream.indirect.scatter.add.f32 [tilespmem:s25], [sflag:$0x5], $0x40, s21, s22, $0xb8;
	[tilespmem:$0x184E8] =	vst v63  }
0x134: {  	_ =	swait.ge [sflag:s18], $0x1F40  }
0x135: {  	[sflag:s18] =	ssyncset.done $0x0  }
0x136: {  	[sflag:s18] =	ssyncadd.s32 $0xFFFFE0C0  }
0x137: {  	_ =	swait.ge [sflag:s31], $0x1F40  }
0x138: {  	[sflag:s31] =	ssyncset.done $0x0  }
0x139: {  	s0 =	sadd.s32 $0x2980, s0;
	[sflag:s31] =	ssyncadd.s32 $0xFFFFE0C0  }
0x13a: {  	[spmem:s3] =	stream.indirect.scatter.add.f32 [tilespmem:s26], [sflag:$0x5], $0x40, s0, s22, $0xb8;
	[tilespmem:$0x184E8] =	vst v63  }
0x13b: {  	_ =	swait.ge [sflag:s18], $0x1F40  }
0x13c: {  	s2 =	sadd.s32 $0x1, s2;
	[sflag:s18] =	ssyncset.done $0x0  }
0x13d: {  	p0 =	sne.s32 s2, s16;
	[sflag:s18] =	ssyncadd.s32 $0xFFFFE0C0  }
.Ltmp2:
0x13e: {  	[bflag:$0x0] =	sbarrier.arrive $0xFFFF;
	(pc) =	sbr.rel @p0 .LBB2_1-.Ltmp2, $4  }
0x13f: {  	[hbm:s15], [sflag:s9] =	dma.local [spmem:s17], $0x1400  }
0x140: {  	_ =	swait.ge [sflag:s18], $0x1400  }
0x141: {  	[sflag:s18] =	ssyncset.done $0x0  }
0x142: {  	[sflag:s18] =	ssyncadd.s32 $0xFFFFEC00  }
0x143: {  	_ =	sfence.sel $0x180000  }
0x144: {  	[bflag:$0x0] =	sbarrier.arrive $0xFFFF  }
0x145: {  	_ =	strace $0x90000047  }
0x146: {  	s0 =	stileid.u32;
	[bflag:$0x2] =	sbarrier.arrive $0xFFFF  }
0x147: {  	p0 =	sne.s32 s0, $0x0;
	s0 =	rddreg [dreg:$0x4]  }
0x148: {  	s0 =	sadd.s32 @!p0 $0x100000, s0  }
0x149: {  	[sflag:s0] =	ssyncadd.tile.s32 @!p0 $0x1;
	_ =	shalt  }
.Lfunc_end2:
_tile_overlayer_lowered:
.L_overlay_start_2:
0x14a: {  	(tag) =	ssettag $0x2  }
0x14b: {  	s0 =	rddreg [dreg:$0x0];
	s2 =	stileid.u32  }
0x14c: {  	s1 =	rddreg [dreg:$0x1];
	p0 =	sne.s32 s2, $0x0  }
0x14d: {  	s3 =	rddreg [dreg:$0x2];
	[bflag:$0x3] =	sbarrier.arrive $0xFFFF;
	s2 =	simm.s32 @!p0 $0x1C05  }
0x14e: {  	[timem:s3], [sflag:s2] =	dma.local @!p0 [hbm:s0], s1  }
0x14f: {  	s0 =	simm.s32 @!p0 $0x5  }
0x150: {  	_ =	swait.ge @!p0 [sflag:s0], s1  }
0x151: {  	s1 =	ssub.s32 @!p0 $0x0, s1;
	[sflag:s0] =	ssyncset.done @!p0 $0x0  }
0x152: {  	[sflag:s0] =	ssyncadd.s32 @!p0 s1  }
0x153: {  	[bflag:$0x3] =	sbarrier.arrive $0xFFFF  }
0x154: {  	_ =	shalt  }

</sc_bundles>
